<compile_context>
chip_gen: v7x
topology: tpu7x:2x2x1
jax: 0.10.2.dev20260603
libtpu: 0.0.44.dev20260713+nightly
codegen_flags: <defaults>
</compile_context>

<pallas_src>
import functools

import jax
import jax.numpy as jnp
from jax import lax
from jax.experimental import pallas as pl
from jax.experimental.pallas import tpu as pltpu
from jax.experimental.pallas import tpu_sc as plsc

B = 16384
D = 64
NP = 65536
NF = 10000
NC = 2
NS = 16
L = 16
NW = NC * NS
BPW = B // NW
CH = 64
NCH = BPW // CH
PBLK = 8192
FBLK = 1000



def _prep_px_body(ut_ref, p1t_ref, p2t_ref, wa_ref, wc_ref, pk_ref, t_ref):
    wc = wc_ref[...]
    a1 = jnp.maximum(p1t_ref[...], 0.0) * wc
    a2 = jnp.maximum(p2t_ref[...], 0.0) * wc
    eye = (lax.broadcasted_iota(jnp.int32, (D, D), 0)
           == lax.broadcasted_iota(jnp.int32, (D, D), 1)).astype(jnp.float32)
    dn = (((0,), (0,)), ((), ()))
    a1t = lax.dot_general(a1, eye, dn, precision=None)
    a2t = lax.dot_general(a2, eye, dn, precision=None)
    pk_ref[...] = jnp.concatenate([a1t, a2t], axis=1)
    t_ref[...] = jnp.sum(ut_ref[...] * wa_ref[...], axis=0)[None, None, :]


def _prep_px(ut, p1t, p2t, wa, wc):
    g = NP // PBLK
    spec = pl.BlockSpec((D, PBLK), lambda i: (0, i))
    wspec = pl.BlockSpec((D, 1), lambda i: (0, 0))
    pk, t = pl.pallas_call(
        _prep_px_body,
        grid=(g,),
        in_specs=[spec, spec, spec, wspec, wspec],
        out_specs=[pl.BlockSpec((PBLK, 2 * D), lambda i: (i, 0)),
                   pl.BlockSpec((1, 1, PBLK), lambda i: (i, 0, 0))],
        out_shape=[jax.ShapeDtypeStruct((NP, 2 * D), jnp.float32),
                   jax.ShapeDtypeStruct((g, 1, PBLK), jnp.float32)],
    )(ut, p1t, p2t, wa, wc)
    return pk, t.reshape(NP)


def _prep_fr_body(vt_ref, p1t_ref, p2t_ref, wb_ref, pk_ref, t_ref):
    a1 = jnp.maximum(p1t_ref[...], 0.0)
    a2 = jnp.maximum(p2t_ref[...], 0.0)
    eye = (lax.broadcasted_iota(jnp.int32, (D, D), 0)
           == lax.broadcasted_iota(jnp.int32, (D, D), 1)).astype(jnp.float32)
    dn = (((0,), (0,)), ((), ()))
    a1t = lax.dot_general(a1, eye, dn, precision=None)
    a2t = lax.dot_general(a2, eye, dn, precision=None)
    pk_ref[...] = jnp.concatenate([a1t, a2t], axis=1)
    t_ref[...] = jnp.sum(vt_ref[...] * wb_ref[...], axis=0)[None, None, :]


def _prep_fr(vt, p1t, p2t, wb):
    spec = pl.BlockSpec((D, NF), lambda: (0, 0))
    wspec = pl.BlockSpec((D, 1), lambda: (0, 0))
    pk, t = pl.pallas_call(
        _prep_fr_body,
        in_specs=[spec, spec, spec, wspec],
        out_specs=[pl.BlockSpec((NF, 2 * D), lambda: (0, 0)),
                   pl.BlockSpec((1, 1, NF), lambda: (0, 0, 0))],
        out_shape=[jax.ShapeDtypeStruct((NF, 2 * D), jnp.float32),
                   jax.ShapeDtypeStruct((1, 1, NF), jnp.float32)],
    )(vt, p1t, p2t, wb)
    return pk, t.reshape(NF)



def _sc_body(pixel_h, frame_h, wv_h, upk_h, vpk_h, tu_h, tv_h,
             x_h,
             idxp, idxf, bu, bv, btu, btv, wv, zbuf, xbuf, sems):
    wid = lax.axis_index("s") * NC + lax.axis_index("c")
    base = wid * BPW
    pltpu.sync_copy(wv_h, wv)
    iota = lax.iota(jnp.int32, L)
    m15 = iota == jnp.full((L,), L - 1, jnp.int32)
    zero = jnp.zeros((L,), jnp.float32)
    one = jnp.full((L,), 1.0, jnp.float32)
    w2v = wv[0]
    b2v = wv[1]

    pltpu.sync_copy(pixel_h.at[pl.ds(base, BPW)], idxp)
    pltpu.sync_copy(frame_h.at[pl.ds(base, BPW)], idxf)

    def fire(c, s):
        ip = idxp.at[pl.ds(c * CH, CH)]
        if_ = idxf.at[pl.ds(c * CH, CH)]
        pltpu.async_copy(upk_h.at[ip], bu.at[s], sems.at[s])
        pltpu.async_copy(vpk_h.at[if_], bv.at[s], sems.at[s])
        pltpu.async_copy(tu_h.at[ip], btu.at[s], sems.at[s])
        pltpu.async_copy(tv_h.at[if_], btv.at[s], sems.at[s])

    def drain(s):
        ip = idxp.at[pl.ds(0, CH)]
        if_ = idxf.at[pl.ds(0, CH)]
        pltpu.make_async_copy(upk_h.at[ip], bu.at[s], sems.at[s]).wait()
        pltpu.make_async_copy(vpk_h.at[if_], bv.at[s], sems.at[s]).wait()
        pltpu.make_async_copy(tu_h.at[ip], btu.at[s], sems.at[s]).wait()
        pltpu.make_async_copy(tv_h.at[if_], btv.at[s], sems.at[s]).wait()

    fire(0, 0)
    for c in range(NCH):
        s = c % 2
        drain(s)
        if c + 1 < NCH:
            fire(c + 1, 1 - s)
        bus = bu.at[s]
        bvs = bv.at[s]

        @plsc.parallel_loop(0, CH, step=1)
        def _elem(e):
            p = bus[e, pl.ds(0, L)] * bvs[e, pl.ds(0, L)]
            for k in range(1, 2 * D // L):
                p = p + bus[e, pl.ds(k * L, L)] * bvs[e, pl.ds(k * L, L)]
            cs = plsc.cumsum(p)
            idx = jnp.full((L,), e, jnp.int32)
            plsc.store_scatter(zbuf, [idx], cs, mask=m15)

        @plsc.parallel_loop(0, CH, step=L)
        def _tailg(gbase):
            gl = pl.ds(gbase, L)
            z = zbuf[gl] + btu[s, gl] + btv[s, gl]
            h = jnp.maximum(z, zero)
            t = h * w2v + b2v
            xbuf[pl.ds(c * CH + gbase, L)] = one / (one + jnp.exp(-t))

    pltpu.sync_copy(xbuf, x_h.at[pl.ds(base, BPW)])


_sc_call = functools.partial(
    pl.kernel,
    out_type=jax.ShapeDtypeStruct((B,), jnp.float32),
    mesh=plsc.VectorSubcoreMesh(
        core_axis_name="c", subcore_axis_name="s", num_cores=NC,
        num_subcores=NS),
    scratch_types=[
        pltpu.VMEM((BPW,), jnp.int32),
        pltpu.VMEM((BPW,), jnp.int32),
        pltpu.VMEM((2, CH, 2 * D), jnp.float32),
        pltpu.VMEM((2, CH, 2 * D), jnp.float32),
        pltpu.VMEM((2, CH), jnp.float32),
        pltpu.VMEM((2, CH), jnp.float32),
        pltpu.VMEM((8, L), jnp.float32),
        pltpu.VMEM((CH,), jnp.float32),
        pltpu.VMEM((BPW,), jnp.float32),
        pltpu.SemaphoreType.DMA((2,)),
    ],
    compiler_params=pltpu.CompilerParams(
        needs_layout_passes=False, use_tc_tiling_on_sc=False),
)(_sc_body)



def _tail_body(x_ref, t_ref, s1, bs1, s2, bs2, s3, bs3, s4, bs4, o_ref):
    s = t_ref[...] - x_ref[...]
    h1 = [jnp.maximum(s * s1[0, k] + bs1[k], 0.0) for k in range(10)]
    h2 = [jnp.maximum(sum(h1[j] * s2[j, k] for j in range(10)) + bs2[k], 0.0)
          for k in range(10)]
    h3 = [jnp.maximum(sum(h2[j] * s3[j, k] for j in range(10)) + bs3[k], 0.0)
          for k in range(10)]
    o = sum(h3[j] * s4[j, 0] for j in range(10)) + bs4[0]
    o_ref[...] = 1.0 / (1.0 + jnp.exp(-o))


def _tail_call(x2d, t2d, S1, bs1, S2, bs2, S3, bs3, S4, bs4):
    smem = pl.BlockSpec(memory_space=pltpu.SMEM)
    return pl.pallas_call(
        _tail_body,
        out_shape=jax.ShapeDtypeStruct(x2d.shape, jnp.float32),
        in_specs=[pl.BlockSpec(memory_space=pltpu.VMEM),
                  pl.BlockSpec(memory_space=pltpu.VMEM),
                  smem, smem, smem, smem, smem, smem, smem, smem],
        out_specs=pl.BlockSpec(memory_space=pltpu.VMEM),
    )(x2d, t2d, S1, bs1, S2, bs2, S3, bs3, S4, bs4)


def kernel(pixel, frame, target, U, V, Up1, Up2, Vp1, Vp2, W1, b1, W2, b2,
           S1, bs1, S2, bs2, S3, bs3, S4, bs4):
    pixel_i = pixel.astype(jnp.int32)
    frame_i = frame.astype(jnp.int32)
    w1 = W1.reshape(-1)
    wa = w1[:D].reshape(D, 1)
    wb = w1[D:2 * D].reshape(D, 1)
    wc = w1[2 * D:].reshape(D, 1)
    upk, tu = _prep_px(U.T, Up1.T, Up2.T, wa, wc)
    vpk, tv = _prep_fr(V.T, Vp1.T, Vp2.T, wb)
    tv = tv + b1[0]
    wsm = jnp.broadcast_to(
        jnp.concatenate([W2.reshape(-1), b2.reshape(-1),
                         jnp.zeros((6,), jnp.float32)])[:, None], (8, L))
    x = _sc_call(pixel_i, frame_i, wsm, upk, vpk, tu, tv)
    x2d = x.reshape(128, 128)
    t2d = target.reshape(128, 128)
    s2d = _tail_call(x2d, t2d, S1, bs1, S2, bs2, S3, bs3, S4, bs4)
    return (x.reshape(B, 1), s2d.reshape(B, 1))

# --- scband reference (transcript-rebuilt; emitter-appended) ---
"""Pipeline reference for scband-nnmf-1752346657168 (READ-ONLY COPY).

The authoritative reference and input builder live on the scoring server;
editing this copy changes nothing except your own understanding.
"""

import jax, jax.numpy as jnp
import numpy as np

NUM_PIXELS = 65536
NUM_FRAMES = 10000
B = 16384
D = 64
DPRIME = 64


def setup_inputs(seed: int = 0) -> dict:
    key = jax.random.key(seed)
    ks = jax.random.split(key, 24)
    n = jax.random.normal
    inp = {}
    inp["pixel"] = jax.random.randint(ks[0], (B,), 0, NUM_PIXELS)
    inp["frame"] = jax.random.randint(ks[1], (B,), 0, NUM_FRAMES)
    inp["target"] = jax.random.uniform(ks[2], (B, 1), dtype=jnp.float32)
    inp["U"] = 0.5 + 0.01 * n(ks[3], (NUM_PIXELS, D), dtype=jnp.float32)
    inp["V"] = 0.5 + 0.01 * n(ks[4], (NUM_FRAMES, D), dtype=jnp.float32)
    inp["Up1"] = 0.5 + 0.01 * n(ks[5], (NUM_PIXELS, DPRIME), dtype=jnp.float32)
    inp["Up2"] = 0.5 + 0.01 * n(ks[6], (NUM_PIXELS, DPRIME), dtype=jnp.float32)
    inp["Vp1"] = 0.5 + 0.01 * n(ks[7], (NUM_FRAMES, DPRIME), dtype=jnp.float32)
    inp["Vp2"] = 0.5 + 0.01 * n(ks[8], (NUM_FRAMES, DPRIME), dtype=jnp.float32)
    in_sz = 2 * D + DPRIME
    inp["W1"] = n(ks[9], (in_sz, 1), dtype=jnp.float32) * 0.05
    inp["b1"] = jnp.zeros((1,), jnp.float32)
    inp["W2"] = n(ks[10], (1, 1), dtype=jnp.float32) * 0.05
    inp["b2"] = jnp.zeros((1,), jnp.float32)
    inp["S1"] = n(ks[11], (1, 10), dtype=jnp.float32) * 0.5
    inp["bs1"] = 0.02 * n(ks[12], (10,), dtype=jnp.float32)
    inp["S2"] = n(ks[13], (10, 10), dtype=jnp.float32) * 0.5
    inp["bs2"] = 0.02 * n(ks[14], (10,), dtype=jnp.float32)
    inp["S3"] = n(ks[15], (10, 10), dtype=jnp.float32) * 0.5
    inp["bs3"] = 0.02 * n(ks[16], (10,), dtype=jnp.float32)
    inp["S4"] = n(ks[17], (10, 1), dtype=jnp.float32) * 0.5
    inp["bs4"] = 0.02 * n(ks[18], (1,), dtype=jnp.float32)
    return inp


def reference(pixel, frame, target, U, V, Up1, Up2, Vp1, Vp2, W1, b1, W2, b2, S1, bs1, S2, bs2, S3, bs3, S4, bs4):
    relu = jax.nn.relu
    dot_prod = relu(jnp.take(Up1, pixel, axis=0)) * relu(jnp.take(Vp1, frame, axis=0)) + relu(jnp.take(Up2, pixel, axis=0)) * relu(jnp.take(Vp2, frame, axis=0))
    mlp_input = jnp.concatenate([jnp.take(U, pixel, axis=0), jnp.take(V, frame, axis=0), dot_prod], axis=1)
    h = relu(mlp_input @ W1 + b1)
    x_out = jax.nn.sigmoid(h @ W2 + b2)
    s = target - x_out
    s = relu(s @ S1 + bs1)
    s = relu(s @ S2 + bs2)
    s = relu(s @ S3 + bs3)
    s_out = jax.nn.sigmoid(s @ S4 + bs4)
    return (x_out, s_out)

if __name__ == "__main__":
    import jax
    _d = setup_inputs()
    print(jax.jit(kernel)(*tuple(_d.values())))

</pallas_src>

<mosaic_0001>
#map = affine_map<(d0, d1) -> (0)>
#map1 = affine_map<(d0, d1) -> (0, 0)>
module attributes {stable_mosaic.version = 14 : i64} {
  func.func @_sc_body(%arg0: i32, %arg1: i32, %arg2: memref<16384xi32, #tpu.memory_space<hbm>>, %arg3: memref<16384xi32, #tpu.memory_space<hbm>>, %arg4: memref<8x16xf32, #tpu.memory_space<hbm>>, %arg5: memref<65536x128xf32, #tpu.memory_space<hbm>>, %arg6: memref<10000x128xf32, #tpu.memory_space<hbm>>, %arg7: memref<65536xf32, #tpu.memory_space<hbm>>, %arg8: memref<10000xf32, #tpu.memory_space<hbm>>, %arg9: memref<16384xf32, #tpu.memory_space<hbm>>, %arg10: memref<512xi32, #tpu.memory_space<vmem>>, %arg11: memref<512xi32, #tpu.memory_space<vmem>>, %arg12: memref<2x64x128xf32, #tpu.memory_space<vmem>>, %arg13: memref<2x64x128xf32, #tpu.memory_space<vmem>>, %arg14: memref<2x64xf32, #tpu.memory_space<vmem>>, %arg15: memref<2x64xf32, #tpu.memory_space<vmem>>, %arg16: memref<8x16xf32, #tpu.memory_space<vmem>>, %arg17: memref<64xf32, #tpu.memory_space<vmem>>, %arg18: memref<512xf32, #tpu.memory_space<vmem>>, %arg19: memref<2x!tpu.dma_semaphore, #tpu.memory_space<semaphore_mem>>) attributes {dimension_semantics = [#tpu.dimension_semantics<core_parallel>, #tpu.dimension_semantics<subcore_parallel>], iteration_bounds = array<i64: 2, 16>, scalar_prefetch = 0 : i64, scratch_operands = 10 : i64, tpu.core_type = #tpu.core_type<sc_vector_subcore>, window_params = [{transform_indices = #map}, {transform_indices = #map}, {transform_indices = #map1}, {transform_indices = #map1}, {transform_indices = #map1}, {transform_indices = #map}, {transform_indices = #map}, {transform_indices = #map}]} {
    %mul3A = arith.constant 2 : i32
    %mul3A_0 = arith.muli %arg1, %mul3A : i32
    %add3A = arith.addi %mul3A_0, %arg0 : i32
    %mul3A_1 = arith.constant 512 : i32
    %mul3A_2 = arith.muli %add3A, %mul3A_1 : i32
    "tpu.region"() ({
      %run_scoped3A = tpu.sem_alloc : memref<!tpu.dma_semaphore, #tpu.memory_space<semaphore_mem>>
      tpu.enqueue_dma source(%arg4 : memref<8x16xf32, #tpu.memory_space<hbm>>) target(%arg16 : memref<8x16xf32, #tpu.memory_space<vmem>>) target_semaphore(%run_scoped3A : memref<!tpu.dma_semaphore, #tpu.memory_space<semaphore_mem>>)
      tpu.wait_dma2 semaphore(%run_scoped3A : memref<!tpu.dma_semaphore, #tpu.memory_space<semaphore_mem>>) src(%arg4 : memref<8x16xf32, #tpu.memory_space<hbm>>) dst(%arg16 : memref<8x16xf32, #tpu.memory_space<vmem>>)
      tpu.yield
    }) : () -> ()
    %iota3A = tpu.iota {dimensions = array<i32: 0>} : vector<16xi32>
    %broadcast_in_dim3A = arith.constant 15 : i32
    %broadcast_in_dim3A_3 = vector.broadcast %broadcast_in_dim3A : i32 to vector<16xi32>
    %eq3A = arith.cmpi eq, %iota3A, %broadcast_in_dim3A_3 : vector<16xi32>
    %broadcast_in_dim3A_4 = arith.constant 0.000000e+00 : f32
    %broadcast_in_dim3A_5 = vector.broadcast %broadcast_in_dim3A_4 : f32 to vector<16xf32>
    %broadcast_in_dim3A_6 = arith.constant 1.000000e+00 : f32
    %broadcast_in_dim3A_7 = vector.broadcast %broadcast_in_dim3A_6 : f32 to vector<16xf32>
    %get3A = arith.constant 0 : i32
    %get3A_8 = arith.index_cast %get3A : i32 to index
    %get3A_9 = arith.constant 0 : index
    %get3A_10 = tpu.vector_load %arg16[%get3A_8, %get3A_9] {strides = array<i32>} : memref<8x16xf32, #tpu.memory_space<vmem>>, vector<16xf32>,
    %get3A_11 = arith.constant 1 : i32
    %get3A_12 = arith.index_cast %get3A_11 : i32 to index
    %get3A_13 = arith.constant 0 : index
    %get3A_14 = tpu.vector_load %arg16[%get3A_12, %get3A_13] {strides = array<i32>} : memref<8x16xf32, #tpu.memory_space<vmem>>, vector<16xf32>,
    "tpu.region"() ({
      %run_scoped3A = tpu.sem_alloc : memref<!tpu.dma_semaphore, #tpu.memory_space<semaphore_mem>>
      %dma_start3A_844 = tpu.memref_slice %arg2[%mul3A_2] : memref<16384xi32, #tpu.memory_space<hbm>> -> memref<512xi32, #tpu.memory_space<hbm>>
      %dma_start3A_845 = tpu.memref_slice %arg2[%mul3A_2] : memref<16384xi32, #tpu.memory_space<hbm>> -> memref<512xi32, #tpu.memory_space<hbm>>
      tpu.enqueue_dma source(%dma_start3A_845 : memref<512xi32, #tpu.memory_space<hbm>>) target(%arg10 : memref<512xi32, #tpu.memory_space<vmem>>) target_semaphore(%run_scoped3A : memref<!tpu.dma_semaphore, #tpu.memory_space<semaphore_mem>>)
      %dma_wait3A_846 = tpu.memref_slice %arg2[%mul3A_2] : memref<16384xi32, #tpu.memory_space<hbm>> -> memref<512xi32, #tpu.memory_space<hbm>>
      %dma_wait3A_847 = tpu.memref_slice %arg2[%mul3A_2] : memref<16384xi32, #tpu.memory_space<hbm>> -> memref<512xi32, #tpu.memory_space<hbm>>
      tpu.wait_dma2 semaphore(%run_scoped3A : memref<!tpu.dma_semaphore, #tpu.memory_space<semaphore_mem>>) src(%dma_wait3A_847 : memref<512xi32, #tpu.memory_space<hbm>>) dst(%arg10 : memref<512xi32, #tpu.memory_space<vmem>>)
      tpu.yield
    }) : () -> ()
    "tpu.region"() ({
      %run_scoped3A = tpu.sem_alloc : memref<!tpu.dma_semaphore, #tpu.memory_space<semaphore_mem>>
      %dma_start3A_844 = tpu.memref_slice %arg3[%mul3A_2] : memref<16384xi32, #tpu.memory_space<hbm>> -> memref<512xi32, #tpu.memory_space<hbm>>
      %dma_start3A_845 = tpu.memref_slice %arg3[%mul3A_2] : memref<16384xi32, #tpu.memory_space<hbm>> -> memref<512xi32, #tpu.memory_space<hbm>>
      tpu.enqueue_dma source(%dma_start3A_845 : memref<512xi32, #tpu.memory_space<hbm>>) target(%arg11 : memref<512xi32, #tpu.memory_space<vmem>>) target_semaphore(%run_scoped3A : memref<!tpu.dma_semaphore, #tpu.memory_space<semaphore_mem>>)
      %dma_wait3A_846 = tpu.memref_slice %arg3[%mul3A_2] : memref<16384xi32, #tpu.memory_space<hbm>> -> memref<512xi32, #tpu.memory_space<hbm>>
      %dma_wait3A_847 = tpu.memref_slice %arg3[%mul3A_2] : memref<16384xi32, #tpu.memory_space<hbm>> -> memref<512xi32, #tpu.memory_space<hbm>>
      tpu.wait_dma2 semaphore(%run_scoped3A : memref<!tpu.dma_semaphore, #tpu.memory_space<semaphore_mem>>) src(%dma_wait3A_847 : memref<512xi32, #tpu.memory_space<hbm>>) dst(%arg11 : memref<512xi32, #tpu.memory_space<vmem>>)
      tpu.yield
    }) : () -> ()
    %dma_start3A = arith.constant 0 : i32
    %dma_start3A_15 = arith.constant 0 : i32
    %dma_start3A_16 = arith.constant 0 : i32
    %dma_start3A_17 = arith.constant 0 : i32
    %dma_start3A_18 = tpu.memref_slice %arg12[%dma_start3A, %dma_start3A_16, %dma_start3A_17] : memref<2x64x128xf32, #tpu.memory_space<vmem>> -> memref<1x64x128xf32, #tpu.memory_space<vmem>>
    %dma_start3A_19 = tpu.memref_squeeze %dma_start3A_18 : memref<1x64x128xf32, #tpu.memory_space<vmem>> -> memref<64x128xf32, #tpu.memory_space<vmem>>
    %dma_start3A_20 = arith.constant 0 : i32
    %dma_start3A_21 = tpu.memref_slice %arg10[%dma_start3A_20] : memref<512xi32, #tpu.memory_space<vmem>> -> memref<64xi32, #tpu.memory_space<vmem>>
    %dma_start3A_22 = arith.constant 0 : i32
    %dma_start3A_23 = arith.constant 0 : i32
    %dma_start3A_24 = tpu.memref_slice %arg5[%dma_start3A_22, %dma_start3A_23] : memref<65536x128xf32, #tpu.memory_space<hbm>> -> memref<65536x128xf32, #tpu.memory_space<hbm>>
    %dma_start3A_25 = tpu.memref_slice %arg19[%dma_start3A_15] : memref<2x!tpu.dma_semaphore, #tpu.memory_space<semaphore_mem>> -> memref<1x!tpu.dma_semaphore, #tpu.memory_space<semaphore_mem>>
    %dma_start3A_26 = tpu.memref_squeeze %dma_start3A_25 : memref<1x!tpu.dma_semaphore, #tpu.memory_space<semaphore_mem>> -> memref<!tpu.dma_semaphore, #tpu.memory_space<semaphore_mem>>
    tpu.enqueue_indirect_dma source(%dma_start3A_24 : memref<65536x128xf32, #tpu.memory_space<hbm>>) target(%dma_start3A_19 : memref<64x128xf32, #tpu.memory_space<vmem>>) offsets(%dma_start3A_21 : memref<64xi32, #tpu.memory_space<vmem>>) semaphore(%dma_start3A_26 : memref<!tpu.dma_semaphore, #tpu.memory_space<semaphore_mem>>)
    %dma_start3A_27 = arith.constant 0 : i32
    %dma_start3A_28 = arith.constant 0 : i32
    %dma_start3A_29 = arith.constant 0 : i32
    %dma_start3A_30 = arith.constant 0 : i32
    %dma_start3A_31 = tpu.memref_slice %arg13[%dma_start3A_27, %dma_start3A_29, %dma_start3A_30] : memref<2x64x128xf32, #tpu.memory_space<vmem>> -> memref<1x64x128xf32, #tpu.memory_space<vmem>>
    %dma_start3A_32 = tpu.memref_squeeze %dma_start3A_31 : memref<1x64x128xf32, #tpu.memory_space<vmem>> -> memref<64x128xf32, #tpu.memory_space<vmem>>
    %dma_start3A_33 = arith.constant 0 : i32
    %dma_start3A_34 = tpu.memref_slice %arg11[%dma_start3A_33] : memref<512xi32, #tpu.memory_space<vmem>> -> memref<64xi32, #tpu.memory_space<vmem>>
    %dma_start3A_35 = arith.constant 0 : i32
    %dma_start3A_36 = arith.constant 0 : i32
    %dma_start3A_37 = tpu.memref_slice %arg6[%dma_start3A_35, %dma_start3A_36] : memref<10000x128xf32, #tpu.memory_space<hbm>> -> memref<10000x128xf32, #tpu.memory_space<hbm>>
    %dma_start3A_38 = tpu.memref_slice %arg19[%dma_start3A_28] : memref<2x!tpu.dma_semaphore, #tpu.memory_space<semaphore_mem>> -> memref<1x!tpu.dma_semaphore, #tpu.memory_space<semaphore_mem>>
    %dma_start3A_39 = tpu.memref_squeeze %dma_start3A_38 : memref<1x!tpu.dma_semaphore, #tpu.memory_space<semaphore_mem>> -> memref<!tpu.dma_semaphore, #tpu.memory_space<semaphore_mem>>
    tpu.enqueue_indirect_dma source(%dma_start3A_37 : memref<10000x128xf32, #tpu.memory_space<hbm>>) target(%dma_start3A_32 : memref<64x128xf32, #tpu.memory_space<vmem>>) offsets(%dma_start3A_34 : memref<64xi32, #tpu.memory_space<vmem>>) semaphore(%dma_start3A_39 : memref<!tpu.dma_semaphore, #tpu.memory_space<semaphore_mem>>)
    %dma_start3A_40 = arith.constant 0 : i32
    %dma_start3A_41 = arith.constant 0 : i32
    %dma_start3A_42 = arith.constant 0 : i32
    %dma_start3A_43 = tpu.memref_slice %arg14[%dma_start3A_40, %dma_start3A_42] : memref<2x64xf32, #tpu.memory_space<vmem>> -> memref<1x64xf32, #tpu.memory_space<vmem>>
    %dma_start3A_44 = tpu.memref_squeeze %dma_start3A_43 : memref<1x64xf32, #tpu.memory_space<vmem>> -> memref<64xf32, #tpu.memory_space<vmem>>
    %dma_start3A_45 = arith.constant 0 : i32
    %dma_start3A_46 = tpu.memref_slice %arg10[%dma_start3A_45] : memref<512xi32, #tpu.memory_space<vmem>> -> memref<64xi32, #tpu.memory_space<vmem>>
    %dma_start3A_47 = arith.constant 0 : i32
    %dma_start3A_48 = tpu.memref_slice %arg7[%dma_start3A_47] : memref<65536xf32, #tpu.memory_space<hbm>> -> memref<65536xf32, #tpu.memory_space<hbm>>
    %dma_start3A_49 = tpu.memref_slice %arg19[%dma_start3A_41] : memref<2x!tpu.dma_semaphore, #tpu.memory_space<semaphore_mem>> -> memref<1x!tpu.dma_semaphore, #tpu.memory_space<semaphore_mem>>
    %dma_start3A_50 = tpu.memref_squeeze %dma_start3A_49 : memref<1x!tpu.dma_semaphore, #tpu.memory_space<semaphore_mem>> -> memref<!tpu.dma_semaphore, #tpu.memory_space<semaphore_mem>>
    tpu.enqueue_indirect_dma source(%dma_start3A_48 : memref<65536xf32, #tpu.memory_space<hbm>>) target(%dma_start3A_44 : memref<64xf32, #tpu.memory_space<vmem>>) offsets(%dma_start3A_46 : memref<64xi32, #tpu.memory_space<vmem>>) semaphore(%dma_start3A_50 : memref<!tpu.dma_semaphore, #tpu.memory_space<semaphore_mem>>)
    %dma_start3A_51 = arith.constant 0 : i32
    %dma_start3A_52 = arith.constant 0 : i32
    %dma_start3A_53 = arith.constant 0 : i32
    %dma_start3A_54 = tpu.memref_slice %arg15[%dma_start3A_51, %dma_start3A_53] : memref<2x64xf32, #tpu.memory_space<vmem>> -> memref<1x64xf32, #tpu.memory_space<vmem>>
    %dma_start3A_55 = tpu.memref_squeeze %dma_start3A_54 : memref<1x64xf32, #tpu.memory_space<vmem>> -> memref<64xf32, #tpu.memory_space<vmem>>
    %dma_start3A_56 = arith.constant 0 : i32
    %dma_start3A_57 = tpu.memref_slice %arg11[%dma_start3A_56] : memref<512xi32, #tpu.memory_space<vmem>> -> memref<64xi32, #tpu.memory_space<vmem>>
    %dma_start3A_58 = arith.constant 0 : i32
    %dma_start3A_59 = tpu.memref_slice %arg8[%dma_start3A_58] : memref<10000xf32, #tpu.memory_space<hbm>> -> memref<10000xf32, #tpu.memory_space<hbm>>
    %dma_start3A_60 = tpu.memref_slice %arg19[%dma_start3A_52] : memref<2x!tpu.dma_semaphore, #tpu.memory_space<semaphore_mem>> -> memref<1x!tpu.dma_semaphore, #tpu.memory_space<semaphore_mem>>
    %dma_start3A_61 = tpu.memref_squeeze %dma_start3A_60 : memref<1x!tpu.dma_semaphore, #tpu.memory_space<semaphore_mem>> -> memref<!tpu.dma_semaphore, #tpu.memory_space<semaphore_mem>>
    tpu.enqueue_indirect_dma source(%dma_start3A_59 : memref<10000xf32, #tpu.memory_space<hbm>>) target(%dma_start3A_55 : memref<64xf32, #tpu.memory_space<vmem>>) offsets(%dma_start3A_57 : memref<64xi32, #tpu.memory_space<vmem>>) semaphore(%dma_start3A_61 : memref<!tpu.dma_semaphore, #tpu.memory_space<semaphore_mem>>)
    %dma_wait3A = arith.constant 0 : i32
    %dma_wait3A_62 = arith.constant 0 : i32
    %dma_wait3A_63 = arith.constant 0 : i32
    %dma_wait3A_64 = arith.constant 0 : i32
    %dma_wait3A_65 = tpu.memref_slice %arg12[%dma_wait3A, %dma_wait3A_63, %dma_wait3A_64] : memref<2x64x128xf32, #tpu.memory_space<vmem>> -> memref<1x64x128xf32, #tpu.memory_space<vmem>>
    %dma_wait3A_66 = tpu.memref_squeeze %dma_wait3A_65 : memref<1x64x128xf32, #tpu.memory_space<vmem>> -> memref<64x128xf32, #tpu.memory_space<vmem>>
    %dma_wait3A_67 = arith.constant 0 : i32
    %dma_wait3A_68 = tpu.memref_slice %arg10[%dma_wait3A_67] : memref<512xi32, #tpu.memory_space<vmem>> -> memref<64xi32, #tpu.memory_space<vmem>>
    %dma_wait3A_69 = arith.constant 0 : i32
    %dma_wait3A_70 = arith.constant 0 : i32
    %dma_wait3A_71 = tpu.memref_slice %arg5[%dma_wait3A_69, %dma_wait3A_70] : memref<65536x128xf32, #tpu.memory_space<hbm>> -> memref<65536x128xf32, #tpu.memory_space<hbm>>
    %dma_wait3A_72 = tpu.memref_slice %arg19[%dma_wait3A_62] : memref<2x!tpu.dma_semaphore, #tpu.memory_space<semaphore_mem>> -> memref<1x!tpu.dma_semaphore, #tpu.memory_space<semaphore_mem>>
    %dma_wait3A_73 = tpu.memref_squeeze %dma_wait3A_72 : memref<1x!tpu.dma_semaphore, #tpu.memory_space<semaphore_mem>> -> memref<!tpu.dma_semaphore, #tpu.memory_space<semaphore_mem>>
    tpu.wait_indirect_dma semaphore(%dma_wait3A_73 : memref<!tpu.dma_semaphore, #tpu.memory_space<semaphore_mem>>) src(%dma_wait3A_71 : memref<65536x128xf32, #tpu.memory_space<hbm>>) dst(%dma_wait3A_66 : memref<64x128xf32, #tpu.memory_space<vmem>>)
    %dma_wait3A_74 = arith.constant 0 : i32
    %dma_wait3A_75 = arith.constant 0 : i32
    %dma_wait3A_76 = arith.constant 0 : i32
    %dma_wait3A_77 = arith.constant 0 : i32
    %dma_wait3A_78 = tpu.memref_slice %arg13[%dma_wait3A_74, %dma_wait3A_76, %dma_wait3A_77] : memref<2x64x128xf32, #tpu.memory_space<vmem>> -> memref<1x64x128xf32, #tpu.memory_space<vmem>>
    %dma_wait3A_79 = tpu.memref_squeeze %dma_wait3A_78 : memref<1x64x128xf32, #tpu.memory_space<vmem>> -> memref<64x128xf32, #tpu.memory_space<vmem>>
    %dma_wait3A_80 = arith.constant 0 : i32
    %dma_wait3A_81 = tpu.memref_slice %arg11[%dma_wait3A_80] : memref<512xi32, #tpu.memory_space<vmem>> -> memref<64xi32, #tpu.memory_space<vmem>>
    %dma_wait3A_82 = arith.constant 0 : i32
    %dma_wait3A_83 = arith.constant 0 : i32
    %dma_wait3A_84 = tpu.memref_slice %arg6[%dma_wait3A_82, %dma_wait3A_83] : memref<10000x128xf32, #tpu.memory_space<hbm>> -> memref<10000x128xf32, #tpu.memory_space<hbm>>
    %dma_wait3A_85 = tpu.memref_slice %arg19[%dma_wait3A_75] : memref<2x!tpu.dma_semaphore, #tpu.memory_space<semaphore_mem>> -> memref<1x!tpu.dma_semaphore, #tpu.memory_space<semaphore_mem>>
    %dma_wait3A_86 = tpu.memref_squeeze %dma_wait3A_85 : memref<1x!tpu.dma_semaphore, #tpu.memory_space<semaphore_mem>> -> memref<!tpu.dma_semaphore, #tpu.memory_space<semaphore_mem>>
    tpu.wait_indirect_dma semaphore(%dma_wait3A_86 : memref<!tpu.dma_semaphore, #tpu.memory_space<semaphore_mem>>) src(%dma_wait3A_84 : memref<10000x128xf32, #tpu.memory_space<hbm>>) dst(%dma_wait3A_79 : memref<64x128xf32, #tpu.memory_space<vmem>>)
    %dma_wait3A_87 = arith.constant 0 : i32
    %dma_wait3A_88 = arith.constant 0 : i32
    %dma_wait3A_89 = arith.constant 0 : i32
    %dma_wait3A_90 = tpu.memref_slice %arg14[%dma_wait3A_87, %dma_wait3A_89] : memref<2x64xf32, #tpu.memory_space<vmem>> -> memref<1x64xf32, #tpu.memory_space<vmem>>
    %dma_wait3A_91 = tpu.memref_squeeze %dma_wait3A_90 : memref<1x64xf32, #tpu.memory_space<vmem>> -> memref<64xf32, #tpu.memory_space<vmem>>
    %dma_wait3A_92 = arith.constant 0 : i32
    %dma_wait3A_93 = tpu.memref_slice %arg10[%dma_wait3A_92] : memref<512xi32, #tpu.memory_space<vmem>> -> memref<64xi32, #tpu.memory_space<vmem>>
    %dma_wait3A_94 = arith.constant 0 : i32
    %dma_wait3A_95 = tpu.memref_slice %arg7[%dma_wait3A_94] : memref<65536xf32, #tpu.memory_space<hbm>> -> memref<65536xf32, #tpu.memory_space<hbm>>
    %dma_wait3A_96 = tpu.memref_slice %arg19[%dma_wait3A_88] : memref<2x!tpu.dma_semaphore, #tpu.memory_space<semaphore_mem>> -> memref<1x!tpu.dma_semaphore, #tpu.memory_space<semaphore_mem>>
    %dma_wait3A_97 = tpu.memref_squeeze %dma_wait3A_96 : memref<1x!tpu.dma_semaphore, #tpu.memory_space<semaphore_mem>> -> memref<!tpu.dma_semaphore, #tpu.memory_space<semaphore_mem>>
    tpu.wait_indirect_dma semaphore(%dma_wait3A_97 : memref<!tpu.dma_semaphore, #tpu.memory_space<semaphore_mem>>) src(%dma_wait3A_95 : memref<65536xf32, #tpu.memory_space<hbm>>) dst(%dma_wait3A_91 : memref<64xf32, #tpu.memory_space<vmem>>)
    %dma_wait3A_98 = arith.constant 0 : i32
    %dma_wait3A_99 = arith.constant 0 : i32
    %dma_wait3A_100 = arith.constant 0 : i32
    %dma_wait3A_101 = tpu.memref_slice %arg15[%dma_wait3A_98, %dma_wait3A_100] : memref<2x64xf32, #tpu.memory_space<vmem>> -> memref<1x64xf32, #tpu.memory_space<vmem>>
    %dma_wait3A_102 = tpu.memref_squeeze %dma_wait3A_101 : memref<1x64xf32, #tpu.memory_space<vmem>> -> memref<64xf32, #tpu.memory_space<vmem>>
    %dma_wait3A_103 = arith.constant 0 : i32
    %dma_wait3A_104 = tpu.memref_slice %arg11[%dma_wait3A_103] : memref<512xi32, #tpu.memory_space<vmem>> -> memref<64xi32, #tpu.memory_space<vmem>>
    %dma_wait3A_105 = arith.constant 0 : i32
    %dma_wait3A_106 = tpu.memref_slice %arg8[%dma_wait3A_105] : memref<10000xf32, #tpu.memory_space<hbm>> -> memref<10000xf32, #tpu.memory_space<hbm>>
    %dma_wait3A_107 = tpu.memref_slice %arg19[%dma_wait3A_99] : memref<2x!tpu.dma_semaphore, #tpu.memory_space<semaphore_mem>> -> memref<1x!tpu.dma_semaphore, #tpu.memory_space<semaphore_mem>>
    %dma_wait3A_108 = tpu.memref_squeeze %dma_wait3A_107 : memref<1x!tpu.dma_semaphore, #tpu.memory_space<semaphore_mem>> -> memref<!tpu.dma_semaphore, #tpu.memory_space<semaphore_mem>>
    tpu.wait_indirect_dma semaphore(%dma_wait3A_108 : memref<!tpu.dma_semaphore, #tpu.memory_space<semaphore_mem>>) src(%dma_wait3A_106 : memref<10000xf32, #tpu.memory_space<hbm>>) dst(%dma_wait3A_102 : memref<64xf32, #tpu.memory_space<vmem>>)
    %dma_start3A_109 = arith.constant 1 : i32
    %dma_start3A_110 = arith.constant 1 : i32
    %dma_start3A_111 = arith.constant 0 : i32
    %dma_start3A_112 = arith.constant 0 : i32
    %dma_start3A_113 = tpu.memref_slice %arg12[%dma_start3A_109, %dma_start3A_111, %dma_start3A_112] : memref<2x64x128xf32, #tpu.memory_space<vmem>> -> memref<1x64x128xf32, #tpu.memory_space<vmem>>
    %dma_start3A_114 = tpu.memref_squeeze %dma_start3A_113 : memref<1x64x128xf32, #tpu.memory_space<vmem>> -> memref<64x128xf32, #tpu.memory_space<vmem>>
    %dma_start3A_115 = arith.constant 64 : i32
    %dma_start3A_116 = tpu.memref_slice %arg10[%dma_start3A_115] : memref<512xi32, #tpu.memory_space<vmem>> -> memref<64xi32, #tpu.memory_space<vmem>>
    %dma_start3A_117 = arith.constant 0 : i32
    %dma_start3A_118 = arith.constant 0 : i32
    %dma_start3A_119 = tpu.memref_slice %arg5[%dma_start3A_117, %dma_start3A_118] : memref<65536x128xf32, #tpu.memory_space<hbm>> -> memref<65536x128xf32, #tpu.memory_space<hbm>>
    %dma_start3A_120 = tpu.memref_slice %arg19[%dma_start3A_110] : memref<2x!tpu.dma_semaphore, #tpu.memory_space<semaphore_mem>> -> memref<1x!tpu.dma_semaphore, #tpu.memory_space<semaphore_mem>>
    %dma_start3A_121 = tpu.memref_squeeze %dma_start3A_120 : memref<1x!tpu.dma_semaphore, #tpu.memory_space<semaphore_mem>> -> memref<!tpu.dma_semaphore, #tpu.memory_space<semaphore_mem>>
    tpu.enqueue_indirect_dma source(%dma_start3A_119 : memref<65536x128xf32, #tpu.memory_space<hbm>>) target(%dma_start3A_114 : memref<64x128xf32, #tpu.memory_space<vmem>>) offsets(%dma_start3A_116 : memref<64xi32, #tpu.memory_space<vmem>>) semaphore(%dma_start3A_121 : memref<!tpu.dma_semaphore, #tpu.memory_space<semaphore_mem>>)
    %dma_start3A_122 = arith.constant 1 : i32
    %dma_start3A_123 = arith.constant 1 : i32
    %dma_start3A_124 = arith.constant 0 : i32
    %dma_start3A_125 = arith.constant 0 : i32
    %dma_start3A_126 = tpu.memref_slice %arg13[%dma_start3A_122, %dma_start3A_124, %dma_start3A_125] : memref<2x64x128xf32, #tpu.memory_space<vmem>> -> memref<1x64x128xf32, #tpu.memory_space<vmem>>
    %dma_start3A_127 = tpu.memref_squeeze %dma_start3A_126 : memref<1x64x128xf32, #tpu.memory_space<vmem>> -> memref<64x128xf32, #tpu.memory_space<vmem>>
    %dma_start3A_128 = arith.constant 64 : i32
    %dma_start3A_129 = tpu.memref_slice %arg11[%dma_start3A_128] : memref<512xi32, #tpu.memory_space<vmem>> -> memref<64xi32, #tpu.memory_space<vmem>>
    %dma_start3A_130 = arith.constant 0 : i32
    %dma_start3A_131 = arith.constant 0 : i32
    %dma_start3A_132 = tpu.memref_slice %arg6[%dma_start3A_130, %dma_start3A_131] : memref<10000x128xf32, #tpu.memory_space<hbm>> -> memref<10000x128xf32, #tpu.memory_space<hbm>>
    %dma_start3A_133 = tpu.memref_slice %arg19[%dma_start3A_123] : memref<2x!tpu.dma_semaphore, #tpu.memory_space<semaphore_mem>> -> memref<1x!tpu.dma_semaphore, #tpu.memory_space<semaphore_mem>>
    %dma_start3A_134 = tpu.memref_squeeze %dma_start3A_133 : memref<1x!tpu.dma_semaphore, #tpu.memory_space<semaphore_mem>> -> memref<!tpu.dma_semaphore, #tpu.memory_space<semaphore_mem>>
    tpu.enqueue_indirect_dma source(%dma_start3A_132 : memref<10000x128xf32, #tpu.memory_space<hbm>>) target(%dma_start3A_127 : memref<64x128xf32, #tpu.memory_space<vmem>>) offsets(%dma_start3A_129 : memref<64xi32, #tpu.memory_space<vmem>>) semaphore(%dma_start3A_134 : memref<!tpu.dma_semaphore, #tpu.memory_space<semaphore_mem>>)
    %dma_start3A_135 = arith.constant 1 : i32
    %dma_start3A_136 = arith.constant 1 : i32
    %dma_start3A_137 = arith.constant 0 : i32
    %dma_start3A_138 = tpu.memref_slice %arg14[%dma_start3A_135, %dma_start3A_137] : memref<2x64xf32, #tpu.memory_space<vmem>> -> memref<1x64xf32, #tpu.memory_space<vmem>>
    %dma_start3A_139 = tpu.memref_squeeze %dma_start3A_138 : memref<1x64xf32, #tpu.memory_space<vmem>> -> memref<64xf32, #tpu.memory_space<vmem>>
    %dma_start3A_140 = arith.constant 64 : i32
    %dma_start3A_141 = tpu.memref_slice %arg10[%dma_start3A_140] : memref<512xi32, #tpu.memory_space<vmem>> -> memref<64xi32, #tpu.memory_space<vmem>>
    %dma_start3A_142 = arith.constant 0 : i32
    %dma_start3A_143 = tpu.memref_slice %arg7[%dma_start3A_142] : memref<65536xf32, #tpu.memory_space<hbm>> -> memref<65536xf32, #tpu.memory_space<hbm>>
    %dma_start3A_144 = tpu.memref_slice %arg19[%dma_start3A_136] : memref<2x!tpu.dma_semaphore, #tpu.memory_space<semaphore_mem>> -> memref<1x!tpu.dma_semaphore, #tpu.memory_space<semaphore_mem>>
    %dma_start3A_145 = tpu.memref_squeeze %dma_start3A_144 : memref<1x!tpu.dma_semaphore, #tpu.memory_space<semaphore_mem>> -> memref<!tpu.dma_semaphore, #tpu.memory_space<semaphore_mem>>
    tpu.enqueue_indirect_dma source(%dma_start3A_143 : memref<65536xf32, #tpu.memory_space<hbm>>) target(%dma_start3A_139 : memref<64xf32, #tpu.memory_space<vmem>>) offsets(%dma_start3A_141 : memref<64xi32, #tpu.memory_space<vmem>>) semaphore(%dma_start3A_145 : memref<!tpu.dma_semaphore, #tpu.memory_space<semaphore_mem>>)
    %dma_start3A_146 = arith.constant 1 : i32
    %dma_start3A_147 = arith.constant 1 : i32
    %dma_start3A_148 = arith.constant 0 : i32
    %dma_start3A_149 = tpu.memref_slice %arg15[%dma_start3A_146, %dma_start3A_148] : memref<2x64xf32, #tpu.memory_space<vmem>> -> memref<1x64xf32, #tpu.memory_space<vmem>>
    %dma_start3A_150 = tpu.memref_squeeze %dma_start3A_149 : memref<1x64xf32, #tpu.memory_space<vmem>> -> memref<64xf32, #tpu.memory_space<vmem>>
    %dma_start3A_151 = arith.constant 64 : i32
    %dma_start3A_152 = tpu.memref_slice %arg11[%dma_start3A_151] : memref<512xi32, #tpu.memory_space<vmem>> -> memref<64xi32, #tpu.memory_space<vmem>>
    %dma_start3A_153 = arith.constant 0 : i32
    %dma_start3A_154 = tpu.memref_slice %arg8[%dma_start3A_153] : memref<10000xf32, #tpu.memory_space<hbm>> -> memref<10000xf32, #tpu.memory_space<hbm>>
    %dma_start3A_155 = tpu.memref_slice %arg19[%dma_start3A_147] : memref<2x!tpu.dma_semaphore, #tpu.memory_space<semaphore_mem>> -> memref<1x!tpu.dma_semaphore, #tpu.memory_space<semaphore_mem>>
    %dma_start3A_156 = tpu.memref_squeeze %dma_start3A_155 : memref<1x!tpu.dma_semaphore, #tpu.memory_space<semaphore_mem>> -> memref<!tpu.dma_semaphore, #tpu.memory_space<semaphore_mem>>
    tpu.enqueue_indirect_dma source(%dma_start3A_154 : memref<10000xf32, #tpu.memory_space<hbm>>) target(%dma_start3A_150 : memref<64xf32, #tpu.memory_space<vmem>>) offsets(%dma_start3A_152 : memref<64xi32, #tpu.memory_space<vmem>>) semaphore(%dma_start3A_156 : memref<!tpu.dma_semaphore, #tpu.memory_space<semaphore_mem>>)
    %parallel_loop3A = arith.constant 0 : i32
    %parallel_loop3A_157 = arith.constant 64 : i32
    %parallel_loop3A_158 = arith.constant 1 : i32
    %parallel_loop3A_159 = arith.constant 0 : i32
    %parallel_loop3A_160 = arith.constant 0 : i32
    scf.for %parallel_loop3A_844 = %parallel_loop3A to %parallel_loop3A_157 step %parallel_loop3A_158  : i32 {
      %parallel_loop3A_845 = arith.constant 0 : i32
      %parallel_loop3A_846 = arith.constant 0 : i32
      %parallel_loop3A_847 = tpu.memref_slice %arg12[%parallel_loop3A_159, %parallel_loop3A_845, %parallel_loop3A_846] : memref<2x64x128xf32, #tpu.memory_space<vmem>> -> memref<1x64x128xf32, #tpu.memory_space<vmem>>
      %parallel_loop3A_848 = tpu.memref_squeeze %parallel_loop3A_847 : memref<1x64x128xf32, #tpu.memory_space<vmem>> -> memref<64x128xf32, #tpu.memory_space<vmem>>
      %parallel_loop3A_849 = arith.index_cast %parallel_loop3A_844 : i32 to index
      %parallel_loop3A_850 = arith.constant 0 : index
      %parallel_loop3A_851 = tpu.vector_load %parallel_loop3A_848[%parallel_loop3A_849, %parallel_loop3A_850] {strides = array<i32>} : memref<64x128xf32, #tpu.memory_space<vmem>>, vector<16xf32>,
      %parallel_loop3A_852 = arith.constant 0 : i32
      %parallel_loop3A_853 = arith.constant 0 : i32
      %parallel_loop3A_854 = tpu.memref_slice %arg13[%parallel_loop3A_160, %parallel_loop3A_852, %parallel_loop3A_853] : memref<2x64x128xf32, #tpu.memory_space<vmem>> -> memref<1x64x128xf32, #tpu.memory_space<vmem>>
      %parallel_loop3A_855 = tpu.memref_squeeze %parallel_loop3A_854 : memref<1x64x128xf32, #tpu.memory_space<vmem>> -> memref<64x128xf32, #tpu.memory_space<vmem>>
      %parallel_loop3A_856 = arith.index_cast %parallel_loop3A_844 : i32 to index
      %parallel_loop3A_857 = arith.constant 0 : index
      %parallel_loop3A_858 = tpu.vector_load %parallel_loop3A_855[%parallel_loop3A_856, %parallel_loop3A_857] {strides = array<i32>} : memref<64x128xf32, #tpu.memory_space<vmem>>, vector<16xf32>,
      %parallel_loop3A_859 = arith.mulf %parallel_loop3A_851, %parallel_loop3A_858 : vector<16xf32>
      %parallel_loop3A_860 = arith.constant 0 : i32
      %parallel_loop3A_861 = arith.constant 0 : i32
      %parallel_loop3A_862 = tpu.memref_slice %arg12[%parallel_loop3A_159, %parallel_loop3A_860, %parallel_loop3A_861] : memref<2x64x128xf32, #tpu.memory_space<vmem>> -> memref<1x64x128xf32, #tpu.memory_space<vmem>>
      %parallel_loop3A_863 = tpu.memref_squeeze %parallel_loop3A_862 : memref<1x64x128xf32, #tpu.memory_space<vmem>> -> memref<64x128xf32, #tpu.memory_space<vmem>>
      %parallel_loop3A_864 = arith.index_cast %parallel_loop3A_844 : i32 to index
      %parallel_loop3A_865 = arith.constant 16 : index
      %parallel_loop3A_866 = tpu.vector_load %parallel_loop3A_863[%parallel_loop3A_864, %parallel_loop3A_865] {strides = array<i32>} : memref<64x128xf32, #tpu.memory_space<vmem>>, vector<16xf32>,
      %parallel_loop3A_867 = arith.constant 0 : i32
      %parallel_loop3A_868 = arith.constant 0 : i32
      %parallel_loop3A_869 = tpu.memref_slice %arg13[%parallel_loop3A_160, %parallel_loop3A_867, %parallel_loop3A_868] : memref<2x64x128xf32, #tpu.memory_space<vmem>> -> memref<1x64x128xf32, #tpu.memory_space<vmem>>
      %parallel_loop3A_870 = tpu.memref_squeeze %parallel_loop3A_869 : memref<1x64x128xf32, #tpu.memory_space<vmem>> -> memref<64x128xf32, #tpu.memory_space<vmem>>
      %parallel_loop3A_871 = arith.index_cast %parallel_loop3A_844 : i32 to index
      %parallel_loop3A_872 = arith.constant 16 : index
      %parallel_loop3A_873 = tpu.vector_load %parallel_loop3A_870[%parallel_loop3A_871, %parallel_loop3A_872] {strides = array<i32>} : memref<64x128xf32, #tpu.memory_space<vmem>>, vector<16xf32>,
      %parallel_loop3A_874 = arith.mulf %parallel_loop3A_866, %parallel_loop3A_873 : vector<16xf32>
      %parallel_loop3A_875 = arith.addf %parallel_loop3A_859, %parallel_loop3A_874 : vector<16xf32>
      %parallel_loop3A_876 = arith.constant 0 : i32
      %parallel_loop3A_877 = arith.constant 0 : i32
      %parallel_loop3A_878 = tpu.memref_slice %arg12[%parallel_loop3A_159, %parallel_loop3A_876, %parallel_loop3A_877] : memref<2x64x128xf32, #tpu.memory_space<vmem>> -> memref<1x64x128xf32, #tpu.memory_space<vmem>>
      %parallel_loop3A_879 = tpu.memref_squeeze %parallel_loop3A_878 : memref<1x64x128xf32, #tpu.memory_space<vmem>> -> memref<64x128xf32, #tpu.memory_space<vmem>>
      %parallel_loop3A_880 = arith.index_cast %parallel_loop3A_844 : i32 to index
      %parallel_loop3A_881 = arith.constant 32 : index
      %parallel_loop3A_882 = tpu.vector_load %parallel_loop3A_879[%parallel_loop3A_880, %parallel_loop3A_881] {strides = array<i32>} : memref<64x128xf32, #tpu.memory_space<vmem>>, vector<16xf32>,
      %parallel_loop3A_883 = arith.constant 0 : i32
      %parallel_loop3A_884 = arith.constant 0 : i32
      %parallel_loop3A_885 = tpu.memref_slice %arg13[%parallel_loop3A_160, %parallel_loop3A_883, %parallel_loop3A_884] : memref<2x64x128xf32, #tpu.memory_space<vmem>> -> memref<1x64x128xf32, #tpu.memory_space<vmem>>
      %parallel_loop3A_886 = tpu.memref_squeeze %parallel_loop3A_885 : memref<1x64x128xf32, #tpu.memory_space<vmem>> -> memref<64x128xf32, #tpu.memory_space<vmem>>
      %parallel_loop3A_887 = arith.index_cast %parallel_loop3A_844 : i32 to index
      %parallel_loop3A_888 = arith.constant 32 : index
      %parallel_loop3A_889 = tpu.vector_load %parallel_loop3A_886[%parallel_loop3A_887, %parallel_loop3A_888] {strides = array<i32>} : memref<64x128xf32, #tpu.memory_space<vmem>>, vector<16xf32>,
      %parallel_loop3A_890 = arith.mulf %parallel_loop3A_882, %parallel_loop3A_889 : vector<16xf32>
      %parallel_loop3A_891 = arith.addf %parallel_loop3A_875, %parallel_loop3A_890 : vector<16xf32>
      %parallel_loop3A_892 = arith.constant 0 : i32
      %parallel_loop3A_893 = arith.constant 0 : i32
      %parallel_loop3A_894 = tpu.memref_slice %arg12[%parallel_loop3A_159, %parallel_loop3A_892, %parallel_loop3A_893] : memref<2x64x128xf32, #tpu.memory_space<vmem>> -> memref<1x64x128xf32, #tpu.memory_space<vmem>>
      %parallel_loop3A_895 = tpu.memref_squeeze %parallel_loop3A_894 : memref<1x64x128xf32, #tpu.memory_space<vmem>> -> memref<64x128xf32, #tpu.memory_space<vmem>>
      %parallel_loop3A_896 = arith.index_cast %parallel_loop3A_844 : i32 to index
      %parallel_loop3A_897 = arith.constant 48 : index
      %parallel_loop3A_898 = tpu.vector_load %parallel_loop3A_895[%parallel_loop3A_896, %parallel_loop3A_897] {strides = array<i32>} : memref<64x128xf32, #tpu.memory_space<vmem>>, vector<16xf32>,
      %parallel_loop3A_899 = arith.constant 0 : i32
      %parallel_loop3A_900 = arith.constant 0 : i32
      %parallel_loop3A_901 = tpu.memref_slice %arg13[%parallel_loop3A_160, %parallel_loop3A_899, %parallel_loop3A_900] : memref<2x64x128xf32, #tpu.memory_space<vmem>> -> memref<1x64x128xf32, #tpu.memory_space<vmem>>
      %parallel_loop3A_902 = tpu.memref_squeeze %parallel_loop3A_901 : memref<1x64x128xf32, #tpu.memory_space<vmem>> -> memref<64x128xf32, #tpu.memory_space<vmem>>
      %parallel_loop3A_903 = arith.index_cast %parallel_loop3A_844 : i32 to index
      %parallel_loop3A_904 = arith.constant 48 : index
      %parallel_loop3A_905 = tpu.vector_load %parallel_loop3A_902[%parallel_loop3A_903, %parallel_loop3A_904] {strides = array<i32>} : memref<64x128xf32, #tpu.memory_space<vmem>>, vector<16xf32>,
      %parallel_loop3A_906 = arith.mulf %parallel_loop3A_898, %parallel_loop3A_905 : vector<16xf32>
      %parallel_loop3A_907 = arith.addf %parallel_loop3A_891, %parallel_loop3A_906 : vector<16xf32>
      %parallel_loop3A_908 = arith.constant 0 : i32
      %parallel_loop3A_909 = arith.constant 0 : i32
      %parallel_loop3A_910 = tpu.memref_slice %arg12[%parallel_loop3A_159, %parallel_loop3A_908, %parallel_loop3A_909] : memref<2x64x128xf32, #tpu.memory_space<vmem>> -> memref<1x64x128xf32, #tpu.memory_space<vmem>>
      %parallel_loop3A_911 = tpu.memref_squeeze %parallel_loop3A_910 : memref<1x64x128xf32, #tpu.memory_space<vmem>> -> memref<64x128xf32, #tpu.memory_space<vmem>>
      %parallel_loop3A_912 = arith.index_cast %parallel_loop3A_844 : i32 to index
      %parallel_loop3A_913 = arith.constant 64 : index
      %parallel_loop3A_914 = tpu.vector_load %parallel_loop3A_911[%parallel_loop3A_912, %parallel_loop3A_913] {strides = array<i32>} : memref<64x128xf32, #tpu.memory_space<vmem>>, vector<16xf32>,
      %parallel_loop3A_915 = arith.constant 0 : i32
      %parallel_loop3A_916 = arith.constant 0 : i32
      %parallel_loop3A_917 = tpu.memref_slice %arg13[%parallel_loop3A_160, %parallel_loop3A_915, %parallel_loop3A_916] : memref<2x64x128xf32, #tpu.memory_space<vmem>> -> memref<1x64x128xf32, #tpu.memory_space<vmem>>
      %parallel_loop3A_918 = tpu.memref_squeeze %parallel_loop3A_917 : memref<1x64x128xf32, #tpu.memory_space<vmem>> -> memref<64x128xf32, #tpu.memory_space<vmem>>
      %parallel_loop3A_919 = arith.index_cast %parallel_loop3A_844 : i32 to index
      %parallel_loop3A_920 = arith.constant 64 : index
      %parallel_loop3A_921 = tpu.vector_load %parallel_loop3A_918[%parallel_loop3A_919, %parallel_loop3A_920] {strides = array<i32>} : memref<64x128xf32, #tpu.memory_space<vmem>>, vector<16xf32>,
      %parallel_loop3A_922 = arith.mulf %parallel_loop3A_914, %parallel_loop3A_921 : vector<16xf32>
      %parallel_loop3A_923 = arith.addf %parallel_loop3A_907, %parallel_loop3A_922 : vector<16xf32>
      %parallel_loop3A_924 = arith.constant 0 : i32
      %parallel_loop3A_925 = arith.constant 0 : i32
      %parallel_loop3A_926 = tpu.memref_slice %arg12[%parallel_loop3A_159, %parallel_loop3A_924, %parallel_loop3A_925] : memref<2x64x128xf32, #tpu.memory_space<vmem>> -> memref<1x64x128xf32, #tpu.memory_space<vmem>>
      %parallel_loop3A_927 = tpu.memref_squeeze %parallel_loop3A_926 : memref<1x64x128xf32, #tpu.memory_space<vmem>> -> memref<64x128xf32, #tpu.memory_space<vmem>>
      %parallel_loop3A_928 = arith.index_cast %parallel_loop3A_844 : i32 to index
      %parallel_loop3A_929 = arith.constant 80 : index
      %parallel_loop3A_930 = tpu.vector_load %parallel_loop3A_927[%parallel_loop3A_928, %parallel_loop3A_929] {strides = array<i32>} : memref<64x128xf32, #tpu.memory_space<vmem>>, vector<16xf32>,
      %parallel_loop3A_931 = arith.constant 0 : i32
      %parallel_loop3A_932 = arith.constant 0 : i32
      %parallel_loop3A_933 = tpu.memref_slice %arg13[%parallel_loop3A_160, %parallel_loop3A_931, %parallel_loop3A_932] : memref<2x64x128xf32, #tpu.memory_space<vmem>> -> memref<1x64x128xf32, #tpu.memory_space<vmem>>
      %parallel_loop3A_934 = tpu.memref_squeeze %parallel_loop3A_933 : memref<1x64x128xf32, #tpu.memory_space<vmem>> -> memref<64x128xf32, #tpu.memory_space<vmem>>
      %parallel_loop3A_935 = arith.index_cast %parallel_loop3A_844 : i32 to index
      %parallel_loop3A_936 = arith.constant 80 : index
      %parallel_loop3A_937 = tpu.vector_load %parallel_loop3A_934[%parallel_loop3A_935, %parallel_loop3A_936] {strides = array<i32>} : memref<64x128xf32, #tpu.memory_space<vmem>>, vector<16xf32>,
      %parallel_loop3A_938 = arith.mulf %parallel_loop3A_930, %parallel_loop3A_937 : vector<16xf32>
      %parallel_loop3A_939 = arith.addf %parallel_loop3A_923, %parallel_loop3A_938 : vector<16xf32>
      %parallel_loop3A_940 = arith.constant 0 : i32
      %parallel_loop3A_941 = arith.constant 0 : i32
      %parallel_loop3A_942 = tpu.memref_slice %arg12[%parallel_loop3A_159, %parallel_loop3A_940, %parallel_loop3A_941] : memref<2x64x128xf32, #tpu.memory_space<vmem>> -> memref<1x64x128xf32, #tpu.memory_space<vmem>>
      %parallel_loop3A_943 = tpu.memref_squeeze %parallel_loop3A_942 : memref<1x64x128xf32, #tpu.memory_space<vmem>> -> memref<64x128xf32, #tpu.memory_space<vmem>>
      %parallel_loop3A_944 = arith.index_cast %parallel_loop3A_844 : i32 to index
      %parallel_loop3A_945 = arith.constant 96 : index
      %parallel_loop3A_946 = tpu.vector_load %parallel_loop3A_943[%parallel_loop3A_944, %parallel_loop3A_945] {strides = array<i32>} : memref<64x128xf32, #tpu.memory_space<vmem>>, vector<16xf32>,
      %parallel_loop3A_947 = arith.constant 0 : i32
      %parallel_loop3A_948 = arith.constant 0 : i32
      %parallel_loop3A_949 = tpu.memref_slice %arg13[%parallel_loop3A_160, %parallel_loop3A_947, %parallel_loop3A_948] : memref<2x64x128xf32, #tpu.memory_space<vmem>> -> memref<1x64x128xf32, #tpu.memory_space<vmem>>
      %parallel_loop3A_950 = tpu.memref_squeeze %parallel_loop3A_949 : memref<1x64x128xf32, #tpu.memory_space<vmem>> -> memref<64x128xf32, #tpu.memory_space<vmem>>
      %parallel_loop3A_951 = arith.index_cast %parallel_loop3A_844 : i32 to index
      %parallel_loop3A_952 = arith.constant 96 : index
      %parallel_loop3A_953 = tpu.vector_load %parallel_loop3A_950[%parallel_loop3A_951, %parallel_loop3A_952] {strides = array<i32>} : memref<64x128xf32, #tpu.memory_space<vmem>>, vector<16xf32>,
      %parallel_loop3A_954 = arith.mulf %parallel_loop3A_946, %parallel_loop3A_953 : vector<16xf32>
      %parallel_loop3A_955 = arith.addf %parallel_loop3A_939, %parallel_loop3A_954 : vector<16xf32>
      %parallel_loop3A_956 = arith.constant 0 : i32
      %parallel_loop3A_957 = arith.constant 0 : i32
      %parallel_loop3A_958 = tpu.memref_slice %arg12[%parallel_loop3A_159, %parallel_loop3A_956, %parallel_loop3A_957] : memref<2x64x128xf32, #tpu.memory_space<vmem>> -> memref<1x64x128xf32, #tpu.memory_space<vmem>>
      %parallel_loop3A_959 = tpu.memref_squeeze %parallel_loop3A_958 : memref<1x64x128xf32, #tpu.memory_space<vmem>> -> memref<64x128xf32, #tpu.memory_space<vmem>>
      %parallel_loop3A_960 = arith.index_cast %parallel_loop3A_844 : i32 to index
      %parallel_loop3A_961 = arith.constant 112 : index
      %parallel_loop3A_962 = tpu.vector_load %parallel_loop3A_959[%parallel_loop3A_960, %parallel_loop3A_961] {strides = array<i32>} : memref<64x128xf32, #tpu.memory_space<vmem>>, vector<16xf32>,
      %parallel_loop3A_963 = arith.constant 0 : i32
      %parallel_loop3A_964 = arith.constant 0 : i32
      %parallel_loop3A_965 = tpu.memref_slice %arg13[%parallel_loop3A_160, %parallel_loop3A_963, %parallel_loop3A_964] : memref<2x64x128xf32, #tpu.memory_space<vmem>> -> memref<1x64x128xf32, #tpu.memory_space<vmem>>
      %parallel_loop3A_966 = tpu.memref_squeeze %parallel_loop3A_965 : memref<1x64x128xf32, #tpu.memory_space<vmem>> -> memref<64x128xf32, #tpu.memory_space<vmem>>
      %parallel_loop3A_967 = arith.index_cast %parallel_loop3A_844 : i32 to index
      %parallel_loop3A_968 = arith.constant 112 : index
      %parallel_loop3A_969 = tpu.vector_load %parallel_loop3A_966[%parallel_loop3A_967, %parallel_loop3A_968] {strides = array<i32>} : memref<64x128xf32, #tpu.memory_space<vmem>>, vector<16xf32>,
      %parallel_loop3A_970 = arith.mulf %parallel_loop3A_962, %parallel_loop3A_969 : vector<16xf32>
      %parallel_loop3A_971 = arith.addf %parallel_loop3A_955, %parallel_loop3A_970 : vector<16xf32>
      %parallel_loop3A_972 = arith.constant true
      %parallel_loop3A_973 = vector.broadcast %parallel_loop3A_972 : i1 to vector<16xi1>
      %parallel_loop3A_974 = tpu.scan <sum>, %parallel_loop3A_971 masked %parallel_loop3A_973 : vector<16xf32>, vector<16xi1> -> vector<16xf32>
      %parallel_loop3A_975 = vector.broadcast %parallel_loop3A_844 : i32 to vector<16xi32>
      tpu.vector_store_idx %arg17[%parallel_loop3A_975], %parallel_loop3A_974 masked %eq3A : memref<64xf32, #tpu.memory_space<vmem>>[vector<16xi32>], vector<16xf32>, vector<16xi1>
    } {sc.loop_unroll_factor = 1 : i64, sc.parallel_access}
    %parallel_loop3A_161 = arith.constant 0 : i32
    %parallel_loop3A_162 = arith.constant 64 : i32
    %parallel_loop3A_163 = arith.constant 16 : i32
    scf.for %parallel_loop3A_844 = %parallel_loop3A_161 to %parallel_loop3A_162 step %parallel_loop3A_163  : i32 {
      %parallel_loop3A_845 = arith.index_cast %parallel_loop3A_844 : i32 to index
      %parallel_loop3A_846 = tpu.vector_load %arg17[%parallel_loop3A_845] {strides = array<i32>} : memref<64xf32, #tpu.memory_space<vmem>>, vector<16xf32>,
      %parallel_loop3A_847 = arith.constant 0 : i32
      %parallel_loop3A_848 = arith.index_cast %parallel_loop3A_847 : i32 to index
      %parallel_loop3A_849 = arith.index_cast %parallel_loop3A_844 : i32 to index
      %parallel_loop3A_850 = tpu.vector_load %arg14[%parallel_loop3A_848, %parallel_loop3A_849] {strides = array<i32>} : memref<2x64xf32, #tpu.memory_space<vmem>>, vector<16xf32>,
      %parallel_loop3A_851 = arith.addf %parallel_loop3A_846, %parallel_loop3A_850 : vector<16xf32>
      %parallel_loop3A_852 = arith.constant 0 : i32
      %parallel_loop3A_853 = arith.index_cast %parallel_loop3A_852 : i32 to index
      %parallel_loop3A_854 = arith.index_cast %parallel_loop3A_844 : i32 to index
      %parallel_loop3A_855 = tpu.vector_load %arg15[%parallel_loop3A_853, %parallel_loop3A_854] {strides = array<i32>} : memref<2x64xf32, #tpu.memory_space<vmem>>, vector<16xf32>,
      %parallel_loop3A_856 = arith.addf %parallel_loop3A_851, %parallel_loop3A_855 : vector<16xf32>
      %parallel_loop3A_857 = arith.maximumf %parallel_loop3A_856, %broadcast_in_dim3A_5 : vector<16xf32>
      %parallel_loop3A_858 = arith.mulf %parallel_loop3A_857, %get3A_10 : vector<16xf32>
      %parallel_loop3A_859 = arith.addf %parallel_loop3A_858, %get3A_14 : vector<16xf32>
      %parallel_loop3A_860 = arith.constant 0.000000e+00 : f32
      %parallel_loop3A_861 = vector.broadcast %parallel_loop3A_860 : f32 to vector<16xf32>
      %parallel_loop3A_862 = arith.subf %parallel_loop3A_861, %parallel_loop3A_859 : vector<16xf32>
      %parallel_loop3A_863 = math.exp %parallel_loop3A_862 : vector<16xf32>
      %parallel_loop3A_864 = arith.addf %broadcast_in_dim3A_7, %parallel_loop3A_863 : vector<16xf32>
      %parallel_loop3A_865 = arith.divf %broadcast_in_dim3A_7, %parallel_loop3A_864 : vector<16xf32>
      %parallel_loop3A_866 = arith.constant 0 : i32
      %parallel_loop3A_867 = arith.addi %parallel_loop3A_866, %parallel_loop3A_844 : i32
      %parallel_loop3A_868 = arith.index_cast %parallel_loop3A_867 : i32 to index
      %parallel_loop3A_869 = tpu.vector_load %arg18[%parallel_loop3A_868] {strides = array<i32>} : memref<512xf32, #tpu.memory_space<vmem>>, vector<16xf32>,
      tpu.vector_store %arg18[%parallel_loop3A_868], %parallel_loop3A_865 {strides = array<i32>} : memref<512xf32, #tpu.memory_space<vmem>>, vector<16xf32>,
    } {sc.loop_unroll_factor = 1 : i64, sc.parallel_access}
    %dma_wait3A_164 = arith.constant 1 : i32
    %dma_wait3A_165 = arith.constant 1 : i32
    %dma_wait3A_166 = arith.constant 0 : i32
    %dma_wait3A_167 = arith.constant 0 : i32
    %dma_wait3A_168 = tpu.memref_slice %arg12[%dma_wait3A_164, %dma_wait3A_166, %dma_wait3A_167] : memref<2x64x128xf32, #tpu.memory_space<vmem>> -> memref<1x64x128xf32, #tpu.memory_space<vmem>>
    %dma_wait3A_169 = tpu.memref_squeeze %dma_wait3A_168 : memref<1x64x128xf32, #tpu.memory_space<vmem>> -> memref<64x128xf32, #tpu.memory_space<vmem>>
    %dma_wait3A_170 = arith.constant 0 : i32
    %dma_wait3A_171 = tpu.memref_slice %arg10[%dma_wait3A_170] : memref<512xi32, #tpu.memory_space<vmem>> -> memref<64xi32, #tpu.memory_space<vmem>>
    %dma_wait3A_172 = arith.constant 0 : i32
    %dma_wait3A_173 = arith.constant 0 : i32
    %dma_wait3A_174 = tpu.memref_slice %arg5[%dma_wait3A_172, %dma_wait3A_173] : memref<65536x128xf32, #tpu.memory_space<hbm>> -> memref<65536x128xf32, #tpu.memory_space<hbm>>
    %dma_wait3A_175 = tpu.memref_slice %arg19[%dma_wait3A_165] : memref<2x!tpu.dma_semaphore, #tpu.memory_space<semaphore_mem>> -> memref<1x!tpu.dma_semaphore, #tpu.memory_space<semaphore_mem>>
    %dma_wait3A_176 = tpu.memref_squeeze %dma_wait3A_175 : memref<1x!tpu.dma_semaphore, #tpu.memory_space<semaphore_mem>> -> memref<!tpu.dma_semaphore, #tpu.memory_space<semaphore_mem>>
    tpu.wait_indirect_dma semaphore(%dma_wait3A_176 : memref<!tpu.dma_semaphore, #tpu.memory_space<semaphore_mem>>) src(%dma_wait3A_174 : memref<65536x128xf32, #tpu.memory_space<hbm>>) dst(%dma_wait3A_169 : memref<64x128xf32, #tpu.memory_space<vmem>>)
    %dma_wait3A_177 = arith.constant 1 : i32
    %dma_wait3A_178 = arith.constant 1 : i32
    %dma_wait3A_179 = arith.constant 0 : i32
    %dma_wait3A_180 = arith.constant 0 : i32
    %dma_wait3A_181 = tpu.memref_slice %arg13[%dma_wait3A_177, %dma_wait3A_179, %dma_wait3A_180] : memref<2x64x128xf32, #tpu.memory_space<vmem>> -> memref<1x64x128xf32, #tpu.memory_space<vmem>>
    %dma_wait3A_182 = tpu.memref_squeeze %dma_wait3A_181 : memref<1x64x128xf32, #tpu.memory_space<vmem>> -> memref<64x128xf32, #tpu.memory_space<vmem>>
    %dma_wait3A_183 = arith.constant 0 : i32
    %dma_wait3A_184 = tpu.memref_slice %arg11[%dma_wait3A_183] : memref<512xi32, #tpu.memory_space<vmem>> -> memref<64xi32, #tpu.memory_space<vmem>>
    %dma_wait3A_185 = arith.constant 0 : i32
    %dma_wait3A_186 = arith.constant 0 : i32
    %dma_wait3A_187 = tpu.memref_slice %arg6[%dma_wait3A_185, %dma_wait3A_186] : memref<10000x128xf32, #tpu.memory_space<hbm>> -> memref<10000x128xf32, #tpu.memory_space<hbm>>
    %dma_wait3A_188 = tpu.memref_slice %arg19[%dma_wait3A_178] : memref<2x!tpu.dma_semaphore, #tpu.memory_space<semaphore_mem>> -> memref<1x!tpu.dma_semaphore, #tpu.memory_space<semaphore_mem>>
    %dma_wait3A_189 = tpu.memref_squeeze %dma_wait3A_188 : memref<1x!tpu.dma_semaphore, #tpu.memory_space<semaphore_mem>> -> memref<!tpu.dma_semaphore, #tpu.memory_space<semaphore_mem>>
    tpu.wait_indirect_dma semaphore(%dma_wait3A_189 : memref<!tpu.dma_semaphore, #tpu.memory_space<semaphore_mem>>) src(%dma_wait3A_187 : memref<10000x128xf32, #tpu.memory_space<hbm>>) dst(%dma_wait3A_182 : memref<64x128xf32, #tpu.memory_space<vmem>>)
    %dma_wait3A_190 = arith.constant 1 : i32
    %dma_wait3A_191 = arith.constant 1 : i32
    %dma_wait3A_192 = arith.constant 0 : i32
    %dma_wait3A_193 = tpu.memref_slice %arg14[%dma_wait3A_190, %dma_wait3A_192] : memref<2x64xf32, #tpu.memory_space<vmem>> -> memref<1x64xf32, #tpu.memory_space<vmem>>
    %dma_wait3A_194 = tpu.memref_squeeze %dma_wait3A_193 : memref<1x64xf32, #tpu.memory_space<vmem>> -> memref<64xf32, #tpu.memory_space<vmem>>
    %dma_wait3A_195 = arith.constant 0 : i32
    %dma_wait3A_196 = tpu.memref_slice %arg10[%dma_wait3A_195] : memref<512xi32, #tpu.memory_space<vmem>> -> memref<64xi32, #tpu.memory_space<vmem>>
    %dma_wait3A_197 = arith.constant 0 : i32
    %dma_wait3A_198 = tpu.memref_slice %arg7[%dma_wait3A_197] : memref<65536xf32, #tpu.memory_space<hbm>> -> memref<65536xf32, #tpu.memory_space<hbm>>
    %dma_wait3A_199 = tpu.memref_slice %arg19[%dma_wait3A_191] : memref<2x!tpu.dma_semaphore, #tpu.memory_space<semaphore_mem>> -> memref<1x!tpu.dma_semaphore, #tpu.memory_space<semaphore_mem>>
    %dma_wait3A_200 = tpu.memref_squeeze %dma_wait3A_199 : memref<1x!tpu.dma_semaphore, #tpu.memory_space<semaphore_mem>> -> memref<!tpu.dma_semaphore, #tpu.memory_space<semaphore_mem>>
    tpu.wait_indirect_dma semaphore(%dma_wait3A_200 : memref<!tpu.dma_semaphore, #tpu.memory_space<semaphore_mem>>) src(%dma_wait3A_198 : memref<65536xf32, #tpu.memory_space<hbm>>) dst(%dma_wait3A_194 : memref<64xf32, #tpu.memory_space<vmem>>)
    %dma_wait3A_201 = arith.constant 1 : i32
    %dma_wait3A_202 = arith.constant 1 : i32
    %dma_wait3A_203 = arith.constant 0 : i32
    %dma_wait3A_204 = tpu.memref_slice %arg15[%dma_wait3A_201, %dma_wait3A_203] : memref<2x64xf32, #tpu.memory_space<vmem>> -> memref<1x64xf32, #tpu.memory_space<vmem>>
    %dma_wait3A_205 = tpu.memref_squeeze %dma_wait3A_204 : memref<1x64xf32, #tpu.memory_space<vmem>> -> memref<64xf32, #tpu.memory_space<vmem>>
    %dma_wait3A_206 = arith.constant 0 : i32
    %dma_wait3A_207 = tpu.memref_slice %arg11[%dma_wait3A_206] : memref<512xi32, #tpu.memory_space<vmem>> -> memref<64xi32, #tpu.memory_space<vmem>>
    %dma_wait3A_208 = arith.constant 0 : i32
    %dma_wait3A_209 = tpu.memref_slice %arg8[%dma_wait3A_208] : memref<10000xf32, #tpu.memory_space<hbm>> -> memref<10000xf32, #tpu.memory_space<hbm>>
    %dma_wait3A_210 = tpu.memref_slice %arg19[%dma_wait3A_202] : memref<2x!tpu.dma_semaphore, #tpu.memory_space<semaphore_mem>> -> memref<1x!tpu.dma_semaphore, #tpu.memory_space<semaphore_mem>>
    %dma_wait3A_211 = tpu.memref_squeeze %dma_wait3A_210 : memref<1x!tpu.dma_semaphore, #tpu.memory_space<semaphore_mem>> -> memref<!tpu.dma_semaphore, #tpu.memory_space<semaphore_mem>>
    tpu.wait_indirect_dma semaphore(%dma_wait3A_211 : memref<!tpu.dma_semaphore, #tpu.memory_space<semaphore_mem>>) src(%dma_wait3A_209 : memref<10000xf32, #tpu.memory_space<hbm>>) dst(%dma_wait3A_205 : memref<64xf32, #tpu.memory_space<vmem>>)
    %dma_start3A_212 = arith.constant 0 : i32
    %dma_start3A_213 = arith.constant 0 : i32
    %dma_start3A_214 = arith.constant 0 : i32
    %dma_start3A_215 = arith.constant 0 : i32
    %dma_start3A_216 = tpu.memref_slice %arg12[%dma_start3A_212, %dma_start3A_214, %dma_start3A_215] : memref<2x64x128xf32, #tpu.memory_space<vmem>> -> memref<1x64x128xf32, #tpu.memory_space<vmem>>
    %dma_start3A_217 = tpu.memref_squeeze %dma_start3A_216 : memref<1x64x128xf32, #tpu.memory_space<vmem>> -> memref<64x128xf32, #tpu.memory_space<vmem>>
    %dma_start3A_218 = arith.constant 128 : i32
    %dma_start3A_219 = tpu.memref_slice %arg10[%dma_start3A_218] : memref<512xi32, #tpu.memory_space<vmem>> -> memref<64xi32, #tpu.memory_space<vmem>>
    %dma_start3A_220 = arith.constant 0 : i32
    %dma_start3A_221 = arith.constant 0 : i32
    %dma_start3A_222 = tpu.memref_slice %arg5[%dma_start3A_220, %dma_start3A_221] : memref<65536x128xf32, #tpu.memory_space<hbm>> -> memref<65536x128xf32, #tpu.memory_space<hbm>>
    %dma_start3A_223 = tpu.memref_slice %arg19[%dma_start3A_213] : memref<2x!tpu.dma_semaphore, #tpu.memory_space<semaphore_mem>> -> memref<1x!tpu.dma_semaphore, #tpu.memory_space<semaphore_mem>>
    %dma_start3A_224 = tpu.memref_squeeze %dma_start3A_223 : memref<1x!tpu.dma_semaphore, #tpu.memory_space<semaphore_mem>> -> memref<!tpu.dma_semaphore, #tpu.memory_space<semaphore_mem>>
    tpu.enqueue_indirect_dma source(%dma_start3A_222 : memref<65536x128xf32, #tpu.memory_space<hbm>>) target(%dma_start3A_217 : memref<64x128xf32, #tpu.memory_space<vmem>>) offsets(%dma_start3A_219 : memref<64xi32, #tpu.memory_space<vmem>>) semaphore(%dma_start3A_224 : memref<!tpu.dma_semaphore, #tpu.memory_space<semaphore_mem>>)
    %dma_start3A_225 = arith.constant 0 : i32
    %dma_start3A_226 = arith.constant 0 : i32
    %dma_start3A_227 = arith.constant 0 : i32
    %dma_start3A_228 = arith.constant 0 : i32
    %dma_start3A_229 = tpu.memref_slice %arg13[%dma_start3A_225, %dma_start3A_227, %dma_start3A_228] : memref<2x64x128xf32, #tpu.memory_space<vmem>> -> memref<1x64x128xf32, #tpu.memory_space<vmem>>
    %dma_start3A_230 = tpu.memref_squeeze %dma_start3A_229 : memref<1x64x128xf32, #tpu.memory_space<vmem>> -> memref<64x128xf32, #tpu.memory_space<vmem>>
    %dma_start3A_231 = arith.constant 128 : i32
    %dma_start3A_232 = tpu.memref_slice %arg11[%dma_start3A_231] : memref<512xi32, #tpu.memory_space<vmem>> -> memref<64xi32, #tpu.memory_space<vmem>>
    %dma_start3A_233 = arith.constant 0 : i32
    %dma_start3A_234 = arith.constant 0 : i32
    %dma_start3A_235 = tpu.memref_slice %arg6[%dma_start3A_233, %dma_start3A_234] : memref<10000x128xf32, #tpu.memory_space<hbm>> -> memref<10000x128xf32, #tpu.memory_space<hbm>>
    %dma_start3A_236 = tpu.memref_slice %arg19[%dma_start3A_226] : memref<2x!tpu.dma_semaphore, #tpu.memory_space<semaphore_mem>> -> memref<1x!tpu.dma_semaphore, #tpu.memory_space<semaphore_mem>>
    %dma_start3A_237 = tpu.memref_squeeze %dma_start3A_236 : memref<1x!tpu.dma_semaphore, #tpu.memory_space<semaphore_mem>> -> memref<!tpu.dma_semaphore, #tpu.memory_space<semaphore_mem>>
    tpu.enqueue_indirect_dma source(%dma_start3A_235 : memref<10000x128xf32, #tpu.memory_space<hbm>>) target(%dma_start3A_230 : memref<64x128xf32, #tpu.memory_space<vmem>>) offsets(%dma_start3A_232 : memref<64xi32, #tpu.memory_space<vmem>>) semaphore(%dma_start3A_237 : memref<!tpu.dma_semaphore, #tpu.memory_space<semaphore_mem>>)
    %dma_start3A_238 = arith.constant 0 : i32
    %dma_start3A_239 = arith.constant 0 : i32
    %dma_start3A_240 = arith.constant 0 : i32
    %dma_start3A_241 = tpu.memref_slice %arg14[%dma_start3A_238, %dma_start3A_240] : memref<2x64xf32, #tpu.memory_space<vmem>> -> memref<1x64xf32, #tpu.memory_space<vmem>>
    %dma_start3A_242 = tpu.memref_squeeze %dma_start3A_241 : memref<1x64xf32, #tpu.memory_space<vmem>> -> memref<64xf32, #tpu.memory_space<vmem>>
    %dma_start3A_243 = arith.constant 128 : i32
    %dma_start3A_244 = tpu.memref_slice %arg10[%dma_start3A_243] : memref<512xi32, #tpu.memory_space<vmem>> -> memref<64xi32, #tpu.memory_space<vmem>>
    %dma_start3A_245 = arith.constant 0 : i32
    %dma_start3A_246 = tpu.memref_slice %arg7[%dma_start3A_245] : memref<65536xf32, #tpu.memory_space<hbm>> -> memref<65536xf32, #tpu.memory_space<hbm>>
    %dma_start3A_247 = tpu.memref_slice %arg19[%dma_start3A_239] : memref<2x!tpu.dma_semaphore, #tpu.memory_space<semaphore_mem>> -> memref<1x!tpu.dma_semaphore, #tpu.memory_space<semaphore_mem>>
    %dma_start3A_248 = tpu.memref_squeeze %dma_start3A_247 : memref<1x!tpu.dma_semaphore, #tpu.memory_space<semaphore_mem>> -> memref<!tpu.dma_semaphore, #tpu.memory_space<semaphore_mem>>
    tpu.enqueue_indirect_dma source(%dma_start3A_246 : memref<65536xf32, #tpu.memory_space<hbm>>) target(%dma_start3A_242 : memref<64xf32, #tpu.memory_space<vmem>>) offsets(%dma_start3A_244 : memref<64xi32, #tpu.memory_space<vmem>>) semaphore(%dma_start3A_248 : memref<!tpu.dma_semaphore, #tpu.memory_space<semaphore_mem>>)
    %dma_start3A_249 = arith.constant 0 : i32
    %dma_start3A_250 = arith.constant 0 : i32
    %dma_start3A_251 = arith.constant 0 : i32
    %dma_start3A_252 = tpu.memref_slice %arg15[%dma_start3A_249, %dma_start3A_251] : memref<2x64xf32, #tpu.memory_space<vmem>> -> memref<1x64xf32, #tpu.memory_space<vmem>>
    %dma_start3A_253 = tpu.memref_squeeze %dma_start3A_252 : memref<1x64xf32, #tpu.memory_space<vmem>> -> memref<64xf32, #tpu.memory_space<vmem>>
    %dma_start3A_254 = arith.constant 128 : i32
    %dma_start3A_255 = tpu.memref_slice %arg11[%dma_start3A_254] : memref<512xi32, #tpu.memory_space<vmem>> -> memref<64xi32, #tpu.memory_space<vmem>>
    %dma_start3A_256 = arith.constant 0 : i32
    %dma_start3A_257 = tpu.memref_slice %arg8[%dma_start3A_256] : memref<10000xf32, #tpu.memory_space<hbm>> -> memref<10000xf32, #tpu.memory_space<hbm>>
    %dma_start3A_258 = tpu.memref_slice %arg19[%dma_start3A_250] : memref<2x!tpu.dma_semaphore, #tpu.memory_space<semaphore_mem>> -> memref<1x!tpu.dma_semaphore, #tpu.memory_space<semaphore_mem>>
    %dma_start3A_259 = tpu.memref_squeeze %dma_start3A_258 : memref<1x!tpu.dma_semaphore, #tpu.memory_space<semaphore_mem>> -> memref<!tpu.dma_semaphore, #tpu.memory_space<semaphore_mem>>
    tpu.enqueue_indirect_dma source(%dma_start3A_257 : memref<10000xf32, #tpu.memory_space<hbm>>) target(%dma_start3A_253 : memref<64xf32, #tpu.memory_space<vmem>>) offsets(%dma_start3A_255 : memref<64xi32, #tpu.memory_space<vmem>>) semaphore(%dma_start3A_259 : memref<!tpu.dma_semaphore, #tpu.memory_space<semaphore_mem>>)
    %parallel_loop3A_260 = arith.constant 0 : i32
    %parallel_loop3A_261 = arith.constant 64 : i32
    %parallel_loop3A_262 = arith.constant 1 : i32
    %parallel_loop3A_263 = arith.constant 1 : i32
    %parallel_loop3A_264 = arith.constant 1 : i32
    scf.for %parallel_loop3A_844 = %parallel_loop3A_260 to %parallel_loop3A_261 step %parallel_loop3A_262  : i32 {
      %parallel_loop3A_845 = arith.constant 0 : i32
      %parallel_loop3A_846 = arith.constant 0 : i32
      %parallel_loop3A_847 = tpu.memref_slice %arg12[%parallel_loop3A_263, %parallel_loop3A_845, %parallel_loop3A_846] : memref<2x64x128xf32, #tpu.memory_space<vmem>> -> memref<1x64x128xf32, #tpu.memory_space<vmem>>
      %parallel_loop3A_848 = tpu.memref_squeeze %parallel_loop3A_847 : memref<1x64x128xf32, #tpu.memory_space<vmem>> -> memref<64x128xf32, #tpu.memory_space<vmem>>
      %parallel_loop3A_849 = arith.index_cast %parallel_loop3A_844 : i32 to index
      %parallel_loop3A_850 = arith.constant 0 : index
      %parallel_loop3A_851 = tpu.vector_load %parallel_loop3A_848[%parallel_loop3A_849, %parallel_loop3A_850] {strides = array<i32>} : memref<64x128xf32, #tpu.memory_space<vmem>>, vector<16xf32>,
      %parallel_loop3A_852 = arith.constant 0 : i32
      %parallel_loop3A_853 = arith.constant 0 : i32
      %parallel_loop3A_854 = tpu.memref_slice %arg13[%parallel_loop3A_264, %parallel_loop3A_852, %parallel_loop3A_853] : memref<2x64x128xf32, #tpu.memory_space<vmem>> -> memref<1x64x128xf32, #tpu.memory_space<vmem>>
      %parallel_loop3A_855 = tpu.memref_squeeze %parallel_loop3A_854 : memref<1x64x128xf32, #tpu.memory_space<vmem>> -> memref<64x128xf32, #tpu.memory_space<vmem>>
      %parallel_loop3A_856 = arith.index_cast %parallel_loop3A_844 : i32 to index
      %parallel_loop3A_857 = arith.constant 0 : index
      %parallel_loop3A_858 = tpu.vector_load %parallel_loop3A_855[%parallel_loop3A_856, %parallel_loop3A_857] {strides = array<i32>} : memref<64x128xf32, #tpu.memory_space<vmem>>, vector<16xf32>,
      %parallel_loop3A_859 = arith.mulf %parallel_loop3A_851, %parallel_loop3A_858 : vector<16xf32>
      %parallel_loop3A_860 = arith.constant 0 : i32
      %parallel_loop3A_861 = arith.constant 0 : i32
      %parallel_loop3A_862 = tpu.memref_slice %arg12[%parallel_loop3A_263, %parallel_loop3A_860, %parallel_loop3A_861] : memref<2x64x128xf32, #tpu.memory_space<vmem>> -> memref<1x64x128xf32, #tpu.memory_space<vmem>>
      %parallel_loop3A_863 = tpu.memref_squeeze %parallel_loop3A_862 : memref<1x64x128xf32, #tpu.memory_space<vmem>> -> memref<64x128xf32, #tpu.memory_space<vmem>>
      %parallel_loop3A_864 = arith.index_cast %parallel_loop3A_844 : i32 to index
      %parallel_loop3A_865 = arith.constant 16 : index
      %parallel_loop3A_866 = tpu.vector_load %parallel_loop3A_863[%parallel_loop3A_864, %parallel_loop3A_865] {strides = array<i32>} : memref<64x128xf32, #tpu.memory_space<vmem>>, vector<16xf32>,
      %parallel_loop3A_867 = arith.constant 0 : i32
      %parallel_loop3A_868 = arith.constant 0 : i32
      %parallel_loop3A_869 = tpu.memref_slice %arg13[%parallel_loop3A_264, %parallel_loop3A_867, %parallel_loop3A_868] : memref<2x64x128xf32, #tpu.memory_space<vmem>> -> memref<1x64x128xf32, #tpu.memory_space<vmem>>
      %parallel_loop3A_870 = tpu.memref_squeeze %parallel_loop3A_869 : memref<1x64x128xf32, #tpu.memory_space<vmem>> -> memref<64x128xf32, #tpu.memory_space<vmem>>
      %parallel_loop3A_871 = arith.index_cast %parallel_loop3A_844 : i32 to index
      %parallel_loop3A_872 = arith.constant 16 : index
      %parallel_loop3A_873 = tpu.vector_load %parallel_loop3A_870[%parallel_loop3A_871, %parallel_loop3A_872] {strides = array<i32>} : memref<64x128xf32, #tpu.memory_space<vmem>>, vector<16xf32>,
      %parallel_loop3A_874 = arith.mulf %parallel_loop3A_866, %parallel_loop3A_873 : vector<16xf32>
      %parallel_loop3A_875 = arith.addf %parallel_loop3A_859, %parallel_loop3A_874 : vector<16xf32>
      %parallel_loop3A_876 = arith.constant 0 : i32
      %parallel_loop3A_877 = arith.constant 0 : i32
      %parallel_loop3A_878 = tpu.memref_slice %arg12[%parallel_loop3A_263, %parallel_loop3A_876, %parallel_loop3A_877] : memref<2x64x128xf32, #tpu.memory_space<vmem>> -> memref<1x64x128xf32, #tpu.memory_space<vmem>>
      %parallel_loop3A_879 = tpu.memref_squeeze %parallel_loop3A_878 : memref<1x64x128xf32, #tpu.memory_space<vmem>> -> memref<64x128xf32, #tpu.memory_space<vmem>>
      %parallel_loop3A_880 = arith.index_cast %parallel_loop3A_844 : i32 to index
      %parallel_loop3A_881 = arith.constant 32 : index
      %parallel_loop3A_882 = tpu.vector_load %parallel_loop3A_879[%parallel_loop3A_880, %parallel_loop3A_881] {strides = array<i32>} : memref<64x128xf32, #tpu.memory_space<vmem>>, vector<16xf32>,
      %parallel_loop3A_883 = arith.constant 0 : i32
      %parallel_loop3A_884 = arith.constant 0 : i32
      %parallel_loop3A_885 = tpu.memref_slice %arg13[%parallel_loop3A_264, %parallel_loop3A_883, %parallel_loop3A_884] : memref<2x64x128xf32, #tpu.memory_space<vmem>> -> memref<1x64x128xf32, #tpu.memory_space<vmem>>
      %parallel_loop3A_886 = tpu.memref_squeeze %parallel_loop3A_885 : memref<1x64x128xf32, #tpu.memory_space<vmem>> -> memref<64x128xf32, #tpu.memory_space<vmem>>
      %parallel_loop3A_887 = arith.index_cast %parallel_loop3A_844 : i32 to index
      %parallel_loop3A_888 = arith.constant 32 : index
      %parallel_loop3A_889 = tpu.vector_load %parallel_loop3A_886[%parallel_loop3A_887, %parallel_loop3A_888] {strides = array<i32>} : memref<64x128xf32, #tpu.memory_space<vmem>>, vector<16xf32>,
      %parallel_loop3A_890 = arith.mulf %parallel_loop3A_882, %parallel_loop3A_889 : vector<16xf32>
      %parallel_loop3A_891 = arith.addf %parallel_loop3A_875, %parallel_loop3A_890 : vector<16xf32>
      %parallel_loop3A_892 = arith.constant 0 : i32
      %parallel_loop3A_893 = arith.constant 0 : i32
      %parallel_loop3A_894 = tpu.memref_slice %arg12[%parallel_loop3A_263, %parallel_loop3A_892, %parallel_loop3A_893] : memref<2x64x128xf32, #tpu.memory_space<vmem>> -> memref<1x64x128xf32, #tpu.memory_space<vmem>>
      %parallel_loop3A_895 = tpu.memref_squeeze %parallel_loop3A_894 : memref<1x64x128xf32, #tpu.memory_space<vmem>> -> memref<64x128xf32, #tpu.memory_space<vmem>>
      %parallel_loop3A_896 = arith.index_cast %parallel_loop3A_844 : i32 to index
      %parallel_loop3A_897 = arith.constant 48 : index
      %parallel_loop3A_898 = tpu.vector_load %parallel_loop3A_895[%parallel_loop3A_896, %parallel_loop3A_897] {strides = array<i32>} : memref<64x128xf32, #tpu.memory_space<vmem>>, vector<16xf32>,
      %parallel_loop3A_899 = arith.constant 0 : i32
      %parallel_loop3A_900 = arith.constant 0 : i32
      %parallel_loop3A_901 = tpu.memref_slice %arg13[%parallel_loop3A_264, %parallel_loop3A_899, %parallel_loop3A_900] : memref<2x64x128xf32, #tpu.memory_space<vmem>> -> memref<1x64x128xf32, #tpu.memory_space<vmem>>
      %parallel_loop3A_902 = tpu.memref_squeeze %parallel_loop3A_901 : memref<1x64x128xf32, #tpu.memory_space<vmem>> -> memref<64x128xf32, #tpu.memory_space<vmem>>
      %parallel_loop3A_903 = arith.index_cast %parallel_loop3A_844 : i32 to index
      %parallel_loop3A_904 = arith.constant 48 : index
      %parallel_loop3A_905 = tpu.vector_load %parallel_loop3A_902[%parallel_loop3A_903, %parallel_loop3A_904] {strides = array<i32>} : memref<64x128xf32, #tpu.memory_space<vmem>>, vector<16xf32>,
      %parallel_loop3A_906 = arith.mulf %parallel_loop3A_898, %parallel_loop3A_905 : vector<16xf32>
      %parallel_loop3A_907 = arith.addf %parallel_loop3A_891, %parallel_loop3A_906 : vector<16xf32>
      %parallel_loop3A_908 = arith.constant 0 : i32
      %parallel_loop3A_909 = arith.constant 0 : i32
      %parallel_loop3A_910 = tpu.memref_slice %arg12[%parallel_loop3A_263, %parallel_loop3A_908, %parallel_loop3A_909] : memref<2x64x128xf32, #tpu.memory_space<vmem>> -> memref<1x64x128xf32, #tpu.memory_space<vmem>>
      %parallel_loop3A_911 = tpu.memref_squeeze %parallel_loop3A_910 : memref<1x64x128xf32, #tpu.memory_space<vmem>> -> memref<64x128xf32, #tpu.memory_space<vmem>>
      %parallel_loop3A_912 = arith.index_cast %parallel_loop3A_844 : i32 to index
      %parallel_loop3A_913 = arith.constant 64 : index
      %parallel_loop3A_914 = tpu.vector_load %parallel_loop3A_911[%parallel_loop3A_912, %parallel_loop3A_913] {strides = array<i32>} : memref<64x128xf32, #tpu.memory_space<vmem>>, vector<16xf32>,
      %parallel_loop3A_915 = arith.constant 0 : i32
      %parallel_loop3A_916 = arith.constant 0 : i32
      %parallel_loop3A_917 = tpu.memref_slice %arg13[%parallel_loop3A_264, %parallel_loop3A_915, %parallel_loop3A_916] : memref<2x64x128xf32, #tpu.memory_space<vmem>> -> memref<1x64x128xf32, #tpu.memory_space<vmem>>
      %parallel_loop3A_918 = tpu.memref_squeeze %parallel_loop3A_917 : memref<1x64x128xf32, #tpu.memory_space<vmem>> -> memref<64x128xf32, #tpu.memory_space<vmem>>
      %parallel_loop3A_919 = arith.index_cast %parallel_loop3A_844 : i32 to index
      %parallel_loop3A_920 = arith.constant 64 : index
      %parallel_loop3A_921 = tpu.vector_load %parallel_loop3A_918[%parallel_loop3A_919, %parallel_loop3A_920] {strides = array<i32>} : memref<64x128xf32, #tpu.memory_space<vmem>>, vector<16xf32>,
      %parallel_loop3A_922 = arith.mulf %parallel_loop3A_914, %parallel_loop3A_921 : vector<16xf32>
      %parallel_loop3A_923 = arith.addf %parallel_loop3A_907, %parallel_loop3A_922 : vector<16xf32>
      %parallel_loop3A_924 = arith.constant 0 : i32
      %parallel_loop3A_925 = arith.constant 0 : i32
      %parallel_loop3A_926 = tpu.memref_slice %arg12[%parallel_loop3A_263, %parallel_loop3A_924, %parallel_loop3A_925] : memref<2x64x128xf32, #tpu.memory_space<vmem>> -> memref<1x64x128xf32, #tpu.memory_space<vmem>>
      %parallel_loop3A_927 = tpu.memref_squeeze %parallel_loop3A_926 : memref<1x64x128xf32, #tpu.memory_space<vmem>> -> memref<64x128xf32, #tpu.memory_space<vmem>>
      %parallel_loop3A_928 = arith.index_cast %parallel_loop3A_844 : i32 to index
      %parallel_loop3A_929 = arith.constant 80 : index
      %parallel_loop3A_930 = tpu.vector_load %parallel_loop3A_927[%parallel_loop3A_928, %parallel_loop3A_929] {strides = array<i32>} : memref<64x128xf32, #tpu.memory_space<vmem>>, vector<16xf32>,
      %parallel_loop3A_931 = arith.constant 0 : i32
      %parallel_loop3A_932 = arith.constant 0 : i32
      %parallel_loop3A_933 = tpu.memref_slice %arg13[%parallel_loop3A_264, %parallel_loop3A_931, %parallel_loop3A_932] : memref<2x64x128xf32, #tpu.memory_space<vmem>> -> memref<1x64x128xf32, #tpu.memory_space<vmem>>
      %parallel_loop3A_934 = tpu.memref_squeeze %parallel_loop3A_933 : memref<1x64x128xf32, #tpu.memory_space<vmem>> -> memref<64x128xf32, #tpu.memory_space<vmem>>
      %parallel_loop3A_935 = arith.index_cast %parallel_loop3A_844 : i32 to index
      %parallel_loop3A_936 = arith.constant 80 : index
      %parallel_loop3A_937 = tpu.vector_load %parallel_loop3A_934[%parallel_loop3A_935, %parallel_loop3A_936] {strides = array<i32>} : memref<64x128xf32, #tpu.memory_space<vmem>>, vector<16xf32>,
      %parallel_loop3A_938 = arith.mulf %parallel_loop3A_930, %parallel_loop3A_937 : vector<16xf32>
      %parallel_loop3A_939 = arith.addf %parallel_loop3A_923, %parallel_loop3A_938 : vector<16xf32>
      %parallel_loop3A_940 = arith.constant 0 : i32
      %parallel_loop3A_941 = arith.constant 0 : i32
      %parallel_loop3A_942 = tpu.memref_slice %arg12[%parallel_loop3A_263, %parallel_loop3A_940, %parallel_loop3A_941] : memref<2x64x128xf32, #tpu.memory_space<vmem>> -> memref<1x64x128xf32, #tpu.memory_space<vmem>>
      %parallel_loop3A_943 = tpu.memref_squeeze %parallel_loop3A_942 : memref<1x64x128xf32, #tpu.memory_space<vmem>> -> memref<64x128xf32, #tpu.memory_space<vmem>>
      %parallel_loop3A_944 = arith.index_cast %parallel_loop3A_844 : i32 to index
      %parallel_loop3A_945 = arith.constant 96 : index
      %parallel_loop3A_946 = tpu.vector_load %parallel_loop3A_943[%parallel_loop3A_944, %parallel_loop3A_945] {strides = array<i32>} : memref<64x128xf32, #tpu.memory_space<vmem>>, vector<16xf32>,
      %parallel_loop3A_947 = arith.constant 0 : i32
      %parallel_loop3A_948 = arith.constant 0 : i32
      %parallel_loop3A_949 = tpu.memref_slice %arg13[%parallel_loop3A_264, %parallel_loop3A_947, %parallel_loop3A_948] : memref<2x64x128xf32, #tpu.memory_space<vmem>> -> memref<1x64x128xf32, #tpu.memory_space<vmem>>
      %parallel_loop3A_950 = tpu.memref_squeeze %parallel_loop3A_949 : memref<1x64x128xf32, #tpu.memory_space<vmem>> -> memref<64x128xf32, #tpu.memory_space<vmem>>
      %parallel_loop3A_951 = arith.index_cast %parallel_loop3A_844 : i32 to index
      %parallel_loop3A_952 = arith.constant 96 : index
      %parallel_loop3A_953 = tpu.vector_load %parallel_loop3A_950[%parallel_loop3A_951, %parallel_loop3A_952] {strides = array<i32>} : memref<64x128xf32, #tpu.memory_space<vmem>>, vector<16xf32>,
      %parallel_loop3A_954 = arith.mulf %parallel_loop3A_946, %parallel_loop3A_953 : vector<16xf32>
      %parallel_loop3A_955 = arith.addf %parallel_loop3A_939, %parallel_loop3A_954 : vector<16xf32>
      %parallel_loop3A_956 = arith.constant 0 : i32
      %parallel_loop3A_957 = arith.constant 0 : i32
      %parallel_loop3A_958 = tpu.memref_slice %arg12[%parallel_loop3A_263, %parallel_loop3A_956, %parallel_loop3A_957] : memref<2x64x128xf32, #tpu.memory_space<vmem>> -> memref<1x64x128xf32, #tpu.memory_space<vmem>>
      %parallel_loop3A_959 = tpu.memref_squeeze %parallel_loop3A_958 : memref<1x64x128xf32, #tpu.memory_space<vmem>> -> memref<64x128xf32, #tpu.memory_space<vmem>>
      %parallel_loop3A_960 = arith.index_cast %parallel_loop3A_844 : i32 to index
      %parallel_loop3A_961 = arith.constant 112 : index
      %parallel_loop3A_962 = tpu.vector_load %parallel_loop3A_959[%parallel_loop3A_960, %parallel_loop3A_961] {strides = array<i32>} : memref<64x128xf32, #tpu.memory_space<vmem>>, vector<16xf32>,
      %parallel_loop3A_963 = arith.constant 0 : i32
      %parallel_loop3A_964 = arith.constant 0 : i32
      %parallel_loop3A_965 = tpu.memref_slice %arg13[%parallel_loop3A_264, %parallel_loop3A_963, %parallel_loop3A_964] : memref<2x64x128xf32, #tpu.memory_space<vmem>> -> memref<1x64x128xf32, #tpu.memory_space<vmem>>
      %parallel_loop3A_966 = tpu.memref_squeeze %parallel_loop3A_965 : memref<1x64x128xf32, #tpu.memory_space<vmem>> -> memref<64x128xf32, #tpu.memory_space<vmem>>
      %parallel_loop3A_967 = arith.index_cast %parallel_loop3A_844 : i32 to index
      %parallel_loop3A_968 = arith.constant 112 : index
      %parallel_loop3A_969 = tpu.vector_load %parallel_loop3A_966[%parallel_loop3A_967, %parallel_loop3A_968] {strides = array<i32>} : memref<64x128xf32, #tpu.memory_space<vmem>>, vector<16xf32>,
      %parallel_loop3A_970 = arith.mulf %parallel_loop3A_962, %parallel_loop3A_969 : vector<16xf32>
      %parallel_loop3A_971 = arith.addf %parallel_loop3A_955, %parallel_loop3A_970 : vector<16xf32>
      %parallel_loop3A_972 = arith.constant true
      %parallel_loop3A_973 = vector.broadcast %parallel_loop3A_972 : i1 to vector<16xi1>
      %parallel_loop3A_974 = tpu.scan <sum>, %parallel_loop3A_971 masked %parallel_loop3A_973 : vector<16xf32>, vector<16xi1> -> vector<16xf32>
      %parallel_loop3A_975 = vector.broadcast %parallel_loop3A_844 : i32 to vector<16xi32>
      tpu.vector_store_idx %arg17[%parallel_loop3A_975], %parallel_loop3A_974 masked %eq3A : memref<64xf32, #tpu.memory_space<vmem>>[vector<16xi32>], vector<16xf32>, vector<16xi1>
    } {sc.loop_unroll_factor = 1 : i64, sc.parallel_access}
    %parallel_loop3A_265 = arith.constant 0 : i32
    %parallel_loop3A_266 = arith.constant 64 : i32
    %parallel_loop3A_267 = arith.constant 16 : i32
    scf.for %parallel_loop3A_844 = %parallel_loop3A_265 to %parallel_loop3A_266 step %parallel_loop3A_267  : i32 {
      %parallel_loop3A_845 = arith.index_cast %parallel_loop3A_844 : i32 to index
      %parallel_loop3A_846 = tpu.vector_load %arg17[%parallel_loop3A_845] {strides = array<i32>} : memref<64xf32, #tpu.memory_space<vmem>>, vector<16xf32>,
      %parallel_loop3A_847 = arith.constant 1 : i32
      %parallel_loop3A_848 = arith.index_cast %parallel_loop3A_847 : i32 to index
      %parallel_loop3A_849 = arith.index_cast %parallel_loop3A_844 : i32 to index
      %parallel_loop3A_850 = tpu.vector_load %arg14[%parallel_loop3A_848, %parallel_loop3A_849] {strides = array<i32>} : memref<2x64xf32, #tpu.memory_space<vmem>>, vector<16xf32>,
      %parallel_loop3A_851 = arith.addf %parallel_loop3A_846, %parallel_loop3A_850 : vector<16xf32>
      %parallel_loop3A_852 = arith.constant 1 : i32
      %parallel_loop3A_853 = arith.index_cast %parallel_loop3A_852 : i32 to index
      %parallel_loop3A_854 = arith.index_cast %parallel_loop3A_844 : i32 to index
      %parallel_loop3A_855 = tpu.vector_load %arg15[%parallel_loop3A_853, %parallel_loop3A_854] {strides = array<i32>} : memref<2x64xf32, #tpu.memory_space<vmem>>, vector<16xf32>,
      %parallel_loop3A_856 = arith.addf %parallel_loop3A_851, %parallel_loop3A_855 : vector<16xf32>
      %parallel_loop3A_857 = arith.maximumf %parallel_loop3A_856, %broadcast_in_dim3A_5 : vector<16xf32>
      %parallel_loop3A_858 = arith.mulf %parallel_loop3A_857, %get3A_10 : vector<16xf32>
      %parallel_loop3A_859 = arith.addf %parallel_loop3A_858, %get3A_14 : vector<16xf32>
      %parallel_loop3A_860 = arith.constant 0.000000e+00 : f32
      %parallel_loop3A_861 = vector.broadcast %parallel_loop3A_860 : f32 to vector<16xf32>
      %parallel_loop3A_862 = arith.subf %parallel_loop3A_861, %parallel_loop3A_859 : vector<16xf32>
      %parallel_loop3A_863 = math.exp %parallel_loop3A_862 : vector<16xf32>
      %parallel_loop3A_864 = arith.addf %broadcast_in_dim3A_7, %parallel_loop3A_863 : vector<16xf32>
      %parallel_loop3A_865 = arith.divf %broadcast_in_dim3A_7, %parallel_loop3A_864 : vector<16xf32>
      %parallel_loop3A_866 = arith.constant 64 : i32
      %parallel_loop3A_867 = arith.addi %parallel_loop3A_866, %parallel_loop3A_844 : i32
      %parallel_loop3A_868 = arith.index_cast %parallel_loop3A_867 : i32 to index
      %parallel_loop3A_869 = tpu.vector_load %arg18[%parallel_loop3A_868] {strides = array<i32>} : memref<512xf32, #tpu.memory_space<vmem>>, vector<16xf32>,
      tpu.vector_store %arg18[%parallel_loop3A_868], %parallel_loop3A_865 {strides = array<i32>} : memref<512xf32, #tpu.memory_space<vmem>>, vector<16xf32>,
    } {sc.loop_unroll_factor = 1 : i64, sc.parallel_access}
    %dma_wait3A_268 = arith.constant 0 : i32
    %dma_wait3A_269 = arith.constant 0 : i32
    %dma_wait3A_270 = arith.constant 0 : i32
    %dma_wait3A_271 = arith.constant 0 : i32
    %dma_wait3A_272 = tpu.memref_slice %arg12[%dma_wait3A_268, %dma_wait3A_270, %dma_wait3A_271] : memref<2x64x128xf32, #tpu.memory_space<vmem>> -> memref<1x64x128xf32, #tpu.memory_space<vmem>>
    %dma_wait3A_273 = tpu.memref_squeeze %dma_wait3A_272 : memref<1x64x128xf32, #tpu.memory_space<vmem>> -> memref<64x128xf32, #tpu.memory_space<vmem>>
    %dma_wait3A_274 = arith.constant 0 : i32
    %dma_wait3A_275 = tpu.memref_slice %arg10[%dma_wait3A_274] : memref<512xi32, #tpu.memory_space<vmem>> -> memref<64xi32, #tpu.memory_space<vmem>>
    %dma_wait3A_276 = arith.constant 0 : i32
    %dma_wait3A_277 = arith.constant 0 : i32
    %dma_wait3A_278 = tpu.memref_slice %arg5[%dma_wait3A_276, %dma_wait3A_277] : memref<65536x128xf32, #tpu.memory_space<hbm>> -> memref<65536x128xf32, #tpu.memory_space<hbm>>
    %dma_wait3A_279 = tpu.memref_slice %arg19[%dma_wait3A_269] : memref<2x!tpu.dma_semaphore, #tpu.memory_space<semaphore_mem>> -> memref<1x!tpu.dma_semaphore, #tpu.memory_space<semaphore_mem>>
    %dma_wait3A_280 = tpu.memref_squeeze %dma_wait3A_279 : memref<1x!tpu.dma_semaphore, #tpu.memory_space<semaphore_mem>> -> memref<!tpu.dma_semaphore, #tpu.memory_space<semaphore_mem>>
    tpu.wait_indirect_dma semaphore(%dma_wait3A_280 : memref<!tpu.dma_semaphore, #tpu.memory_space<semaphore_mem>>) src(%dma_wait3A_278 : memref<65536x128xf32, #tpu.memory_space<hbm>>) dst(%dma_wait3A_273 : memref<64x128xf32, #tpu.memory_space<vmem>>)
    %dma_wait3A_281 = arith.constant 0 : i32
    %dma_wait3A_282 = arith.constant 0 : i32
    %dma_wait3A_283 = arith.constant 0 : i32
    %dma_wait3A_284 = arith.constant 0 : i32
    %dma_wait3A_285 = tpu.memref_slice %arg13[%dma_wait3A_281, %dma_wait3A_283, %dma_wait3A_284] : memref<2x64x128xf32, #tpu.memory_space<vmem>> -> memref<1x64x128xf32, #tpu.memory_space<vmem>>
    %dma_wait3A_286 = tpu.memref_squeeze %dma_wait3A_285 : memref<1x64x128xf32, #tpu.memory_space<vmem>> -> memref<64x128xf32, #tpu.memory_space<vmem>>
    %dma_wait3A_287 = arith.constant 0 : i32
    %dma_wait3A_288 = tpu.memref_slice %arg11[%dma_wait3A_287] : memref<512xi32, #tpu.memory_space<vmem>> -> memref<64xi32, #tpu.memory_space<vmem>>
    %dma_wait3A_289 = arith.constant 0 : i32
    %dma_wait3A_290 = arith.constant 0 : i32
    %dma_wait3A_291 = tpu.memref_slice %arg6[%dma_wait3A_289, %dma_wait3A_290] : memref<10000x128xf32, #tpu.memory_space<hbm>> -> memref<10000x128xf32, #tpu.memory_space<hbm>>
    %dma_wait3A_292 = tpu.memref_slice %arg19[%dma_wait3A_282] : memref<2x!tpu.dma_semaphore, #tpu.memory_space<semaphore_mem>> -> memref<1x!tpu.dma_semaphore, #tpu.memory_space<semaphore_mem>>
    %dma_wait3A_293 = tpu.memref_squeeze %dma_wait3A_292 : memref<1x!tpu.dma_semaphore, #tpu.memory_space<semaphore_mem>> -> memref<!tpu.dma_semaphore, #tpu.memory_space<semaphore_mem>>
    tpu.wait_indirect_dma semaphore(%dma_wait3A_293 : memref<!tpu.dma_semaphore, #tpu.memory_space<semaphore_mem>>) src(%dma_wait3A_291 : memref<10000x128xf32, #tpu.memory_space<hbm>>) dst(%dma_wait3A_286 : memref<64x128xf32, #tpu.memory_space<vmem>>)
    %dma_wait3A_294 = arith.constant 0 : i32
    %dma_wait3A_295 = arith.constant 0 : i32
    %dma_wait3A_296 = arith.constant 0 : i32
    %dma_wait3A_297 = tpu.memref_slice %arg14[%dma_wait3A_294, %dma_wait3A_296] : memref<2x64xf32, #tpu.memory_space<vmem>> -> memref<1x64xf32, #tpu.memory_space<vmem>>
    %dma_wait3A_298 = tpu.memref_squeeze %dma_wait3A_297 : memref<1x64xf32, #tpu.memory_space<vmem>> -> memref<64xf32, #tpu.memory_space<vmem>>
    %dma_wait3A_299 = arith.constant 0 : i32
    %dma_wait3A_300 = tpu.memref_slice %arg10[%dma_wait3A_299] : memref<512xi32, #tpu.memory_space<vmem>> -> memref<64xi32, #tpu.memory_space<vmem>>
    %dma_wait3A_301 = arith.constant 0 : i32
    %dma_wait3A_302 = tpu.memref_slice %arg7[%dma_wait3A_301] : memref<65536xf32, #tpu.memory_space<hbm>> -> memref<65536xf32, #tpu.memory_space<hbm>>
    %dma_wait3A_303 = tpu.memref_slice %arg19[%dma_wait3A_295] : memref<2x!tpu.dma_semaphore, #tpu.memory_space<semaphore_mem>> -> memref<1x!tpu.dma_semaphore, #tpu.memory_space<semaphore_mem>>
    %dma_wait3A_304 = tpu.memref_squeeze %dma_wait3A_303 : memref<1x!tpu.dma_semaphore, #tpu.memory_space<semaphore_mem>> -> memref<!tpu.dma_semaphore, #tpu.memory_space<semaphore_mem>>
    tpu.wait_indirect_dma semaphore(%dma_wait3A_304 : memref<!tpu.dma_semaphore, #tpu.memory_space<semaphore_mem>>) src(%dma_wait3A_302 : memref<65536xf32, #tpu.memory_space<hbm>>) dst(%dma_wait3A_298 : memref<64xf32, #tpu.memory_space<vmem>>)
    %dma_wait3A_305 = arith.constant 0 : i32
    %dma_wait3A_306 = arith.constant 0 : i32
    %dma_wait3A_307 = arith.constant 0 : i32
    %dma_wait3A_308 = tpu.memref_slice %arg15[%dma_wait3A_305, %dma_wait3A_307] : memref<2x64xf32, #tpu.memory_space<vmem>> -> memref<1x64xf32, #tpu.memory_space<vmem>>
    %dma_wait3A_309 = tpu.memref_squeeze %dma_wait3A_308 : memref<1x64xf32, #tpu.memory_space<vmem>> -> memref<64xf32, #tpu.memory_space<vmem>>
    %dma_wait3A_310 = arith.constant 0 : i32
    %dma_wait3A_311 = tpu.memref_slice %arg11[%dma_wait3A_310] : memref<512xi32, #tpu.memory_space<vmem>> -> memref<64xi32, #tpu.memory_space<vmem>>
    %dma_wait3A_312 = arith.constant 0 : i32
    %dma_wait3A_313 = tpu.memref_slice %arg8[%dma_wait3A_312] : memref<10000xf32, #tpu.memory_space<hbm>> -> memref<10000xf32, #tpu.memory_space<hbm>>
    %dma_wait3A_314 = tpu.memref_slice %arg19[%dma_wait3A_306] : memref<2x!tpu.dma_semaphore, #tpu.memory_space<semaphore_mem>> -> memref<1x!tpu.dma_semaphore, #tpu.memory_space<semaphore_mem>>
    %dma_wait3A_315 = tpu.memref_squeeze %dma_wait3A_314 : memref<1x!tpu.dma_semaphore, #tpu.memory_space<semaphore_mem>> -> memref<!tpu.dma_semaphore, #tpu.memory_space<semaphore_mem>>
    tpu.wait_indirect_dma semaphore(%dma_wait3A_315 : memref<!tpu.dma_semaphore, #tpu.memory_space<semaphore_mem>>) src(%dma_wait3A_313 : memref<10000xf32, #tpu.memory_space<hbm>>) dst(%dma_wait3A_309 : memref<64xf32, #tpu.memory_space<vmem>>)
    %dma_start3A_316 = arith.constant 1 : i32
    %dma_start3A_317 = arith.constant 1 : i32
    %dma_start3A_318 = arith.constant 0 : i32
    %dma_start3A_319 = arith.constant 0 : i32
    %dma_start3A_320 = tpu.memref_slice %arg12[%dma_start3A_316, %dma_start3A_318, %dma_start3A_319] : memref<2x64x128xf32, #tpu.memory_space<vmem>> -> memref<1x64x128xf32, #tpu.memory_space<vmem>>
    %dma_start3A_321 = tpu.memref_squeeze %dma_start3A_320 : memref<1x64x128xf32, #tpu.memory_space<vmem>> -> memref<64x128xf32, #tpu.memory_space<vmem>>
    %dma_start3A_322 = arith.constant 192 : i32
    %dma_start3A_323 = tpu.memref_slice %arg10[%dma_start3A_322] : memref<512xi32, #tpu.memory_space<vmem>> -> memref<64xi32, #tpu.memory_space<vmem>>
    %dma_start3A_324 = arith.constant 0 : i32
    %dma_start3A_325 = arith.constant 0 : i32
    %dma_start3A_326 = tpu.memref_slice %arg5[%dma_start3A_324, %dma_start3A_325] : memref<65536x128xf32, #tpu.memory_space<hbm>> -> memref<65536x128xf32, #tpu.memory_space<hbm>>
    %dma_start3A_327 = tpu.memref_slice %arg19[%dma_start3A_317] : memref<2x!tpu.dma_semaphore, #tpu.memory_space<semaphore_mem>> -> memref<1x!tpu.dma_semaphore, #tpu.memory_space<semaphore_mem>>
    %dma_start3A_328 = tpu.memref_squeeze %dma_start3A_327 : memref<1x!tpu.dma_semaphore, #tpu.memory_space<semaphore_mem>> -> memref<!tpu.dma_semaphore, #tpu.memory_space<semaphore_mem>>
    tpu.enqueue_indirect_dma source(%dma_start3A_326 : memref<65536x128xf32, #tpu.memory_space<hbm>>) target(%dma_start3A_321 : memref<64x128xf32, #tpu.memory_space<vmem>>) offsets(%dma_start3A_323 : memref<64xi32, #tpu.memory_space<vmem>>) semaphore(%dma_start3A_328 : memref<!tpu.dma_semaphore, #tpu.memory_space<semaphore_mem>>)
    %dma_start3A_329 = arith.constant 1 : i32
    %dma_start3A_330 = arith.constant 1 : i32
    %dma_start3A_331 = arith.constant 0 : i32
    %dma_start3A_332 = arith.constant 0 : i32
    %dma_start3A_333 = tpu.memref_slice %arg13[%dma_start3A_329, %dma_start3A_331, %dma_start3A_332] : memref<2x64x128xf32, #tpu.memory_space<vmem>> -> memref<1x64x128xf32, #tpu.memory_space<vmem>>
    %dma_start3A_334 = tpu.memref_squeeze %dma_start3A_333 : memref<1x64x128xf32, #tpu.memory_space<vmem>> -> memref<64x128xf32, #tpu.memory_space<vmem>>
    %dma_start3A_335 = arith.constant 192 : i32
    %dma_start3A_336 = tpu.memref_slice %arg11[%dma_start3A_335] : memref<512xi32, #tpu.memory_space<vmem>> -> memref<64xi32, #tpu.memory_space<vmem>>
    %dma_start3A_337 = arith.constant 0 : i32
    %dma_start3A_338 = arith.constant 0 : i32
    %dma_start3A_339 = tpu.memref_slice %arg6[%dma_start3A_337, %dma_start3A_338] : memref<10000x128xf32, #tpu.memory_space<hbm>> -> memref<10000x128xf32, #tpu.memory_space<hbm>>
    %dma_start3A_340 = tpu.memref_slice %arg19[%dma_start3A_330] : memref<2x!tpu.dma_semaphore, #tpu.memory_space<semaphore_mem>> -> memref<1x!tpu.dma_semaphore, #tpu.memory_space<semaphore_mem>>
    %dma_start3A_341 = tpu.memref_squeeze %dma_start3A_340 : memref<1x!tpu.dma_semaphore, #tpu.memory_space<semaphore_mem>> -> memref<!tpu.dma_semaphore, #tpu.memory_space<semaphore_mem>>
    tpu.enqueue_indirect_dma source(%dma_start3A_339 : memref<10000x128xf32, #tpu.memory_space<hbm>>) target(%dma_start3A_334 : memref<64x128xf32, #tpu.memory_space<vmem>>) offsets(%dma_start3A_336 : memref<64xi32, #tpu.memory_space<vmem>>) semaphore(%dma_start3A_341 : memref<!tpu.dma_semaphore, #tpu.memory_space<semaphore_mem>>)
    %dma_start3A_342 = arith.constant 1 : i32
    %dma_start3A_343 = arith.constant 1 : i32
    %dma_start3A_344 = arith.constant 0 : i32
    %dma_start3A_345 = tpu.memref_slice %arg14[%dma_start3A_342, %dma_start3A_344] : memref<2x64xf32, #tpu.memory_space<vmem>> -> memref<1x64xf32, #tpu.memory_space<vmem>>
    %dma_start3A_346 = tpu.memref_squeeze %dma_start3A_345 : memref<1x64xf32, #tpu.memory_space<vmem>> -> memref<64xf32, #tpu.memory_space<vmem>>
    %dma_start3A_347 = arith.constant 192 : i32
    %dma_start3A_348 = tpu.memref_slice %arg10[%dma_start3A_347] : memref<512xi32, #tpu.memory_space<vmem>> -> memref<64xi32, #tpu.memory_space<vmem>>
    %dma_start3A_349 = arith.constant 0 : i32
    %dma_start3A_350 = tpu.memref_slice %arg7[%dma_start3A_349] : memref<65536xf32, #tpu.memory_space<hbm>> -> memref<65536xf32, #tpu.memory_space<hbm>>
    %dma_start3A_351 = tpu.memref_slice %arg19[%dma_start3A_343] : memref<2x!tpu.dma_semaphore, #tpu.memory_space<semaphore_mem>> -> memref<1x!tpu.dma_semaphore, #tpu.memory_space<semaphore_mem>>
    %dma_start3A_352 = tpu.memref_squeeze %dma_start3A_351 : memref<1x!tpu.dma_semaphore, #tpu.memory_space<semaphore_mem>> -> memref<!tpu.dma_semaphore, #tpu.memory_space<semaphore_mem>>
    tpu.enqueue_indirect_dma source(%dma_start3A_350 : memref<65536xf32, #tpu.memory_space<hbm>>) target(%dma_start3A_346 : memref<64xf32, #tpu.memory_space<vmem>>) offsets(%dma_start3A_348 : memref<64xi32, #tpu.memory_space<vmem>>) semaphore(%dma_start3A_352 : memref<!tpu.dma_semaphore, #tpu.memory_space<semaphore_mem>>)
    %dma_start3A_353 = arith.constant 1 : i32
    %dma_start3A_354 = arith.constant 1 : i32
    %dma_start3A_355 = arith.constant 0 : i32
    %dma_start3A_356 = tpu.memref_slice %arg15[%dma_start3A_353, %dma_start3A_355] : memref<2x64xf32, #tpu.memory_space<vmem>> -> memref<1x64xf32, #tpu.memory_space<vmem>>
    %dma_start3A_357 = tpu.memref_squeeze %dma_start3A_356 : memref<1x64xf32, #tpu.memory_space<vmem>> -> memref<64xf32, #tpu.memory_space<vmem>>
    %dma_start3A_358 = arith.constant 192 : i32
    %dma_start3A_359 = tpu.memref_slice %arg11[%dma_start3A_358] : memref<512xi32, #tpu.memory_space<vmem>> -> memref<64xi32, #tpu.memory_space<vmem>>
    %dma_start3A_360 = arith.constant 0 : i32
    %dma_start3A_361 = tpu.memref_slice %arg8[%dma_start3A_360] : memref<10000xf32, #tpu.memory_space<hbm>> -> memref<10000xf32, #tpu.memory_space<hbm>>
    %dma_start3A_362 = tpu.memref_slice %arg19[%dma_start3A_354] : memref<2x!tpu.dma_semaphore, #tpu.memory_space<semaphore_mem>> -> memref<1x!tpu.dma_semaphore, #tpu.memory_space<semaphore_mem>>
    %dma_start3A_363 = tpu.memref_squeeze %dma_start3A_362 : memref<1x!tpu.dma_semaphore, #tpu.memory_space<semaphore_mem>> -> memref<!tpu.dma_semaphore, #tpu.memory_space<semaphore_mem>>
    tpu.enqueue_indirect_dma source(%dma_start3A_361 : memref<10000xf32, #tpu.memory_space<hbm>>) target(%dma_start3A_357 : memref<64xf32, #tpu.memory_space<vmem>>) offsets(%dma_start3A_359 : memref<64xi32, #tpu.memory_space<vmem>>) semaphore(%dma_start3A_363 : memref<!tpu.dma_semaphore, #tpu.memory_space<semaphore_mem>>)
    %parallel_loop3A_364 = arith.constant 0 : i32
    %parallel_loop3A_365 = arith.constant 64 : i32
    %parallel_loop3A_366 = arith.constant 1 : i32
    %parallel_loop3A_367 = arith.constant 0 : i32
    %parallel_loop3A_368 = arith.constant 0 : i32
    scf.for %parallel_loop3A_844 = %parallel_loop3A_364 to %parallel_loop3A_365 step %parallel_loop3A_366  : i32 {
      %parallel_loop3A_845 = arith.constant 0 : i32
      %parallel_loop3A_846 = arith.constant 0 : i32
      %parallel_loop3A_847 = tpu.memref_slice %arg12[%parallel_loop3A_367, %parallel_loop3A_845, %parallel_loop3A_846] : memref<2x64x128xf32, #tpu.memory_space<vmem>> -> memref<1x64x128xf32, #tpu.memory_space<vmem>>
      %parallel_loop3A_848 = tpu.memref_squeeze %parallel_loop3A_847 : memref<1x64x128xf32, #tpu.memory_space<vmem>> -> memref<64x128xf32, #tpu.memory_space<vmem>>
      %parallel_loop3A_849 = arith.index_cast %parallel_loop3A_844 : i32 to index
      %parallel_loop3A_850 = arith.constant 0 : index
      %parallel_loop3A_851 = tpu.vector_load %parallel_loop3A_848[%parallel_loop3A_849, %parallel_loop3A_850] {strides = array<i32>} : memref<64x128xf32, #tpu.memory_space<vmem>>, vector<16xf32>,
      %parallel_loop3A_852 = arith.constant 0 : i32
      %parallel_loop3A_853 = arith.constant 0 : i32
      %parallel_loop3A_854 = tpu.memref_slice %arg13[%parallel_loop3A_368, %parallel_loop3A_852, %parallel_loop3A_853] : memref<2x64x128xf32, #tpu.memory_space<vmem>> -> memref<1x64x128xf32, #tpu.memory_space<vmem>>
      %parallel_loop3A_855 = tpu.memref_squeeze %parallel_loop3A_854 : memref<1x64x128xf32, #tpu.memory_space<vmem>> -> memref<64x128xf32, #tpu.memory_space<vmem>>
      %parallel_loop3A_856 = arith.index_cast %parallel_loop3A_844 : i32 to index
      %parallel_loop3A_857 = arith.constant 0 : index
      %parallel_loop3A_858 = tpu.vector_load %parallel_loop3A_855[%parallel_loop3A_856, %parallel_loop3A_857] {strides = array<i32>} : memref<64x128xf32, #tpu.memory_space<vmem>>, vector<16xf32>,
      %parallel_loop3A_859 = arith.mulf %parallel_loop3A_851, %parallel_loop3A_858 : vector<16xf32>
      %parallel_loop3A_860 = arith.constant 0 : i32
      %parallel_loop3A_861 = arith.constant 0 : i32
      %parallel_loop3A_862 = tpu.memref_slice %arg12[%parallel_loop3A_367, %parallel_loop3A_860, %parallel_loop3A_861] : memref<2x64x128xf32, #tpu.memory_space<vmem>> -> memref<1x64x128xf32, #tpu.memory_space<vmem>>
      %parallel_loop3A_863 = tpu.memref_squeeze %parallel_loop3A_862 : memref<1x64x128xf32, #tpu.memory_space<vmem>> -> memref<64x128xf32, #tpu.memory_space<vmem>>
      %parallel_loop3A_864 = arith.index_cast %parallel_loop3A_844 : i32 to index
      %parallel_loop3A_865 = arith.constant 16 : index
      %parallel_loop3A_866 = tpu.vector_load %parallel_loop3A_863[%parallel_loop3A_864, %parallel_loop3A_865] {strides = array<i32>} : memref<64x128xf32, #tpu.memory_space<vmem>>, vector<16xf32>,
      %parallel_loop3A_867 = arith.constant 0 : i32
      %parallel_loop3A_868 = arith.constant 0 : i32
      %parallel_loop3A_869 = tpu.memref_slice %arg13[%parallel_loop3A_368, %parallel_loop3A_867, %parallel_loop3A_868] : memref<2x64x128xf32, #tpu.memory_space<vmem>> -> memref<1x64x128xf32, #tpu.memory_space<vmem>>
      %parallel_loop3A_870 = tpu.memref_squeeze %parallel_loop3A_869 : memref<1x64x128xf32, #tpu.memory_space<vmem>> -> memref<64x128xf32, #tpu.memory_space<vmem>>
      %parallel_loop3A_871 = arith.index_cast %parallel_loop3A_844 : i32 to index
      %parallel_loop3A_872 = arith.constant 16 : index
      %parallel_loop3A_873 = tpu.vector_load %parallel_loop3A_870[%parallel_loop3A_871, %parallel_loop3A_872] {strides = array<i32>} : memref<64x128xf32, #tpu.memory_space<vmem>>, vector<16xf32>,
      %parallel_loop3A_874 = arith.mulf %parallel_loop3A_866, %parallel_loop3A_873 : vector<16xf32>
      %parallel_loop3A_875 = arith.addf %parallel_loop3A_859, %parallel_loop3A_874 : vector<16xf32>
      %parallel_loop3A_876 = arith.constant 0 : i32
      %parallel_loop3A_877 = arith.constant 0 : i32
      %parallel_loop3A_878 = tpu.memref_slice %arg12[%parallel_loop3A_367, %parallel_loop3A_876, %parallel_loop3A_877] : memref<2x64x128xf32, #tpu.memory_space<vmem>> -> memref<1x64x128xf32, #tpu.memory_space<vmem>>
      %parallel_loop3A_879 = tpu.memref_squeeze %parallel_loop3A_878 : memref<1x64x128xf32, #tpu.memory_space<vmem>> -> memref<64x128xf32, #tpu.memory_space<vmem>>
      %parallel_loop3A_880 = arith.index_cast %parallel_loop3A_844 : i32 to index
      %parallel_loop3A_881 = arith.constant 32 : index
      %parallel_loop3A_882 = tpu.vector_load %parallel_loop3A_879[%parallel_loop3A_880, %parallel_loop3A_881] {strides = array<i32>} : memref<64x128xf32, #tpu.memory_space<vmem>>, vector<16xf32>,
      %parallel_loop3A_883 = arith.constant 0 : i32
      %parallel_loop3A_884 = arith.constant 0 : i32
      %parallel_loop3A_885 = tpu.memref_slice %arg13[%parallel_loop3A_368, %parallel_loop3A_883, %parallel_loop3A_884] : memref<2x64x128xf32, #tpu.memory_space<vmem>> -> memref<1x64x128xf32, #tpu.memory_space<vmem>>
      %parallel_loop3A_886 = tpu.memref_squeeze %parallel_loop3A_885 : memref<1x64x128xf32, #tpu.memory_space<vmem>> -> memref<64x128xf32, #tpu.memory_space<vmem>>
      %parallel_loop3A_887 = arith.index_cast %parallel_loop3A_844 : i32 to index
      %parallel_loop3A_888 = arith.constant 32 : index
      %parallel_loop3A_889 = tpu.vector_load %parallel_loop3A_886[%parallel_loop3A_887, %parallel_loop3A_888] {strides = array<i32>} : memref<64x128xf32, #tpu.memory_space<vmem>>, vector<16xf32>,
      %parallel_loop3A_890 = arith.mulf %parallel_loop3A_882, %parallel_loop3A_889 : vector<16xf32>
      %parallel_loop3A_891 = arith.addf %parallel_loop3A_875, %parallel_loop3A_890 : vector<16xf32>
      %parallel_loop3A_892 = arith.constant 0 : i32
      %parallel_loop3A_893 = arith.constant 0 : i32
      %parallel_loop3A_894 = tpu.memref_slice %arg12[%parallel_loop3A_367, %parallel_loop3A_892, %parallel_loop3A_893] : memref<2x64x128xf32, #tpu.memory_space<vmem>> -> memref<1x64x128xf32, #tpu.memory_space<vmem>>
      %parallel_loop3A_895 = tpu.memref_squeeze %parallel_loop3A_894 : memref<1x64x128xf32, #tpu.memory_space<vmem>> -> memref<64x128xf32, #tpu.memory_space<vmem>>
      %parallel_loop3A_896 = arith.index_cast %parallel_loop3A_844 : i32 to index
      %parallel_loop3A_897 = arith.constant 48 : index
      %parallel_loop3A_898 = tpu.vector_load %parallel_loop3A_895[%parallel_loop3A_896, %parallel_loop3A_897] {strides = array<i32>} : memref<64x128xf32, #tpu.memory_space<vmem>>, vector<16xf32>,
      %parallel_loop3A_899 = arith.constant 0 : i32
      %parallel_loop3A_900 = arith.constant 0 : i32
      %parallel_loop3A_901 = tpu.memref_slice %arg13[%parallel_loop3A_368, %parallel_loop3A_899, %parallel_loop3A_900] : memref<2x64x128xf32, #tpu.memory_space<vmem>> -> memref<1x64x128xf32, #tpu.memory_space<vmem>>
      %parallel_loop3A_902 = tpu.memref_squeeze %parallel_loop3A_901 : memref<1x64x128xf32, #tpu.memory_space<vmem>> -> memref<64x128xf32, #tpu.memory_space<vmem>>
      %parallel_loop3A_903 = arith.index_cast %parallel_loop3A_844 : i32 to index
      %parallel_loop3A_904 = arith.constant 48 : index
      %parallel_loop3A_905 = tpu.vector_load %parallel_loop3A_902[%parallel_loop3A_903, %parallel_loop3A_904] {strides = array<i32>} : memref<64x128xf32, #tpu.memory_space<vmem>>, vector<16xf32>,
      %parallel_loop3A_906 = arith.mulf %parallel_loop3A_898, %parallel_loop3A_905 : vector<16xf32>
      %parallel_loop3A_907 = arith.addf %parallel_loop3A_891, %parallel_loop3A_906 : vector<16xf32>
      %parallel_loop3A_908 = arith.constant 0 : i32
      %parallel_loop3A_909 = arith.constant 0 : i32
      %parallel_loop3A_910 = tpu.memref_slice %arg12[%parallel_loop3A_367, %parallel_loop3A_908, %parallel_loop3A_909] : memref<2x64x128xf32, #tpu.memory_space<vmem>> -> memref<1x64x128xf32, #tpu.memory_space<vmem>>
      %parallel_loop3A_911 = tpu.memref_squeeze %parallel_loop3A_910 : memref<1x64x128xf32, #tpu.memory_space<vmem>> -> memref<64x128xf32, #tpu.memory_space<vmem>>
      %parallel_loop3A_912 = arith.index_cast %parallel_loop3A_844 : i32 to index
      %parallel_loop3A_913 = arith.constant 64 : index
      %parallel_loop3A_914 = tpu.vector_load %parallel_loop3A_911[%parallel_loop3A_912, %parallel_loop3A_913] {strides = array<i32>} : memref<64x128xf32, #tpu.memory_space<vmem>>, vector<16xf32>,
      %parallel_loop3A_915 = arith.constant 0 : i32
      %parallel_loop3A_916 = arith.constant 0 : i32
      %parallel_loop3A_917 = tpu.memref_slice %arg13[%parallel_loop3A_368, %parallel_loop3A_915, %parallel_loop3A_916] : memref<2x64x128xf32, #tpu.memory_space<vmem>> -> memref<1x64x128xf32, #tpu.memory_space<vmem>>
      %parallel_loop3A_918 = tpu.memref_squeeze %parallel_loop3A_917 : memref<1x64x128xf32, #tpu.memory_space<vmem>> -> memref<64x128xf32, #tpu.memory_space<vmem>>
      %parallel_loop3A_919 = arith.index_cast %parallel_loop3A_844 : i32 to index
      %parallel_loop3A_920 = arith.constant 64 : index
      %parallel_loop3A_921 = tpu.vector_load %parallel_loop3A_918[%parallel_loop3A_919, %parallel_loop3A_920] {strides = array<i32>} : memref<64x128xf32, #tpu.memory_space<vmem>>, vector<16xf32>,
      %parallel_loop3A_922 = arith.mulf %parallel_loop3A_914, %parallel_loop3A_921 : vector<16xf32>
      %parallel_loop3A_923 = arith.addf %parallel_loop3A_907, %parallel_loop3A_922 : vector<16xf32>
      %parallel_loop3A_924 = arith.constant 0 : i32
      %parallel_loop3A_925 = arith.constant 0 : i32
      %parallel_loop3A_926 = tpu.memref_slice %arg12[%parallel_loop3A_367, %parallel_loop3A_924, %parallel_loop3A_925] : memref<2x64x128xf32, #tpu.memory_space<vmem>> -> memref<1x64x128xf32, #tpu.memory_space<vmem>>
      %parallel_loop3A_927 = tpu.memref_squeeze %parallel_loop3A_926 : memref<1x64x128xf32, #tpu.memory_space<vmem>> -> memref<64x128xf32, #tpu.memory_space<vmem>>
      %parallel_loop3A_928 = arith.index_cast %parallel_loop3A_844 : i32 to index
      %parallel_loop3A_929 = arith.constant 80 : index
      %parallel_loop3A_930 = tpu.vector_load %parallel_loop3A_927[%parallel_loop3A_928, %parallel_loop3A_929] {strides = array<i32>} : memref<64x128xf32, #tpu.memory_space<vmem>>, vector<16xf32>,
      %parallel_loop3A_931 = arith.constant 0 : i32
      %parallel_loop3A_932 = arith.constant 0 : i32
      %parallel_loop3A_933 = tpu.memref_slice %arg13[%parallel_loop3A_368, %parallel_loop3A_931, %parallel_loop3A_932] : memref<2x64x128xf32, #tpu.memory_space<vmem>> -> memref<1x64x128xf32, #tpu.memory_space<vmem>>
      %parallel_loop3A_934 = tpu.memref_squeeze %parallel_loop3A_933 : memref<1x64x128xf32, #tpu.memory_space<vmem>> -> memref<64x128xf32, #tpu.memory_space<vmem>>
      %parallel_loop3A_935 = arith.index_cast %parallel_loop3A_844 : i32 to index
      %parallel_loop3A_936 = arith.constant 80 : index
      %parallel_loop3A_937 = tpu.vector_load %parallel_loop3A_934[%parallel_loop3A_935, %parallel_loop3A_936] {strides = array<i32>} : memref<64x128xf32, #tpu.memory_space<vmem>>, vector<16xf32>,
      %parallel_loop3A_938 = arith.mulf %parallel_loop3A_930, %parallel_loop3A_937 : vector<16xf32>
      %parallel_loop3A_939 = arith.addf %parallel_loop3A_923, %parallel_loop3A_938 : vector<16xf32>
      %parallel_loop3A_940 = arith.constant 0 : i32
      %parallel_loop3A_941 = arith.constant 0 : i32
      %parallel_loop3A_942 = tpu.memref_slice %arg12[%parallel_loop3A_367, %parallel_loop3A_940, %parallel_loop3A_941] : memref<2x64x128xf32, #tpu.memory_space<vmem>> -> memref<1x64x128xf32, #tpu.memory_space<vmem>>
      %parallel_loop3A_943 = tpu.memref_squeeze %parallel_loop3A_942 : memref<1x64x128xf32, #tpu.memory_space<vmem>> -> memref<64x128xf32, #tpu.memory_space<vmem>>
      %parallel_loop3A_944 = arith.index_cast %parallel_loop3A_844 : i32 to index
      %parallel_loop3A_945 = arith.constant 96 : index
      %parallel_loop3A_946 = tpu.vector_load %parallel_loop3A_943[%parallel_loop3A_944, %parallel_loop3A_945] {strides = array<i32>} : memref<64x128xf32, #tpu.memory_space<vmem>>, vector<16xf32>,
      %parallel_loop3A_947 = arith.constant 0 : i32
      %parallel_loop3A_948 = arith.constant 0 : i32
      %parallel_loop3A_949 = tpu.memref_slice %arg13[%parallel_loop3A_368, %parallel_loop3A_947, %parallel_loop3A_948] : memref<2x64x128xf32, #tpu.memory_space<vmem>> -> memref<1x64x128xf32, #tpu.memory_space<vmem>>
      %parallel_loop3A_950 = tpu.memref_squeeze %parallel_loop3A_949 : memref<1x64x128xf32, #tpu.memory_space<vmem>> -> memref<64x128xf32, #tpu.memory_space<vmem>>
      %parallel_loop3A_951 = arith.index_cast %parallel_loop3A_844 : i32 to index
      %parallel_loop3A_952 = arith.constant 96 : index
      %parallel_loop3A_953 = tpu.vector_load %parallel_loop3A_950[%parallel_loop3A_951, %parallel_loop3A_952] {strides = array<i32>} : memref<64x128xf32, #tpu.memory_space<vmem>>, vector<16xf32>,
      %parallel_loop3A_954 = arith.mulf %parallel_loop3A_946, %parallel_loop3A_953 : vector<16xf32>
      %parallel_loop3A_955 = arith.addf %parallel_loop3A_939, %parallel_loop3A_954 : vector<16xf32>
      %parallel_loop3A_956 = arith.constant 0 : i32
      %parallel_loop3A_957 = arith.constant 0 : i32
      %parallel_loop3A_958 = tpu.memref_slice %arg12[%parallel_loop3A_367, %parallel_loop3A_956, %parallel_loop3A_957] : memref<2x64x128xf32, #tpu.memory_space<vmem>> -> memref<1x64x128xf32, #tpu.memory_space<vmem>>
      %parallel_loop3A_959 = tpu.memref_squeeze %parallel_loop3A_958 : memref<1x64x128xf32, #tpu.memory_space<vmem>> -> memref<64x128xf32, #tpu.memory_space<vmem>>
      %parallel_loop3A_960 = arith.index_cast %parallel_loop3A_844 : i32 to index
      %parallel_loop3A_961 = arith.constant 112 : index
      %parallel_loop3A_962 = tpu.vector_load %parallel_loop3A_959[%parallel_loop3A_960, %parallel_loop3A_961] {strides = array<i32>} : memref<64x128xf32, #tpu.memory_space<vmem>>, vector<16xf32>,
      %parallel_loop3A_963 = arith.constant 0 : i32
      %parallel_loop3A_964 = arith.constant 0 : i32
      %parallel_loop3A_965 = tpu.memref_slice %arg13[%parallel_loop3A_368, %parallel_loop3A_963, %parallel_loop3A_964] : memref<2x64x128xf32, #tpu.memory_space<vmem>> -> memref<1x64x128xf32, #tpu.memory_space<vmem>>
      %parallel_loop3A_966 = tpu.memref_squeeze %parallel_loop3A_965 : memref<1x64x128xf32, #tpu.memory_space<vmem>> -> memref<64x128xf32, #tpu.memory_space<vmem>>
      %parallel_loop3A_967 = arith.index_cast %parallel_loop3A_844 : i32 to index
      %parallel_loop3A_968 = arith.constant 112 : index
      %parallel_loop3A_969 = tpu.vector_load %parallel_loop3A_966[%parallel_loop3A_967, %parallel_loop3A_968] {strides = array<i32>} : memref<64x128xf32, #tpu.memory_space<vmem>>, vector<16xf32>,
      %parallel_loop3A_970 = arith.mulf %parallel_loop3A_962, %parallel_loop3A_969 : vector<16xf32>
      %parallel_loop3A_971 = arith.addf %parallel_loop3A_955, %parallel_loop3A_970 : vector<16xf32>
      %parallel_loop3A_972 = arith.constant true
      %parallel_loop3A_973 = vector.broadcast %parallel_loop3A_972 : i1 to vector<16xi1>
      %parallel_loop3A_974 = tpu.scan <sum>, %parallel_loop3A_971 masked %parallel_loop3A_973 : vector<16xf32>, vector<16xi1> -> vector<16xf32>
      %parallel_loop3A_975 = vector.broadcast %parallel_loop3A_844 : i32 to vector<16xi32>
      tpu.vector_store_idx %arg17[%parallel_loop3A_975], %parallel_loop3A_974 masked %eq3A : memref<64xf32, #tpu.memory_space<vmem>>[vector<16xi32>], vector<16xf32>, vector<16xi1>
    } {sc.loop_unroll_factor = 1 : i64, sc.parallel_access}
    %parallel_loop3A_369 = arith.constant 0 : i32
    %parallel_loop3A_370 = arith.constant 64 : i32
    %parallel_loop3A_371 = arith.constant 16 : i32
    scf.for %parallel_loop3A_844 = %parallel_loop3A_369 to %parallel_loop3A_370 step %parallel_loop3A_371  : i32 {
      %parallel_loop3A_845 = arith.index_cast %parallel_loop3A_844 : i32 to index
      %parallel_loop3A_846 = tpu.vector_load %arg17[%parallel_loop3A_845] {strides = array<i32>} : memref<64xf32, #tpu.memory_space<vmem>>, vector<16xf32>,
      %parallel_loop3A_847 = arith.constant 0 : i32
      %parallel_loop3A_848 = arith.index_cast %parallel_loop3A_847 : i32 to index
      %parallel_loop3A_849 = arith.index_cast %parallel_loop3A_844 : i32 to index
      %parallel_loop3A_850 = tpu.vector_load %arg14[%parallel_loop3A_848, %parallel_loop3A_849] {strides = array<i32>} : memref<2x64xf32, #tpu.memory_space<vmem>>, vector<16xf32>,
      %parallel_loop3A_851 = arith.addf %parallel_loop3A_846, %parallel_loop3A_850 : vector<16xf32>
      %parallel_loop3A_852 = arith.constant 0 : i32
      %parallel_loop3A_853 = arith.index_cast %parallel_loop3A_852 : i32 to index
      %parallel_loop3A_854 = arith.index_cast %parallel_loop3A_844 : i32 to index
      %parallel_loop3A_855 = tpu.vector_load %arg15[%parallel_loop3A_853, %parallel_loop3A_854] {strides = array<i32>} : memref<2x64xf32, #tpu.memory_space<vmem>>, vector<16xf32>,
      %parallel_loop3A_856 = arith.addf %parallel_loop3A_851, %parallel_loop3A_855 : vector<16xf32>
      %parallel_loop3A_857 = arith.maximumf %parallel_loop3A_856, %broadcast_in_dim3A_5 : vector<16xf32>
      %parallel_loop3A_858 = arith.mulf %parallel_loop3A_857, %get3A_10 : vector<16xf32>
      %parallel_loop3A_859 = arith.addf %parallel_loop3A_858, %get3A_14 : vector<16xf32>
      %parallel_loop3A_860 = arith.constant 0.000000e+00 : f32
      %parallel_loop3A_861 = vector.broadcast %parallel_loop3A_860 : f32 to vector<16xf32>
      %parallel_loop3A_862 = arith.subf %parallel_loop3A_861, %parallel_loop3A_859 : vector<16xf32>
      %parallel_loop3A_863 = math.exp %parallel_loop3A_862 : vector<16xf32>
      %parallel_loop3A_864 = arith.addf %broadcast_in_dim3A_7, %parallel_loop3A_863 : vector<16xf32>
      %parallel_loop3A_865 = arith.divf %broadcast_in_dim3A_7, %parallel_loop3A_864 : vector<16xf32>
      %parallel_loop3A_866 = arith.constant 128 : i32
      %parallel_loop3A_867 = arith.addi %parallel_loop3A_866, %parallel_loop3A_844 : i32
      %parallel_loop3A_868 = arith.index_cast %parallel_loop3A_867 : i32 to index
      %parallel_loop3A_869 = tpu.vector_load %arg18[%parallel_loop3A_868] {strides = array<i32>} : memref<512xf32, #tpu.memory_space<vmem>>, vector<16xf32>,
      tpu.vector_store %arg18[%parallel_loop3A_868], %parallel_loop3A_865 {strides = array<i32>} : memref<512xf32, #tpu.memory_space<vmem>>, vector<16xf32>,
    } {sc.loop_unroll_factor = 1 : i64, sc.parallel_access}
    %dma_wait3A_372 = arith.constant 1 : i32
    %dma_wait3A_373 = arith.constant 1 : i32
    %dma_wait3A_374 = arith.constant 0 : i32
    %dma_wait3A_375 = arith.constant 0 : i32
    %dma_wait3A_376 = tpu.memref_slice %arg12[%dma_wait3A_372, %dma_wait3A_374, %dma_wait3A_375] : memref<2x64x128xf32, #tpu.memory_space<vmem>> -> memref<1x64x128xf32, #tpu.memory_space<vmem>>
    %dma_wait3A_377 = tpu.memref_squeeze %dma_wait3A_376 : memref<1x64x128xf32, #tpu.memory_space<vmem>> -> memref<64x128xf32, #tpu.memory_space<vmem>>
    %dma_wait3A_378 = arith.constant 0 : i32
    %dma_wait3A_379 = tpu.memref_slice %arg10[%dma_wait3A_378] : memref<512xi32, #tpu.memory_space<vmem>> -> memref<64xi32, #tpu.memory_space<vmem>>
    %dma_wait3A_380 = arith.constant 0 : i32
    %dma_wait3A_381 = arith.constant 0 : i32
    %dma_wait3A_382 = tpu.memref_slice %arg5[%dma_wait3A_380, %dma_wait3A_381] : memref<65536x128xf32, #tpu.memory_space<hbm>> -> memref<65536x128xf32, #tpu.memory_space<hbm>>
    %dma_wait3A_383 = tpu.memref_slice %arg19[%dma_wait3A_373] : memref<2x!tpu.dma_semaphore, #tpu.memory_space<semaphore_mem>> -> memref<1x!tpu.dma_semaphore, #tpu.memory_space<semaphore_mem>>
    %dma_wait3A_384 = tpu.memref_squeeze %dma_wait3A_383 : memref<1x!tpu.dma_semaphore, #tpu.memory_space<semaphore_mem>> -> memref<!tpu.dma_semaphore, #tpu.memory_space<semaphore_mem>>
    tpu.wait_indirect_dma semaphore(%dma_wait3A_384 : memref<!tpu.dma_semaphore, #tpu.memory_space<semaphore_mem>>) src(%dma_wait3A_382 : memref<65536x128xf32, #tpu.memory_space<hbm>>) dst(%dma_wait3A_377 : memref<64x128xf32, #tpu.memory_space<vmem>>)
    %dma_wait3A_385 = arith.constant 1 : i32
    %dma_wait3A_386 = arith.constant 1 : i32
    %dma_wait3A_387 = arith.constant 0 : i32
    %dma_wait3A_388 = arith.constant 0 : i32
    %dma_wait3A_389 = tpu.memref_slice %arg13[%dma_wait3A_385, %dma_wait3A_387, %dma_wait3A_388] : memref<2x64x128xf32, #tpu.memory_space<vmem>> -> memref<1x64x128xf32, #tpu.memory_space<vmem>>
    %dma_wait3A_390 = tpu.memref_squeeze %dma_wait3A_389 : memref<1x64x128xf32, #tpu.memory_space<vmem>> -> memref<64x128xf32, #tpu.memory_space<vmem>>
    %dma_wait3A_391 = arith.constant 0 : i32
    %dma_wait3A_392 = tpu.memref_slice %arg11[%dma_wait3A_391] : memref<512xi32, #tpu.memory_space<vmem>> -> memref<64xi32, #tpu.memory_space<vmem>>
    %dma_wait3A_393 = arith.constant 0 : i32
    %dma_wait3A_394 = arith.constant 0 : i32
    %dma_wait3A_395 = tpu.memref_slice %arg6[%dma_wait3A_393, %dma_wait3A_394] : memref<10000x128xf32, #tpu.memory_space<hbm>> -> memref<10000x128xf32, #tpu.memory_space<hbm>>
    %dma_wait3A_396 = tpu.memref_slice %arg19[%dma_wait3A_386] : memref<2x!tpu.dma_semaphore, #tpu.memory_space<semaphore_mem>> -> memref<1x!tpu.dma_semaphore, #tpu.memory_space<semaphore_mem>>
    %dma_wait3A_397 = tpu.memref_squeeze %dma_wait3A_396 : memref<1x!tpu.dma_semaphore, #tpu.memory_space<semaphore_mem>> -> memref<!tpu.dma_semaphore, #tpu.memory_space<semaphore_mem>>
    tpu.wait_indirect_dma semaphore(%dma_wait3A_397 : memref<!tpu.dma_semaphore, #tpu.memory_space<semaphore_mem>>) src(%dma_wait3A_395 : memref<10000x128xf32, #tpu.memory_space<hbm>>) dst(%dma_wait3A_390 : memref<64x128xf32, #tpu.memory_space<vmem>>)
    %dma_wait3A_398 = arith.constant 1 : i32
    %dma_wait3A_399 = arith.constant 1 : i32
    %dma_wait3A_400 = arith.constant 0 : i32
    %dma_wait3A_401 = tpu.memref_slice %arg14[%dma_wait3A_398, %dma_wait3A_400] : memref<2x64xf32, #tpu.memory_space<vmem>> -> memref<1x64xf32, #tpu.memory_space<vmem>>
    %dma_wait3A_402 = tpu.memref_squeeze %dma_wait3A_401 : memref<1x64xf32, #tpu.memory_space<vmem>> -> memref<64xf32, #tpu.memory_space<vmem>>
    %dma_wait3A_403 = arith.constant 0 : i32
    %dma_wait3A_404 = tpu.memref_slice %arg10[%dma_wait3A_403] : memref<512xi32, #tpu.memory_space<vmem>> -> memref<64xi32, #tpu.memory_space<vmem>>
    %dma_wait3A_405 = arith.constant 0 : i32
    %dma_wait3A_406 = tpu.memref_slice %arg7[%dma_wait3A_405] : memref<65536xf32, #tpu.memory_space<hbm>> -> memref<65536xf32, #tpu.memory_space<hbm>>
    %dma_wait3A_407 = tpu.memref_slice %arg19[%dma_wait3A_399] : memref<2x!tpu.dma_semaphore, #tpu.memory_space<semaphore_mem>> -> memref<1x!tpu.dma_semaphore, #tpu.memory_space<semaphore_mem>>
    %dma_wait3A_408 = tpu.memref_squeeze %dma_wait3A_407 : memref<1x!tpu.dma_semaphore, #tpu.memory_space<semaphore_mem>> -> memref<!tpu.dma_semaphore, #tpu.memory_space<semaphore_mem>>
    tpu.wait_indirect_dma semaphore(%dma_wait3A_408 : memref<!tpu.dma_semaphore, #tpu.memory_space<semaphore_mem>>) src(%dma_wait3A_406 : memref<65536xf32, #tpu.memory_space<hbm>>) dst(%dma_wait3A_402 : memref<64xf32, #tpu.memory_space<vmem>>)
    %dma_wait3A_409 = arith.constant 1 : i32
    %dma_wait3A_410 = arith.constant 1 : i32
    %dma_wait3A_411 = arith.constant 0 : i32
    %dma_wait3A_412 = tpu.memref_slice %arg15[%dma_wait3A_409, %dma_wait3A_411] : memref<2x64xf32, #tpu.memory_space<vmem>> -> memref<1x64xf32, #tpu.memory_space<vmem>>
    %dma_wait3A_413 = tpu.memref_squeeze %dma_wait3A_412 : memref<1x64xf32, #tpu.memory_space<vmem>> -> memref<64xf32, #tpu.memory_space<vmem>>
    %dma_wait3A_414 = arith.constant 0 : i32
    %dma_wait3A_415 = tpu.memref_slice %arg11[%dma_wait3A_414] : memref<512xi32, #tpu.memory_space<vmem>> -> memref<64xi32, #tpu.memory_space<vmem>>
    %dma_wait3A_416 = arith.constant 0 : i32
    %dma_wait3A_417 = tpu.memref_slice %arg8[%dma_wait3A_416] : memref<10000xf32, #tpu.memory_space<hbm>> -> memref<10000xf32, #tpu.memory_space<hbm>>
    %dma_wait3A_418 = tpu.memref_slice %arg19[%dma_wait3A_410] : memref<2x!tpu.dma_semaphore, #tpu.memory_space<semaphore_mem>> -> memref<1x!tpu.dma_semaphore, #tpu.memory_space<semaphore_mem>>
    %dma_wait3A_419 = tpu.memref_squeeze %dma_wait3A_418 : memref<1x!tpu.dma_semaphore, #tpu.memory_space<semaphore_mem>> -> memref<!tpu.dma_semaphore, #tpu.memory_space<semaphore_mem>>
    tpu.wait_indirect_dma semaphore(%dma_wait3A_419 : memref<!tpu.dma_semaphore, #tpu.memory_space<semaphore_mem>>) src(%dma_wait3A_417 : memref<10000xf32, #tpu.memory_space<hbm>>) dst(%dma_wait3A_413 : memref<64xf32, #tpu.memory_space<vmem>>)
    %dma_start3A_420 = arith.constant 0 : i32
    %dma_start3A_421 = arith.constant 0 : i32
    %dma_start3A_422 = arith.constant 0 : i32
    %dma_start3A_423 = arith.constant 0 : i32
    %dma_start3A_424 = tpu.memref_slice %arg12[%dma_start3A_420, %dma_start3A_422, %dma_start3A_423] : memref<2x64x128xf32, #tpu.memory_space<vmem>> -> memref<1x64x128xf32, #tpu.memory_space<vmem>>
    %dma_start3A_425 = tpu.memref_squeeze %dma_start3A_424 : memref<1x64x128xf32, #tpu.memory_space<vmem>> -> memref<64x128xf32, #tpu.memory_space<vmem>>
    %dma_start3A_426 = arith.constant 256 : i32
    %dma_start3A_427 = tpu.memref_slice %arg10[%dma_start3A_426] : memref<512xi32, #tpu.memory_space<vmem>> -> memref<64xi32, #tpu.memory_space<vmem>>
    %dma_start3A_428 = arith.constant 0 : i32
    %dma_start3A_429 = arith.constant 0 : i32
    %dma_start3A_430 = tpu.memref_slice %arg5[%dma_start3A_428, %dma_start3A_429] : memref<65536x128xf32, #tpu.memory_space<hbm>> -> memref<65536x128xf32, #tpu.memory_space<hbm>>
    %dma_start3A_431 = tpu.memref_slice %arg19[%dma_start3A_421] : memref<2x!tpu.dma_semaphore, #tpu.memory_space<semaphore_mem>> -> memref<1x!tpu.dma_semaphore, #tpu.memory_space<semaphore_mem>>
    %dma_start3A_432 = tpu.memref_squeeze %dma_start3A_431 : memref<1x!tpu.dma_semaphore, #tpu.memory_space<semaphore_mem>> -> memref<!tpu.dma_semaphore, #tpu.memory_space<semaphore_mem>>
    tpu.enqueue_indirect_dma source(%dma_start3A_430 : memref<65536x128xf32, #tpu.memory_space<hbm>>) target(%dma_start3A_425 : memref<64x128xf32, #tpu.memory_space<vmem>>) offsets(%dma_start3A_427 : memref<64xi32, #tpu.memory_space<vmem>>) semaphore(%dma_start3A_432 : memref<!tpu.dma_semaphore, #tpu.memory_space<semaphore_mem>>)
    %dma_start3A_433 = arith.constant 0 : i32
    %dma_start3A_434 = arith.constant 0 : i32
    %dma_start3A_435 = arith.constant 0 : i32
    %dma_start3A_436 = arith.constant 0 : i32
    %dma_start3A_437 = tpu.memref_slice %arg13[%dma_start3A_433, %dma_start3A_435, %dma_start3A_436] : memref<2x64x128xf32, #tpu.memory_space<vmem>> -> memref<1x64x128xf32, #tpu.memory_space<vmem>>
    %dma_start3A_438 = tpu.memref_squeeze %dma_start3A_437 : memref<1x64x128xf32, #tpu.memory_space<vmem>> -> memref<64x128xf32, #tpu.memory_space<vmem>>
    %dma_start3A_439 = arith.constant 256 : i32
    %dma_start3A_440 = tpu.memref_slice %arg11[%dma_start3A_439] : memref<512xi32, #tpu.memory_space<vmem>> -> memref<64xi32, #tpu.memory_space<vmem>>
    %dma_start3A_441 = arith.constant 0 : i32
    %dma_start3A_442 = arith.constant 0 : i32
    %dma_start3A_443 = tpu.memref_slice %arg6[%dma_start3A_441, %dma_start3A_442] : memref<10000x128xf32, #tpu.memory_space<hbm>> -> memref<10000x128xf32, #tpu.memory_space<hbm>>
    %dma_start3A_444 = tpu.memref_slice %arg19[%dma_start3A_434] : memref<2x!tpu.dma_semaphore, #tpu.memory_space<semaphore_mem>> -> memref<1x!tpu.dma_semaphore, #tpu.memory_space<semaphore_mem>>
    %dma_start3A_445 = tpu.memref_squeeze %dma_start3A_444 : memref<1x!tpu.dma_semaphore, #tpu.memory_space<semaphore_mem>> -> memref<!tpu.dma_semaphore, #tpu.memory_space<semaphore_mem>>
    tpu.enqueue_indirect_dma source(%dma_start3A_443 : memref<10000x128xf32, #tpu.memory_space<hbm>>) target(%dma_start3A_438 : memref<64x128xf32, #tpu.memory_space<vmem>>) offsets(%dma_start3A_440 : memref<64xi32, #tpu.memory_space<vmem>>) semaphore(%dma_start3A_445 : memref<!tpu.dma_semaphore, #tpu.memory_space<semaphore_mem>>)
    %dma_start3A_446 = arith.constant 0 : i32
    %dma_start3A_447 = arith.constant 0 : i32
    %dma_start3A_448 = arith.constant 0 : i32
    %dma_start3A_449 = tpu.memref_slice %arg14[%dma_start3A_446, %dma_start3A_448] : memref<2x64xf32, #tpu.memory_space<vmem>> -> memref<1x64xf32, #tpu.memory_space<vmem>>
    %dma_start3A_450 = tpu.memref_squeeze %dma_start3A_449 : memref<1x64xf32, #tpu.memory_space<vmem>> -> memref<64xf32, #tpu.memory_space<vmem>>
    %dma_start3A_451 = arith.constant 256 : i32
    %dma_start3A_452 = tpu.memref_slice %arg10[%dma_start3A_451] : memref<512xi32, #tpu.memory_space<vmem>> -> memref<64xi32, #tpu.memory_space<vmem>>
    %dma_start3A_453 = arith.constant 0 : i32
    %dma_start3A_454 = tpu.memref_slice %arg7[%dma_start3A_453] : memref<65536xf32, #tpu.memory_space<hbm>> -> memref<65536xf32, #tpu.memory_space<hbm>>
    %dma_start3A_455 = tpu.memref_slice %arg19[%dma_start3A_447] : memref<2x!tpu.dma_semaphore, #tpu.memory_space<semaphore_mem>> -> memref<1x!tpu.dma_semaphore, #tpu.memory_space<semaphore_mem>>
    %dma_start3A_456 = tpu.memref_squeeze %dma_start3A_455 : memref<1x!tpu.dma_semaphore, #tpu.memory_space<semaphore_mem>> -> memref<!tpu.dma_semaphore, #tpu.memory_space<semaphore_mem>>
    tpu.enqueue_indirect_dma source(%dma_start3A_454 : memref<65536xf32, #tpu.memory_space<hbm>>) target(%dma_start3A_450 : memref<64xf32, #tpu.memory_space<vmem>>) offsets(%dma_start3A_452 : memref<64xi32, #tpu.memory_space<vmem>>) semaphore(%dma_start3A_456 : memref<!tpu.dma_semaphore, #tpu.memory_space<semaphore_mem>>)
    %dma_start3A_457 = arith.constant 0 : i32
    %dma_start3A_458 = arith.constant 0 : i32
    %dma_start3A_459 = arith.constant 0 : i32
    %dma_start3A_460 = tpu.memref_slice %arg15[%dma_start3A_457, %dma_start3A_459] : memref<2x64xf32, #tpu.memory_space<vmem>> -> memref<1x64xf32, #tpu.memory_space<vmem>>
    %dma_start3A_461 = tpu.memref_squeeze %dma_start3A_460 : memref<1x64xf32, #tpu.memory_space<vmem>> -> memref<64xf32, #tpu.memory_space<vmem>>
    %dma_start3A_462 = arith.constant 256 : i32
    %dma_start3A_463 = tpu.memref_slice %arg11[%dma_start3A_462] : memref<512xi32, #tpu.memory_space<vmem>> -> memref<64xi32, #tpu.memory_space<vmem>>
    %dma_start3A_464 = arith.constant 0 : i32
    %dma_start3A_465 = tpu.memref_slice %arg8[%dma_start3A_464] : memref<10000xf32, #tpu.memory_space<hbm>> -> memref<10000xf32, #tpu.memory_space<hbm>>
    %dma_start3A_466 = tpu.memref_slice %arg19[%dma_start3A_458] : memref<2x!tpu.dma_semaphore, #tpu.memory_space<semaphore_mem>> -> memref<1x!tpu.dma_semaphore, #tpu.memory_space<semaphore_mem>>
    %dma_start3A_467 = tpu.memref_squeeze %dma_start3A_466 : memref<1x!tpu.dma_semaphore, #tpu.memory_space<semaphore_mem>> -> memref<!tpu.dma_semaphore, #tpu.memory_space<semaphore_mem>>
    tpu.enqueue_indirect_dma source(%dma_start3A_465 : memref<10000xf32, #tpu.memory_space<hbm>>) target(%dma_start3A_461 : memref<64xf32, #tpu.memory_space<vmem>>) offsets(%dma_start3A_463 : memref<64xi32, #tpu.memory_space<vmem>>) semaphore(%dma_start3A_467 : memref<!tpu.dma_semaphore, #tpu.memory_space<semaphore_mem>>)
    %parallel_loop3A_468 = arith.constant 0 : i32
    %parallel_loop3A_469 = arith.constant 64 : i32
    %parallel_loop3A_470 = arith.constant 1 : i32
    %parallel_loop3A_471 = arith.constant 1 : i32
    %parallel_loop3A_472 = arith.constant 1 : i32
    scf.for %parallel_loop3A_844 = %parallel_loop3A_468 to %parallel_loop3A_469 step %parallel_loop3A_470  : i32 {
      %parallel_loop3A_845 = arith.constant 0 : i32
      %parallel_loop3A_846 = arith.constant 0 : i32
      %parallel_loop3A_847 = tpu.memref_slice %arg12[%parallel_loop3A_471, %parallel_loop3A_845, %parallel_loop3A_846] : memref<2x64x128xf32, #tpu.memory_space<vmem>> -> memref<1x64x128xf32, #tpu.memory_space<vmem>>
      %parallel_loop3A_848 = tpu.memref_squeeze %parallel_loop3A_847 : memref<1x64x128xf32, #tpu.memory_space<vmem>> -> memref<64x128xf32, #tpu.memory_space<vmem>>
      %parallel_loop3A_849 = arith.index_cast %parallel_loop3A_844 : i32 to index
      %parallel_loop3A_850 = arith.constant 0 : index
      %parallel_loop3A_851 = tpu.vector_load %parallel_loop3A_848[%parallel_loop3A_849, %parallel_loop3A_850] {strides = array<i32>} : memref<64x128xf32, #tpu.memory_space<vmem>>, vector<16xf32>,
      %parallel_loop3A_852 = arith.constant 0 : i32
      %parallel_loop3A_853 = arith.constant 0 : i32
      %parallel_loop3A_854 = tpu.memref_slice %arg13[%parallel_loop3A_472, %parallel_loop3A_852, %parallel_loop3A_853] : memref<2x64x128xf32, #tpu.memory_space<vmem>> -> memref<1x64x128xf32, #tpu.memory_space<vmem>>
      %parallel_loop3A_855 = tpu.memref_squeeze %parallel_loop3A_854 : memref<1x64x128xf32, #tpu.memory_space<vmem>> -> memref<64x128xf32, #tpu.memory_space<vmem>>
      %parallel_loop3A_856 = arith.index_cast %parallel_loop3A_844 : i32 to index
      %parallel_loop3A_857 = arith.constant 0 : index
      %parallel_loop3A_858 = tpu.vector_load %parallel_loop3A_855[%parallel_loop3A_856, %parallel_loop3A_857] {strides = array<i32>} : memref<64x128xf32, #tpu.memory_space<vmem>>, vector<16xf32>,
      %parallel_loop3A_859 = arith.mulf %parallel_loop3A_851, %parallel_loop3A_858 : vector<16xf32>
      %parallel_loop3A_860 = arith.constant 0 : i32
      %parallel_loop3A_861 = arith.constant 0 : i32
      %parallel_loop3A_862 = tpu.memref_slice %arg12[%parallel_loop3A_471, %parallel_loop3A_860, %parallel_loop3A_861] : memref<2x64x128xf32, #tpu.memory_space<vmem>> -> memref<1x64x128xf32, #tpu.memory_space<vmem>>
      %parallel_loop3A_863 = tpu.memref_squeeze %parallel_loop3A_862 : memref<1x64x128xf32, #tpu.memory_space<vmem>> -> memref<64x128xf32, #tpu.memory_space<vmem>>
      %parallel_loop3A_864 = arith.index_cast %parallel_loop3A_844 : i32 to index
      %parallel_loop3A_865 = arith.constant 16 : index
      %parallel_loop3A_866 = tpu.vector_load %parallel_loop3A_863[%parallel_loop3A_864, %parallel_loop3A_865] {strides = array<i32>} : memref<64x128xf32, #tpu.memory_space<vmem>>, vector<16xf32>,
      %parallel_loop3A_867 = arith.constant 0 : i32
      %parallel_loop3A_868 = arith.constant 0 : i32
      %parallel_loop3A_869 = tpu.memref_slice %arg13[%parallel_loop3A_472, %parallel_loop3A_867, %parallel_loop3A_868] : memref<2x64x128xf32, #tpu.memory_space<vmem>> -> memref<1x64x128xf32, #tpu.memory_space<vmem>>
      %parallel_loop3A_870 = tpu.memref_squeeze %parallel_loop3A_869 : memref<1x64x128xf32, #tpu.memory_space<vmem>> -> memref<64x128xf32, #tpu.memory_space<vmem>>
      %parallel_loop3A_871 = arith.index_cast %parallel_loop3A_844 : i32 to index
      %parallel_loop3A_872 = arith.constant 16 : index
      %parallel_loop3A_873 = tpu.vector_load %parallel_loop3A_870[%parallel_loop3A_871, %parallel_loop3A_872] {strides = array<i32>} : memref<64x128xf32, #tpu.memory_space<vmem>>, vector<16xf32>,
      %parallel_loop3A_874 = arith.mulf %parallel_loop3A_866, %parallel_loop3A_873 : vector<16xf32>
      %parallel_loop3A_875 = arith.addf %parallel_loop3A_859, %parallel_loop3A_874 : vector<16xf32>
      %parallel_loop3A_876 = arith.constant 0 : i32
      %parallel_loop3A_877 = arith.constant 0 : i32
      %parallel_loop3A_878 = tpu.memref_slice %arg12[%parallel_loop3A_471, %parallel_loop3A_876, %parallel_loop3A_877] : memref<2x64x128xf32, #tpu.memory_space<vmem>> -> memref<1x64x128xf32, #tpu.memory_space<vmem>>
      %parallel_loop3A_879 = tpu.memref_squeeze %parallel_loop3A_878 : memref<1x64x128xf32, #tpu.memory_space<vmem>> -> memref<64x128xf32, #tpu.memory_space<vmem>>
      %parallel_loop3A_880 = arith.index_cast %parallel_loop3A_844 : i32 to index
      %parallel_loop3A_881 = arith.constant 32 : index
      %parallel_loop3A_882 = tpu.vector_load %parallel_loop3A_879[%parallel_loop3A_880, %parallel_loop3A_881] {strides = array<i32>} : memref<64x128xf32, #tpu.memory_space<vmem>>, vector<16xf32>,
      %parallel_loop3A_883 = arith.constant 0 : i32
      %parallel_loop3A_884 = arith.constant 0 : i32
      %parallel_loop3A_885 = tpu.memref_slice %arg13[%parallel_loop3A_472, %parallel_loop3A_883, %parallel_loop3A_884] : memref<2x64x128xf32, #tpu.memory_space<vmem>> -> memref<1x64x128xf32, #tpu.memory_space<vmem>>
      %parallel_loop3A_886 = tpu.memref_squeeze %parallel_loop3A_885 : memref<1x64x128xf32, #tpu.memory_space<vmem>> -> memref<64x128xf32, #tpu.memory_space<vmem>>
      %parallel_loop3A_887 = arith.index_cast %parallel_loop3A_844 : i32 to index
      %parallel_loop3A_888 = arith.constant 32 : index
      %parallel_loop3A_889 = tpu.vector_load %parallel_loop3A_886[%parallel_loop3A_887, %parallel_loop3A_888] {strides = array<i32>} : memref<64x128xf32, #tpu.memory_space<vmem>>, vector<16xf32>,
      %parallel_loop3A_890 = arith.mulf %parallel_loop3A_882, %parallel_loop3A_889 : vector<16xf32>
      %parallel_loop3A_891 = arith.addf %parallel_loop3A_875, %parallel_loop3A_890 : vector<16xf32>
      %parallel_loop3A_892 = arith.constant 0 : i32
      %parallel_loop3A_893 = arith.constant 0 : i32
      %parallel_loop3A_894 = tpu.memref_slice %arg12[%parallel_loop3A_471, %parallel_loop3A_892, %parallel_loop3A_893] : memref<2x64x128xf32, #tpu.memory_space<vmem>> -> memref<1x64x128xf32, #tpu.memory_space<vmem>>
      %parallel_loop3A_895 = tpu.memref_squeeze %parallel_loop3A_894 : memref<1x64x128xf32, #tpu.memory_space<vmem>> -> memref<64x128xf32, #tpu.memory_space<vmem>>
      %parallel_loop3A_896 = arith.index_cast %parallel_loop3A_844 : i32 to index
      %parallel_loop3A_897 = arith.constant 48 : index
      %parallel_loop3A_898 = tpu.vector_load %parallel_loop3A_895[%parallel_loop3A_896, %parallel_loop3A_897] {strides = array<i32>} : memref<64x128xf32, #tpu.memory_space<vmem>>, vector<16xf32>,
      %parallel_loop3A_899 = arith.constant 0 : i32
      %parallel_loop3A_900 = arith.constant 0 : i32
      %parallel_loop3A_901 = tpu.memref_slice %arg13[%parallel_loop3A_472, %parallel_loop3A_899, %parallel_loop3A_900] : memref<2x64x128xf32, #tpu.memory_space<vmem>> -> memref<1x64x128xf32, #tpu.memory_space<vmem>>
      %parallel_loop3A_902 = tpu.memref_squeeze %parallel_loop3A_901 : memref<1x64x128xf32, #tpu.memory_space<vmem>> -> memref<64x128xf32, #tpu.memory_space<vmem>>
      %parallel_loop3A_903 = arith.index_cast %parallel_loop3A_844 : i32 to index
      %parallel_loop3A_904 = arith.constant 48 : index
      %parallel_loop3A_905 = tpu.vector_load %parallel_loop3A_902[%parallel_loop3A_903, %parallel_loop3A_904] {strides = array<i32>} : memref<64x128xf32, #tpu.memory_space<vmem>>, vector<16xf32>,
      %parallel_loop3A_906 = arith.mulf %parallel_loop3A_898, %parallel_loop3A_905 : vector<16xf32>
      %parallel_loop3A_907 = arith.addf %parallel_loop3A_891, %parallel_loop3A_906 : vector<16xf32>
      %parallel_loop3A_908 = arith.constant 0 : i32
      %parallel_loop3A_909 = arith.constant 0 : i32
      %parallel_loop3A_910 = tpu.memref_slice %arg12[%parallel_loop3A_471, %parallel_loop3A_908, %parallel_loop3A_909] : memref<2x64x128xf32, #tpu.memory_space<vmem>> -> memref<1x64x128xf32, #tpu.memory_space<vmem>>
      %parallel_loop3A_911 = tpu.memref_squeeze %parallel_loop3A_910 : memref<1x64x128xf32, #tpu.memory_space<vmem>> -> memref<64x128xf32, #tpu.memory_space<vmem>>
      %parallel_loop3A_912 = arith.index_cast %parallel_loop3A_844 : i32 to index
      %parallel_loop3A_913 = arith.constant 64 : index
      %parallel_loop3A_914 = tpu.vector_load %parallel_loop3A_911[%parallel_loop3A_912, %parallel_loop3A_913] {strides = array<i32>} : memref<64x128xf32, #tpu.memory_space<vmem>>, vector<16xf32>,
      %parallel_loop3A_915 = arith.constant 0 : i32
      %parallel_loop3A_916 = arith.constant 0 : i32
      %parallel_loop3A_917 = tpu.memref_slice %arg13[%parallel_loop3A_472, %parallel_loop3A_915, %parallel_loop3A_916] : memref<2x64x128xf32, #tpu.memory_space<vmem>> -> memref<1x64x128xf32, #tpu.memory_space<vmem>>
      %parallel_loop3A_918 = tpu.memref_squeeze %parallel_loop3A_917 : memref<1x64x128xf32, #tpu.memory_space<vmem>> -> memref<64x128xf32, #tpu.memory_space<vmem>>
      %parallel_loop3A_919 = arith.index_cast %parallel_loop3A_844 : i32 to index
      %parallel_loop3A_920 = arith.constant 64 : index
      %parallel_loop3A_921 = tpu.vector_load %parallel_loop3A_918[%parallel_loop3A_919, %parallel_loop3A_920] {strides = array<i32>} : memref<64x128xf32, #tpu.memory_space<vmem>>, vector<16xf32>,
      %parallel_loop3A_922 = arith.mulf %parallel_loop3A_914, %parallel_loop3A_921 : vector<16xf32>
      %parallel_loop3A_923 = arith.addf %parallel_loop3A_907, %parallel_loop3A_922 : vector<16xf32>
      %parallel_loop3A_924 = arith.constant 0 : i32
      %parallel_loop3A_925 = arith.constant 0 : i32
      %parallel_loop3A_926 = tpu.memref_slice %arg12[%parallel_loop3A_471, %parallel_loop3A_924, %parallel_loop3A_925] : memref<2x64x128xf32, #tpu.memory_space<vmem>> -> memref<1x64x128xf32, #tpu.memory_space<vmem>>
      %parallel_loop3A_927 = tpu.memref_squeeze %parallel_loop3A_926 : memref<1x64x128xf32, #tpu.memory_space<vmem>> -> memref<64x128xf32, #tpu.memory_space<vmem>>
      %parallel_loop3A_928 = arith.index_cast %parallel_loop3A_844 : i32 to index
      %parallel_loop3A_929 = arith.constant 80 : index
      %parallel_loop3A_930 = tpu.vector_load %parallel_loop3A_927[%parallel_loop3A_928, %parallel_loop3A_929] {strides = array<i32>} : memref<64x128xf32, #tpu.memory_space<vmem>>, vector<16xf32>,
      %parallel_loop3A_931 = arith.constant 0 : i32
      %parallel_loop3A_932 = arith.constant 0 : i32
      %parallel_loop3A_933 = tpu.memref_slice %arg13[%parallel_loop3A_472, %parallel_loop3A_931, %parallel_loop3A_932] : memref<2x64x128xf32, #tpu.memory_space<vmem>> -> memref<1x64x128xf32, #tpu.memory_space<vmem>>
      %parallel_loop3A_934 = tpu.memref_squeeze %parallel_loop3A_933 : memref<1x64x128xf32, #tpu.memory_space<vmem>> -> memref<64x128xf32, #tpu.memory_space<vmem>>
      %parallel_loop3A_935 = arith.index_cast %parallel_loop3A_844 : i32 to index
      %parallel_loop3A_936 = arith.constant 80 : index
      %parallel_loop3A_937 = tpu.vector_load %parallel_loop3A_934[%parallel_loop3A_935, %parallel_loop3A_936] {strides = array<i32>} : memref<64x128xf32, #tpu.memory_space<vmem>>, vector<16xf32>,
      %parallel_loop3A_938 = arith.mulf %parallel_loop3A_930, %parallel_loop3A_937 : vector<16xf32>
      %parallel_loop3A_939 = arith.addf %parallel_loop3A_923, %parallel_loop3A_938 : vector<16xf32>
      %parallel_loop3A_940 = arith.constant 0 : i32
      %parallel_loop3A_941 = arith.constant 0 : i32
      %parallel_loop3A_942 = tpu.memref_slice %arg12[%parallel_loop3A_471, %parallel_loop3A_940, %parallel_loop3A_941] : memref<2x64x128xf32, #tpu.memory_space<vmem>> -> memref<1x64x128xf32, #tpu.memory_space<vmem>>
      %parallel_loop3A_943 = tpu.memref_squeeze %parallel_loop3A_942 : memref<1x64x128xf32, #tpu.memory_space<vmem>> -> memref<64x128xf32, #tpu.memory_space<vmem>>
      %parallel_loop3A_944 = arith.index_cast %parallel_loop3A_844 : i32 to index
      %parallel_loop3A_945 = arith.constant 96 : index
      %parallel_loop3A_946 = tpu.vector_load %parallel_loop3A_943[%parallel_loop3A_944, %parallel_loop3A_945] {strides = array<i32>} : memref<64x128xf32, #tpu.memory_space<vmem>>, vector<16xf32>,
      %parallel_loop3A_947 = arith.constant 0 : i32
      %parallel_loop3A_948 = arith.constant 0 : i32
      %parallel_loop3A_949 = tpu.memref_slice %arg13[%parallel_loop3A_472, %parallel_loop3A_947, %parallel_loop3A_948] : memref<2x64x128xf32, #tpu.memory_space<vmem>> -> memref<1x64x128xf32, #tpu.memory_space<vmem>>
      %parallel_loop3A_950 = tpu.memref_squeeze %parallel_loop3A_949 : memref<1x64x128xf32, #tpu.memory_space<vmem>> -> memref<64x128xf32, #tpu.memory_space<vmem>>
      %parallel_loop3A_951 = arith.index_cast %parallel_loop3A_844 : i32 to index
      %parallel_loop3A_952 = arith.constant 96 : index
      %parallel_loop3A_953 = tpu.vector_load %parallel_loop3A_950[%parallel_loop3A_951, %parallel_loop3A_952] {strides = array<i32>} : memref<64x128xf32, #tpu.memory_space<vmem>>, vector<16xf32>,
      %parallel_loop3A_954 = arith.mulf %parallel_loop3A_946, %parallel_loop3A_953 : vector<16xf32>
      %parallel_loop3A_955 = arith.addf %parallel_loop3A_939, %parallel_loop3A_954 : vector<16xf32>
      %parallel_loop3A_956 = arith.constant 0 : i32
      %parallel_loop3A_957 = arith.constant 0 : i32
      %parallel_loop3A_958 = tpu.memref_slice %arg12[%parallel_loop3A_471, %parallel_loop3A_956, %parallel_loop3A_957] : memref<2x64x128xf32, #tpu.memory_space<vmem>> -> memref<1x64x128xf32, #tpu.memory_space<vmem>>
      %parallel_loop3A_959 = tpu.memref_squeeze %parallel_loop3A_958 : memref<1x64x128xf32, #tpu.memory_space<vmem>> -> memref<64x128xf32, #tpu.memory_space<vmem>>
      %parallel_loop3A_960 = arith.index_cast %parallel_loop3A_844 : i32 to index
      %parallel_loop3A_961 = arith.constant 112 : index
      %parallel_loop3A_962 = tpu.vector_load %parallel_loop3A_959[%parallel_loop3A_960, %parallel_loop3A_961] {strides = array<i32>} : memref<64x128xf32, #tpu.memory_space<vmem>>, vector<16xf32>,
      %parallel_loop3A_963 = arith.constant 0 : i32
      %parallel_loop3A_964 = arith.constant 0 : i32
      %parallel_loop3A_965 = tpu.memref_slice %arg13[%parallel_loop3A_472, %parallel_loop3A_963, %parallel_loop3A_964] : memref<2x64x128xf32, #tpu.memory_space<vmem>> -> memref<1x64x128xf32, #tpu.memory_space<vmem>>
      %parallel_loop3A_966 = tpu.memref_squeeze %parallel_loop3A_965 : memref<1x64x128xf32, #tpu.memory_space<vmem>> -> memref<64x128xf32, #tpu.memory_space<vmem>>
      %parallel_loop3A_967 = arith.index_cast %parallel_loop3A_844 : i32 to index
      %parallel_loop3A_968 = arith.constant 112 : index
      %parallel_loop3A_969 = tpu.vector_load %parallel_loop3A_966[%parallel_loop3A_967, %parallel_loop3A_968] {strides = array<i32>} : memref<64x128xf32, #tpu.memory_space<vmem>>, vector<16xf32>,
      %parallel_loop3A_970 = arith.mulf %parallel_loop3A_962, %parallel_loop3A_969 : vector<16xf32>
      %parallel_loop3A_971 = arith.addf %parallel_loop3A_955, %parallel_loop3A_970 : vector<16xf32>
      %parallel_loop3A_972 = arith.constant true
      %parallel_loop3A_973 = vector.broadcast %parallel_loop3A_972 : i1 to vector<16xi1>
      %parallel_loop3A_974 = tpu.scan <sum>, %parallel_loop3A_971 masked %parallel_loop3A_973 : vector<16xf32>, vector<16xi1> -> vector<16xf32>
      %parallel_loop3A_975 = vector.broadcast %parallel_loop3A_844 : i32 to vector<16xi32>
      tpu.vector_store_idx %arg17[%parallel_loop3A_975], %parallel_loop3A_974 masked %eq3A : memref<64xf32, #tpu.memory_space<vmem>>[vector<16xi32>], vector<16xf32>, vector<16xi1>
    } {sc.loop_unroll_factor = 1 : i64, sc.parallel_access}
    %parallel_loop3A_473 = arith.constant 0 : i32
    %parallel_loop3A_474 = arith.constant 64 : i32
    %parallel_loop3A_475 = arith.constant 16 : i32
    scf.for %parallel_loop3A_844 = %parallel_loop3A_473 to %parallel_loop3A_474 step %parallel_loop3A_475  : i32 {
      %parallel_loop3A_845 = arith.index_cast %parallel_loop3A_844 : i32 to index
      %parallel_loop3A_846 = tpu.vector_load %arg17[%parallel_loop3A_845] {strides = array<i32>} : memref<64xf32, #tpu.memory_space<vmem>>, vector<16xf32>,
      %parallel_loop3A_847 = arith.constant 1 : i32
      %parallel_loop3A_848 = arith.index_cast %parallel_loop3A_847 : i32 to index
      %parallel_loop3A_849 = arith.index_cast %parallel_loop3A_844 : i32 to index
      %parallel_loop3A_850 = tpu.vector_load %arg14[%parallel_loop3A_848, %parallel_loop3A_849] {strides = array<i32>} : memref<2x64xf32, #tpu.memory_space<vmem>>, vector<16xf32>,
      %parallel_loop3A_851 = arith.addf %parallel_loop3A_846, %parallel_loop3A_850 : vector<16xf32>
      %parallel_loop3A_852 = arith.constant 1 : i32
      %parallel_loop3A_853 = arith.index_cast %parallel_loop3A_852 : i32 to index
      %parallel_loop3A_854 = arith.index_cast %parallel_loop3A_844 : i32 to index
      %parallel_loop3A_855 = tpu.vector_load %arg15[%parallel_loop3A_853, %parallel_loop3A_854] {strides = array<i32>} : memref<2x64xf32, #tpu.memory_space<vmem>>, vector<16xf32>,
      %parallel_loop3A_856 = arith.addf %parallel_loop3A_851, %parallel_loop3A_855 : vector<16xf32>
      %parallel_loop3A_857 = arith.maximumf %parallel_loop3A_856, %broadcast_in_dim3A_5 : vector<16xf32>
      %parallel_loop3A_858 = arith.mulf %parallel_loop3A_857, %get3A_10 : vector<16xf32>
      %parallel_loop3A_859 = arith.addf %parallel_loop3A_858, %get3A_14 : vector<16xf32>
      %parallel_loop3A_860 = arith.constant 0.000000e+00 : f32
      %parallel_loop3A_861 = vector.broadcast %parallel_loop3A_860 : f32 to vector<16xf32>
      %parallel_loop3A_862 = arith.subf %parallel_loop3A_861, %parallel_loop3A_859 : vector<16xf32>
      %parallel_loop3A_863 = math.exp %parallel_loop3A_862 : vector<16xf32>
      %parallel_loop3A_864 = arith.addf %broadcast_in_dim3A_7, %parallel_loop3A_863 : vector<16xf32>
      %parallel_loop3A_865 = arith.divf %broadcast_in_dim3A_7, %parallel_loop3A_864 : vector<16xf32>
      %parallel_loop3A_866 = arith.constant 192 : i32
      %parallel_loop3A_867 = arith.addi %parallel_loop3A_866, %parallel_loop3A_844 : i32
      %parallel_loop3A_868 = arith.index_cast %parallel_loop3A_867 : i32 to index
      %parallel_loop3A_869 = tpu.vector_load %arg18[%parallel_loop3A_868] {strides = array<i32>} : memref<512xf32, #tpu.memory_space<vmem>>, vector<16xf32>,
      tpu.vector_store %arg18[%parallel_loop3A_868], %parallel_loop3A_865 {strides = array<i32>} : memref<512xf32, #tpu.memory_space<vmem>>, vector<16xf32>,
    } {sc.loop_unroll_factor = 1 : i64, sc.parallel_access}
    %dma_wait3A_476 = arith.constant 0 : i32
    %dma_wait3A_477 = arith.constant 0 : i32
    %dma_wait3A_478 = arith.constant 0 : i32
    %dma_wait3A_479 = arith.constant 0 : i32
    %dma_wait3A_480 = tpu.memref_slice %arg12[%dma_wait3A_476, %dma_wait3A_478, %dma_wait3A_479] : memref<2x64x128xf32, #tpu.memory_space<vmem>> -> memref<1x64x128xf32, #tpu.memory_space<vmem>>
    %dma_wait3A_481 = tpu.memref_squeeze %dma_wait3A_480 : memref<1x64x128xf32, #tpu.memory_space<vmem>> -> memref<64x128xf32, #tpu.memory_space<vmem>>
    %dma_wait3A_482 = arith.constant 0 : i32
    %dma_wait3A_483 = tpu.memref_slice %arg10[%dma_wait3A_482] : memref<512xi32, #tpu.memory_space<vmem>> -> memref<64xi32, #tpu.memory_space<vmem>>
    %dma_wait3A_484 = arith.constant 0 : i32
    %dma_wait3A_485 = arith.constant 0 : i32
    %dma_wait3A_486 = tpu.memref_slice %arg5[%dma_wait3A_484, %dma_wait3A_485] : memref<65536x128xf32, #tpu.memory_space<hbm>> -> memref<65536x128xf32, #tpu.memory_space<hbm>>
    %dma_wait3A_487 = tpu.memref_slice %arg19[%dma_wait3A_477] : memref<2x!tpu.dma_semaphore, #tpu.memory_space<semaphore_mem>> -> memref<1x!tpu.dma_semaphore, #tpu.memory_space<semaphore_mem>>
    %dma_wait3A_488 = tpu.memref_squeeze %dma_wait3A_487 : memref<1x!tpu.dma_semaphore, #tpu.memory_space<semaphore_mem>> -> memref<!tpu.dma_semaphore, #tpu.memory_space<semaphore_mem>>
    tpu.wait_indirect_dma semaphore(%dma_wait3A_488 : memref<!tpu.dma_semaphore, #tpu.memory_space<semaphore_mem>>) src(%dma_wait3A_486 : memref<65536x128xf32, #tpu.memory_space<hbm>>) dst(%dma_wait3A_481 : memref<64x128xf32, #tpu.memory_space<vmem>>)
    %dma_wait3A_489 = arith.constant 0 : i32
    %dma_wait3A_490 = arith.constant 0 : i32
    %dma_wait3A_491 = arith.constant 0 : i32
    %dma_wait3A_492 = arith.constant 0 : i32
    %dma_wait3A_493 = tpu.memref_slice %arg13[%dma_wait3A_489, %dma_wait3A_491, %dma_wait3A_492] : memref<2x64x128xf32, #tpu.memory_space<vmem>> -> memref<1x64x128xf32, #tpu.memory_space<vmem>>
    %dma_wait3A_494 = tpu.memref_squeeze %dma_wait3A_493 : memref<1x64x128xf32, #tpu.memory_space<vmem>> -> memref<64x128xf32, #tpu.memory_space<vmem>>
    %dma_wait3A_495 = arith.constant 0 : i32
    %dma_wait3A_496 = tpu.memref_slice %arg11[%dma_wait3A_495] : memref<512xi32, #tpu.memory_space<vmem>> -> memref<64xi32, #tpu.memory_space<vmem>>
    %dma_wait3A_497 = arith.constant 0 : i32
    %dma_wait3A_498 = arith.constant 0 : i32
    %dma_wait3A_499 = tpu.memref_slice %arg6[%dma_wait3A_497, %dma_wait3A_498] : memref<10000x128xf32, #tpu.memory_space<hbm>> -> memref<10000x128xf32, #tpu.memory_space<hbm>>
    %dma_wait3A_500 = tpu.memref_slice %arg19[%dma_wait3A_490] : memref<2x!tpu.dma_semaphore, #tpu.memory_space<semaphore_mem>> -> memref<1x!tpu.dma_semaphore, #tpu.memory_space<semaphore_mem>>
    %dma_wait3A_501 = tpu.memref_squeeze %dma_wait3A_500 : memref<1x!tpu.dma_semaphore, #tpu.memory_space<semaphore_mem>> -> memref<!tpu.dma_semaphore, #tpu.memory_space<semaphore_mem>>
    tpu.wait_indirect_dma semaphore(%dma_wait3A_501 : memref<!tpu.dma_semaphore, #tpu.memory_space<semaphore_mem>>) src(%dma_wait3A_499 : memref<10000x128xf32, #tpu.memory_space<hbm>>) dst(%dma_wait3A_494 : memref<64x128xf32, #tpu.memory_space<vmem>>)
    %dma_wait3A_502 = arith.constant 0 : i32
    %dma_wait3A_503 = arith.constant 0 : i32
    %dma_wait3A_504 = arith.constant 0 : i32
    %dma_wait3A_505 = tpu.memref_slice %arg14[%dma_wait3A_502, %dma_wait3A_504] : memref<2x64xf32, #tpu.memory_space<vmem>> -> memref<1x64xf32, #tpu.memory_space<vmem>>
    %dma_wait3A_506 = tpu.memref_squeeze %dma_wait3A_505 : memref<1x64xf32, #tpu.memory_space<vmem>> -> memref<64xf32, #tpu.memory_space<vmem>>
    %dma_wait3A_507 = arith.constant 0 : i32
    %dma_wait3A_508 = tpu.memref_slice %arg10[%dma_wait3A_507] : memref<512xi32, #tpu.memory_space<vmem>> -> memref<64xi32, #tpu.memory_space<vmem>>
    %dma_wait3A_509 = arith.constant 0 : i32
    %dma_wait3A_510 = tpu.memref_slice %arg7[%dma_wait3A_509] : memref<65536xf32, #tpu.memory_space<hbm>> -> memref<65536xf32, #tpu.memory_space<hbm>>
    %dma_wait3A_511 = tpu.memref_slice %arg19[%dma_wait3A_503] : memref<2x!tpu.dma_semaphore, #tpu.memory_space<semaphore_mem>> -> memref<1x!tpu.dma_semaphore, #tpu.memory_space<semaphore_mem>>
    %dma_wait3A_512 = tpu.memref_squeeze %dma_wait3A_511 : memref<1x!tpu.dma_semaphore, #tpu.memory_space<semaphore_mem>> -> memref<!tpu.dma_semaphore, #tpu.memory_space<semaphore_mem>>
    tpu.wait_indirect_dma semaphore(%dma_wait3A_512 : memref<!tpu.dma_semaphore, #tpu.memory_space<semaphore_mem>>) src(%dma_wait3A_510 : memref<65536xf32, #tpu.memory_space<hbm>>) dst(%dma_wait3A_506 : memref<64xf32, #tpu.memory_space<vmem>>)
    %dma_wait3A_513 = arith.constant 0 : i32
    %dma_wait3A_514 = arith.constant 0 : i32
    %dma_wait3A_515 = arith.constant 0 : i32
    %dma_wait3A_516 = tpu.memref_slice %arg15[%dma_wait3A_513, %dma_wait3A_515] : memref<2x64xf32, #tpu.memory_space<vmem>> -> memref<1x64xf32, #tpu.memory_space<vmem>>
    %dma_wait3A_517 = tpu.memref_squeeze %dma_wait3A_516 : memref<1x64xf32, #tpu.memory_space<vmem>> -> memref<64xf32, #tpu.memory_space<vmem>>
    %dma_wait3A_518 = arith.constant 0 : i32
    %dma_wait3A_519 = tpu.memref_slice %arg11[%dma_wait3A_518] : memref<512xi32, #tpu.memory_space<vmem>> -> memref<64xi32, #tpu.memory_space<vmem>>
    %dma_wait3A_520 = arith.constant 0 : i32
    %dma_wait3A_521 = tpu.memref_slice %arg8[%dma_wait3A_520] : memref<10000xf32, #tpu.memory_space<hbm>> -> memref<10000xf32, #tpu.memory_space<hbm>>
    %dma_wait3A_522 = tpu.memref_slice %arg19[%dma_wait3A_514] : memref<2x!tpu.dma_semaphore, #tpu.memory_space<semaphore_mem>> -> memref<1x!tpu.dma_semaphore, #tpu.memory_space<semaphore_mem>>
    %dma_wait3A_523 = tpu.memref_squeeze %dma_wait3A_522 : memref<1x!tpu.dma_semaphore, #tpu.memory_space<semaphore_mem>> -> memref<!tpu.dma_semaphore, #tpu.memory_space<semaphore_mem>>
    tpu.wait_indirect_dma semaphore(%dma_wait3A_523 : memref<!tpu.dma_semaphore, #tpu.memory_space<semaphore_mem>>) src(%dma_wait3A_521 : memref<10000xf32, #tpu.memory_space<hbm>>) dst(%dma_wait3A_517 : memref<64xf32, #tpu.memory_space<vmem>>)
    %dma_start3A_524 = arith.constant 1 : i32
    %dma_start3A_525 = arith.constant 1 : i32
    %dma_start3A_526 = arith.constant 0 : i32
    %dma_start3A_527 = arith.constant 0 : i32
    %dma_start3A_528 = tpu.memref_slice %arg12[%dma_start3A_524, %dma_start3A_526, %dma_start3A_527] : memref<2x64x128xf32, #tpu.memory_space<vmem>> -> memref<1x64x128xf32, #tpu.memory_space<vmem>>
    %dma_start3A_529 = tpu.memref_squeeze %dma_start3A_528 : memref<1x64x128xf32, #tpu.memory_space<vmem>> -> memref<64x128xf32, #tpu.memory_space<vmem>>
    %dma_start3A_530 = arith.constant 320 : i32
    %dma_start3A_531 = tpu.memref_slice %arg10[%dma_start3A_530] : memref<512xi32, #tpu.memory_space<vmem>> -> memref<64xi32, #tpu.memory_space<vmem>>
    %dma_start3A_532 = arith.constant 0 : i32
    %dma_start3A_533 = arith.constant 0 : i32
    %dma_start3A_534 = tpu.memref_slice %arg5[%dma_start3A_532, %dma_start3A_533] : memref<65536x128xf32, #tpu.memory_space<hbm>> -> memref<65536x128xf32, #tpu.memory_space<hbm>>
    %dma_start3A_535 = tpu.memref_slice %arg19[%dma_start3A_525] : memref<2x!tpu.dma_semaphore, #tpu.memory_space<semaphore_mem>> -> memref<1x!tpu.dma_semaphore, #tpu.memory_space<semaphore_mem>>
    %dma_start3A_536 = tpu.memref_squeeze %dma_start3A_535 : memref<1x!tpu.dma_semaphore, #tpu.memory_space<semaphore_mem>> -> memref<!tpu.dma_semaphore, #tpu.memory_space<semaphore_mem>>
    tpu.enqueue_indirect_dma source(%dma_start3A_534 : memref<65536x128xf32, #tpu.memory_space<hbm>>) target(%dma_start3A_529 : memref<64x128xf32, #tpu.memory_space<vmem>>) offsets(%dma_start3A_531 : memref<64xi32, #tpu.memory_space<vmem>>) semaphore(%dma_start3A_536 : memref<!tpu.dma_semaphore, #tpu.memory_space<semaphore_mem>>)
    %dma_start3A_537 = arith.constant 1 : i32
    %dma_start3A_538 = arith.constant 1 : i32
    %dma_start3A_539 = arith.constant 0 : i32
    %dma_start3A_540 = arith.constant 0 : i32
    %dma_start3A_541 = tpu.memref_slice %arg13[%dma_start3A_537, %dma_start3A_539, %dma_start3A_540] : memref<2x64x128xf32, #tpu.memory_space<vmem>> -> memref<1x64x128xf32, #tpu.memory_space<vmem>>
    %dma_start3A_542 = tpu.memref_squeeze %dma_start3A_541 : memref<1x64x128xf32, #tpu.memory_space<vmem>> -> memref<64x128xf32, #tpu.memory_space<vmem>>
    %dma_start3A_543 = arith.constant 320 : i32
    %dma_start3A_544 = tpu.memref_slice %arg11[%dma_start3A_543] : memref<512xi32, #tpu.memory_space<vmem>> -> memref<64xi32, #tpu.memory_space<vmem>>
    %dma_start3A_545 = arith.constant 0 : i32
    %dma_start3A_546 = arith.constant 0 : i32
    %dma_start3A_547 = tpu.memref_slice %arg6[%dma_start3A_545, %dma_start3A_546] : memref<10000x128xf32, #tpu.memory_space<hbm>> -> memref<10000x128xf32, #tpu.memory_space<hbm>>
    %dma_start3A_548 = tpu.memref_slice %arg19[%dma_start3A_538] : memref<2x!tpu.dma_semaphore, #tpu.memory_space<semaphore_mem>> -> memref<1x!tpu.dma_semaphore, #tpu.memory_space<semaphore_mem>>
    %dma_start3A_549 = tpu.memref_squeeze %dma_start3A_548 : memref<1x!tpu.dma_semaphore, #tpu.memory_space<semaphore_mem>> -> memref<!tpu.dma_semaphore, #tpu.memory_space<semaphore_mem>>
    tpu.enqueue_indirect_dma source(%dma_start3A_547 : memref<10000x128xf32, #tpu.memory_space<hbm>>) target(%dma_start3A_542 : memref<64x128xf32, #tpu.memory_space<vmem>>) offsets(%dma_start3A_544 : memref<64xi32, #tpu.memory_space<vmem>>) semaphore(%dma_start3A_549 : memref<!tpu.dma_semaphore, #tpu.memory_space<semaphore_mem>>)
    %dma_start3A_550 = arith.constant 1 : i32
    %dma_start3A_551 = arith.constant 1 : i32
    %dma_start3A_552 = arith.constant 0 : i32
    %dma_start3A_553 = tpu.memref_slice %arg14[%dma_start3A_550, %dma_start3A_552] : memref<2x64xf32, #tpu.memory_space<vmem>> -> memref<1x64xf32, #tpu.memory_space<vmem>>
    %dma_start3A_554 = tpu.memref_squeeze %dma_start3A_553 : memref<1x64xf32, #tpu.memory_space<vmem>> -> memref<64xf32, #tpu.memory_space<vmem>>
    %dma_start3A_555 = arith.constant 320 : i32
    %dma_start3A_556 = tpu.memref_slice %arg10[%dma_start3A_555] : memref<512xi32, #tpu.memory_space<vmem>> -> memref<64xi32, #tpu.memory_space<vmem>>
    %dma_start3A_557 = arith.constant 0 : i32
    %dma_start3A_558 = tpu.memref_slice %arg7[%dma_start3A_557] : memref<65536xf32, #tpu.memory_space<hbm>> -> memref<65536xf32, #tpu.memory_space<hbm>>
    %dma_start3A_559 = tpu.memref_slice %arg19[%dma_start3A_551] : memref<2x!tpu.dma_semaphore, #tpu.memory_space<semaphore_mem>> -> memref<1x!tpu.dma_semaphore, #tpu.memory_space<semaphore_mem>>
    %dma_start3A_560 = tpu.memref_squeeze %dma_start3A_559 : memref<1x!tpu.dma_semaphore, #tpu.memory_space<semaphore_mem>> -> memref<!tpu.dma_semaphore, #tpu.memory_space<semaphore_mem>>
    tpu.enqueue_indirect_dma source(%dma_start3A_558 : memref<65536xf32, #tpu.memory_space<hbm>>) target(%dma_start3A_554 : memref<64xf32, #tpu.memory_space<vmem>>) offsets(%dma_start3A_556 : memref<64xi32, #tpu.memory_space<vmem>>) semaphore(%dma_start3A_560 : memref<!tpu.dma_semaphore, #tpu.memory_space<semaphore_mem>>)
    %dma_start3A_561 = arith.constant 1 : i32
    %dma_start3A_562 = arith.constant 1 : i32
    %dma_start3A_563 = arith.constant 0 : i32
    %dma_start3A_564 = tpu.memref_slice %arg15[%dma_start3A_561, %dma_start3A_563] : memref<2x64xf32, #tpu.memory_space<vmem>> -> memref<1x64xf32, #tpu.memory_space<vmem>>
    %dma_start3A_565 = tpu.memref_squeeze %dma_start3A_564 : memref<1x64xf32, #tpu.memory_space<vmem>> -> memref<64xf32, #tpu.memory_space<vmem>>
    %dma_start3A_566 = arith.constant 320 : i32
    %dma_start3A_567 = tpu.memref_slice %arg11[%dma_start3A_566] : memref<512xi32, #tpu.memory_space<vmem>> -> memref<64xi32, #tpu.memory_space<vmem>>
    %dma_start3A_568 = arith.constant 0 : i32
    %dma_start3A_569 = tpu.memref_slice %arg8[%dma_start3A_568] : memref<10000xf32, #tpu.memory_space<hbm>> -> memref<10000xf32, #tpu.memory_space<hbm>>
    %dma_start3A_570 = tpu.memref_slice %arg19[%dma_start3A_562] : memref<2x!tpu.dma_semaphore, #tpu.memory_space<semaphore_mem>> -> memref<1x!tpu.dma_semaphore, #tpu.memory_space<semaphore_mem>>
    %dma_start3A_571 = tpu.memref_squeeze %dma_start3A_570 : memref<1x!tpu.dma_semaphore, #tpu.memory_space<semaphore_mem>> -> memref<!tpu.dma_semaphore, #tpu.memory_space<semaphore_mem>>
    tpu.enqueue_indirect_dma source(%dma_start3A_569 : memref<10000xf32, #tpu.memory_space<hbm>>) target(%dma_start3A_565 : memref<64xf32, #tpu.memory_space<vmem>>) offsets(%dma_start3A_567 : memref<64xi32, #tpu.memory_space<vmem>>) semaphore(%dma_start3A_571 : memref<!tpu.dma_semaphore, #tpu.memory_space<semaphore_mem>>)
    %parallel_loop3A_572 = arith.constant 0 : i32
    %parallel_loop3A_573 = arith.constant 64 : i32
    %parallel_loop3A_574 = arith.constant 1 : i32
    %parallel_loop3A_575 = arith.constant 0 : i32
    %parallel_loop3A_576 = arith.constant 0 : i32
    scf.for %parallel_loop3A_844 = %parallel_loop3A_572 to %parallel_loop3A_573 step %parallel_loop3A_574  : i32 {
      %parallel_loop3A_845 = arith.constant 0 : i32
      %parallel_loop3A_846 = arith.constant 0 : i32
      %parallel_loop3A_847 = tpu.memref_slice %arg12[%parallel_loop3A_575, %parallel_loop3A_845, %parallel_loop3A_846] : memref<2x64x128xf32, #tpu.memory_space<vmem>> -> memref<1x64x128xf32, #tpu.memory_space<vmem>>
      %parallel_loop3A_848 = tpu.memref_squeeze %parallel_loop3A_847 : memref<1x64x128xf32, #tpu.memory_space<vmem>> -> memref<64x128xf32, #tpu.memory_space<vmem>>
      %parallel_loop3A_849 = arith.index_cast %parallel_loop3A_844 : i32 to index
      %parallel_loop3A_850 = arith.constant 0 : index
      %parallel_loop3A_851 = tpu.vector_load %parallel_loop3A_848[%parallel_loop3A_849, %parallel_loop3A_850] {strides = array<i32>} : memref<64x128xf32, #tpu.memory_space<vmem>>, vector<16xf32>,
      %parallel_loop3A_852 = arith.constant 0 : i32
      %parallel_loop3A_853 = arith.constant 0 : i32
      %parallel_loop3A_854 = tpu.memref_slice %arg13[%parallel_loop3A_576, %parallel_loop3A_852, %parallel_loop3A_853] : memref<2x64x128xf32, #tpu.memory_space<vmem>> -> memref<1x64x128xf32, #tpu.memory_space<vmem>>
      %parallel_loop3A_855 = tpu.memref_squeeze %parallel_loop3A_854 : memref<1x64x128xf32, #tpu.memory_space<vmem>> -> memref<64x128xf32, #tpu.memory_space<vmem>>
      %parallel_loop3A_856 = arith.index_cast %parallel_loop3A_844 : i32 to index
      %parallel_loop3A_857 = arith.constant 0 : index
      %parallel_loop3A_858 = tpu.vector_load %parallel_loop3A_855[%parallel_loop3A_856, %parallel_loop3A_857] {strides = array<i32>} : memref<64x128xf32, #tpu.memory_space<vmem>>, vector<16xf32>,
      %parallel_loop3A_859 = arith.mulf %parallel_loop3A_851, %parallel_loop3A_858 : vector<16xf32>
      %parallel_loop3A_860 = arith.constant 0 : i32
      %parallel_loop3A_861 = arith.constant 0 : i32
      %parallel_loop3A_862 = tpu.memref_slice %arg12[%parallel_loop3A_575, %parallel_loop3A_860, %parallel_loop3A_861] : memref<2x64x128xf32, #tpu.memory_space<vmem>> -> memref<1x64x128xf32, #tpu.memory_space<vmem>>
      %parallel_loop3A_863 = tpu.memref_squeeze %parallel_loop3A_862 : memref<1x64x128xf32, #tpu.memory_space<vmem>> -> memref<64x128xf32, #tpu.memory_space<vmem>>
      %parallel_loop3A_864 = arith.index_cast %parallel_loop3A_844 : i32 to index
      %parallel_loop3A_865 = arith.constant 16 : index
      %parallel_loop3A_866 = tpu.vector_load %parallel_loop3A_863[%parallel_loop3A_864, %parallel_loop3A_865] {strides = array<i32>} : memref<64x128xf32, #tpu.memory_space<vmem>>, vector<16xf32>,
      %parallel_loop3A_867 = arith.constant 0 : i32
      %parallel_loop3A_868 = arith.constant 0 : i32
      %parallel_loop3A_869 = tpu.memref_slice %arg13[%parallel_loop3A_576, %parallel_loop3A_867, %parallel_loop3A_868] : memref<2x64x128xf32, #tpu.memory_space<vmem>> -> memref<1x64x128xf32, #tpu.memory_space<vmem>>
      %parallel_loop3A_870 = tpu.memref_squeeze %parallel_loop3A_869 : memref<1x64x128xf32, #tpu.memory_space<vmem>> -> memref<64x128xf32, #tpu.memory_space<vmem>>
      %parallel_loop3A_871 = arith.index_cast %parallel_loop3A_844 : i32 to index
      %parallel_loop3A_872 = arith.constant 16 : index
      %parallel_loop3A_873 = tpu.vector_load %parallel_loop3A_870[%parallel_loop3A_871, %parallel_loop3A_872] {strides = array<i32>} : memref<64x128xf32, #tpu.memory_space<vmem>>, vector<16xf32>,
      %parallel_loop3A_874 = arith.mulf %parallel_loop3A_866, %parallel_loop3A_873 : vector<16xf32>
      %parallel_loop3A_875 = arith.addf %parallel_loop3A_859, %parallel_loop3A_874 : vector<16xf32>
      %parallel_loop3A_876 = arith.constant 0 : i32
      %parallel_loop3A_877 = arith.constant 0 : i32
      %parallel_loop3A_878 = tpu.memref_slice %arg12[%parallel_loop3A_575, %parallel_loop3A_876, %parallel_loop3A_877] : memref<2x64x128xf32, #tpu.memory_space<vmem>> -> memref<1x64x128xf32, #tpu.memory_space<vmem>>
      %parallel_loop3A_879 = tpu.memref_squeeze %parallel_loop3A_878 : memref<1x64x128xf32, #tpu.memory_space<vmem>> -> memref<64x128xf32, #tpu.memory_space<vmem>>
      %parallel_loop3A_880 = arith.index_cast %parallel_loop3A_844 : i32 to index
      %parallel_loop3A_881 = arith.constant 32 : index
      %parallel_loop3A_882 = tpu.vector_load %parallel_loop3A_879[%parallel_loop3A_880, %parallel_loop3A_881] {strides = array<i32>} : memref<64x128xf32, #tpu.memory_space<vmem>>, vector<16xf32>,
      %parallel_loop3A_883 = arith.constant 0 : i32
      %parallel_loop3A_884 = arith.constant 0 : i32
      %parallel_loop3A_885 = tpu.memref_slice %arg13[%parallel_loop3A_576, %parallel_loop3A_883, %parallel_loop3A_884] : memref<2x64x128xf32, #tpu.memory_space<vmem>> -> memref<1x64x128xf32, #tpu.memory_space<vmem>>
      %parallel_loop3A_886 = tpu.memref_squeeze %parallel_loop3A_885 : memref<1x64x128xf32, #tpu.memory_space<vmem>> -> memref<64x128xf32, #tpu.memory_space<vmem>>
      %parallel_loop3A_887 = arith.index_cast %parallel_loop3A_844 : i32 to index
      %parallel_loop3A_888 = arith.constant 32 : index
      %parallel_loop3A_889 = tpu.vector_load %parallel_loop3A_886[%parallel_loop3A_887, %parallel_loop3A_888] {strides = array<i32>} : memref<64x128xf32, #tpu.memory_space<vmem>>, vector<16xf32>,
      %parallel_loop3A_890 = arith.mulf %parallel_loop3A_882, %parallel_loop3A_889 : vector<16xf32>
      %parallel_loop3A_891 = arith.addf %parallel_loop3A_875, %parallel_loop3A_890 : vector<16xf32>
      %parallel_loop3A_892 = arith.constant 0 : i32
      %parallel_loop3A_893 = arith.constant 0 : i32
      %parallel_loop3A_894 = tpu.memref_slice %arg12[%parallel_loop3A_575, %parallel_loop3A_892, %parallel_loop3A_893] : memref<2x64x128xf32, #tpu.memory_space<vmem>> -> memref<1x64x128xf32, #tpu.memory_space<vmem>>
      %parallel_loop3A_895 = tpu.memref_squeeze %parallel_loop3A_894 : memref<1x64x128xf32, #tpu.memory_space<vmem>> -> memref<64x128xf32, #tpu.memory_space<vmem>>
      %parallel_loop3A_896 = arith.index_cast %parallel_loop3A_844 : i32 to index
      %parallel_loop3A_897 = arith.constant 48 : index
      %parallel_loop3A_898 = tpu.vector_load %parallel_loop3A_895[%parallel_loop3A_896, %parallel_loop3A_897] {strides = array<i32>} : memref<64x128xf32, #tpu.memory_space<vmem>>, vector<16xf32>,
      %parallel_loop3A_899 = arith.constant 0 : i32
      %parallel_loop3A_900 = arith.constant 0 : i32
      %parallel_loop3A_901 = tpu.memref_slice %arg13[%parallel_loop3A_576, %parallel_loop3A_899, %parallel_loop3A_900] : memref<2x64x128xf32, #tpu.memory_space<vmem>> -> memref<1x64x128xf32, #tpu.memory_space<vmem>>
      %parallel_loop3A_902 = tpu.memref_squeeze %parallel_loop3A_901 : memref<1x64x128xf32, #tpu.memory_space<vmem>> -> memref<64x128xf32, #tpu.memory_space<vmem>>
      %parallel_loop3A_903 = arith.index_cast %parallel_loop3A_844 : i32 to index
      %parallel_loop3A_904 = arith.constant 48 : index
      %parallel_loop3A_905 = tpu.vector_load %parallel_loop3A_902[%parallel_loop3A_903, %parallel_loop3A_904] {strides = array<i32>} : memref<64x128xf32, #tpu.memory_space<vmem>>, vector<16xf32>,
      %parallel_loop3A_906 = arith.mulf %parallel_loop3A_898, %parallel_loop3A_905 : vector<16xf32>
      %parallel_loop3A_907 = arith.addf %parallel_loop3A_891, %parallel_loop3A_906 : vector<16xf32>
      %parallel_loop3A_908 = arith.constant 0 : i32
      %parallel_loop3A_909 = arith.constant 0 : i32
      %parallel_loop3A_910 = tpu.memref_slice %arg12[%parallel_loop3A_575, %parallel_loop3A_908, %parallel_loop3A_909] : memref<2x64x128xf32, #tpu.memory_space<vmem>> -> memref<1x64x128xf32, #tpu.memory_space<vmem>>
      %parallel_loop3A_911 = tpu.memref_squeeze %parallel_loop3A_910 : memref<1x64x128xf32, #tpu.memory_space<vmem>> -> memref<64x128xf32, #tpu.memory_space<vmem>>
      %parallel_loop3A_912 = arith.index_cast %parallel_loop3A_844 : i32 to index
      %parallel_loop3A_913 = arith.constant 64 : index
      %parallel_loop3A_914 = tpu.vector_load %parallel_loop3A_911[%parallel_loop3A_912, %parallel_loop3A_913] {strides = array<i32>} : memref<64x128xf32, #tpu.memory_space<vmem>>, vector<16xf32>,
      %parallel_loop3A_915 = arith.constant 0 : i32
      %parallel_loop3A_916 = arith.constant 0 : i32
      %parallel_loop3A_917 = tpu.memref_slice %arg13[%parallel_loop3A_576, %parallel_loop3A_915, %parallel_loop3A_916] : memref<2x64x128xf32, #tpu.memory_space<vmem>> -> memref<1x64x128xf32, #tpu.memory_space<vmem>>
      %parallel_loop3A_918 = tpu.memref_squeeze %parallel_loop3A_917 : memref<1x64x128xf32, #tpu.memory_space<vmem>> -> memref<64x128xf32, #tpu.memory_space<vmem>>
      %parallel_loop3A_919 = arith.index_cast %parallel_loop3A_844 : i32 to index
      %parallel_loop3A_920 = arith.constant 64 : index
      %parallel_loop3A_921 = tpu.vector_load %parallel_loop3A_918[%parallel_loop3A_919, %parallel_loop3A_920] {strides = array<i32>} : memref<64x128xf32, #tpu.memory_space<vmem>>, vector<16xf32>,
      %parallel_loop3A_922 = arith.mulf %parallel_loop3A_914, %parallel_loop3A_921 : vector<16xf32>
      %parallel_loop3A_923 = arith.addf %parallel_loop3A_907, %parallel_loop3A_922 : vector<16xf32>
      %parallel_loop3A_924 = arith.constant 0 : i32
      %parallel_loop3A_925 = arith.constant 0 : i32
      %parallel_loop3A_926 = tpu.memref_slice %arg12[%parallel_loop3A_575, %parallel_loop3A_924, %parallel_loop3A_925] : memref<2x64x128xf32, #tpu.memory_space<vmem>> -> memref<1x64x128xf32, #tpu.memory_space<vmem>>
      %parallel_loop3A_927 = tpu.memref_squeeze %parallel_loop3A_926 : memref<1x64x128xf32, #tpu.memory_space<vmem>> -> memref<64x128xf32, #tpu.memory_space<vmem>>
      %parallel_loop3A_928 = arith.index_cast %parallel_loop3A_844 : i32 to index
      %parallel_loop3A_929 = arith.constant 80 : index
      %parallel_loop3A_930 = tpu.vector_load %parallel_loop3A_927[%parallel_loop3A_928, %parallel_loop3A_929] {strides = array<i32>} : memref<64x128xf32, #tpu.memory_space<vmem>>, vector<16xf32>,
      %parallel_loop3A_931 = arith.constant 0 : i32
      %parallel_loop3A_932 = arith.constant 0 : i32
      %parallel_loop3A_933 = tpu.memref_slice %arg13[%parallel_loop3A_576, %parallel_loop3A_931, %parallel_loop3A_932] : memref<2x64x128xf32, #tpu.memory_space<vmem>> -> memref<1x64x128xf32, #tpu.memory_space<vmem>>
      %parallel_loop3A_934 = tpu.memref_squeeze %parallel_loop3A_933 : memref<1x64x128xf32, #tpu.memory_space<vmem>> -> memref<64x128xf32, #tpu.memory_space<vmem>>
      %parallel_loop3A_935 = arith.index_cast %parallel_loop3A_844 : i32 to index
      %parallel_loop3A_936 = arith.constant 80 : index
      %parallel_loop3A_937 = tpu.vector_load %parallel_loop3A_934[%parallel_loop3A_935, %parallel_loop3A_936] {strides = array<i32>} : memref<64x128xf32, #tpu.memory_space<vmem>>, vector<16xf32>,
      %parallel_loop3A_938 = arith.mulf %parallel_loop3A_930, %parallel_loop3A_937 : vector<16xf32>
      %parallel_loop3A_939 = arith.addf %parallel_loop3A_923, %parallel_loop3A_938 : vector<16xf32>
      %parallel_loop3A_940 = arith.constant 0 : i32
      %parallel_loop3A_941 = arith.constant 0 : i32
      %parallel_loop3A_942 = tpu.memref_slice %arg12[%parallel_loop3A_575, %parallel_loop3A_940, %parallel_loop3A_941] : memref<2x64x128xf32, #tpu.memory_space<vmem>> -> memref<1x64x128xf32, #tpu.memory_space<vmem>>
      %parallel_loop3A_943 = tpu.memref_squeeze %parallel_loop3A_942 : memref<1x64x128xf32, #tpu.memory_space<vmem>> -> memref<64x128xf32, #tpu.memory_space<vmem>>
      %parallel_loop3A_944 = arith.index_cast %parallel_loop3A_844 : i32 to index
      %parallel_loop3A_945 = arith.constant 96 : index
      %parallel_loop3A_946 = tpu.vector_load %parallel_loop3A_943[%parallel_loop3A_944, %parallel_loop3A_945] {strides = array<i32>} : memref<64x128xf32, #tpu.memory_space<vmem>>, vector<16xf32>,
      %parallel_loop3A_947 = arith.constant 0 : i32
      %parallel_loop3A_948 = arith.constant 0 : i32
      %parallel_loop3A_949 = tpu.memref_slice %arg13[%parallel_loop3A_576, %parallel_loop3A_947, %parallel_loop3A_948] : memref<2x64x128xf32, #tpu.memory_space<vmem>> -> memref<1x64x128xf32, #tpu.memory_space<vmem>>
      %parallel_loop3A_950 = tpu.memref_squeeze %parallel_loop3A_949 : memref<1x64x128xf32, #tpu.memory_space<vmem>> -> memref<64x128xf32, #tpu.memory_space<vmem>>
      %parallel_loop3A_951 = arith.index_cast %parallel_loop3A_844 : i32 to index
      %parallel_loop3A_952 = arith.constant 96 : index
      %parallel_loop3A_953 = tpu.vector_load %parallel_loop3A_950[%parallel_loop3A_951, %parallel_loop3A_952] {strides = array<i32>} : memref<64x128xf32, #tpu.memory_space<vmem>>, vector<16xf32>,
      %parallel_loop3A_954 = arith.mulf %parallel_loop3A_946, %parallel_loop3A_953 : vector<16xf32>
      %parallel_loop3A_955 = arith.addf %parallel_loop3A_939, %parallel_loop3A_954 : vector<16xf32>
      %parallel_loop3A_956 = arith.constant 0 : i32
      %parallel_loop3A_957 = arith.constant 0 : i32
      %parallel_loop3A_958 = tpu.memref_slice %arg12[%parallel_loop3A_575, %parallel_loop3A_956, %parallel_loop3A_957] : memref<2x64x128xf32, #tpu.memory_space<vmem>> -> memref<1x64x128xf32, #tpu.memory_space<vmem>>
      %parallel_loop3A_959 = tpu.memref_squeeze %parallel_loop3A_958 : memref<1x64x128xf32, #tpu.memory_space<vmem>> -> memref<64x128xf32, #tpu.memory_space<vmem>>
      %parallel_loop3A_960 = arith.index_cast %parallel_loop3A_844 : i32 to index
      %parallel_loop3A_961 = arith.constant 112 : index
      %parallel_loop3A_962 = tpu.vector_load %parallel_loop3A_959[%parallel_loop3A_960, %parallel_loop3A_961] {strides = array<i32>} : memref<64x128xf32, #tpu.memory_space<vmem>>, vector<16xf32>,
      %parallel_loop3A_963 = arith.constant 0 : i32
      %parallel_loop3A_964 = arith.constant 0 : i32
      %parallel_loop3A_965 = tpu.memref_slice %arg13[%parallel_loop3A_576, %parallel_loop3A_963, %parallel_loop3A_964] : memref<2x64x128xf32, #tpu.memory_space<vmem>> -> memref<1x64x128xf32, #tpu.memory_space<vmem>>
      %parallel_loop3A_966 = tpu.memref_squeeze %parallel_loop3A_965 : memref<1x64x128xf32, #tpu.memory_space<vmem>> -> memref<64x128xf32, #tpu.memory_space<vmem>>
      %parallel_loop3A_967 = arith.index_cast %parallel_loop3A_844 : i32 to index
      %parallel_loop3A_968 = arith.constant 112 : index
      %parallel_loop3A_969 = tpu.vector_load %parallel_loop3A_966[%parallel_loop3A_967, %parallel_loop3A_968] {strides = array<i32>} : memref<64x128xf32, #tpu.memory_space<vmem>>, vector<16xf32>,
      %parallel_loop3A_970 = arith.mulf %parallel_loop3A_962, %parallel_loop3A_969 : vector<16xf32>
      %parallel_loop3A_971 = arith.addf %parallel_loop3A_955, %parallel_loop3A_970 : vector<16xf32>
      %parallel_loop3A_972 = arith.constant true
      %parallel_loop3A_973 = vector.broadcast %parallel_loop3A_972 : i1 to vector<16xi1>
      %parallel_loop3A_974 = tpu.scan <sum>, %parallel_loop3A_971 masked %parallel_loop3A_973 : vector<16xf32>, vector<16xi1> -> vector<16xf32>
      %parallel_loop3A_975 = vector.broadcast %parallel_loop3A_844 : i32 to vector<16xi32>
      tpu.vector_store_idx %arg17[%parallel_loop3A_975], %parallel_loop3A_974 masked %eq3A : memref<64xf32, #tpu.memory_space<vmem>>[vector<16xi32>], vector<16xf32>, vector<16xi1>
    } {sc.loop_unroll_factor = 1 : i64, sc.parallel_access}
    %parallel_loop3A_577 = arith.constant 0 : i32
    %parallel_loop3A_578 = arith.constant 64 : i32
    %parallel_loop3A_579 = arith.constant 16 : i32
    scf.for %parallel_loop3A_844 = %parallel_loop3A_577 to %parallel_loop3A_578 step %parallel_loop3A_579  : i32 {
      %parallel_loop3A_845 = arith.index_cast %parallel_loop3A_844 : i32 to index
      %parallel_loop3A_846 = tpu.vector_load %arg17[%parallel_loop3A_845] {strides = array<i32>} : memref<64xf32, #tpu.memory_space<vmem>>, vector<16xf32>,
      %parallel_loop3A_847 = arith.constant 0 : i32
      %parallel_loop3A_848 = arith.index_cast %parallel_loop3A_847 : i32 to index
      %parallel_loop3A_849 = arith.index_cast %parallel_loop3A_844 : i32 to index
      %parallel_loop3A_850 = tpu.vector_load %arg14[%parallel_loop3A_848, %parallel_loop3A_849] {strides = array<i32>} : memref<2x64xf32, #tpu.memory_space<vmem>>, vector<16xf32>,
      %parallel_loop3A_851 = arith.addf %parallel_loop3A_846, %parallel_loop3A_850 : vector<16xf32>
      %parallel_loop3A_852 = arith.constant 0 : i32
      %parallel_loop3A_853 = arith.index_cast %parallel_loop3A_852 : i32 to index
      %parallel_loop3A_854 = arith.index_cast %parallel_loop3A_844 : i32 to index
      %parallel_loop3A_855 = tpu.vector_load %arg15[%parallel_loop3A_853, %parallel_loop3A_854] {strides = array<i32>} : memref<2x64xf32, #tpu.memory_space<vmem>>, vector<16xf32>,
      %parallel_loop3A_856 = arith.addf %parallel_loop3A_851, %parallel_loop3A_855 : vector<16xf32>
      %parallel_loop3A_857 = arith.maximumf %parallel_loop3A_856, %broadcast_in_dim3A_5 : vector<16xf32>
      %parallel_loop3A_858 = arith.mulf %parallel_loop3A_857, %get3A_10 : vector<16xf32>
      %parallel_loop3A_859 = arith.addf %parallel_loop3A_858, %get3A_14 : vector<16xf32>
      %parallel_loop3A_860 = arith.constant 0.000000e+00 : f32
      %parallel_loop3A_861 = vector.broadcast %parallel_loop3A_860 : f32 to vector<16xf32>
      %parallel_loop3A_862 = arith.subf %parallel_loop3A_861, %parallel_loop3A_859 : vector<16xf32>
      %parallel_loop3A_863 = math.exp %parallel_loop3A_862 : vector<16xf32>
      %parallel_loop3A_864 = arith.addf %broadcast_in_dim3A_7, %parallel_loop3A_863 : vector<16xf32>
      %parallel_loop3A_865 = arith.divf %broadcast_in_dim3A_7, %parallel_loop3A_864 : vector<16xf32>
      %parallel_loop3A_866 = arith.constant 256 : i32
      %parallel_loop3A_867 = arith.addi %parallel_loop3A_866, %parallel_loop3A_844 : i32
      %parallel_loop3A_868 = arith.index_cast %parallel_loop3A_867 : i32 to index
      %parallel_loop3A_869 = tpu.vector_load %arg18[%parallel_loop3A_868] {strides = array<i32>} : memref<512xf32, #tpu.memory_space<vmem>>, vector<16xf32>,
      tpu.vector_store %arg18[%parallel_loop3A_868], %parallel_loop3A_865 {strides = array<i32>} : memref<512xf32, #tpu.memory_space<vmem>>, vector<16xf32>,
    } {sc.loop_unroll_factor = 1 : i64, sc.parallel_access}
    %dma_wait3A_580 = arith.constant 1 : i32
    %dma_wait3A_581 = arith.constant 1 : i32
    %dma_wait3A_582 = arith.constant 0 : i32
    %dma_wait3A_583 = arith.constant 0 : i32
    %dma_wait3A_584 = tpu.memref_slice %arg12[%dma_wait3A_580, %dma_wait3A_582, %dma_wait3A_583] : memref<2x64x128xf32, #tpu.memory_space<vmem>> -> memref<1x64x128xf32, #tpu.memory_space<vmem>>
    %dma_wait3A_585 = tpu.memref_squeeze %dma_wait3A_584 : memref<1x64x128xf32, #tpu.memory_space<vmem>> -> memref<64x128xf32, #tpu.memory_space<vmem>>
    %dma_wait3A_586 = arith.constant 0 : i32
    %dma_wait3A_587 = tpu.memref_slice %arg10[%dma_wait3A_586] : memref<512xi32, #tpu.memory_space<vmem>> -> memref<64xi32, #tpu.memory_space<vmem>>
    %dma_wait3A_588 = arith.constant 0 : i32
    %dma_wait3A_589 = arith.constant 0 : i32
    %dma_wait3A_590 = tpu.memref_slice %arg5[%dma_wait3A_588, %dma_wait3A_589] : memref<65536x128xf32, #tpu.memory_space<hbm>> -> memref<65536x128xf32, #tpu.memory_space<hbm>>
    %dma_wait3A_591 = tpu.memref_slice %arg19[%dma_wait3A_581] : memref<2x!tpu.dma_semaphore, #tpu.memory_space<semaphore_mem>> -> memref<1x!tpu.dma_semaphore, #tpu.memory_space<semaphore_mem>>
    %dma_wait3A_592 = tpu.memref_squeeze %dma_wait3A_591 : memref<1x!tpu.dma_semaphore, #tpu.memory_space<semaphore_mem>> -> memref<!tpu.dma_semaphore, #tpu.memory_space<semaphore_mem>>
    tpu.wait_indirect_dma semaphore(%dma_wait3A_592 : memref<!tpu.dma_semaphore, #tpu.memory_space<semaphore_mem>>) src(%dma_wait3A_590 : memref<65536x128xf32, #tpu.memory_space<hbm>>) dst(%dma_wait3A_585 : memref<64x128xf32, #tpu.memory_space<vmem>>)
    %dma_wait3A_593 = arith.constant 1 : i32
    %dma_wait3A_594 = arith.constant 1 : i32
    %dma_wait3A_595 = arith.constant 0 : i32
    %dma_wait3A_596 = arith.constant 0 : i32
    %dma_wait3A_597 = tpu.memref_slice %arg13[%dma_wait3A_593, %dma_wait3A_595, %dma_wait3A_596] : memref<2x64x128xf32, #tpu.memory_space<vmem>> -> memref<1x64x128xf32, #tpu.memory_space<vmem>>
    %dma_wait3A_598 = tpu.memref_squeeze %dma_wait3A_597 : memref<1x64x128xf32, #tpu.memory_space<vmem>> -> memref<64x128xf32, #tpu.memory_space<vmem>>
    %dma_wait3A_599 = arith.constant 0 : i32
    %dma_wait3A_600 = tpu.memref_slice %arg11[%dma_wait3A_599] : memref<512xi32, #tpu.memory_space<vmem>> -> memref<64xi32, #tpu.memory_space<vmem>>
    %dma_wait3A_601 = arith.constant 0 : i32
    %dma_wait3A_602 = arith.constant 0 : i32
    %dma_wait3A_603 = tpu.memref_slice %arg6[%dma_wait3A_601, %dma_wait3A_602] : memref<10000x128xf32, #tpu.memory_space<hbm>> -> memref<10000x128xf32, #tpu.memory_space<hbm>>
    %dma_wait3A_604 = tpu.memref_slice %arg19[%dma_wait3A_594] : memref<2x!tpu.dma_semaphore, #tpu.memory_space<semaphore_mem>> -> memref<1x!tpu.dma_semaphore, #tpu.memory_space<semaphore_mem>>
    %dma_wait3A_605 = tpu.memref_squeeze %dma_wait3A_604 : memref<1x!tpu.dma_semaphore, #tpu.memory_space<semaphore_mem>> -> memref<!tpu.dma_semaphore, #tpu.memory_space<semaphore_mem>>
    tpu.wait_indirect_dma semaphore(%dma_wait3A_605 : memref<!tpu.dma_semaphore, #tpu.memory_space<semaphore_mem>>) src(%dma_wait3A_603 : memref<10000x128xf32, #tpu.memory_space<hbm>>) dst(%dma_wait3A_598 : memref<64x128xf32, #tpu.memory_space<vmem>>)
    %dma_wait3A_606 = arith.constant 1 : i32
    %dma_wait3A_607 = arith.constant 1 : i32
    %dma_wait3A_608 = arith.constant 0 : i32
    %dma_wait3A_609 = tpu.memref_slice %arg14[%dma_wait3A_606, %dma_wait3A_608] : memref<2x64xf32, #tpu.memory_space<vmem>> -> memref<1x64xf32, #tpu.memory_space<vmem>>
    %dma_wait3A_610 = tpu.memref_squeeze %dma_wait3A_609 : memref<1x64xf32, #tpu.memory_space<vmem>> -> memref<64xf32, #tpu.memory_space<vmem>>
    %dma_wait3A_611 = arith.constant 0 : i32
    %dma_wait3A_612 = tpu.memref_slice %arg10[%dma_wait3A_611] : memref<512xi32, #tpu.memory_space<vmem>> -> memref<64xi32, #tpu.memory_space<vmem>>
    %dma_wait3A_613 = arith.constant 0 : i32
    %dma_wait3A_614 = tpu.memref_slice %arg7[%dma_wait3A_613] : memref<65536xf32, #tpu.memory_space<hbm>> -> memref<65536xf32, #tpu.memory_space<hbm>>
    %dma_wait3A_615 = tpu.memref_slice %arg19[%dma_wait3A_607] : memref<2x!tpu.dma_semaphore, #tpu.memory_space<semaphore_mem>> -> memref<1x!tpu.dma_semaphore, #tpu.memory_space<semaphore_mem>>
    %dma_wait3A_616 = tpu.memref_squeeze %dma_wait3A_615 : memref<1x!tpu.dma_semaphore, #tpu.memory_space<semaphore_mem>> -> memref<!tpu.dma_semaphore, #tpu.memory_space<semaphore_mem>>
    tpu.wait_indirect_dma semaphore(%dma_wait3A_616 : memref<!tpu.dma_semaphore, #tpu.memory_space<semaphore_mem>>) src(%dma_wait3A_614 : memref<65536xf32, #tpu.memory_space<hbm>>) dst(%dma_wait3A_610 : memref<64xf32, #tpu.memory_space<vmem>>)
    %dma_wait3A_617 = arith.constant 1 : i32
    %dma_wait3A_618 = arith.constant 1 : i32
    %dma_wait3A_619 = arith.constant 0 : i32
    %dma_wait3A_620 = tpu.memref_slice %arg15[%dma_wait3A_617, %dma_wait3A_619] : memref<2x64xf32, #tpu.memory_space<vmem>> -> memref<1x64xf32, #tpu.memory_space<vmem>>
    %dma_wait3A_621 = tpu.memref_squeeze %dma_wait3A_620 : memref<1x64xf32, #tpu.memory_space<vmem>> -> memref<64xf32, #tpu.memory_space<vmem>>
    %dma_wait3A_622 = arith.constant 0 : i32
    %dma_wait3A_623 = tpu.memref_slice %arg11[%dma_wait3A_622] : memref<512xi32, #tpu.memory_space<vmem>> -> memref<64xi32, #tpu.memory_space<vmem>>
    %dma_wait3A_624 = arith.constant 0 : i32
    %dma_wait3A_625 = tpu.memref_slice %arg8[%dma_wait3A_624] : memref<10000xf32, #tpu.memory_space<hbm>> -> memref<10000xf32, #tpu.memory_space<hbm>>
    %dma_wait3A_626 = tpu.memref_slice %arg19[%dma_wait3A_618] : memref<2x!tpu.dma_semaphore, #tpu.memory_space<semaphore_mem>> -> memref<1x!tpu.dma_semaphore, #tpu.memory_space<semaphore_mem>>
    %dma_wait3A_627 = tpu.memref_squeeze %dma_wait3A_626 : memref<1x!tpu.dma_semaphore, #tpu.memory_space<semaphore_mem>> -> memref<!tpu.dma_semaphore, #tpu.memory_space<semaphore_mem>>
    tpu.wait_indirect_dma semaphore(%dma_wait3A_627 : memref<!tpu.dma_semaphore, #tpu.memory_space<semaphore_mem>>) src(%dma_wait3A_625 : memref<10000xf32, #tpu.memory_space<hbm>>) dst(%dma_wait3A_621 : memref<64xf32, #tpu.memory_space<vmem>>)
    %dma_start3A_628 = arith.constant 0 : i32
    %dma_start3A_629 = arith.constant 0 : i32
    %dma_start3A_630 = arith.constant 0 : i32
    %dma_start3A_631 = arith.constant 0 : i32
    %dma_start3A_632 = tpu.memref_slice %arg12[%dma_start3A_628, %dma_start3A_630, %dma_start3A_631] : memref<2x64x128xf32, #tpu.memory_space<vmem>> -> memref<1x64x128xf32, #tpu.memory_space<vmem>>
    %dma_start3A_633 = tpu.memref_squeeze %dma_start3A_632 : memref<1x64x128xf32, #tpu.memory_space<vmem>> -> memref<64x128xf32, #tpu.memory_space<vmem>>
    %dma_start3A_634 = arith.constant 384 : i32
    %dma_start3A_635 = tpu.memref_slice %arg10[%dma_start3A_634] : memref<512xi32, #tpu.memory_space<vmem>> -> memref<64xi32, #tpu.memory_space<vmem>>
    %dma_start3A_636 = arith.constant 0 : i32
    %dma_start3A_637 = arith.constant 0 : i32
    %dma_start3A_638 = tpu.memref_slice %arg5[%dma_start3A_636, %dma_start3A_637] : memref<65536x128xf32, #tpu.memory_space<hbm>> -> memref<65536x128xf32, #tpu.memory_space<hbm>>
    %dma_start3A_639 = tpu.memref_slice %arg19[%dma_start3A_629] : memref<2x!tpu.dma_semaphore, #tpu.memory_space<semaphore_mem>> -> memref<1x!tpu.dma_semaphore, #tpu.memory_space<semaphore_mem>>
    %dma_start3A_640 = tpu.memref_squeeze %dma_start3A_639 : memref<1x!tpu.dma_semaphore, #tpu.memory_space<semaphore_mem>> -> memref<!tpu.dma_semaphore, #tpu.memory_space<semaphore_mem>>
    tpu.enqueue_indirect_dma source(%dma_start3A_638 : memref<65536x128xf32, #tpu.memory_space<hbm>>) target(%dma_start3A_633 : memref<64x128xf32, #tpu.memory_space<vmem>>) offsets(%dma_start3A_635 : memref<64xi32, #tpu.memory_space<vmem>>) semaphore(%dma_start3A_640 : memref<!tpu.dma_semaphore, #tpu.memory_space<semaphore_mem>>)
    %dma_start3A_641 = arith.constant 0 : i32
    %dma_start3A_642 = arith.constant 0 : i32
    %dma_start3A_643 = arith.constant 0 : i32
    %dma_start3A_644 = arith.constant 0 : i32
    %dma_start3A_645 = tpu.memref_slice %arg13[%dma_start3A_641, %dma_start3A_643, %dma_start3A_644] : memref<2x64x128xf32, #tpu.memory_space<vmem>> -> memref<1x64x128xf32, #tpu.memory_space<vmem>>
    %dma_start3A_646 = tpu.memref_squeeze %dma_start3A_645 : memref<1x64x128xf32, #tpu.memory_space<vmem>> -> memref<64x128xf32, #tpu.memory_space<vmem>>
    %dma_start3A_647 = arith.constant 384 : i32
    %dma_start3A_648 = tpu.memref_slice %arg11[%dma_start3A_647] : memref<512xi32, #tpu.memory_space<vmem>> -> memref<64xi32, #tpu.memory_space<vmem>>
    %dma_start3A_649 = arith.constant 0 : i32
    %dma_start3A_650 = arith.constant 0 : i32
    %dma_start3A_651 = tpu.memref_slice %arg6[%dma_start3A_649, %dma_start3A_650] : memref<10000x128xf32, #tpu.memory_space<hbm>> -> memref<10000x128xf32, #tpu.memory_space<hbm>>
    %dma_start3A_652 = tpu.memref_slice %arg19[%dma_start3A_642] : memref<2x!tpu.dma_semaphore, #tpu.memory_space<semaphore_mem>> -> memref<1x!tpu.dma_semaphore, #tpu.memory_space<semaphore_mem>>
    %dma_start3A_653 = tpu.memref_squeeze %dma_start3A_652 : memref<1x!tpu.dma_semaphore, #tpu.memory_space<semaphore_mem>> -> memref<!tpu.dma_semaphore, #tpu.memory_space<semaphore_mem>>
    tpu.enqueue_indirect_dma source(%dma_start3A_651 : memref<10000x128xf32, #tpu.memory_space<hbm>>) target(%dma_start3A_646 : memref<64x128xf32, #tpu.memory_space<vmem>>) offsets(%dma_start3A_648 : memref<64xi32, #tpu.memory_space<vmem>>) semaphore(%dma_start3A_653 : memref<!tpu.dma_semaphore, #tpu.memory_space<semaphore_mem>>)
    %dma_start3A_654 = arith.constant 0 : i32
    %dma_start3A_655 = arith.constant 0 : i32
    %dma_start3A_656 = arith.constant 0 : i32
    %dma_start3A_657 = tpu.memref_slice %arg14[%dma_start3A_654, %dma_start3A_656] : memref<2x64xf32, #tpu.memory_space<vmem>> -> memref<1x64xf32, #tpu.memory_space<vmem>>
    %dma_start3A_658 = tpu.memref_squeeze %dma_start3A_657 : memref<1x64xf32, #tpu.memory_space<vmem>> -> memref<64xf32, #tpu.memory_space<vmem>>
    %dma_start3A_659 = arith.constant 384 : i32
    %dma_start3A_660 = tpu.memref_slice %arg10[%dma_start3A_659] : memref<512xi32, #tpu.memory_space<vmem>> -> memref<64xi32, #tpu.memory_space<vmem>>
    %dma_start3A_661 = arith.constant 0 : i32
    %dma_start3A_662 = tpu.memref_slice %arg7[%dma_start3A_661] : memref<65536xf32, #tpu.memory_space<hbm>> -> memref<65536xf32, #tpu.memory_space<hbm>>
    %dma_start3A_663 = tpu.memref_slice %arg19[%dma_start3A_655] : memref<2x!tpu.dma_semaphore, #tpu.memory_space<semaphore_mem>> -> memref<1x!tpu.dma_semaphore, #tpu.memory_space<semaphore_mem>>
    %dma_start3A_664 = tpu.memref_squeeze %dma_start3A_663 : memref<1x!tpu.dma_semaphore, #tpu.memory_space<semaphore_mem>> -> memref<!tpu.dma_semaphore, #tpu.memory_space<semaphore_mem>>
    tpu.enqueue_indirect_dma source(%dma_start3A_662 : memref<65536xf32, #tpu.memory_space<hbm>>) target(%dma_start3A_658 : memref<64xf32, #tpu.memory_space<vmem>>) offsets(%dma_start3A_660 : memref<64xi32, #tpu.memory_space<vmem>>) semaphore(%dma_start3A_664 : memref<!tpu.dma_semaphore, #tpu.memory_space<semaphore_mem>>)
    %dma_start3A_665 = arith.constant 0 : i32
    %dma_start3A_666 = arith.constant 0 : i32
    %dma_start3A_667 = arith.constant 0 : i32
    %dma_start3A_668 = tpu.memref_slice %arg15[%dma_start3A_665, %dma_start3A_667] : memref<2x64xf32, #tpu.memory_space<vmem>> -> memref<1x64xf32, #tpu.memory_space<vmem>>
    %dma_start3A_669 = tpu.memref_squeeze %dma_start3A_668 : memref<1x64xf32, #tpu.memory_space<vmem>> -> memref<64xf32, #tpu.memory_space<vmem>>
    %dma_start3A_670 = arith.constant 384 : i32
    %dma_start3A_671 = tpu.memref_slice %arg11[%dma_start3A_670] : memref<512xi32, #tpu.memory_space<vmem>> -> memref<64xi32, #tpu.memory_space<vmem>>
    %dma_start3A_672 = arith.constant 0 : i32
    %dma_start3A_673 = tpu.memref_slice %arg8[%dma_start3A_672] : memref<10000xf32, #tpu.memory_space<hbm>> -> memref<10000xf32, #tpu.memory_space<hbm>>
    %dma_start3A_674 = tpu.memref_slice %arg19[%dma_start3A_666] : memref<2x!tpu.dma_semaphore, #tpu.memory_space<semaphore_mem>> -> memref<1x!tpu.dma_semaphore, #tpu.memory_space<semaphore_mem>>
    %dma_start3A_675 = tpu.memref_squeeze %dma_start3A_674 : memref<1x!tpu.dma_semaphore, #tpu.memory_space<semaphore_mem>> -> memref<!tpu.dma_semaphore, #tpu.memory_space<semaphore_mem>>
    tpu.enqueue_indirect_dma source(%dma_start3A_673 : memref<10000xf32, #tpu.memory_space<hbm>>) target(%dma_start3A_669 : memref<64xf32, #tpu.memory_space<vmem>>) offsets(%dma_start3A_671 : memref<64xi32, #tpu.memory_space<vmem>>) semaphore(%dma_start3A_675 : memref<!tpu.dma_semaphore, #tpu.memory_space<semaphore_mem>>)
    %parallel_loop3A_676 = arith.constant 0 : i32
    %parallel_loop3A_677 = arith.constant 64 : i32
    %parallel_loop3A_678 = arith.constant 1 : i32
    %parallel_loop3A_679 = arith.constant 1 : i32
    %parallel_loop3A_680 = arith.constant 1 : i32
    scf.for %parallel_loop3A_844 = %parallel_loop3A_676 to %parallel_loop3A_677 step %parallel_loop3A_678  : i32 {
      %parallel_loop3A_845 = arith.constant 0 : i32
      %parallel_loop3A_846 = arith.constant 0 : i32
      %parallel_loop3A_847 = tpu.memref_slice %arg12[%parallel_loop3A_679, %parallel_loop3A_845, %parallel_loop3A_846] : memref<2x64x128xf32, #tpu.memory_space<vmem>> -> memref<1x64x128xf32, #tpu.memory_space<vmem>>
      %parallel_loop3A_848 = tpu.memref_squeeze %parallel_loop3A_847 : memref<1x64x128xf32, #tpu.memory_space<vmem>> -> memref<64x128xf32, #tpu.memory_space<vmem>>
      %parallel_loop3A_849 = arith.index_cast %parallel_loop3A_844 : i32 to index
      %parallel_loop3A_850 = arith.constant 0 : index
      %parallel_loop3A_851 = tpu.vector_load %parallel_loop3A_848[%parallel_loop3A_849, %parallel_loop3A_850] {strides = array<i32>} : memref<64x128xf32, #tpu.memory_space<vmem>>, vector<16xf32>,
      %parallel_loop3A_852 = arith.constant 0 : i32
      %parallel_loop3A_853 = arith.constant 0 : i32
      %parallel_loop3A_854 = tpu.memref_slice %arg13[%parallel_loop3A_680, %parallel_loop3A_852, %parallel_loop3A_853] : memref<2x64x128xf32, #tpu.memory_space<vmem>> -> memref<1x64x128xf32, #tpu.memory_space<vmem>>
      %parallel_loop3A_855 = tpu.memref_squeeze %parallel_loop3A_854 : memref<1x64x128xf32, #tpu.memory_space<vmem>> -> memref<64x128xf32, #tpu.memory_space<vmem>>
      %parallel_loop3A_856 = arith.index_cast %parallel_loop3A_844 : i32 to index
      %parallel_loop3A_857 = arith.constant 0 : index
      %parallel_loop3A_858 = tpu.vector_load %parallel_loop3A_855[%parallel_loop3A_856, %parallel_loop3A_857] {strides = array<i32>} : memref<64x128xf32, #tpu.memory_space<vmem>>, vector<16xf32>,
      %parallel_loop3A_859 = arith.mulf %parallel_loop3A_851, %parallel_loop3A_858 : vector<16xf32>
      %parallel_loop3A_860 = arith.constant 0 : i32
      %parallel_loop3A_861 = arith.constant 0 : i32
      %parallel_loop3A_862 = tpu.memref_slice %arg12[%parallel_loop3A_679, %parallel_loop3A_860, %parallel_loop3A_861] : memref<2x64x128xf32, #tpu.memory_space<vmem>> -> memref<1x64x128xf32, #tpu.memory_space<vmem>>
      %parallel_loop3A_863 = tpu.memref_squeeze %parallel_loop3A_862 : memref<1x64x128xf32, #tpu.memory_space<vmem>> -> memref<64x128xf32, #tpu.memory_space<vmem>>
      %parallel_loop3A_864 = arith.index_cast %parallel_loop3A_844 : i32 to index
      %parallel_loop3A_865 = arith.constant 16 : index
      %parallel_loop3A_866 = tpu.vector_load %parallel_loop3A_863[%parallel_loop3A_864, %parallel_loop3A_865] {strides = array<i32>} : memref<64x128xf32, #tpu.memory_space<vmem>>, vector<16xf32>,
      %parallel_loop3A_867 = arith.constant 0 : i32
      %parallel_loop3A_868 = arith.constant 0 : i32
      %parallel_loop3A_869 = tpu.memref_slice %arg13[%parallel_loop3A_680, %parallel_loop3A_867, %parallel_loop3A_868] : memref<2x64x128xf32, #tpu.memory_space<vmem>> -> memref<1x64x128xf32, #tpu.memory_space<vmem>>
      %parallel_loop3A_870 = tpu.memref_squeeze %parallel_loop3A_869 : memref<1x64x128xf32, #tpu.memory_space<vmem>> -> memref<64x128xf32, #tpu.memory_space<vmem>>
      %parallel_loop3A_871 = arith.index_cast %parallel_loop3A_844 : i32 to index
      %parallel_loop3A_872 = arith.constant 16 : index
      %parallel_loop3A_873 = tpu.vector_load %parallel_loop3A_870[%parallel_loop3A_871, %parallel_loop3A_872] {strides = array<i32>} : memref<64x128xf32, #tpu.memory_space<vmem>>, vector<16xf32>,
      %parallel_loop3A_874 = arith.mulf %parallel_loop3A_866, %parallel_loop3A_873 : vector<16xf32>
      %parallel_loop3A_875 = arith.addf %parallel_loop3A_859, %parallel_loop3A_874 : vector<16xf32>
      %parallel_loop3A_876 = arith.constant 0 : i32
      %parallel_loop3A_877 = arith.constant 0 : i32
      %parallel_loop3A_878 = tpu.memref_slice %arg12[%parallel_loop3A_679, %parallel_loop3A_876, %parallel_loop3A_877] : memref<2x64x128xf32, #tpu.memory_space<vmem>> -> memref<1x64x128xf32, #tpu.memory_space<vmem>>
      %parallel_loop3A_879 = tpu.memref_squeeze %parallel_loop3A_878 : memref<1x64x128xf32, #tpu.memory_space<vmem>> -> memref<64x128xf32, #tpu.memory_space<vmem>>
      %parallel_loop3A_880 = arith.index_cast %parallel_loop3A_844 : i32 to index
      %parallel_loop3A_881 = arith.constant 32 : index
      %parallel_loop3A_882 = tpu.vector_load %parallel_loop3A_879[%parallel_loop3A_880, %parallel_loop3A_881] {strides = array<i32>} : memref<64x128xf32, #tpu.memory_space<vmem>>, vector<16xf32>,
      %parallel_loop3A_883 = arith.constant 0 : i32
      %parallel_loop3A_884 = arith.constant 0 : i32
      %parallel_loop3A_885 = tpu.memref_slice %arg13[%parallel_loop3A_680, %parallel_loop3A_883, %parallel_loop3A_884] : memref<2x64x128xf32, #tpu.memory_space<vmem>> -> memref<1x64x128xf32, #tpu.memory_space<vmem>>
      %parallel_loop3A_886 = tpu.memref_squeeze %parallel_loop3A_885 : memref<1x64x128xf32, #tpu.memory_space<vmem>> -> memref<64x128xf32, #tpu.memory_space<vmem>>
      %parallel_loop3A_887 = arith.index_cast %parallel_loop3A_844 : i32 to index
      %parallel_loop3A_888 = arith.constant 32 : index
      %parallel_loop3A_889 = tpu.vector_load %parallel_loop3A_886[%parallel_loop3A_887, %parallel_loop3A_888] {strides = array<i32>} : memref<64x128xf32, #tpu.memory_space<vmem>>, vector<16xf32>,
      %parallel_loop3A_890 = arith.mulf %parallel_loop3A_882, %parallel_loop3A_889 : vector<16xf32>
      %parallel_loop3A_891 = arith.addf %parallel_loop3A_875, %parallel_loop3A_890 : vector<16xf32>
      %parallel_loop3A_892 = arith.constant 0 : i32
      %parallel_loop3A_893 = arith.constant 0 : i32
      %parallel_loop3A_894 = tpu.memref_slice %arg12[%parallel_loop3A_679, %parallel_loop3A_892, %parallel_loop3A_893] : memref<2x64x128xf32, #tpu.memory_space<vmem>> -> memref<1x64x128xf32, #tpu.memory_space<vmem>>
      %parallel_loop3A_895 = tpu.memref_squeeze %parallel_loop3A_894 : memref<1x64x128xf32, #tpu.memory_space<vmem>> -> memref<64x128xf32, #tpu.memory_space<vmem>>
      %parallel_loop3A_896 = arith.index_cast %parallel_loop3A_844 : i32 to index
      %parallel_loop3A_897 = arith.constant 48 : index
      %parallel_loop3A_898 = tpu.vector_load %parallel_loop3A_895[%parallel_loop3A_896, %parallel_loop3A_897] {strides = array<i32>} : memref<64x128xf32, #tpu.memory_space<vmem>>, vector<16xf32>,
      %parallel_loop3A_899 = arith.constant 0 : i32
      %parallel_loop3A_900 = arith.constant 0 : i32
      %parallel_loop3A_901 = tpu.memref_slice %arg13[%parallel_loop3A_680, %parallel_loop3A_899, %parallel_loop3A_900] : memref<2x64x128xf32, #tpu.memory_space<vmem>> -> memref<1x64x128xf32, #tpu.memory_space<vmem>>
      %parallel_loop3A_902 = tpu.memref_squeeze %parallel_loop3A_901 : memref<1x64x128xf32, #tpu.memory_space<vmem>> -> memref<64x128xf32, #tpu.memory_space<vmem>>
      %parallel_loop3A_903 = arith.index_cast %parallel_loop3A_844 : i32 to index
      %parallel_loop3A_904 = arith.constant 48 : index
      %parallel_loop3A_905 = tpu.vector_load %parallel_loop3A_902[%parallel_loop3A_903, %parallel_loop3A_904] {strides = array<i32>} : memref<64x128xf32, #tpu.memory_space<vmem>>, vector<16xf32>,
      %parallel_loop3A_906 = arith.mulf %parallel_loop3A_898, %parallel_loop3A_905 : vector<16xf32>
      %parallel_loop3A_907 = arith.addf %parallel_loop3A_891, %parallel_loop3A_906 : vector<16xf32>
      %parallel_loop3A_908 = arith.constant 0 : i32
      %parallel_loop3A_909 = arith.constant 0 : i32
      %parallel_loop3A_910 = tpu.memref_slice %arg12[%parallel_loop3A_679, %parallel_loop3A_908, %parallel_loop3A_909] : memref<2x64x128xf32, #tpu.memory_space<vmem>> -> memref<1x64x128xf32, #tpu.memory_space<vmem>>
      %parallel_loop3A_911 = tpu.memref_squeeze %parallel_loop3A_910 : memref<1x64x128xf32, #tpu.memory_space<vmem>> -> memref<64x128xf32, #tpu.memory_space<vmem>>
      %parallel_loop3A_912 = arith.index_cast %parallel_loop3A_844 : i32 to index
      %parallel_loop3A_913 = arith.constant 64 : index
      %parallel_loop3A_914 = tpu.vector_load %parallel_loop3A_911[%parallel_loop3A_912, %parallel_loop3A_913] {strides = array<i32>} : memref<64x128xf32, #tpu.memory_space<vmem>>, vector<16xf32>,
      %parallel_loop3A_915 = arith.constant 0 : i32
      %parallel_loop3A_916 = arith.constant 0 : i32
      %parallel_loop3A_917 = tpu.memref_slice %arg13[%parallel_loop3A_680, %parallel_loop3A_915, %parallel_loop3A_916] : memref<2x64x128xf32, #tpu.memory_space<vmem>> -> memref<1x64x128xf32, #tpu.memory_space<vmem>>
      %parallel_loop3A_918 = tpu.memref_squeeze %parallel_loop3A_917 : memref<1x64x128xf32, #tpu.memory_space<vmem>> -> memref<64x128xf32, #tpu.memory_space<vmem>>
      %parallel_loop3A_919 = arith.index_cast %parallel_loop3A_844 : i32 to index
      %parallel_loop3A_920 = arith.constant 64 : index
      %parallel_loop3A_921 = tpu.vector_load %parallel_loop3A_918[%parallel_loop3A_919, %parallel_loop3A_920] {strides = array<i32>} : memref<64x128xf32, #tpu.memory_space<vmem>>, vector<16xf32>,
      %parallel_loop3A_922 = arith.mulf %parallel_loop3A_914, %parallel_loop3A_921 : vector<16xf32>
      %parallel_loop3A_923 = arith.addf %parallel_loop3A_907, %parallel_loop3A_922 : vector<16xf32>
      %parallel_loop3A_924 = arith.constant 0 : i32
      %parallel_loop3A_925 = arith.constant 0 : i32
      %parallel_loop3A_926 = tpu.memref_slice %arg12[%parallel_loop3A_679, %parallel_loop3A_924, %parallel_loop3A_925] : memref<2x64x128xf32, #tpu.memory_space<vmem>> -> memref<1x64x128xf32, #tpu.memory_space<vmem>>
      %parallel_loop3A_927 = tpu.memref_squeeze %parallel_loop3A_926 : memref<1x64x128xf32, #tpu.memory_space<vmem>> -> memref<64x128xf32, #tpu.memory_space<vmem>>
      %parallel_loop3A_928 = arith.index_cast %parallel_loop3A_844 : i32 to index
      %parallel_loop3A_929 = arith.constant 80 : index
      %parallel_loop3A_930 = tpu.vector_load %parallel_loop3A_927[%parallel_loop3A_928, %parallel_loop3A_929] {strides = array<i32>} : memref<64x128xf32, #tpu.memory_space<vmem>>, vector<16xf32>,
      %parallel_loop3A_931 = arith.constant 0 : i32
      %parallel_loop3A_932 = arith.constant 0 : i32
      %parallel_loop3A_933 = tpu.memref_slice %arg13[%parallel_loop3A_680, %parallel_loop3A_931, %parallel_loop3A_932] : memref<2x64x128xf32, #tpu.memory_space<vmem>> -> memref<1x64x128xf32, #tpu.memory_space<vmem>>
      %parallel_loop3A_934 = tpu.memref_squeeze %parallel_loop3A_933 : memref<1x64x128xf32, #tpu.memory_space<vmem>> -> memref<64x128xf32, #tpu.memory_space<vmem>>
      %parallel_loop3A_935 = arith.index_cast %parallel_loop3A_844 : i32 to index
      %parallel_loop3A_936 = arith.constant 80 : index
      %parallel_loop3A_937 = tpu.vector_load %parallel_loop3A_934[%parallel_loop3A_935, %parallel_loop3A_936] {strides = array<i32>} : memref<64x128xf32, #tpu.memory_space<vmem>>, vector<16xf32>,
      %parallel_loop3A_938 = arith.mulf %parallel_loop3A_930, %parallel_loop3A_937 : vector<16xf32>
      %parallel_loop3A_939 = arith.addf %parallel_loop3A_923, %parallel_loop3A_938 : vector<16xf32>
      %parallel_loop3A_940 = arith.constant 0 : i32
      %parallel_loop3A_941 = arith.constant 0 : i32
      %parallel_loop3A_942 = tpu.memref_slice %arg12[%parallel_loop3A_679, %parallel_loop3A_940, %parallel_loop3A_941] : memref<2x64x128xf32, #tpu.memory_space<vmem>> -> memref<1x64x128xf32, #tpu.memory_space<vmem>>
      %parallel_loop3A_943 = tpu.memref_squeeze %parallel_loop3A_942 : memref<1x64x128xf32, #tpu.memory_space<vmem>> -> memref<64x128xf32, #tpu.memory_space<vmem>>
      %parallel_loop3A_944 = arith.index_cast %parallel_loop3A_844 : i32 to index
      %parallel_loop3A_945 = arith.constant 96 : index
      %parallel_loop3A_946 = tpu.vector_load %parallel_loop3A_943[%parallel_loop3A_944, %parallel_loop3A_945] {strides = array<i32>} : memref<64x128xf32, #tpu.memory_space<vmem>>, vector<16xf32>,
      %parallel_loop3A_947 = arith.constant 0 : i32
      %parallel_loop3A_948 = arith.constant 0 : i32
      %parallel_loop3A_949 = tpu.memref_slice %arg13[%parallel_loop3A_680, %parallel_loop3A_947, %parallel_loop3A_948] : memref<2x64x128xf32, #tpu.memory_space<vmem>> -> memref<1x64x128xf32, #tpu.memory_space<vmem>>
      %parallel_loop3A_950 = tpu.memref_squeeze %parallel_loop3A_949 : memref<1x64x128xf32, #tpu.memory_space<vmem>> -> memref<64x128xf32, #tpu.memory_space<vmem>>
      %parallel_loop3A_951 = arith.index_cast %parallel_loop3A_844 : i32 to index
      %parallel_loop3A_952 = arith.constant 96 : index
      %parallel_loop3A_953 = tpu.vector_load %parallel_loop3A_950[%parallel_loop3A_951, %parallel_loop3A_952] {strides = array<i32>} : memref<64x128xf32, #tpu.memory_space<vmem>>, vector<16xf32>,
      %parallel_loop3A_954 = arith.mulf %parallel_loop3A_946, %parallel_loop3A_953 : vector<16xf32>
      %parallel_loop3A_955 = arith.addf %parallel_loop3A_939, %parallel_loop3A_954 : vector<16xf32>
      %parallel_loop3A_956 = arith.constant 0 : i32
      %parallel_loop3A_957 = arith.constant 0 : i32
      %parallel_loop3A_958 = tpu.memref_slice %arg12[%parallel_loop3A_679, %parallel_loop3A_956, %parallel_loop3A_957] : memref<2x64x128xf32, #tpu.memory_space<vmem>> -> memref<1x64x128xf32, #tpu.memory_space<vmem>>
      %parallel_loop3A_959 = tpu.memref_squeeze %parallel_loop3A_958 : memref<1x64x128xf32, #tpu.memory_space<vmem>> -> memref<64x128xf32, #tpu.memory_space<vmem>>
      %parallel_loop3A_960 = arith.index_cast %parallel_loop3A_844 : i32 to index
      %parallel_loop3A_961 = arith.constant 112 : index
      %parallel_loop3A_962 = tpu.vector_load %parallel_loop3A_959[%parallel_loop3A_960, %parallel_loop3A_961] {strides = array<i32>} : memref<64x128xf32, #tpu.memory_space<vmem>>, vector<16xf32>,
      %parallel_loop3A_963 = arith.constant 0 : i32
      %parallel_loop3A_964 = arith.constant 0 : i32
      %parallel_loop3A_965 = tpu.memref_slice %arg13[%parallel_loop3A_680, %parallel_loop3A_963, %parallel_loop3A_964] : memref<2x64x128xf32, #tpu.memory_space<vmem>> -> memref<1x64x128xf32, #tpu.memory_space<vmem>>
      %parallel_loop3A_966 = tpu.memref_squeeze %parallel_loop3A_965 : memref<1x64x128xf32, #tpu.memory_space<vmem>> -> memref<64x128xf32, #tpu.memory_space<vmem>>
      %parallel_loop3A_967 = arith.index_cast %parallel_loop3A_844 : i32 to index
      %parallel_loop3A_968 = arith.constant 112 : index
      %parallel_loop3A_969 = tpu.vector_load %parallel_loop3A_966[%parallel_loop3A_967, %parallel_loop3A_968] {strides = array<i32>} : memref<64x128xf32, #tpu.memory_space<vmem>>, vector<16xf32>,
      %parallel_loop3A_970 = arith.mulf %parallel_loop3A_962, %parallel_loop3A_969 : vector<16xf32>
      %parallel_loop3A_971 = arith.addf %parallel_loop3A_955, %parallel_loop3A_970 : vector<16xf32>
      %parallel_loop3A_972 = arith.constant true
      %parallel_loop3A_973 = vector.broadcast %parallel_loop3A_972 : i1 to vector<16xi1>
      %parallel_loop3A_974 = tpu.scan <sum>, %parallel_loop3A_971 masked %parallel_loop3A_973 : vector<16xf32>, vector<16xi1> -> vector<16xf32>
      %parallel_loop3A_975 = vector.broadcast %parallel_loop3A_844 : i32 to vector<16xi32>
      tpu.vector_store_idx %arg17[%parallel_loop3A_975], %parallel_loop3A_974 masked %eq3A : memref<64xf32, #tpu.memory_space<vmem>>[vector<16xi32>], vector<16xf32>, vector<16xi1>
    } {sc.loop_unroll_factor = 1 : i64, sc.parallel_access}
    %parallel_loop3A_681 = arith.constant 0 : i32
    %parallel_loop3A_682 = arith.constant 64 : i32
    %parallel_loop3A_683 = arith.constant 16 : i32
    scf.for %parallel_loop3A_844 = %parallel_loop3A_681 to %parallel_loop3A_682 step %parallel_loop3A_683  : i32 {
      %parallel_loop3A_845 = arith.index_cast %parallel_loop3A_844 : i32 to index
      %parallel_loop3A_846 = tpu.vector_load %arg17[%parallel_loop3A_845] {strides = array<i32>} : memref<64xf32, #tpu.memory_space<vmem>>, vector<16xf32>,
      %parallel_loop3A_847 = arith.constant 1 : i32
      %parallel_loop3A_848 = arith.index_cast %parallel_loop3A_847 : i32 to index
      %parallel_loop3A_849 = arith.index_cast %parallel_loop3A_844 : i32 to index
      %parallel_loop3A_850 = tpu.vector_load %arg14[%parallel_loop3A_848, %parallel_loop3A_849] {strides = array<i32>} : memref<2x64xf32, #tpu.memory_space<vmem>>, vector<16xf32>,
      %parallel_loop3A_851 = arith.addf %parallel_loop3A_846, %parallel_loop3A_850 : vector<16xf32>
      %parallel_loop3A_852 = arith.constant 1 : i32
      %parallel_loop3A_853 = arith.index_cast %parallel_loop3A_852 : i32 to index
      %parallel_loop3A_854 = arith.index_cast %parallel_loop3A_844 : i32 to index
      %parallel_loop3A_855 = tpu.vector_load %arg15[%parallel_loop3A_853, %parallel_loop3A_854] {strides = array<i32>} : memref<2x64xf32, #tpu.memory_space<vmem>>, vector<16xf32>,
      %parallel_loop3A_856 = arith.addf %parallel_loop3A_851, %parallel_loop3A_855 : vector<16xf32>
      %parallel_loop3A_857 = arith.maximumf %parallel_loop3A_856, %broadcast_in_dim3A_5 : vector<16xf32>
      %parallel_loop3A_858 = arith.mulf %parallel_loop3A_857, %get3A_10 : vector<16xf32>
      %parallel_loop3A_859 = arith.addf %parallel_loop3A_858, %get3A_14 : vector<16xf32>
      %parallel_loop3A_860 = arith.constant 0.000000e+00 : f32
      %parallel_loop3A_861 = vector.broadcast %parallel_loop3A_860 : f32 to vector<16xf32>
      %parallel_loop3A_862 = arith.subf %parallel_loop3A_861, %parallel_loop3A_859 : vector<16xf32>
      %parallel_loop3A_863 = math.exp %parallel_loop3A_862 : vector<16xf32>
      %parallel_loop3A_864 = arith.addf %broadcast_in_dim3A_7, %parallel_loop3A_863 : vector<16xf32>
      %parallel_loop3A_865 = arith.divf %broadcast_in_dim3A_7, %parallel_loop3A_864 : vector<16xf32>
      %parallel_loop3A_866 = arith.constant 320 : i32
      %parallel_loop3A_867 = arith.addi %parallel_loop3A_866, %parallel_loop3A_844 : i32
      %parallel_loop3A_868 = arith.index_cast %parallel_loop3A_867 : i32 to index
      %parallel_loop3A_869 = tpu.vector_load %arg18[%parallel_loop3A_868] {strides = array<i32>} : memref<512xf32, #tpu.memory_space<vmem>>, vector<16xf32>,
      tpu.vector_store %arg18[%parallel_loop3A_868], %parallel_loop3A_865 {strides = array<i32>} : memref<512xf32, #tpu.memory_space<vmem>>, vector<16xf32>,
    } {sc.loop_unroll_factor = 1 : i64, sc.parallel_access}
    %dma_wait3A_684 = arith.constant 0 : i32
    %dma_wait3A_685 = arith.constant 0 : i32
    %dma_wait3A_686 = arith.constant 0 : i32
    %dma_wait3A_687 = arith.constant 0 : i32
    %dma_wait3A_688 = tpu.memref_slice %arg12[%dma_wait3A_684, %dma_wait3A_686, %dma_wait3A_687] : memref<2x64x128xf32, #tpu.memory_space<vmem>> -> memref<1x64x128xf32, #tpu.memory_space<vmem>>
    %dma_wait3A_689 = tpu.memref_squeeze %dma_wait3A_688 : memref<1x64x128xf32, #tpu.memory_space<vmem>> -> memref<64x128xf32, #tpu.memory_space<vmem>>
    %dma_wait3A_690 = arith.constant 0 : i32
    %dma_wait3A_691 = tpu.memref_slice %arg10[%dma_wait3A_690] : memref<512xi32, #tpu.memory_space<vmem>> -> memref<64xi32, #tpu.memory_space<vmem>>
    %dma_wait3A_692 = arith.constant 0 : i32
    %dma_wait3A_693 = arith.constant 0 : i32
    %dma_wait3A_694 = tpu.memref_slice %arg5[%dma_wait3A_692, %dma_wait3A_693] : memref<65536x128xf32, #tpu.memory_space<hbm>> -> memref<65536x128xf32, #tpu.memory_space<hbm>>
    %dma_wait3A_695 = tpu.memref_slice %arg19[%dma_wait3A_685] : memref<2x!tpu.dma_semaphore, #tpu.memory_space<semaphore_mem>> -> memref<1x!tpu.dma_semaphore, #tpu.memory_space<semaphore_mem>>
    %dma_wait3A_696 = tpu.memref_squeeze %dma_wait3A_695 : memref<1x!tpu.dma_semaphore, #tpu.memory_space<semaphore_mem>> -> memref<!tpu.dma_semaphore, #tpu.memory_space<semaphore_mem>>
    tpu.wait_indirect_dma semaphore(%dma_wait3A_696 : memref<!tpu.dma_semaphore, #tpu.memory_space<semaphore_mem>>) src(%dma_wait3A_694 : memref<65536x128xf32, #tpu.memory_space<hbm>>) dst(%dma_wait3A_689 : memref<64x128xf32, #tpu.memory_space<vmem>>)
    %dma_wait3A_697 = arith.constant 0 : i32
    %dma_wait3A_698 = arith.constant 0 : i32
    %dma_wait3A_699 = arith.constant 0 : i32
    %dma_wait3A_700 = arith.constant 0 : i32
    %dma_wait3A_701 = tpu.memref_slice %arg13[%dma_wait3A_697, %dma_wait3A_699, %dma_wait3A_700] : memref<2x64x128xf32, #tpu.memory_space<vmem>> -> memref<1x64x128xf32, #tpu.memory_space<vmem>>
    %dma_wait3A_702 = tpu.memref_squeeze %dma_wait3A_701 : memref<1x64x128xf32, #tpu.memory_space<vmem>> -> memref<64x128xf32, #tpu.memory_space<vmem>>
    %dma_wait3A_703 = arith.constant 0 : i32
    %dma_wait3A_704 = tpu.memref_slice %arg11[%dma_wait3A_703] : memref<512xi32, #tpu.memory_space<vmem>> -> memref<64xi32, #tpu.memory_space<vmem>>
    %dma_wait3A_705 = arith.constant 0 : i32
    %dma_wait3A_706 = arith.constant 0 : i32
    %dma_wait3A_707 = tpu.memref_slice %arg6[%dma_wait3A_705, %dma_wait3A_706] : memref<10000x128xf32, #tpu.memory_space<hbm>> -> memref<10000x128xf32, #tpu.memory_space<hbm>>
    %dma_wait3A_708 = tpu.memref_slice %arg19[%dma_wait3A_698] : memref<2x!tpu.dma_semaphore, #tpu.memory_space<semaphore_mem>> -> memref<1x!tpu.dma_semaphore, #tpu.memory_space<semaphore_mem>>
    %dma_wait3A_709 = tpu.memref_squeeze %dma_wait3A_708 : memref<1x!tpu.dma_semaphore, #tpu.memory_space<semaphore_mem>> -> memref<!tpu.dma_semaphore, #tpu.memory_space<semaphore_mem>>
    tpu.wait_indirect_dma semaphore(%dma_wait3A_709 : memref<!tpu.dma_semaphore, #tpu.memory_space<semaphore_mem>>) src(%dma_wait3A_707 : memref<10000x128xf32, #tpu.memory_space<hbm>>) dst(%dma_wait3A_702 : memref<64x128xf32, #tpu.memory_space<vmem>>)
    %dma_wait3A_710 = arith.constant 0 : i32
    %dma_wait3A_711 = arith.constant 0 : i32
    %dma_wait3A_712 = arith.constant 0 : i32
    %dma_wait3A_713 = tpu.memref_slice %arg14[%dma_wait3A_710, %dma_wait3A_712] : memref<2x64xf32, #tpu.memory_space<vmem>> -> memref<1x64xf32, #tpu.memory_space<vmem>>
    %dma_wait3A_714 = tpu.memref_squeeze %dma_wait3A_713 : memref<1x64xf32, #tpu.memory_space<vmem>> -> memref<64xf32, #tpu.memory_space<vmem>>
    %dma_wait3A_715 = arith.constant 0 : i32
    %dma_wait3A_716 = tpu.memref_slice %arg10[%dma_wait3A_715] : memref<512xi32, #tpu.memory_space<vmem>> -> memref<64xi32, #tpu.memory_space<vmem>>
    %dma_wait3A_717 = arith.constant 0 : i32
    %dma_wait3A_718 = tpu.memref_slice %arg7[%dma_wait3A_717] : memref<65536xf32, #tpu.memory_space<hbm>> -> memref<65536xf32, #tpu.memory_space<hbm>>
    %dma_wait3A_719 = tpu.memref_slice %arg19[%dma_wait3A_711] : memref<2x!tpu.dma_semaphore, #tpu.memory_space<semaphore_mem>> -> memref<1x!tpu.dma_semaphore, #tpu.memory_space<semaphore_mem>>
    %dma_wait3A_720 = tpu.memref_squeeze %dma_wait3A_719 : memref<1x!tpu.dma_semaphore, #tpu.memory_space<semaphore_mem>> -> memref<!tpu.dma_semaphore, #tpu.memory_space<semaphore_mem>>
    tpu.wait_indirect_dma semaphore(%dma_wait3A_720 : memref<!tpu.dma_semaphore, #tpu.memory_space<semaphore_mem>>) src(%dma_wait3A_718 : memref<65536xf32, #tpu.memory_space<hbm>>) dst(%dma_wait3A_714 : memref<64xf32, #tpu.memory_space<vmem>>)
    %dma_wait3A_721 = arith.constant 0 : i32
    %dma_wait3A_722 = arith.constant 0 : i32
    %dma_wait3A_723 = arith.constant 0 : i32
    %dma_wait3A_724 = tpu.memref_slice %arg15[%dma_wait3A_721, %dma_wait3A_723] : memref<2x64xf32, #tpu.memory_space<vmem>> -> memref<1x64xf32, #tpu.memory_space<vmem>>
    %dma_wait3A_725 = tpu.memref_squeeze %dma_wait3A_724 : memref<1x64xf32, #tpu.memory_space<vmem>> -> memref<64xf32, #tpu.memory_space<vmem>>
    %dma_wait3A_726 = arith.constant 0 : i32
    %dma_wait3A_727 = tpu.memref_slice %arg11[%dma_wait3A_726] : memref<512xi32, #tpu.memory_space<vmem>> -> memref<64xi32, #tpu.memory_space<vmem>>
    %dma_wait3A_728 = arith.constant 0 : i32
    %dma_wait3A_729 = tpu.memref_slice %arg8[%dma_wait3A_728] : memref<10000xf32, #tpu.memory_space<hbm>> -> memref<10000xf32, #tpu.memory_space<hbm>>
    %dma_wait3A_730 = tpu.memref_slice %arg19[%dma_wait3A_722] : memref<2x!tpu.dma_semaphore, #tpu.memory_space<semaphore_mem>> -> memref<1x!tpu.dma_semaphore, #tpu.memory_space<semaphore_mem>>
    %dma_wait3A_731 = tpu.memref_squeeze %dma_wait3A_730 : memref<1x!tpu.dma_semaphore, #tpu.memory_space<semaphore_mem>> -> memref<!tpu.dma_semaphore, #tpu.memory_space<semaphore_mem>>
    tpu.wait_indirect_dma semaphore(%dma_wait3A_731 : memref<!tpu.dma_semaphore, #tpu.memory_space<semaphore_mem>>) src(%dma_wait3A_729 : memref<10000xf32, #tpu.memory_space<hbm>>) dst(%dma_wait3A_725 : memref<64xf32, #tpu.memory_space<vmem>>)
    %dma_start3A_732 = arith.constant 1 : i32
    %dma_start3A_733 = arith.constant 1 : i32
    %dma_start3A_734 = arith.constant 0 : i32
    %dma_start3A_735 = arith.constant 0 : i32
    %dma_start3A_736 = tpu.memref_slice %arg12[%dma_start3A_732, %dma_start3A_734, %dma_start3A_735] : memref<2x64x128xf32, #tpu.memory_space<vmem>> -> memref<1x64x128xf32, #tpu.memory_space<vmem>>
    %dma_start3A_737 = tpu.memref_squeeze %dma_start3A_736 : memref<1x64x128xf32, #tpu.memory_space<vmem>> -> memref<64x128xf32, #tpu.memory_space<vmem>>
    %dma_start3A_738 = arith.constant 448 : i32
    %dma_start3A_739 = tpu.memref_slice %arg10[%dma_start3A_738] : memref<512xi32, #tpu.memory_space<vmem>> -> memref<64xi32, #tpu.memory_space<vmem>>
    %dma_start3A_740 = arith.constant 0 : i32
    %dma_start3A_741 = arith.constant 0 : i32
    %dma_start3A_742 = tpu.memref_slice %arg5[%dma_start3A_740, %dma_start3A_741] : memref<65536x128xf32, #tpu.memory_space<hbm>> -> memref<65536x128xf32, #tpu.memory_space<hbm>>
    %dma_start3A_743 = tpu.memref_slice %arg19[%dma_start3A_733] : memref<2x!tpu.dma_semaphore, #tpu.memory_space<semaphore_mem>> -> memref<1x!tpu.dma_semaphore, #tpu.memory_space<semaphore_mem>>
    %dma_start3A_744 = tpu.memref_squeeze %dma_start3A_743 : memref<1x!tpu.dma_semaphore, #tpu.memory_space<semaphore_mem>> -> memref<!tpu.dma_semaphore, #tpu.memory_space<semaphore_mem>>
    tpu.enqueue_indirect_dma source(%dma_start3A_742 : memref<65536x128xf32, #tpu.memory_space<hbm>>) target(%dma_start3A_737 : memref<64x128xf32, #tpu.memory_space<vmem>>) offsets(%dma_start3A_739 : memref<64xi32, #tpu.memory_space<vmem>>) semaphore(%dma_start3A_744 : memref<!tpu.dma_semaphore, #tpu.memory_space<semaphore_mem>>)
    %dma_start3A_745 = arith.constant 1 : i32
    %dma_start3A_746 = arith.constant 1 : i32
    %dma_start3A_747 = arith.constant 0 : i32
    %dma_start3A_748 = arith.constant 0 : i32
    %dma_start3A_749 = tpu.memref_slice %arg13[%dma_start3A_745, %dma_start3A_747, %dma_start3A_748] : memref<2x64x128xf32, #tpu.memory_space<vmem>> -> memref<1x64x128xf32, #tpu.memory_space<vmem>>
    %dma_start3A_750 = tpu.memref_squeeze %dma_start3A_749 : memref<1x64x128xf32, #tpu.memory_space<vmem>> -> memref<64x128xf32, #tpu.memory_space<vmem>>
    %dma_start3A_751 = arith.constant 448 : i32
    %dma_start3A_752 = tpu.memref_slice %arg11[%dma_start3A_751] : memref<512xi32, #tpu.memory_space<vmem>> -> memref<64xi32, #tpu.memory_space<vmem>>
    %dma_start3A_753 = arith.constant 0 : i32
    %dma_start3A_754 = arith.constant 0 : i32
    %dma_start3A_755 = tpu.memref_slice %arg6[%dma_start3A_753, %dma_start3A_754] : memref<10000x128xf32, #tpu.memory_space<hbm>> -> memref<10000x128xf32, #tpu.memory_space<hbm>>
    %dma_start3A_756 = tpu.memref_slice %arg19[%dma_start3A_746] : memref<2x!tpu.dma_semaphore, #tpu.memory_space<semaphore_mem>> -> memref<1x!tpu.dma_semaphore, #tpu.memory_space<semaphore_mem>>
    %dma_start3A_757 = tpu.memref_squeeze %dma_start3A_756 : memref<1x!tpu.dma_semaphore, #tpu.memory_space<semaphore_mem>> -> memref<!tpu.dma_semaphore, #tpu.memory_space<semaphore_mem>>
    tpu.enqueue_indirect_dma source(%dma_start3A_755 : memref<10000x128xf32, #tpu.memory_space<hbm>>) target(%dma_start3A_750 : memref<64x128xf32, #tpu.memory_space<vmem>>) offsets(%dma_start3A_752 : memref<64xi32, #tpu.memory_space<vmem>>) semaphore(%dma_start3A_757 : memref<!tpu.dma_semaphore, #tpu.memory_space<semaphore_mem>>)
    %dma_start3A_758 = arith.constant 1 : i32
    %dma_start3A_759 = arith.constant 1 : i32
    %dma_start3A_760 = arith.constant 0 : i32
    %dma_start3A_761 = tpu.memref_slice %arg14[%dma_start3A_758, %dma_start3A_760] : memref<2x64xf32, #tpu.memory_space<vmem>> -> memref<1x64xf32, #tpu.memory_space<vmem>>
    %dma_start3A_762 = tpu.memref_squeeze %dma_start3A_761 : memref<1x64xf32, #tpu.memory_space<vmem>> -> memref<64xf32, #tpu.memory_space<vmem>>
    %dma_start3A_763 = arith.constant 448 : i32
    %dma_start3A_764 = tpu.memref_slice %arg10[%dma_start3A_763] : memref<512xi32, #tpu.memory_space<vmem>> -> memref<64xi32, #tpu.memory_space<vmem>>
    %dma_start3A_765 = arith.constant 0 : i32
    %dma_start3A_766 = tpu.memref_slice %arg7[%dma_start3A_765] : memref<65536xf32, #tpu.memory_space<hbm>> -> memref<65536xf32, #tpu.memory_space<hbm>>
    %dma_start3A_767 = tpu.memref_slice %arg19[%dma_start3A_759] : memref<2x!tpu.dma_semaphore, #tpu.memory_space<semaphore_mem>> -> memref<1x!tpu.dma_semaphore, #tpu.memory_space<semaphore_mem>>
    %dma_start3A_768 = tpu.memref_squeeze %dma_start3A_767 : memref<1x!tpu.dma_semaphore, #tpu.memory_space<semaphore_mem>> -> memref<!tpu.dma_semaphore, #tpu.memory_space<semaphore_mem>>
    tpu.enqueue_indirect_dma source(%dma_start3A_766 : memref<65536xf32, #tpu.memory_space<hbm>>) target(%dma_start3A_762 : memref<64xf32, #tpu.memory_space<vmem>>) offsets(%dma_start3A_764 : memref<64xi32, #tpu.memory_space<vmem>>) semaphore(%dma_start3A_768 : memref<!tpu.dma_semaphore, #tpu.memory_space<semaphore_mem>>)
    %dma_start3A_769 = arith.constant 1 : i32
    %dma_start3A_770 = arith.constant 1 : i32
    %dma_start3A_771 = arith.constant 0 : i32
    %dma_start3A_772 = tpu.memref_slice %arg15[%dma_start3A_769, %dma_start3A_771] : memref<2x64xf32, #tpu.memory_space<vmem>> -> memref<1x64xf32, #tpu.memory_space<vmem>>
    %dma_start3A_773 = tpu.memref_squeeze %dma_start3A_772 : memref<1x64xf32, #tpu.memory_space<vmem>> -> memref<64xf32, #tpu.memory_space<vmem>>
    %dma_start3A_774 = arith.constant 448 : i32
    %dma_start3A_775 = tpu.memref_slice %arg11[%dma_start3A_774] : memref<512xi32, #tpu.memory_space<vmem>> -> memref<64xi32, #tpu.memory_space<vmem>>
    %dma_start3A_776 = arith.constant 0 : i32
    %dma_start3A_777 = tpu.memref_slice %arg8[%dma_start3A_776] : memref<10000xf32, #tpu.memory_space<hbm>> -> memref<10000xf32, #tpu.memory_space<hbm>>
    %dma_start3A_778 = tpu.memref_slice %arg19[%dma_start3A_770] : memref<2x!tpu.dma_semaphore, #tpu.memory_space<semaphore_mem>> -> memref<1x!tpu.dma_semaphore, #tpu.memory_space<semaphore_mem>>
    %dma_start3A_779 = tpu.memref_squeeze %dma_start3A_778 : memref<1x!tpu.dma_semaphore, #tpu.memory_space<semaphore_mem>> -> memref<!tpu.dma_semaphore, #tpu.memory_space<semaphore_mem>>
    tpu.enqueue_indirect_dma source(%dma_start3A_777 : memref<10000xf32, #tpu.memory_space<hbm>>) target(%dma_start3A_773 : memref<64xf32, #tpu.memory_space<vmem>>) offsets(%dma_start3A_775 : memref<64xi32, #tpu.memory_space<vmem>>) semaphore(%dma_start3A_779 : memref<!tpu.dma_semaphore, #tpu.memory_space<semaphore_mem>>)
    %parallel_loop3A_780 = arith.constant 0 : i32
    %parallel_loop3A_781 = arith.constant 64 : i32
    %parallel_loop3A_782 = arith.constant 1 : i32
    %parallel_loop3A_783 = arith.constant 0 : i32
    %parallel_loop3A_784 = arith.constant 0 : i32
    scf.for %parallel_loop3A_844 = %parallel_loop3A_780 to %parallel_loop3A_781 step %parallel_loop3A_782  : i32 {
      %parallel_loop3A_845 = arith.constant 0 : i32
      %parallel_loop3A_846 = arith.constant 0 : i32
      %parallel_loop3A_847 = tpu.memref_slice %arg12[%parallel_loop3A_783, %parallel_loop3A_845, %parallel_loop3A_846] : memref<2x64x128xf32, #tpu.memory_space<vmem>> -> memref<1x64x128xf32, #tpu.memory_space<vmem>>
      %parallel_loop3A_848 = tpu.memref_squeeze %parallel_loop3A_847 : memref<1x64x128xf32, #tpu.memory_space<vmem>> -> memref<64x128xf32, #tpu.memory_space<vmem>>
      %parallel_loop3A_849 = arith.index_cast %parallel_loop3A_844 : i32 to index
      %parallel_loop3A_850 = arith.constant 0 : index
      %parallel_loop3A_851 = tpu.vector_load %parallel_loop3A_848[%parallel_loop3A_849, %parallel_loop3A_850] {strides = array<i32>} : memref<64x128xf32, #tpu.memory_space<vmem>>, vector<16xf32>,
      %parallel_loop3A_852 = arith.constant 0 : i32
      %parallel_loop3A_853 = arith.constant 0 : i32
      %parallel_loop3A_854 = tpu.memref_slice %arg13[%parallel_loop3A_784, %parallel_loop3A_852, %parallel_loop3A_853] : memref<2x64x128xf32, #tpu.memory_space<vmem>> -> memref<1x64x128xf32, #tpu.memory_space<vmem>>
      %parallel_loop3A_855 = tpu.memref_squeeze %parallel_loop3A_854 : memref<1x64x128xf32, #tpu.memory_space<vmem>> -> memref<64x128xf32, #tpu.memory_space<vmem>>
      %parallel_loop3A_856 = arith.index_cast %parallel_loop3A_844 : i32 to index
      %parallel_loop3A_857 = arith.constant 0 : index
      %parallel_loop3A_858 = tpu.vector_load %parallel_loop3A_855[%parallel_loop3A_856, %parallel_loop3A_857] {strides = array<i32>} : memref<64x128xf32, #tpu.memory_space<vmem>>, vector<16xf32>,
      %parallel_loop3A_859 = arith.mulf %parallel_loop3A_851, %parallel_loop3A_858 : vector<16xf32>
      %parallel_loop3A_860 = arith.constant 0 : i32
      %parallel_loop3A_861 = arith.constant 0 : i32
      %parallel_loop3A_862 = tpu.memref_slice %arg12[%parallel_loop3A_783, %parallel_loop3A_860, %parallel_loop3A_861] : memref<2x64x128xf32, #tpu.memory_space<vmem>> -> memref<1x64x128xf32, #tpu.memory_space<vmem>>
      %parallel_loop3A_863 = tpu.memref_squeeze %parallel_loop3A_862 : memref<1x64x128xf32, #tpu.memory_space<vmem>> -> memref<64x128xf32, #tpu.memory_space<vmem>>
      %parallel_loop3A_864 = arith.index_cast %parallel_loop3A_844 : i32 to index
      %parallel_loop3A_865 = arith.constant 16 : index
      %parallel_loop3A_866 = tpu.vector_load %parallel_loop3A_863[%parallel_loop3A_864, %parallel_loop3A_865] {strides = array<i32>} : memref<64x128xf32, #tpu.memory_space<vmem>>, vector<16xf32>,
      %parallel_loop3A_867 = arith.constant 0 : i32
      %parallel_loop3A_868 = arith.constant 0 : i32
      %parallel_loop3A_869 = tpu.memref_slice %arg13[%parallel_loop3A_784, %parallel_loop3A_867, %parallel_loop3A_868] : memref<2x64x128xf32, #tpu.memory_space<vmem>> -> memref<1x64x128xf32, #tpu.memory_space<vmem>>
      %parallel_loop3A_870 = tpu.memref_squeeze %parallel_loop3A_869 : memref<1x64x128xf32, #tpu.memory_space<vmem>> -> memref<64x128xf32, #tpu.memory_space<vmem>>
      %parallel_loop3A_871 = arith.index_cast %parallel_loop3A_844 : i32 to index
      %parallel_loop3A_872 = arith.constant 16 : index
      %parallel_loop3A_873 = tpu.vector_load %parallel_loop3A_870[%parallel_loop3A_871, %parallel_loop3A_872] {strides = array<i32>} : memref<64x128xf32, #tpu.memory_space<vmem>>, vector<16xf32>,
      %parallel_loop3A_874 = arith.mulf %parallel_loop3A_866, %parallel_loop3A_873 : vector<16xf32>
      %parallel_loop3A_875 = arith.addf %parallel_loop3A_859, %parallel_loop3A_874 : vector<16xf32>
      %parallel_loop3A_876 = arith.constant 0 : i32
      %parallel_loop3A_877 = arith.constant 0 : i32
      %parallel_loop3A_878 = tpu.memref_slice %arg12[%parallel_loop3A_783, %parallel_loop3A_876, %parallel_loop3A_877] : memref<2x64x128xf32, #tpu.memory_space<vmem>> -> memref<1x64x128xf32, #tpu.memory_space<vmem>>
      %parallel_loop3A_879 = tpu.memref_squeeze %parallel_loop3A_878 : memref<1x64x128xf32, #tpu.memory_space<vmem>> -> memref<64x128xf32, #tpu.memory_space<vmem>>
      %parallel_loop3A_880 = arith.index_cast %parallel_loop3A_844 : i32 to index
      %parallel_loop3A_881 = arith.constant 32 : index
      %parallel_loop3A_882 = tpu.vector_load %parallel_loop3A_879[%parallel_loop3A_880, %parallel_loop3A_881] {strides = array<i32>} : memref<64x128xf32, #tpu.memory_space<vmem>>, vector<16xf32>,
      %parallel_loop3A_883 = arith.constant 0 : i32
      %parallel_loop3A_884 = arith.constant 0 : i32
      %parallel_loop3A_885 = tpu.memref_slice %arg13[%parallel_loop3A_784, %parallel_loop3A_883, %parallel_loop3A_884] : memref<2x64x128xf32, #tpu.memory_space<vmem>> -> memref<1x64x128xf32, #tpu.memory_space<vmem>>
      %parallel_loop3A_886 = tpu.memref_squeeze %parallel_loop3A_885 : memref<1x64x128xf32, #tpu.memory_space<vmem>> -> memref<64x128xf32, #tpu.memory_space<vmem>>
      %parallel_loop3A_887 = arith.index_cast %parallel_loop3A_844 : i32 to index
      %parallel_loop3A_888 = arith.constant 32 : index
      %parallel_loop3A_889 = tpu.vector_load %parallel_loop3A_886[%parallel_loop3A_887, %parallel_loop3A_888] {strides = array<i32>} : memref<64x128xf32, #tpu.memory_space<vmem>>, vector<16xf32>,
      %parallel_loop3A_890 = arith.mulf %parallel_loop3A_882, %parallel_loop3A_889 : vector<16xf32>
      %parallel_loop3A_891 = arith.addf %parallel_loop3A_875, %parallel_loop3A_890 : vector<16xf32>
      %parallel_loop3A_892 = arith.constant 0 : i32
      %parallel_loop3A_893 = arith.constant 0 : i32
      %parallel_loop3A_894 = tpu.memref_slice %arg12[%parallel_loop3A_783, %parallel_loop3A_892, %parallel_loop3A_893] : memref<2x64x128xf32, #tpu.memory_space<vmem>> -> memref<1x64x128xf32, #tpu.memory_space<vmem>>
      %parallel_loop3A_895 = tpu.memref_squeeze %parallel_loop3A_894 : memref<1x64x128xf32, #tpu.memory_space<vmem>> -> memref<64x128xf32, #tpu.memory_space<vmem>>
      %parallel_loop3A_896 = arith.index_cast %parallel_loop3A_844 : i32 to index
      %parallel_loop3A_897 = arith.constant 48 : index
      %parallel_loop3A_898 = tpu.vector_load %parallel_loop3A_895[%parallel_loop3A_896, %parallel_loop3A_897] {strides = array<i32>} : memref<64x128xf32, #tpu.memory_space<vmem>>, vector<16xf32>,
      %parallel_loop3A_899 = arith.constant 0 : i32
      %parallel_loop3A_900 = arith.constant 0 : i32
      %parallel_loop3A_901 = tpu.memref_slice %arg13[%parallel_loop3A_784, %parallel_loop3A_899, %parallel_loop3A_900] : memref<2x64x128xf32, #tpu.memory_space<vmem>> -> memref<1x64x128xf32, #tpu.memory_space<vmem>>
      %parallel_loop3A_902 = tpu.memref_squeeze %parallel_loop3A_901 : memref<1x64x128xf32, #tpu.memory_space<vmem>> -> memref<64x128xf32, #tpu.memory_space<vmem>>
      %parallel_loop3A_903 = arith.index_cast %parallel_loop3A_844 : i32 to index
      %parallel_loop3A_904 = arith.constant 48 : index
      %parallel_loop3A_905 = tpu.vector_load %parallel_loop3A_902[%parallel_loop3A_903, %parallel_loop3A_904] {strides = array<i32>} : memref<64x128xf32, #tpu.memory_space<vmem>>, vector<16xf32>,
      %parallel_loop3A_906 = arith.mulf %parallel_loop3A_898, %parallel_loop3A_905 : vector<16xf32>
      %parallel_loop3A_907 = arith.addf %parallel_loop3A_891, %parallel_loop3A_906 : vector<16xf32>
      %parallel_loop3A_908 = arith.constant 0 : i32
      %parallel_loop3A_909 = arith.constant 0 : i32
      %parallel_loop3A_910 = tpu.memref_slice %arg12[%parallel_loop3A_783, %parallel_loop3A_908, %parallel_loop3A_909] : memref<2x64x128xf32, #tpu.memory_space<vmem>> -> memref<1x64x128xf32, #tpu.memory_space<vmem>>
      %parallel_loop3A_911 = tpu.memref_squeeze %parallel_loop3A_910 : memref<1x64x128xf32, #tpu.memory_space<vmem>> -> memref<64x128xf32, #tpu.memory_space<vmem>>
      %parallel_loop3A_912 = arith.index_cast %parallel_loop3A_844 : i32 to index
      %parallel_loop3A_913 = arith.constant 64 : index
      %parallel_loop3A_914 = tpu.vector_load %parallel_loop3A_911[%parallel_loop3A_912, %parallel_loop3A_913] {strides = array<i32>} : memref<64x128xf32, #tpu.memory_space<vmem>>, vector<16xf32>,
      %parallel_loop3A_915 = arith.constant 0 : i32
      %parallel_loop3A_916 = arith.constant 0 : i32
      %parallel_loop3A_917 = tpu.memref_slice %arg13[%parallel_loop3A_784, %parallel_loop3A_915, %parallel_loop3A_916] : memref<2x64x128xf32, #tpu.memory_space<vmem>> -> memref<1x64x128xf32, #tpu.memory_space<vmem>>
      %parallel_loop3A_918 = tpu.memref_squeeze %parallel_loop3A_917 : memref<1x64x128xf32, #tpu.memory_space<vmem>> -> memref<64x128xf32, #tpu.memory_space<vmem>>
      %parallel_loop3A_919 = arith.index_cast %parallel_loop3A_844 : i32 to index
      %parallel_loop3A_920 = arith.constant 64 : index
      %parallel_loop3A_921 = tpu.vector_load %parallel_loop3A_918[%parallel_loop3A_919, %parallel_loop3A_920] {strides = array<i32>} : memref<64x128xf32, #tpu.memory_space<vmem>>, vector<16xf32>,
      %parallel_loop3A_922 = arith.mulf %parallel_loop3A_914, %parallel_loop3A_921 : vector<16xf32>
      %parallel_loop3A_923 = arith.addf %parallel_loop3A_907, %parallel_loop3A_922 : vector<16xf32>
      %parallel_loop3A_924 = arith.constant 0 : i32
      %parallel_loop3A_925 = arith.constant 0 : i32
      %parallel_loop3A_926 = tpu.memref_slice %arg12[%parallel_loop3A_783, %parallel_loop3A_924, %parallel_loop3A_925] : memref<2x64x128xf32, #tpu.memory_space<vmem>> -> memref<1x64x128xf32, #tpu.memory_space<vmem>>
      %parallel_loop3A_927 = tpu.memref_squeeze %parallel_loop3A_926 : memref<1x64x128xf32, #tpu.memory_space<vmem>> -> memref<64x128xf32, #tpu.memory_space<vmem>>
      %parallel_loop3A_928 = arith.index_cast %parallel_loop3A_844 : i32 to index
      %parallel_loop3A_929 = arith.constant 80 : index
      %parallel_loop3A_930 = tpu.vector_load %parallel_loop3A_927[%parallel_loop3A_928, %parallel_loop3A_929] {strides = array<i32>} : memref<64x128xf32, #tpu.memory_space<vmem>>, vector<16xf32>,
      %parallel_loop3A_931 = arith.constant 0 : i32
      %parallel_loop3A_932 = arith.constant 0 : i32
      %parallel_loop3A_933 = tpu.memref_slice %arg13[%parallel_loop3A_784, %parallel_loop3A_931, %parallel_loop3A_932] : memref<2x64x128xf32, #tpu.memory_space<vmem>> -> memref<1x64x128xf32, #tpu.memory_space<vmem>>
      %parallel_loop3A_934 = tpu.memref_squeeze %parallel_loop3A_933 : memref<1x64x128xf32, #tpu.memory_space<vmem>> -> memref<64x128xf32, #tpu.memory_space<vmem>>
      %parallel_loop3A_935 = arith.index_cast %parallel_loop3A_844 : i32 to index
      %parallel_loop3A_936 = arith.constant 80 : index
      %parallel_loop3A_937 = tpu.vector_load %parallel_loop3A_934[%parallel_loop3A_935, %parallel_loop3A_936] {strides = array<i32>} : memref<64x128xf32, #tpu.memory_space<vmem>>, vector<16xf32>,
      %parallel_loop3A_938 = arith.mulf %parallel_loop3A_930, %parallel_loop3A_937 : vector<16xf32>
      %parallel_loop3A_939 = arith.addf %parallel_loop3A_923, %parallel_loop3A_938 : vector<16xf32>
      %parallel_loop3A_940 = arith.constant 0 : i32
      %parallel_loop3A_941 = arith.constant 0 : i32
      %parallel_loop3A_942 = tpu.memref_slice %arg12[%parallel_loop3A_783, %parallel_loop3A_940, %parallel_loop3A_941] : memref<2x64x128xf32, #tpu.memory_space<vmem>> -> memref<1x64x128xf32, #tpu.memory_space<vmem>>
      %parallel_loop3A_943 = tpu.memref_squeeze %parallel_loop3A_942 : memref<1x64x128xf32, #tpu.memory_space<vmem>> -> memref<64x128xf32, #tpu.memory_space<vmem>>
      %parallel_loop3A_944 = arith.index_cast %parallel_loop3A_844 : i32 to index
      %parallel_loop3A_945 = arith.constant 96 : index
      %parallel_loop3A_946 = tpu.vector_load %parallel_loop3A_943[%parallel_loop3A_944, %parallel_loop3A_945] {strides = array<i32>} : memref<64x128xf32, #tpu.memory_space<vmem>>, vector<16xf32>,
      %parallel_loop3A_947 = arith.constant 0 : i32
      %parallel_loop3A_948 = arith.constant 0 : i32
      %parallel_loop3A_949 = tpu.memref_slice %arg13[%parallel_loop3A_784, %parallel_loop3A_947, %parallel_loop3A_948] : memref<2x64x128xf32, #tpu.memory_space<vmem>> -> memref<1x64x128xf32, #tpu.memory_space<vmem>>
      %parallel_loop3A_950 = tpu.memref_squeeze %parallel_loop3A_949 : memref<1x64x128xf32, #tpu.memory_space<vmem>> -> memref<64x128xf32, #tpu.memory_space<vmem>>
      %parallel_loop3A_951 = arith.index_cast %parallel_loop3A_844 : i32 to index
      %parallel_loop3A_952 = arith.constant 96 : index
      %parallel_loop3A_953 = tpu.vector_load %parallel_loop3A_950[%parallel_loop3A_951, %parallel_loop3A_952] {strides = array<i32>} : memref<64x128xf32, #tpu.memory_space<vmem>>, vector<16xf32>,
      %parallel_loop3A_954 = arith.mulf %parallel_loop3A_946, %parallel_loop3A_953 : vector<16xf32>
      %parallel_loop3A_955 = arith.addf %parallel_loop3A_939, %parallel_loop3A_954 : vector<16xf32>
      %parallel_loop3A_956 = arith.constant 0 : i32
      %parallel_loop3A_957 = arith.constant 0 : i32
      %parallel_loop3A_958 = tpu.memref_slice %arg12[%parallel_loop3A_783, %parallel_loop3A_956, %parallel_loop3A_957] : memref<2x64x128xf32, #tpu.memory_space<vmem>> -> memref<1x64x128xf32, #tpu.memory_space<vmem>>
      %parallel_loop3A_959 = tpu.memref_squeeze %parallel_loop3A_958 : memref<1x64x128xf32, #tpu.memory_space<vmem>> -> memref<64x128xf32, #tpu.memory_space<vmem>>
      %parallel_loop3A_960 = arith.index_cast %parallel_loop3A_844 : i32 to index
      %parallel_loop3A_961 = arith.constant 112 : index
      %parallel_loop3A_962 = tpu.vector_load %parallel_loop3A_959[%parallel_loop3A_960, %parallel_loop3A_961] {strides = array<i32>} : memref<64x128xf32, #tpu.memory_space<vmem>>, vector<16xf32>,
      %parallel_loop3A_963 = arith.constant 0 : i32
      %parallel_loop3A_964 = arith.constant 0 : i32
      %parallel_loop3A_965 = tpu.memref_slice %arg13[%parallel_loop3A_784, %parallel_loop3A_963, %parallel_loop3A_964] : memref<2x64x128xf32, #tpu.memory_space<vmem>> -> memref<1x64x128xf32, #tpu.memory_space<vmem>>
      %parallel_loop3A_966 = tpu.memref_squeeze %parallel_loop3A_965 : memref<1x64x128xf32, #tpu.memory_space<vmem>> -> memref<64x128xf32, #tpu.memory_space<vmem>>
      %parallel_loop3A_967 = arith.index_cast %parallel_loop3A_844 : i32 to index
      %parallel_loop3A_968 = arith.constant 112 : index
      %parallel_loop3A_969 = tpu.vector_load %parallel_loop3A_966[%parallel_loop3A_967, %parallel_loop3A_968] {strides = array<i32>} : memref<64x128xf32, #tpu.memory_space<vmem>>, vector<16xf32>,
      %parallel_loop3A_970 = arith.mulf %parallel_loop3A_962, %parallel_loop3A_969 : vector<16xf32>
      %parallel_loop3A_971 = arith.addf %parallel_loop3A_955, %parallel_loop3A_970 : vector<16xf32>
      %parallel_loop3A_972 = arith.constant true
      %parallel_loop3A_973 = vector.broadcast %parallel_loop3A_972 : i1 to vector<16xi1>
      %parallel_loop3A_974 = tpu.scan <sum>, %parallel_loop3A_971 masked %parallel_loop3A_973 : vector<16xf32>, vector<16xi1> -> vector<16xf32>
      %parallel_loop3A_975 = vector.broadcast %parallel_loop3A_844 : i32 to vector<16xi32>
      tpu.vector_store_idx %arg17[%parallel_loop3A_975], %parallel_loop3A_974 masked %eq3A : memref<64xf32, #tpu.memory_space<vmem>>[vector<16xi32>], vector<16xf32>, vector<16xi1>
    } {sc.loop_unroll_factor = 1 : i64, sc.parallel_access}
    %parallel_loop3A_785 = arith.constant 0 : i32
    %parallel_loop3A_786 = arith.constant 64 : i32
    %parallel_loop3A_787 = arith.constant 16 : i32
    scf.for %parallel_loop3A_844 = %parallel_loop3A_785 to %parallel_loop3A_786 step %parallel_loop3A_787  : i32 {
      %parallel_loop3A_845 = arith.index_cast %parallel_loop3A_844 : i32 to index
      %parallel_loop3A_846 = tpu.vector_load %arg17[%parallel_loop3A_845] {strides = array<i32>} : memref<64xf32, #tpu.memory_space<vmem>>, vector<16xf32>,
      %parallel_loop3A_847 = arith.constant 0 : i32
      %parallel_loop3A_848 = arith.index_cast %parallel_loop3A_847 : i32 to index
      %parallel_loop3A_849 = arith.index_cast %parallel_loop3A_844 : i32 to index
      %parallel_loop3A_850 = tpu.vector_load %arg14[%parallel_loop3A_848, %parallel_loop3A_849] {strides = array<i32>} : memref<2x64xf32, #tpu.memory_space<vmem>>, vector<16xf32>,
      %parallel_loop3A_851 = arith.addf %parallel_loop3A_846, %parallel_loop3A_850 : vector<16xf32>
      %parallel_loop3A_852 = arith.constant 0 : i32
      %parallel_loop3A_853 = arith.index_cast %parallel_loop3A_852 : i32 to index
      %parallel_loop3A_854 = arith.index_cast %parallel_loop3A_844 : i32 to index
      %parallel_loop3A_855 = tpu.vector_load %arg15[%parallel_loop3A_853, %parallel_loop3A_854] {strides = array<i32>} : memref<2x64xf32, #tpu.memory_space<vmem>>, vector<16xf32>,
      %parallel_loop3A_856 = arith.addf %parallel_loop3A_851, %parallel_loop3A_855 : vector<16xf32>
      %parallel_loop3A_857 = arith.maximumf %parallel_loop3A_856, %broadcast_in_dim3A_5 : vector<16xf32>
      %parallel_loop3A_858 = arith.mulf %parallel_loop3A_857, %get3A_10 : vector<16xf32>
      %parallel_loop3A_859 = arith.addf %parallel_loop3A_858, %get3A_14 : vector<16xf32>
      %parallel_loop3A_860 = arith.constant 0.000000e+00 : f32
      %parallel_loop3A_861 = vector.broadcast %parallel_loop3A_860 : f32 to vector<16xf32>
      %parallel_loop3A_862 = arith.subf %parallel_loop3A_861, %parallel_loop3A_859 : vector<16xf32>
      %parallel_loop3A_863 = math.exp %parallel_loop3A_862 : vector<16xf32>
      %parallel_loop3A_864 = arith.addf %broadcast_in_dim3A_7, %parallel_loop3A_863 : vector<16xf32>
      %parallel_loop3A_865 = arith.divf %broadcast_in_dim3A_7, %parallel_loop3A_864 : vector<16xf32>
      %parallel_loop3A_866 = arith.constant 384 : i32
      %parallel_loop3A_867 = arith.addi %parallel_loop3A_866, %parallel_loop3A_844 : i32
      %parallel_loop3A_868 = arith.index_cast %parallel_loop3A_867 : i32 to index
      %parallel_loop3A_869 = tpu.vector_load %arg18[%parallel_loop3A_868] {strides = array<i32>} : memref<512xf32, #tpu.memory_space<vmem>>, vector<16xf32>,
      tpu.vector_store %arg18[%parallel_loop3A_868], %parallel_loop3A_865 {strides = array<i32>} : memref<512xf32, #tpu.memory_space<vmem>>, vector<16xf32>,
    } {sc.loop_unroll_factor = 1 : i64, sc.parallel_access}
    %dma_wait3A_788 = arith.constant 1 : i32
    %dma_wait3A_789 = arith.constant 1 : i32
    %dma_wait3A_790 = arith.constant 0 : i32
    %dma_wait3A_791 = arith.constant 0 : i32
    %dma_wait3A_792 = tpu.memref_slice %arg12[%dma_wait3A_788, %dma_wait3A_790, %dma_wait3A_791] : memref<2x64x128xf32, #tpu.memory_space<vmem>> -> memref<1x64x128xf32, #tpu.memory_space<vmem>>
    %dma_wait3A_793 = tpu.memref_squeeze %dma_wait3A_792 : memref<1x64x128xf32, #tpu.memory_space<vmem>> -> memref<64x128xf32, #tpu.memory_space<vmem>>
    %dma_wait3A_794 = arith.constant 0 : i32
    %dma_wait3A_795 = tpu.memref_slice %arg10[%dma_wait3A_794] : memref<512xi32, #tpu.memory_space<vmem>> -> memref<64xi32, #tpu.memory_space<vmem>>
    %dma_wait3A_796 = arith.constant 0 : i32
    %dma_wait3A_797 = arith.constant 0 : i32
    %dma_wait3A_798 = tpu.memref_slice %arg5[%dma_wait3A_796, %dma_wait3A_797] : memref<65536x128xf32, #tpu.memory_space<hbm>> -> memref<65536x128xf32, #tpu.memory_space<hbm>>
    %dma_wait3A_799 = tpu.memref_slice %arg19[%dma_wait3A_789] : memref<2x!tpu.dma_semaphore, #tpu.memory_space<semaphore_mem>> -> memref<1x!tpu.dma_semaphore, #tpu.memory_space<semaphore_mem>>
    %dma_wait3A_800 = tpu.memref_squeeze %dma_wait3A_799 : memref<1x!tpu.dma_semaphore, #tpu.memory_space<semaphore_mem>> -> memref<!tpu.dma_semaphore, #tpu.memory_space<semaphore_mem>>
    tpu.wait_indirect_dma semaphore(%dma_wait3A_800 : memref<!tpu.dma_semaphore, #tpu.memory_space<semaphore_mem>>) src(%dma_wait3A_798 : memref<65536x128xf32, #tpu.memory_space<hbm>>) dst(%dma_wait3A_793 : memref<64x128xf32, #tpu.memory_space<vmem>>)
    %dma_wait3A_801 = arith.constant 1 : i32
    %dma_wait3A_802 = arith.constant 1 : i32
    %dma_wait3A_803 = arith.constant 0 : i32
    %dma_wait3A_804 = arith.constant 0 : i32
    %dma_wait3A_805 = tpu.memref_slice %arg13[%dma_wait3A_801, %dma_wait3A_803, %dma_wait3A_804] : memref<2x64x128xf32, #tpu.memory_space<vmem>> -> memref<1x64x128xf32, #tpu.memory_space<vmem>>
    %dma_wait3A_806 = tpu.memref_squeeze %dma_wait3A_805 : memref<1x64x128xf32, #tpu.memory_space<vmem>> -> memref<64x128xf32, #tpu.memory_space<vmem>>
    %dma_wait3A_807 = arith.constant 0 : i32
    %dma_wait3A_808 = tpu.memref_slice %arg11[%dma_wait3A_807] : memref<512xi32, #tpu.memory_space<vmem>> -> memref<64xi32, #tpu.memory_space<vmem>>
    %dma_wait3A_809 = arith.constant 0 : i32
    %dma_wait3A_810 = arith.constant 0 : i32
    %dma_wait3A_811 = tpu.memref_slice %arg6[%dma_wait3A_809, %dma_wait3A_810] : memref<10000x128xf32, #tpu.memory_space<hbm>> -> memref<10000x128xf32, #tpu.memory_space<hbm>>
    %dma_wait3A_812 = tpu.memref_slice %arg19[%dma_wait3A_802] : memref<2x!tpu.dma_semaphore, #tpu.memory_space<semaphore_mem>> -> memref<1x!tpu.dma_semaphore, #tpu.memory_space<semaphore_mem>>
    %dma_wait3A_813 = tpu.memref_squeeze %dma_wait3A_812 : memref<1x!tpu.dma_semaphore, #tpu.memory_space<semaphore_mem>> -> memref<!tpu.dma_semaphore, #tpu.memory_space<semaphore_mem>>
    tpu.wait_indirect_dma semaphore(%dma_wait3A_813 : memref<!tpu.dma_semaphore, #tpu.memory_space<semaphore_mem>>) src(%dma_wait3A_811 : memref<10000x128xf32, #tpu.memory_space<hbm>>) dst(%dma_wait3A_806 : memref<64x128xf32, #tpu.memory_space<vmem>>)
    %dma_wait3A_814 = arith.constant 1 : i32
    %dma_wait3A_815 = arith.constant 1 : i32
    %dma_wait3A_816 = arith.constant 0 : i32
    %dma_wait3A_817 = tpu.memref_slice %arg14[%dma_wait3A_814, %dma_wait3A_816] : memref<2x64xf32, #tpu.memory_space<vmem>> -> memref<1x64xf32, #tpu.memory_space<vmem>>
    %dma_wait3A_818 = tpu.memref_squeeze %dma_wait3A_817 : memref<1x64xf32, #tpu.memory_space<vmem>> -> memref<64xf32, #tpu.memory_space<vmem>>
    %dma_wait3A_819 = arith.constant 0 : i32
    %dma_wait3A_820 = tpu.memref_slice %arg10[%dma_wait3A_819] : memref<512xi32, #tpu.memory_space<vmem>> -> memref<64xi32, #tpu.memory_space<vmem>>
    %dma_wait3A_821 = arith.constant 0 : i32
    %dma_wait3A_822 = tpu.memref_slice %arg7[%dma_wait3A_821] : memref<65536xf32, #tpu.memory_space<hbm>> -> memref<65536xf32, #tpu.memory_space<hbm>>
    %dma_wait3A_823 = tpu.memref_slice %arg19[%dma_wait3A_815] : memref<2x!tpu.dma_semaphore, #tpu.memory_space<semaphore_mem>> -> memref<1x!tpu.dma_semaphore, #tpu.memory_space<semaphore_mem>>
    %dma_wait3A_824 = tpu.memref_squeeze %dma_wait3A_823 : memref<1x!tpu.dma_semaphore, #tpu.memory_space<semaphore_mem>> -> memref<!tpu.dma_semaphore, #tpu.memory_space<semaphore_mem>>
    tpu.wait_indirect_dma semaphore(%dma_wait3A_824 : memref<!tpu.dma_semaphore, #tpu.memory_space<semaphore_mem>>) src(%dma_wait3A_822 : memref<65536xf32, #tpu.memory_space<hbm>>) dst(%dma_wait3A_818 : memref<64xf32, #tpu.memory_space<vmem>>)
    %dma_wait3A_825 = arith.constant 1 : i32
    %dma_wait3A_826 = arith.constant 1 : i32
    %dma_wait3A_827 = arith.constant 0 : i32
    %dma_wait3A_828 = tpu.memref_slice %arg15[%dma_wait3A_825, %dma_wait3A_827] : memref<2x64xf32, #tpu.memory_space<vmem>> -> memref<1x64xf32, #tpu.memory_space<vmem>>
    %dma_wait3A_829 = tpu.memref_squeeze %dma_wait3A_828 : memref<1x64xf32, #tpu.memory_space<vmem>> -> memref<64xf32, #tpu.memory_space<vmem>>
    %dma_wait3A_830 = arith.constant 0 : i32
    %dma_wait3A_831 = tpu.memref_slice %arg11[%dma_wait3A_830] : memref<512xi32, #tpu.memory_space<vmem>> -> memref<64xi32, #tpu.memory_space<vmem>>
    %dma_wait3A_832 = arith.constant 0 : i32
    %dma_wait3A_833 = tpu.memref_slice %arg8[%dma_wait3A_832] : memref<10000xf32, #tpu.memory_space<hbm>> -> memref<10000xf32, #tpu.memory_space<hbm>>
    %dma_wait3A_834 = tpu.memref_slice %arg19[%dma_wait3A_826] : memref<2x!tpu.dma_semaphore, #tpu.memory_space<semaphore_mem>> -> memref<1x!tpu.dma_semaphore, #tpu.memory_space<semaphore_mem>>
    %dma_wait3A_835 = tpu.memref_squeeze %dma_wait3A_834 : memref<1x!tpu.dma_semaphore, #tpu.memory_space<semaphore_mem>> -> memref<!tpu.dma_semaphore, #tpu.memory_space<semaphore_mem>>
    tpu.wait_indirect_dma semaphore(%dma_wait3A_835 : memref<!tpu.dma_semaphore, #tpu.memory_space<semaphore_mem>>) src(%dma_wait3A_833 : memref<10000xf32, #tpu.memory_space<hbm>>) dst(%dma_wait3A_829 : memref<64xf32, #tpu.memory_space<vmem>>)
    %parallel_loop3A_836 = arith.constant 0 : i32
    %parallel_loop3A_837 = arith.constant 64 : i32
    %parallel_loop3A_838 = arith.constant 1 : i32
    %parallel_loop3A_839 = arith.constant 1 : i32
    %parallel_loop3A_840 = arith.constant 1 : i32
    scf.for %parallel_loop3A_844 = %parallel_loop3A_836 to %parallel_loop3A_837 step %parallel_loop3A_838  : i32 {
      %parallel_loop3A_845 = arith.constant 0 : i32
      %parallel_loop3A_846 = arith.constant 0 : i32
      %parallel_loop3A_847 = tpu.memref_slice %arg12[%parallel_loop3A_839, %parallel_loop3A_845, %parallel_loop3A_846] : memref<2x64x128xf32, #tpu.memory_space<vmem>> -> memref<1x64x128xf32, #tpu.memory_space<vmem>>
      %parallel_loop3A_848 = tpu.memref_squeeze %parallel_loop3A_847 : memref<1x64x128xf32, #tpu.memory_space<vmem>> -> memref<64x128xf32, #tpu.memory_space<vmem>>
      %parallel_loop3A_849 = arith.index_cast %parallel_loop3A_844 : i32 to index
      %parallel_loop3A_850 = arith.constant 0 : index
      %parallel_loop3A_851 = tpu.vector_load %parallel_loop3A_848[%parallel_loop3A_849, %parallel_loop3A_850] {strides = array<i32>} : memref<64x128xf32, #tpu.memory_space<vmem>>, vector<16xf32>,
      %parallel_loop3A_852 = arith.constant 0 : i32
      %parallel_loop3A_853 = arith.constant 0 : i32
      %parallel_loop3A_854 = tpu.memref_slice %arg13[%parallel_loop3A_840, %parallel_loop3A_852, %parallel_loop3A_853] : memref<2x64x128xf32, #tpu.memory_space<vmem>> -> memref<1x64x128xf32, #tpu.memory_space<vmem>>
      %parallel_loop3A_855 = tpu.memref_squeeze %parallel_loop3A_854 : memref<1x64x128xf32, #tpu.memory_space<vmem>> -> memref<64x128xf32, #tpu.memory_space<vmem>>
      %parallel_loop3A_856 = arith.index_cast %parallel_loop3A_844 : i32 to index
      %parallel_loop3A_857 = arith.constant 0 : index
      %parallel_loop3A_858 = tpu.vector_load %parallel_loop3A_855[%parallel_loop3A_856, %parallel_loop3A_857] {strides = array<i32>} : memref<64x128xf32, #tpu.memory_space<vmem>>, vector<16xf32>,
      %parallel_loop3A_859 = arith.mulf %parallel_loop3A_851, %parallel_loop3A_858 : vector<16xf32>
      %parallel_loop3A_860 = arith.constant 0 : i32
      %parallel_loop3A_861 = arith.constant 0 : i32
      %parallel_loop3A_862 = tpu.memref_slice %arg12[%parallel_loop3A_839, %parallel_loop3A_860, %parallel_loop3A_861] : memref<2x64x128xf32, #tpu.memory_space<vmem>> -> memref<1x64x128xf32, #tpu.memory_space<vmem>>
      %parallel_loop3A_863 = tpu.memref_squeeze %parallel_loop3A_862 : memref<1x64x128xf32, #tpu.memory_space<vmem>> -> memref<64x128xf32, #tpu.memory_space<vmem>>
      %parallel_loop3A_864 = arith.index_cast %parallel_loop3A_844 : i32 to index
      %parallel_loop3A_865 = arith.constant 16 : index
      %parallel_loop3A_866 = tpu.vector_load %parallel_loop3A_863[%parallel_loop3A_864, %parallel_loop3A_865] {strides = array<i32>} : memref<64x128xf32, #tpu.memory_space<vmem>>, vector<16xf32>,
      %parallel_loop3A_867 = arith.constant 0 : i32
      %parallel_loop3A_868 = arith.constant 0 : i32
      %parallel_loop3A_869 = tpu.memref_slice %arg13[%parallel_loop3A_840, %parallel_loop3A_867, %parallel_loop3A_868] : memref<2x64x128xf32, #tpu.memory_space<vmem>> -> memref<1x64x128xf32, #tpu.memory_space<vmem>>
      %parallel_loop3A_870 = tpu.memref_squeeze %parallel_loop3A_869 : memref<1x64x128xf32, #tpu.memory_space<vmem>> -> memref<64x128xf32, #tpu.memory_space<vmem>>
      %parallel_loop3A_871 = arith.index_cast %parallel_loop3A_844 : i32 to index
      %parallel_loop3A_872 = arith.constant 16 : index
      %parallel_loop3A_873 = tpu.vector_load %parallel_loop3A_870[%parallel_loop3A_871, %parallel_loop3A_872] {strides = array<i32>} : memref<64x128xf32, #tpu.memory_space<vmem>>, vector<16xf32>,
      %parallel_loop3A_874 = arith.mulf %parallel_loop3A_866, %parallel_loop3A_873 : vector<16xf32>
      %parallel_loop3A_875 = arith.addf %parallel_loop3A_859, %parallel_loop3A_874 : vector<16xf32>
      %parallel_loop3A_876 = arith.constant 0 : i32
      %parallel_loop3A_877 = arith.constant 0 : i32
      %parallel_loop3A_878 = tpu.memref_slice %arg12[%parallel_loop3A_839, %parallel_loop3A_876, %parallel_loop3A_877] : memref<2x64x128xf32, #tpu.memory_space<vmem>> -> memref<1x64x128xf32, #tpu.memory_space<vmem>>
      %parallel_loop3A_879 = tpu.memref_squeeze %parallel_loop3A_878 : memref<1x64x128xf32, #tpu.memory_space<vmem>> -> memref<64x128xf32, #tpu.memory_space<vmem>>
      %parallel_loop3A_880 = arith.index_cast %parallel_loop3A_844 : i32 to index
      %parallel_loop3A_881 = arith.constant 32 : index
      %parallel_loop3A_882 = tpu.vector_load %parallel_loop3A_879[%parallel_loop3A_880, %parallel_loop3A_881] {strides = array<i32>} : memref<64x128xf32, #tpu.memory_space<vmem>>, vector<16xf32>,
      %parallel_loop3A_883 = arith.constant 0 : i32
      %parallel_loop3A_884 = arith.constant 0 : i32
      %parallel_loop3A_885 = tpu.memref_slice %arg13[%parallel_loop3A_840, %parallel_loop3A_883, %parallel_loop3A_884] : memref<2x64x128xf32, #tpu.memory_space<vmem>> -> memref<1x64x128xf32, #tpu.memory_space<vmem>>
      %parallel_loop3A_886 = tpu.memref_squeeze %parallel_loop3A_885 : memref<1x64x128xf32, #tpu.memory_space<vmem>> -> memref<64x128xf32, #tpu.memory_space<vmem>>
      %parallel_loop3A_887 = arith.index_cast %parallel_loop3A_844 : i32 to index
      %parallel_loop3A_888 = arith.constant 32 : index
      %parallel_loop3A_889 = tpu.vector_load %parallel_loop3A_886[%parallel_loop3A_887, %parallel_loop3A_888] {strides = array<i32>} : memref<64x128xf32, #tpu.memory_space<vmem>>, vector<16xf32>,
      %parallel_loop3A_890 = arith.mulf %parallel_loop3A_882, %parallel_loop3A_889 : vector<16xf32>
      %parallel_loop3A_891 = arith.addf %parallel_loop3A_875, %parallel_loop3A_890 : vector<16xf32>
      %parallel_loop3A_892 = arith.constant 0 : i32
      %parallel_loop3A_893 = arith.constant 0 : i32
      %parallel_loop3A_894 = tpu.memref_slice %arg12[%parallel_loop3A_839, %parallel_loop3A_892, %parallel_loop3A_893] : memref<2x64x128xf32, #tpu.memory_space<vmem>> -> memref<1x64x128xf32, #tpu.memory_space<vmem>>
      %parallel_loop3A_895 = tpu.memref_squeeze %parallel_loop3A_894 : memref<1x64x128xf32, #tpu.memory_space<vmem>> -> memref<64x128xf32, #tpu.memory_space<vmem>>
      %parallel_loop3A_896 = arith.index_cast %parallel_loop3A_844 : i32 to index
      %parallel_loop3A_897 = arith.constant 48 : index
      %parallel_loop3A_898 = tpu.vector_load %parallel_loop3A_895[%parallel_loop3A_896, %parallel_loop3A_897] {strides = array<i32>} : memref<64x128xf32, #tpu.memory_space<vmem>>, vector<16xf32>,
      %parallel_loop3A_899 = arith.constant 0 : i32
      %parallel_loop3A_900 = arith.constant 0 : i32
      %parallel_loop3A_901 = tpu.memref_slice %arg13[%parallel_loop3A_840, %parallel_loop3A_899, %parallel_loop3A_900] : memref<2x64x128xf32, #tpu.memory_space<vmem>> -> memref<1x64x128xf32, #tpu.memory_space<vmem>>
      %parallel_loop3A_902 = tpu.memref_squeeze %parallel_loop3A_901 : memref<1x64x128xf32, #tpu.memory_space<vmem>> -> memref<64x128xf32, #tpu.memory_space<vmem>>
      %parallel_loop3A_903 = arith.index_cast %parallel_loop3A_844 : i32 to index
      %parallel_loop3A_904 = arith.constant 48 : index
      %parallel_loop3A_905 = tpu.vector_load %parallel_loop3A_902[%parallel_loop3A_903, %parallel_loop3A_904] {strides = array<i32>} : memref<64x128xf32, #tpu.memory_space<vmem>>, vector<16xf32>,
      %parallel_loop3A_906 = arith.mulf %parallel_loop3A_898, %parallel_loop3A_905 : vector<16xf32>
      %parallel_loop3A_907 = arith.addf %parallel_loop3A_891, %parallel_loop3A_906 : vector<16xf32>
      %parallel_loop3A_908 = arith.constant 0 : i32
      %parallel_loop3A_909 = arith.constant 0 : i32
      %parallel_loop3A_910 = tpu.memref_slice %arg12[%parallel_loop3A_839, %parallel_loop3A_908, %parallel_loop3A_909] : memref<2x64x128xf32, #tpu.memory_space<vmem>> -> memref<1x64x128xf32, #tpu.memory_space<vmem>>
      %parallel_loop3A_911 = tpu.memref_squeeze %parallel_loop3A_910 : memref<1x64x128xf32, #tpu.memory_space<vmem>> -> memref<64x128xf32, #tpu.memory_space<vmem>>
      %parallel_loop3A_912 = arith.index_cast %parallel_loop3A_844 : i32 to index
      %parallel_loop3A_913 = arith.constant 64 : index
      %parallel_loop3A_914 = tpu.vector_load %parallel_loop3A_911[%parallel_loop3A_912, %parallel_loop3A_913] {strides = array<i32>} : memref<64x128xf32, #tpu.memory_space<vmem>>, vector<16xf32>,
      %parallel_loop3A_915 = arith.constant 0 : i32
      %parallel_loop3A_916 = arith.constant 0 : i32
      %parallel_loop3A_917 = tpu.memref_slice %arg13[%parallel_loop3A_840, %parallel_loop3A_915, %parallel_loop3A_916] : memref<2x64x128xf32, #tpu.memory_space<vmem>> -> memref<1x64x128xf32, #tpu.memory_space<vmem>>
      %parallel_loop3A_918 = tpu.memref_squeeze %parallel_loop3A_917 : memref<1x64x128xf32, #tpu.memory_space<vmem>> -> memref<64x128xf32, #tpu.memory_space<vmem>>
      %parallel_loop3A_919 = arith.index_cast %parallel_loop3A_844 : i32 to index
      %parallel_loop3A_920 = arith.constant 64 : index
      %parallel_loop3A_921 = tpu.vector_load %parallel_loop3A_918[%parallel_loop3A_919, %parallel_loop3A_920] {strides = array<i32>} : memref<64x128xf32, #tpu.memory_space<vmem>>, vector<16xf32>,
      %parallel_loop3A_922 = arith.mulf %parallel_loop3A_914, %parallel_loop3A_921 : vector<16xf32>
      %parallel_loop3A_923 = arith.addf %parallel_loop3A_907, %parallel_loop3A_922 : vector<16xf32>
      %parallel_loop3A_924 = arith.constant 0 : i32
      %parallel_loop3A_925 = arith.constant 0 : i32
      %parallel_loop3A_926 = tpu.memref_slice %arg12[%parallel_loop3A_839, %parallel_loop3A_924, %parallel_loop3A_925] : memref<2x64x128xf32, #tpu.memory_space<vmem>> -> memref<1x64x128xf32, #tpu.memory_space<vmem>>
      %parallel_loop3A_927 = tpu.memref_squeeze %parallel_loop3A_926 : memref<1x64x128xf32, #tpu.memory_space<vmem>> -> memref<64x128xf32, #tpu.memory_space<vmem>>
      %parallel_loop3A_928 = arith.index_cast %parallel_loop3A_844 : i32 to index
      %parallel_loop3A_929 = arith.constant 80 : index
      %parallel_loop3A_930 = tpu.vector_load %parallel_loop3A_927[%parallel_loop3A_928, %parallel_loop3A_929] {strides = array<i32>} : memref<64x128xf32, #tpu.memory_space<vmem>>, vector<16xf32>,
      %parallel_loop3A_931 = arith.constant 0 : i32
      %parallel_loop3A_932 = arith.constant 0 : i32
      %parallel_loop3A_933 = tpu.memref_slice %arg13[%parallel_loop3A_840, %parallel_loop3A_931, %parallel_loop3A_932] : memref<2x64x128xf32, #tpu.memory_space<vmem>> -> memref<1x64x128xf32, #tpu.memory_space<vmem>>
      %parallel_loop3A_934 = tpu.memref_squeeze %parallel_loop3A_933 : memref<1x64x128xf32, #tpu.memory_space<vmem>> -> memref<64x128xf32, #tpu.memory_space<vmem>>
      %parallel_loop3A_935 = arith.index_cast %parallel_loop3A_844 : i32 to index
      %parallel_loop3A_936 = arith.constant 80 : index
      %parallel_loop3A_937 = tpu.vector_load %parallel_loop3A_934[%parallel_loop3A_935, %parallel_loop3A_936] {strides = array<i32>} : memref<64x128xf32, #tpu.memory_space<vmem>>, vector<16xf32>,
      %parallel_loop3A_938 = arith.mulf %parallel_loop3A_930, %parallel_loop3A_937 : vector<16xf32>
      %parallel_loop3A_939 = arith.addf %parallel_loop3A_923, %parallel_loop3A_938 : vector<16xf32>
      %parallel_loop3A_940 = arith.constant 0 : i32
      %parallel_loop3A_941 = arith.constant 0 : i32
      %parallel_loop3A_942 = tpu.memref_slice %arg12[%parallel_loop3A_839, %parallel_loop3A_940, %parallel_loop3A_941] : memref<2x64x128xf32, #tpu.memory_space<vmem>> -> memref<1x64x128xf32, #tpu.memory_space<vmem>>
      %parallel_loop3A_943 = tpu.memref_squeeze %parallel_loop3A_942 : memref<1x64x128xf32, #tpu.memory_space<vmem>> -> memref<64x128xf32, #tpu.memory_space<vmem>>
      %parallel_loop3A_944 = arith.index_cast %parallel_loop3A_844 : i32 to index
      %parallel_loop3A_945 = arith.constant 96 : index
      %parallel_loop3A_946 = tpu.vector_load %parallel_loop3A_943[%parallel_loop3A_944, %parallel_loop3A_945] {strides = array<i32>} : memref<64x128xf32, #tpu.memory_space<vmem>>, vector<16xf32>,
      %parallel_loop3A_947 = arith.constant 0 : i32
      %parallel_loop3A_948 = arith.constant 0 : i32
      %parallel_loop3A_949 = tpu.memref_slice %arg13[%parallel_loop3A_840, %parallel_loop3A_947, %parallel_loop3A_948] : memref<2x64x128xf32, #tpu.memory_space<vmem>> -> memref<1x64x128xf32, #tpu.memory_space<vmem>>
      %parallel_loop3A_950 = tpu.memref_squeeze %parallel_loop3A_949 : memref<1x64x128xf32, #tpu.memory_space<vmem>> -> memref<64x128xf32, #tpu.memory_space<vmem>>
      %parallel_loop3A_951 = arith.index_cast %parallel_loop3A_844 : i32 to index
      %parallel_loop3A_952 = arith.constant 96 : index
      %parallel_loop3A_953 = tpu.vector_load %parallel_loop3A_950[%parallel_loop3A_951, %parallel_loop3A_952] {strides = array<i32>} : memref<64x128xf32, #tpu.memory_space<vmem>>, vector<16xf32>,
      %parallel_loop3A_954 = arith.mulf %parallel_loop3A_946, %parallel_loop3A_953 : vector<16xf32>
      %parallel_loop3A_955 = arith.addf %parallel_loop3A_939, %parallel_loop3A_954 : vector<16xf32>
      %parallel_loop3A_956 = arith.constant 0 : i32
      %parallel_loop3A_957 = arith.constant 0 : i32
      %parallel_loop3A_958 = tpu.memref_slice %arg12[%parallel_loop3A_839, %parallel_loop3A_956, %parallel_loop3A_957] : memref<2x64x128xf32, #tpu.memory_space<vmem>> -> memref<1x64x128xf32, #tpu.memory_space<vmem>>
      %parallel_loop3A_959 = tpu.memref_squeeze %parallel_loop3A_958 : memref<1x64x128xf32, #tpu.memory_space<vmem>> -> memref<64x128xf32, #tpu.memory_space<vmem>>
      %parallel_loop3A_960 = arith.index_cast %parallel_loop3A_844 : i32 to index
      %parallel_loop3A_961 = arith.constant 112 : index
      %parallel_loop3A_962 = tpu.vector_load %parallel_loop3A_959[%parallel_loop3A_960, %parallel_loop3A_961] {strides = array<i32>} : memref<64x128xf32, #tpu.memory_space<vmem>>, vector<16xf32>,
      %parallel_loop3A_963 = arith.constant 0 : i32
      %parallel_loop3A_964 = arith.constant 0 : i32
      %parallel_loop3A_965 = tpu.memref_slice %arg13[%parallel_loop3A_840, %parallel_loop3A_963, %parallel_loop3A_964] : memref<2x64x128xf32, #tpu.memory_space<vmem>> -> memref<1x64x128xf32, #tpu.memory_space<vmem>>
      %parallel_loop3A_966 = tpu.memref_squeeze %parallel_loop3A_965 : memref<1x64x128xf32, #tpu.memory_space<vmem>> -> memref<64x128xf32, #tpu.memory_space<vmem>>
      %parallel_loop3A_967 = arith.index_cast %parallel_loop3A_844 : i32 to index
      %parallel_loop3A_968 = arith.constant 112 : index
      %parallel_loop3A_969 = tpu.vector_load %parallel_loop3A_966[%parallel_loop3A_967, %parallel_loop3A_968] {strides = array<i32>} : memref<64x128xf32, #tpu.memory_space<vmem>>, vector<16xf32>,
      %parallel_loop3A_970 = arith.mulf %parallel_loop3A_962, %parallel_loop3A_969 : vector<16xf32>
      %parallel_loop3A_971 = arith.addf %parallel_loop3A_955, %parallel_loop3A_970 : vector<16xf32>
      %parallel_loop3A_972 = arith.constant true
      %parallel_loop3A_973 = vector.broadcast %parallel_loop3A_972 : i1 to vector<16xi1>
      %parallel_loop3A_974 = tpu.scan <sum>, %parallel_loop3A_971 masked %parallel_loop3A_973 : vector<16xf32>, vector<16xi1> -> vector<16xf32>
      %parallel_loop3A_975 = vector.broadcast %parallel_loop3A_844 : i32 to vector<16xi32>
      tpu.vector_store_idx %arg17[%parallel_loop3A_975], %parallel_loop3A_974 masked %eq3A : memref<64xf32, #tpu.memory_space<vmem>>[vector<16xi32>], vector<16xf32>, vector<16xi1>
    } {sc.loop_unroll_factor = 1 : i64, sc.parallel_access}
    %parallel_loop3A_841 = arith.constant 0 : i32
    %parallel_loop3A_842 = arith.constant 64 : i32
    %parallel_loop3A_843 = arith.constant 16 : i32
    scf.for %parallel_loop3A_844 = %parallel_loop3A_841 to %parallel_loop3A_842 step %parallel_loop3A_843  : i32 {
      %parallel_loop3A_845 = arith.index_cast %parallel_loop3A_844 : i32 to index
      %parallel_loop3A_846 = tpu.vector_load %arg17[%parallel_loop3A_845] {strides = array<i32>} : memref<64xf32, #tpu.memory_space<vmem>>, vector<16xf32>,
      %parallel_loop3A_847 = arith.constant 1 : i32
      %parallel_loop3A_848 = arith.index_cast %parallel_loop3A_847 : i32 to index
      %parallel_loop3A_849 = arith.index_cast %parallel_loop3A_844 : i32 to index
      %parallel_loop3A_850 = tpu.vector_load %arg14[%parallel_loop3A_848, %parallel_loop3A_849] {strides = array<i32>} : memref<2x64xf32, #tpu.memory_space<vmem>>, vector<16xf32>,
      %parallel_loop3A_851 = arith.addf %parallel_loop3A_846, %parallel_loop3A_850 : vector<16xf32>
      %parallel_loop3A_852 = arith.constant 1 : i32
      %parallel_loop3A_853 = arith.index_cast %parallel_loop3A_852 : i32 to index
      %parallel_loop3A_854 = arith.index_cast %parallel_loop3A_844 : i32 to index
      %parallel_loop3A_855 = tpu.vector_load %arg15[%parallel_loop3A_853, %parallel_loop3A_854] {strides = array<i32>} : memref<2x64xf32, #tpu.memory_space<vmem>>, vector<16xf32>,
      %parallel_loop3A_856 = arith.addf %parallel_loop3A_851, %parallel_loop3A_855 : vector<16xf32>
      %parallel_loop3A_857 = arith.maximumf %parallel_loop3A_856, %broadcast_in_dim3A_5 : vector<16xf32>
      %parallel_loop3A_858 = arith.mulf %parallel_loop3A_857, %get3A_10 : vector<16xf32>
      %parallel_loop3A_859 = arith.addf %parallel_loop3A_858, %get3A_14 : vector<16xf32>
      %parallel_loop3A_860 = arith.constant 0.000000e+00 : f32
      %parallel_loop3A_861 = vector.broadcast %parallel_loop3A_860 : f32 to vector<16xf32>
      %parallel_loop3A_862 = arith.subf %parallel_loop3A_861, %parallel_loop3A_859 : vector<16xf32>
      %parallel_loop3A_863 = math.exp %parallel_loop3A_862 : vector<16xf32>
      %parallel_loop3A_864 = arith.addf %broadcast_in_dim3A_7, %parallel_loop3A_863 : vector<16xf32>
      %parallel_loop3A_865 = arith.divf %broadcast_in_dim3A_7, %parallel_loop3A_864 : vector<16xf32>
      %parallel_loop3A_866 = arith.constant 448 : i32
      %parallel_loop3A_867 = arith.addi %parallel_loop3A_866, %parallel_loop3A_844 : i32
      %parallel_loop3A_868 = arith.index_cast %parallel_loop3A_867 : i32 to index
      %parallel_loop3A_869 = tpu.vector_load %arg18[%parallel_loop3A_868] {strides = array<i32>} : memref<512xf32, #tpu.memory_space<vmem>>, vector<16xf32>,
      tpu.vector_store %arg18[%parallel_loop3A_868], %parallel_loop3A_865 {strides = array<i32>} : memref<512xf32, #tpu.memory_space<vmem>>, vector<16xf32>,
    } {sc.loop_unroll_factor = 1 : i64, sc.parallel_access}
    "tpu.region"() ({
      %run_scoped3A = tpu.sem_alloc : memref<!tpu.dma_semaphore, #tpu.memory_space<semaphore_mem>>
      %dma_start3A_844 = tpu.memref_slice %arg9[%mul3A_2] : memref<16384xf32, #tpu.memory_space<hbm>> -> memref<512xf32, #tpu.memory_space<hbm>>
      %dma_start3A_845 = tpu.memref_slice %arg9[%mul3A_2] : memref<16384xf32, #tpu.memory_space<hbm>> -> memref<512xf32, #tpu.memory_space<hbm>>
      tpu.enqueue_dma source(%arg18 : memref<512xf32, #tpu.memory_space<vmem>>) target(%dma_start3A_845 : memref<512xf32, #tpu.memory_space<hbm>>) target_semaphore(%run_scoped3A : memref<!tpu.dma_semaphore, #tpu.memory_space<semaphore_mem>>)
      %dma_wait3A_846 = tpu.memref_slice %arg9[%mul3A_2] : memref<16384xf32, #tpu.memory_space<hbm>> -> memref<512xf32, #tpu.memory_space<hbm>>
      %dma_wait3A_847 = tpu.memref_slice %arg9[%mul3A_2] : memref<16384xf32, #tpu.memory_space<hbm>> -> memref<512xf32, #tpu.memory_space<hbm>>
      tpu.wait_dma2 semaphore(%run_scoped3A : memref<!tpu.dma_semaphore, #tpu.memory_space<semaphore_mem>>) src(%arg18 : memref<512xf32, #tpu.memory_space<vmem>>) dst(%dma_wait3A_847 : memref<512xf32, #tpu.memory_space<hbm>>)
      tpu.yield
    }) : () -> ()
    return
  }
}

module attributes {stable_mosaic.version = 14 : i64} {
  func.func @_prep_px_body(%arg0: i32, %arg1: memref<64x8192xf32, #tpu.memory_space<vmem>>, %arg2: memref<64x8192xf32, #tpu.memory_space<vmem>>, %arg3: memref<64x8192xf32, #tpu.memory_space<vmem>>, %arg4: memref<64x1xf32, #tpu.memory_space<vmem>>, %arg5: memref<64x1xf32, #tpu.memory_space<vmem>>, %arg6: memref<8192x128xf32, #tpu.memory_space<vmem>>, %arg7: memref<1x1x8192xf32, #tpu.memory_space<vmem>>) attributes {dimension_semantics = [#tpu.dimension_semantics<arbitrary>], iteration_bounds = array<i64: 8>, scalar_prefetch = 0 : i64, scratch_operands = 0 : i64, tpu.core_type = #tpu.core_type<tc>, window_params = [{transform_indices = @transform_0, window_bounds = array<i64: 64, 8192>}, {transform_indices = @transform_1, window_bounds = array<i64: 64, 8192>}, {transform_indices = @transform_2, window_bounds = array<i64: 64, 8192>}, {pipeline_mode = #tpu.pipeline_mode<synchronous>, transform_indices = @transform_3, window_bounds = array<i64: 64, 1>}, {pipeline_mode = #tpu.pipeline_mode<synchronous>, transform_indices = @transform_4, window_bounds = array<i64: 64, 1>}, {transform_indices = @transform_5, window_bounds = array<i64: 8192, 128>}, {transform_indices = @transform_6, window_bounds = array<i64: 1, 1, 8192>}]} {
    %get3A = arith.constant 0 : index
    %get3A_0 = arith.constant 0 : index
    %get3A_1 = vector.load %arg5[%get3A, %get3A_0] : memref<64x1xf32, #tpu.memory_space<vmem>>, vector<64x1xf32>
    %get3A_2 = arith.constant 0 : index
    %get3A_3 = arith.constant 0 : index
    %get3A_4 = vector.load %arg2[%get3A_2, %get3A_3] : memref<64x8192xf32, #tpu.memory_space<vmem>>, vector<64x8192xf32>
    %max3A = arith.constant 0.000000e+00 : f32
    %max3A_5 = vector.broadcast %max3A : f32 to vector<64x8192xf32>
    %max3A_6 = arith.maximumf %get3A_4, %max3A_5 : vector<64x8192xf32>
    %mul3A = vector.broadcast %get3A_1 : vector<64x1xf32> to vector<64x8192xf32>
    %mul3A_7 = arith.mulf %max3A_6, %mul3A : vector<64x8192xf32>
    %get3A_8 = arith.constant 0 : index
    %get3A_9 = arith.constant 0 : index
    %get3A_10 = vector.load %arg3[%get3A_8, %get3A_9] : memref<64x8192xf32, #tpu.memory_space<vmem>>, vector<64x8192xf32>
    %max3A_11 = arith.constant 0.000000e+00 : f32
    %max3A_12 = vector.broadcast %max3A_11 : f32 to vector<64x8192xf32>
    %max3A_13 = arith.maximumf %get3A_10, %max3A_12 : vector<64x8192xf32>
    %mul3A_14 = vector.broadcast %get3A_1 : vector<64x1xf32> to vector<64x8192xf32>
    %mul3A_15 = arith.mulf %max3A_13, %mul3A_14 : vector<64x8192xf32>
    %iota3A = tpu.iota {dimensions = array<i32: 0>} : vector<64x64xi32>
    %iota3A_16 = tpu.iota {dimensions = array<i32: 1>} : vector<64x64xi32>
    %eq3A = arith.cmpi eq, %iota3A, %iota3A_16 : vector<64x64xi32>
    %convert_element_type3A = arith.extui %eq3A : vector<64x64xi1> to vector<64x64xi32>
    %convert_element_type3A_17 = arith.sitofp %convert_element_type3A : vector<64x64xi32> to vector<64x64xf32>
    %dot_general3A = arith.constant dense<0.000000e+00> : vector<8192x64xf32>
    %dot_general3A_18 = tpu.matmul %mul3A_7, %convert_element_type3A_17, %dot_general3A {dimension_numbers = #tpu.dot_dimension_numbers<[0], [0], [1], [1], [0, 1, 1, 1], [], []>, transpose_lhs_hint = false} : vector<64x8192xf32>, vector<64x64xf32>, vector<8192x64xf32> -> vector<8192x64xf32>
    %dot_general3A_19 = arith.constant dense<0.000000e+00> : vector<8192x64xf32>
    %dot_general3A_20 = tpu.matmul %mul3A_15, %convert_element_type3A_17, %dot_general3A_19 {dimension_numbers = #tpu.dot_dimension_numbers<[0], [0], [1], [1], [0, 1, 1, 1], [], []>, transpose_lhs_hint = false} : vector<64x8192xf32>, vector<64x64xf32>, vector<8192x64xf32> -> vector<8192x64xf32>
    %concatenate3A = tpu.concatenate %dot_general3A_18, %dot_general3A_20 in 1 : vector<8192x64xf32>, vector<8192x64xf32> -> vector<8192x128xf32>
    %swap3A = arith.constant 0 : index
    %swap3A_21 = arith.constant 0 : index
    %swap3A_22 = vector.load %arg6[%swap3A, %swap3A_21] : memref<8192x128xf32, #tpu.memory_space<vmem>>, vector<8192x128xf32>
    tpu.vector_store %arg6[%swap3A, %swap3A_21], %concatenate3A {strides = array<i32>} : memref<8192x128xf32, #tpu.memory_space<vmem>>, vector<8192x128xf32>,
    %get3A_23 = arith.constant 0 : index
    %get3A_24 = arith.constant 0 : index
    %get3A_25 = vector.load %arg1[%get3A_23, %get3A_24] : memref<64x8192xf32, #tpu.memory_space<vmem>>, vector<64x8192xf32>
    %get3A_26 = arith.constant 0 : index
    %get3A_27 = arith.constant 0 : index
    %get3A_28 = vector.load %arg4[%get3A_26, %get3A_27] : memref<64x1xf32, #tpu.memory_space<vmem>>, vector<64x1xf32>
    %mul3A_29 = vector.broadcast %get3A_28 : vector<64x1xf32> to vector<64x8192xf32>
    %mul3A_30 = arith.mulf %get3A_25, %mul3A_29 : vector<64x8192xf32>
    %reduce_sum3A = arith.constant dense<0.000000e+00> : vector<8192xf32>
    %reduce_sum3A_31 = vector.multi_reduction <add>, %mul3A_30, %reduce_sum3A [0] : vector<64x8192xf32> to vector<8192xf32>
    %broadcast_in_dim3A = vector.shape_cast %reduce_sum3A_31 : vector<8192xf32> to vector<1x1x8192xf32>
    %swap3A_32 = arith.constant 0 : index
    %swap3A_33 = arith.constant 0 : index
    %swap3A_34 = arith.constant 0 : index
    %swap3A_35 = vector.load %arg7[%swap3A_32, %swap3A_33, %swap3A_34] : memref<1x1x8192xf32, #tpu.memory_space<vmem>>, vector<1x1x8192xf32>
    tpu.vector_store %arg7[%swap3A_32, %swap3A_33, %swap3A_34], %broadcast_in_dim3A {strides = array<i32>} : memref<1x1x8192xf32, #tpu.memory_space<vmem>>, vector<1x1x8192xf32>,
    return
  }
  func.func @transform_0(%arg0: i32) -> (i32, i32) {
    %c0_i32 = arith.constant 0 : i32
    %c0_i32_0 = arith.constant 0 : i32
    return %c0_i32, %arg0 : i32, i32
  }
  func.func @transform_1(%arg0: i32) -> (i32, i32) {
    %c0_i32 = arith.constant 0 : i32
    %c0_i32_0 = arith.constant 0 : i32
    return %c0_i32, %arg0 : i32, i32
  }
  func.func @transform_2(%arg0: i32) -> (i32, i32) {
    %c0_i32 = arith.constant 0 : i32
    %c0_i32_0 = arith.constant 0 : i32
    return %c0_i32, %arg0 : i32, i32
  }
  func.func @transform_3(%arg0: i32) -> (i32, i32) {
    %c0_i32 = arith.constant 0 : i32
    %c0_i32_0 = arith.constant 0 : i32
    %c0_i32_1 = arith.constant 0 : i32
    return %c0_i32, %c0_i32_0 : i32, i32
  }
  func.func @transform_4(%arg0: i32) -> (i32, i32) {
    %c0_i32 = arith.constant 0 : i32
    %c0_i32_0 = arith.constant 0 : i32
    %c0_i32_1 = arith.constant 0 : i32
    return %c0_i32, %c0_i32_0 : i32, i32
  }
  func.func @transform_5(%arg0: i32) -> (i32, i32) {
    %c0_i32 = arith.constant 0 : i32
    %c0_i32_0 = arith.constant 0 : i32
    return %arg0, %c0_i32 : i32, i32
  }
  func.func @transform_6(%arg0: i32) -> (i32, i32, i32) {
    %c0_i32 = arith.constant 0 : i32
    %c0_i32_0 = arith.constant 0 : i32
    %c0_i32_1 = arith.constant 0 : i32
    return %arg0, %c0_i32, %c0_i32_0 : i32, i32, i32
  }
}

module attributes {stable_mosaic.version = 14 : i64} {
  func.func @_prep_fr_body(%arg0: memref<64x10000xf32, #tpu.memory_space<vmem>>, %arg1: memref<64x10000xf32, #tpu.memory_space<vmem>>, %arg2: memref<64x10000xf32, #tpu.memory_space<vmem>>, %arg3: memref<64x1xf32, #tpu.memory_space<vmem>>, %arg4: memref<10000x128xf32, #tpu.memory_space<vmem>>, %arg5: memref<1x1x10000xf32, #tpu.memory_space<vmem>>) attributes {dimension_semantics = [], scalar_prefetch = 0 : i64, scratch_operands = 0 : i64, tpu.core_type = #tpu.core_type<tc>} {
    %get3A = arith.constant 0 : index
    %get3A_0 = arith.constant 0 : index
    %get3A_1 = vector.load %arg1[%get3A, %get3A_0] : memref<64x10000xf32, #tpu.memory_space<vmem>>, vector<64x10000xf32>
    %max3A = arith.constant 0.000000e+00 : f32
    %max3A_2 = vector.broadcast %max3A : f32 to vector<64x10000xf32>
    %max3A_3 = arith.maximumf %get3A_1, %max3A_2 : vector<64x10000xf32>
    %get3A_4 = arith.constant 0 : index
    %get3A_5 = arith.constant 0 : index
    %get3A_6 = vector.load %arg2[%get3A_4, %get3A_5] : memref<64x10000xf32, #tpu.memory_space<vmem>>, vector<64x10000xf32>
    %max3A_7 = arith.constant 0.000000e+00 : f32
    %max3A_8 = vector.broadcast %max3A_7 : f32 to vector<64x10000xf32>
    %max3A_9 = arith.maximumf %get3A_6, %max3A_8 : vector<64x10000xf32>
    %iota3A = tpu.iota {dimensions = array<i32: 0>} : vector<64x64xi32>
    %iota3A_10 = tpu.iota {dimensions = array<i32: 1>} : vector<64x64xi32>
    %eq3A = arith.cmpi eq, %iota3A, %iota3A_10 : vector<64x64xi32>
    %convert_element_type3A = arith.extui %eq3A : vector<64x64xi1> to vector<64x64xi32>
    %convert_element_type3A_11 = arith.sitofp %convert_element_type3A : vector<64x64xi32> to vector<64x64xf32>
    %dot_general3A = arith.constant dense<0.000000e+00> : vector<10000x64xf32>
    %dot_general3A_12 = tpu.matmul %max3A_3, %convert_element_type3A_11, %dot_general3A {dimension_numbers = #tpu.dot_dimension_numbers<[0], [0], [1], [1], [0, 1, 1, 1], [], []>, transpose_lhs_hint = false} : vector<64x10000xf32>, vector<64x64xf32>, vector<10000x64xf32> -> vector<10000x64xf32>
    %dot_general3A_13 = arith.constant dense<0.000000e+00> : vector<10000x64xf32>
    %dot_general3A_14 = tpu.matmul %max3A_9, %convert_element_type3A_11, %dot_general3A_13 {dimension_numbers = #tpu.dot_dimension_numbers<[0], [0], [1], [1], [0, 1, 1, 1], [], []>, transpose_lhs_hint = false} : vector<64x10000xf32>, vector<64x64xf32>, vector<10000x64xf32> -> vector<10000x64xf32>
    %concatenate3A = tpu.concatenate %dot_general3A_12, %dot_general3A_14 in 1 : vector<10000x64xf32>, vector<10000x64xf32> -> vector<10000x128xf32>
    %swap3A = arith.constant 0 : index
    %swap3A_15 = arith.constant 0 : index
    %swap3A_16 = vector.load %arg4[%swap3A, %swap3A_15] : memref<10000x128xf32, #tpu.memory_space<vmem>>, vector<10000x128xf32>
    tpu.vector_store %arg4[%swap3A, %swap3A_15], %concatenate3A {strides = array<i32>} : memref<10000x128xf32, #tpu.memory_space<vmem>>, vector<10000x128xf32>,
    %get3A_17 = arith.constant 0 : index
    %get3A_18 = arith.constant 0 : index
    %get3A_19 = vector.load %arg0[%get3A_17, %get3A_18] : memref<64x10000xf32, #tpu.memory_space<vmem>>, vector<64x10000xf32>
    %get3A_20 = arith.constant 0 : index
    %get3A_21 = arith.constant 0 : index
    %get3A_22 = vector.load %arg3[%get3A_20, %get3A_21] : memref<64x1xf32, #tpu.memory_space<vmem>>, vector<64x1xf32>
    %mul3A = vector.broadcast %get3A_22 : vector<64x1xf32> to vector<64x10000xf32>
    %mul3A_23 = arith.mulf %get3A_19, %mul3A : vector<64x10000xf32>
    %reduce_sum3A = arith.constant dense<0.000000e+00> : vector<10000xf32>
    %reduce_sum3A_24 = vector.multi_reduction <add>, %mul3A_23, %reduce_sum3A [0] : vector<64x10000xf32> to vector<10000xf32>
    %broadcast_in_dim3A = vector.shape_cast %reduce_sum3A_24 : vector<10000xf32> to vector<1x1x10000xf32>
    %swap3A_25 = arith.constant 0 : index
    %swap3A_26 = arith.constant 0 : index
    %swap3A_27 = arith.constant 0 : index
    %swap3A_28 = vector.load %arg5[%swap3A_25, %swap3A_26, %swap3A_27] : memref<1x1x10000xf32, #tpu.memory_space<vmem>>, vector<1x1x10000xf32>
    tpu.vector_store %arg5[%swap3A_25, %swap3A_26, %swap3A_27], %broadcast_in_dim3A {strides = array<i32>} : memref<1x1x10000xf32, #tpu.memory_space<vmem>>, vector<1x1x10000xf32>,
    return
  }
}

module attributes {stable_mosaic.version = 14 : i64} {
  func.func @_tail_body(%arg0: memref<128x128xf32, #tpu.memory_space<vmem>>, %arg1: memref<128x128xf32, #tpu.memory_space<vmem>>, %arg2: memref<1x10xf32, #tpu.memory_space<smem>>, %arg3: memref<10xf32, #tpu.memory_space<smem>>, %arg4: memref<10x10xf32, #tpu.memory_space<smem>>, %arg5: memref<10xf32, #tpu.memory_space<smem>>, %arg6: memref<10x10xf32, #tpu.memory_space<smem>>, %arg7: memref<10xf32, #tpu.memory_space<smem>>, %arg8: memref<10x1xf32, #tpu.memory_space<smem>>, %arg9: memref<1xf32, #tpu.memory_space<smem>>, %arg10: memref<128x128xf32, #tpu.memory_space<vmem>>) attributes {dimension_semantics = [], scalar_prefetch = 0 : i64, scratch_operands = 0 : i64, tpu.core_type = #tpu.core_type<tc>} {
    %get3A = arith.constant 0 : index
    %get3A_0 = arith.constant 0 : index
    %get3A_1 = vector.load %arg1[%get3A, %get3A_0] : memref<128x128xf32, #tpu.memory_space<vmem>>, vector<128x128xf32>
    %get3A_2 = arith.constant 0 : index
    %get3A_3 = arith.constant 0 : index
    %get3A_4 = vector.load %arg0[%get3A_2, %get3A_3] : memref<128x128xf32, #tpu.memory_space<vmem>>, vector<128x128xf32>
    %sub3A = arith.subf %get3A_1, %get3A_4 : vector<128x128xf32>
    %get3A_5 = arith.constant 0 : index
    %get3A_6 = arith.constant 0 : index
    %get3A_7 = memref.load %arg2[%get3A_5, %get3A_6] : memref<1x10xf32, #tpu.memory_space<smem>>
    %mul3A = vector.broadcast %get3A_7 : f32 to vector<128x128xf32>
    %mul3A_8 = arith.mulf %sub3A, %mul3A : vector<128x128xf32>
    %get3A_9 = arith.constant 0 : index
    %get3A_10 = memref.load %arg3[%get3A_9] : memref<10xf32, #tpu.memory_space<smem>>
    %add3A = vector.broadcast %get3A_10 : f32 to vector<128x128xf32>
    %add3A_11 = arith.addf %mul3A_8, %add3A : vector<128x128xf32>
    %max3A = arith.constant 0.000000e+00 : f32
    %max3A_12 = vector.broadcast %max3A : f32 to vector<128x128xf32>
    %max3A_13 = arith.maximumf %add3A_11, %max3A_12 : vector<128x128xf32>
    %get3A_14 = arith.constant 0 : index
    %get3A_15 = arith.constant 1 : index
    %get3A_16 = memref.load %arg2[%get3A_14, %get3A_15] : memref<1x10xf32, #tpu.memory_space<smem>>
    %mul3A_17 = vector.broadcast %get3A_16 : f32 to vector<128x128xf32>
    %mul3A_18 = arith.mulf %sub3A, %mul3A_17 : vector<128x128xf32>
    %get3A_19 = arith.constant 1 : index
    %get3A_20 = memref.load %arg3[%get3A_19] : memref<10xf32, #tpu.memory_space<smem>>
    %add3A_21 = vector.broadcast %get3A_20 : f32 to vector<128x128xf32>
    %add3A_22 = arith.addf %mul3A_18, %add3A_21 : vector<128x128xf32>
    %max3A_23 = arith.constant 0.000000e+00 : f32
    %max3A_24 = vector.broadcast %max3A_23 : f32 to vector<128x128xf32>
    %max3A_25 = arith.maximumf %add3A_22, %max3A_24 : vector<128x128xf32>
    %get3A_26 = arith.constant 0 : index
    %get3A_27 = arith.constant 2 : index
    %get3A_28 = memref.load %arg2[%get3A_26, %get3A_27] : memref<1x10xf32, #tpu.memory_space<smem>>
    %mul3A_29 = vector.broadcast %get3A_28 : f32 to vector<128x128xf32>
    %mul3A_30 = arith.mulf %sub3A, %mul3A_29 : vector<128x128xf32>
    %get3A_31 = arith.constant 2 : index
    %get3A_32 = memref.load %arg3[%get3A_31] : memref<10xf32, #tpu.memory_space<smem>>
    %add3A_33 = vector.broadcast %get3A_32 : f32 to vector<128x128xf32>
    %add3A_34 = arith.addf %mul3A_30, %add3A_33 : vector<128x128xf32>
    %max3A_35 = arith.constant 0.000000e+00 : f32
    %max3A_36 = vector.broadcast %max3A_35 : f32 to vector<128x128xf32>
    %max3A_37 = arith.maximumf %add3A_34, %max3A_36 : vector<128x128xf32>
    %get3A_38 = arith.constant 0 : index
    %get3A_39 = arith.constant 3 : index
    %get3A_40 = memref.load %arg2[%get3A_38, %get3A_39] : memref<1x10xf32, #tpu.memory_space<smem>>
    %mul3A_41 = vector.broadcast %get3A_40 : f32 to vector<128x128xf32>
    %mul3A_42 = arith.mulf %sub3A, %mul3A_41 : vector<128x128xf32>
    %get3A_43 = arith.constant 3 : index
    %get3A_44 = memref.load %arg3[%get3A_43] : memref<10xf32, #tpu.memory_space<smem>>
    %add3A_45 = vector.broadcast %get3A_44 : f32 to vector<128x128xf32>
    %add3A_46 = arith.addf %mul3A_42, %add3A_45 : vector<128x128xf32>
    %max3A_47 = arith.constant 0.000000e+00 : f32
    %max3A_48 = vector.broadcast %max3A_47 : f32 to vector<128x128xf32>
    %max3A_49 = arith.maximumf %add3A_46, %max3A_48 : vector<128x128xf32>
    %get3A_50 = arith.constant 0 : index
    %get3A_51 = arith.constant 4 : index
    %get3A_52 = memref.load %arg2[%get3A_50, %get3A_51] : memref<1x10xf32, #tpu.memory_space<smem>>
    %mul3A_53 = vector.broadcast %get3A_52 : f32 to vector<128x128xf32>
    %mul3A_54 = arith.mulf %sub3A, %mul3A_53 : vector<128x128xf32>
    %get3A_55 = arith.constant 4 : index
    %get3A_56 = memref.load %arg3[%get3A_55] : memref<10xf32, #tpu.memory_space<smem>>
    %add3A_57 = vector.broadcast %get3A_56 : f32 to vector<128x128xf32>
    %add3A_58 = arith.addf %mul3A_54, %add3A_57 : vector<128x128xf32>
    %max3A_59 = arith.constant 0.000000e+00 : f32
    %max3A_60 = vector.broadcast %max3A_59 : f32 to vector<128x128xf32>
    %max3A_61 = arith.maximumf %add3A_58, %max3A_60 : vector<128x128xf32>
    %get3A_62 = arith.constant 0 : index
    %get3A_63 = arith.constant 5 : index
    %get3A_64 = memref.load %arg2[%get3A_62, %get3A_63] : memref<1x10xf32, #tpu.memory_space<smem>>
    %mul3A_65 = vector.broadcast %get3A_64 : f32 to vector<128x128xf32>
    %mul3A_66 = arith.mulf %sub3A, %mul3A_65 : vector<128x128xf32>
    %get3A_67 = arith.constant 5 : index
    %get3A_68 = memref.load %arg3[%get3A_67] : memref<10xf32, #tpu.memory_space<smem>>
    %add3A_69 = vector.broadcast %get3A_68 : f32 to vector<128x128xf32>
    %add3A_70 = arith.addf %mul3A_66, %add3A_69 : vector<128x128xf32>
    %max3A_71 = arith.constant 0.000000e+00 : f32
    %max3A_72 = vector.broadcast %max3A_71 : f32 to vector<128x128xf32>
    %max3A_73 = arith.maximumf %add3A_70, %max3A_72 : vector<128x128xf32>
    %get3A_74 = arith.constant 0 : index
    %get3A_75 = arith.constant 6 : index
    %get3A_76 = memref.load %arg2[%get3A_74, %get3A_75] : memref<1x10xf32, #tpu.memory_space<smem>>
    %mul3A_77 = vector.broadcast %get3A_76 : f32 to vector<128x128xf32>
    %mul3A_78 = arith.mulf %sub3A, %mul3A_77 : vector<128x128xf32>
    %get3A_79 = arith.constant 6 : index
    %get3A_80 = memref.load %arg3[%get3A_79] : memref<10xf32, #tpu.memory_space<smem>>
    %add3A_81 = vector.broadcast %get3A_80 : f32 to vector<128x128xf32>
    %add3A_82 = arith.addf %mul3A_78, %add3A_81 : vector<128x128xf32>
    %max3A_83 = arith.constant 0.000000e+00 : f32
    %max3A_84 = vector.broadcast %max3A_83 : f32 to vector<128x128xf32>
    %max3A_85 = arith.maximumf %add3A_82, %max3A_84 : vector<128x128xf32>
    %get3A_86 = arith.constant 0 : index
    %get3A_87 = arith.constant 7 : index
    %get3A_88 = memref.load %arg2[%get3A_86, %get3A_87] : memref<1x10xf32, #tpu.memory_space<smem>>
    %mul3A_89 = vector.broadcast %get3A_88 : f32 to vector<128x128xf32>
    %mul3A_90 = arith.mulf %sub3A, %mul3A_89 : vector<128x128xf32>
    %get3A_91 = arith.constant 7 : index
    %get3A_92 = memref.load %arg3[%get3A_91] : memref<10xf32, #tpu.memory_space<smem>>
    %add3A_93 = vector.broadcast %get3A_92 : f32 to vector<128x128xf32>
    %add3A_94 = arith.addf %mul3A_90, %add3A_93 : vector<128x128xf32>
    %max3A_95 = arith.constant 0.000000e+00 : f32
    %max3A_96 = vector.broadcast %max3A_95 : f32 to vector<128x128xf32>
    %max3A_97 = arith.maximumf %add3A_94, %max3A_96 : vector<128x128xf32>
    %get3A_98 = arith.constant 0 : index
    %get3A_99 = arith.constant 8 : index
    %get3A_100 = memref.load %arg2[%get3A_98, %get3A_99] : memref<1x10xf32, #tpu.memory_space<smem>>
    %mul3A_101 = vector.broadcast %get3A_100 : f32 to vector<128x128xf32>
    %mul3A_102 = arith.mulf %sub3A, %mul3A_101 : vector<128x128xf32>
    %get3A_103 = arith.constant 8 : index
    %get3A_104 = memref.load %arg3[%get3A_103] : memref<10xf32, #tpu.memory_space<smem>>
    %add3A_105 = vector.broadcast %get3A_104 : f32 to vector<128x128xf32>
    %add3A_106 = arith.addf %mul3A_102, %add3A_105 : vector<128x128xf32>
    %max3A_107 = arith.constant 0.000000e+00 : f32
    %max3A_108 = vector.broadcast %max3A_107 : f32 to vector<128x128xf32>
    %max3A_109 = arith.maximumf %add3A_106, %max3A_108 : vector<128x128xf32>
    %get3A_110 = arith.constant 0 : index
    %get3A_111 = arith.constant 9 : index
    %get3A_112 = memref.load %arg2[%get3A_110, %get3A_111] : memref<1x10xf32, #tpu.memory_space<smem>>
    %mul3A_113 = vector.broadcast %get3A_112 : f32 to vector<128x128xf32>
    %mul3A_114 = arith.mulf %sub3A, %mul3A_113 : vector<128x128xf32>
    %get3A_115 = arith.constant 9 : index
    %get3A_116 = memref.load %arg3[%get3A_115] : memref<10xf32, #tpu.memory_space<smem>>
    %add3A_117 = vector.broadcast %get3A_116 : f32 to vector<128x128xf32>
    %add3A_118 = arith.addf %mul3A_114, %add3A_117 : vector<128x128xf32>
    %max3A_119 = arith.constant 0.000000e+00 : f32
    %max3A_120 = vector.broadcast %max3A_119 : f32 to vector<128x128xf32>
    %max3A_121 = arith.maximumf %add3A_118, %max3A_120 : vector<128x128xf32>
    %get3A_122 = arith.constant 0 : index
    %get3A_123 = arith.constant 0 : index
    %get3A_124 = memref.load %arg4[%get3A_122, %get3A_123] : memref<10x10xf32, #tpu.memory_space<smem>>
    %mul3A_125 = vector.broadcast %get3A_124 : f32 to vector<128x128xf32>
    %mul3A_126 = arith.mulf %max3A_13, %mul3A_125 : vector<128x128xf32>
    %add3A_127 = arith.constant 0.000000e+00 : f32
    %add3A_128 = vector.broadcast %add3A_127 : f32 to vector<128x128xf32>
    %add3A_129 = arith.addf %add3A_128, %mul3A_126 : vector<128x128xf32>
    %get3A_130 = arith.constant 1 : index
    %get3A_131 = arith.constant 0 : index
    %get3A_132 = memref.load %arg4[%get3A_130, %get3A_131] : memref<10x10xf32, #tpu.memory_space<smem>>
    %mul3A_133 = vector.broadcast %get3A_132 : f32 to vector<128x128xf32>
    %mul3A_134 = arith.mulf %max3A_25, %mul3A_133 : vector<128x128xf32>
    %add3A_135 = arith.addf %add3A_129, %mul3A_134 : vector<128x128xf32>
    %get3A_136 = arith.constant 2 : index
    %get3A_137 = arith.constant 0 : index
    %get3A_138 = memref.load %arg4[%get3A_136, %get3A_137] : memref<10x10xf32, #tpu.memory_space<smem>>
    %mul3A_139 = vector.broadcast %get3A_138 : f32 to vector<128x128xf32>
    %mul3A_140 = arith.mulf %max3A_37, %mul3A_139 : vector<128x128xf32>
    %add3A_141 = arith.addf %add3A_135, %mul3A_140 : vector<128x128xf32>
    %get3A_142 = arith.constant 3 : index
    %get3A_143 = arith.constant 0 : index
    %get3A_144 = memref.load %arg4[%get3A_142, %get3A_143] : memref<10x10xf32, #tpu.memory_space<smem>>
    %mul3A_145 = vector.broadcast %get3A_144 : f32 to vector<128x128xf32>
    %mul3A_146 = arith.mulf %max3A_49, %mul3A_145 : vector<128x128xf32>
    %add3A_147 = arith.addf %add3A_141, %mul3A_146 : vector<128x128xf32>
    %get3A_148 = arith.constant 4 : index
    %get3A_149 = arith.constant 0 : index
    %get3A_150 = memref.load %arg4[%get3A_148, %get3A_149] : memref<10x10xf32, #tpu.memory_space<smem>>
    %mul3A_151 = vector.broadcast %get3A_150 : f32 to vector<128x128xf32>
    %mul3A_152 = arith.mulf %max3A_61, %mul3A_151 : vector<128x128xf32>
    %add3A_153 = arith.addf %add3A_147, %mul3A_152 : vector<128x128xf32>
    %get3A_154 = arith.constant 5 : index
    %get3A_155 = arith.constant 0 : index
    %get3A_156 = memref.load %arg4[%get3A_154, %get3A_155] : memref<10x10xf32, #tpu.memory_space<smem>>
    %mul3A_157 = vector.broadcast %get3A_156 : f32 to vector<128x128xf32>
    %mul3A_158 = arith.mulf %max3A_73, %mul3A_157 : vector<128x128xf32>
    %add3A_159 = arith.addf %add3A_153, %mul3A_158 : vector<128x128xf32>
    %get3A_160 = arith.constant 6 : index
    %get3A_161 = arith.constant 0 : index
    %get3A_162 = memref.load %arg4[%get3A_160, %get3A_161] : memref<10x10xf32, #tpu.memory_space<smem>>
    %mul3A_163 = vector.broadcast %get3A_162 : f32 to vector<128x128xf32>
    %mul3A_164 = arith.mulf %max3A_85, %mul3A_163 : vector<128x128xf32>
    %add3A_165 = arith.addf %add3A_159, %mul3A_164 : vector<128x128xf32>
    %get3A_166 = arith.constant 7 : index
    %get3A_167 = arith.constant 0 : index
    %get3A_168 = memref.load %arg4[%get3A_166, %get3A_167] : memref<10x10xf32, #tpu.memory_space<smem>>
    %mul3A_169 = vector.broadcast %get3A_168 : f32 to vector<128x128xf32>
    %mul3A_170 = arith.mulf %max3A_97, %mul3A_169 : vector<128x128xf32>
    %add3A_171 = arith.addf %add3A_165, %mul3A_170 : vector<128x128xf32>
    %get3A_172 = arith.constant 8 : index
    %get3A_173 = arith.constant 0 : index
    %get3A_174 = memref.load %arg4[%get3A_172, %get3A_173] : memref<10x10xf32, #tpu.memory_space<smem>>
    %mul3A_175 = vector.broadcast %get3A_174 : f32 to vector<128x128xf32>
    %mul3A_176 = arith.mulf %max3A_109, %mul3A_175 : vector<128x128xf32>
    %add3A_177 = arith.addf %add3A_171, %mul3A_176 : vector<128x128xf32>
    %get3A_178 = arith.constant 9 : index
    %get3A_179 = arith.constant 0 : index
    %get3A_180 = memref.load %arg4[%get3A_178, %get3A_179] : memref<10x10xf32, #tpu.memory_space<smem>>
    %mul3A_181 = vector.broadcast %get3A_180 : f32 to vector<128x128xf32>
    %mul3A_182 = arith.mulf %max3A_121, %mul3A_181 : vector<128x128xf32>
    %add3A_183 = arith.addf %add3A_177, %mul3A_182 : vector<128x128xf32>
    %get3A_184 = arith.constant 0 : index
    %get3A_185 = memref.load %arg5[%get3A_184] : memref<10xf32, #tpu.memory_space<smem>>
    %add3A_186 = vector.broadcast %get3A_185 : f32 to vector<128x128xf32>
    %add3A_187 = arith.addf %add3A_183, %add3A_186 : vector<128x128xf32>
    %max3A_188 = arith.constant 0.000000e+00 : f32
    %max3A_189 = vector.broadcast %max3A_188 : f32 to vector<128x128xf32>
    %max3A_190 = arith.maximumf %add3A_187, %max3A_189 : vector<128x128xf32>
    %get3A_191 = arith.constant 0 : index
    %get3A_192 = arith.constant 1 : index
    %get3A_193 = memref.load %arg4[%get3A_191, %get3A_192] : memref<10x10xf32, #tpu.memory_space<smem>>
    %mul3A_194 = vector.broadcast %get3A_193 : f32 to vector<128x128xf32>
    %mul3A_195 = arith.mulf %max3A_13, %mul3A_194 : vector<128x128xf32>
    %add3A_196 = arith.constant 0.000000e+00 : f32
    %add3A_197 = vector.broadcast %add3A_196 : f32 to vector<128x128xf32>
    %add3A_198 = arith.addf %add3A_197, %mul3A_195 : vector<128x128xf32>
    %get3A_199 = arith.constant 1 : index
    %get3A_200 = arith.constant 1 : index
    %get3A_201 = memref.load %arg4[%get3A_199, %get3A_200] : memref<10x10xf32, #tpu.memory_space<smem>>
    %mul3A_202 = vector.broadcast %get3A_201 : f32 to vector<128x128xf32>
    %mul3A_203 = arith.mulf %max3A_25, %mul3A_202 : vector<128x128xf32>
    %add3A_204 = arith.addf %add3A_198, %mul3A_203 : vector<128x128xf32>
    %get3A_205 = arith.constant 2 : index
    %get3A_206 = arith.constant 1 : index
    %get3A_207 = memref.load %arg4[%get3A_205, %get3A_206] : memref<10x10xf32, #tpu.memory_space<smem>>
    %mul3A_208 = vector.broadcast %get3A_207 : f32 to vector<128x128xf32>
    %mul3A_209 = arith.mulf %max3A_37, %mul3A_208 : vector<128x128xf32>
    %add3A_210 = arith.addf %add3A_204, %mul3A_209 : vector<128x128xf32>
    %get3A_211 = arith.constant 3 : index
    %get3A_212 = arith.constant 1 : index
    %get3A_213 = memref.load %arg4[%get3A_211, %get3A_212] : memref<10x10xf32, #tpu.memory_space<smem>>
    %mul3A_214 = vector.broadcast %get3A_213 : f32 to vector<128x128xf32>
    %mul3A_215 = arith.mulf %max3A_49, %mul3A_214 : vector<128x128xf32>
    %add3A_216 = arith.addf %add3A_210, %mul3A_215 : vector<128x128xf32>
    %get3A_217 = arith.constant 4 : index
    %get3A_218 = arith.constant 1 : index
    %get3A_219 = memref.load %arg4[%get3A_217, %get3A_218] : memref<10x10xf32, #tpu.memory_space<smem>>
    %mul3A_220 = vector.broadcast %get3A_219 : f32 to vector<128x128xf32>
    %mul3A_221 = arith.mulf %max3A_61, %mul3A_220 : vector<128x128xf32>
    %add3A_222 = arith.addf %add3A_216, %mul3A_221 : vector<128x128xf32>
    %get3A_223 = arith.constant 5 : index
    %get3A_224 = arith.constant 1 : index
    %get3A_225 = memref.load %arg4[%get3A_223, %get3A_224] : memref<10x10xf32, #tpu.memory_space<smem>>
    %mul3A_226 = vector.broadcast %get3A_225 : f32 to vector<128x128xf32>
    %mul3A_227 = arith.mulf %max3A_73, %mul3A_226 : vector<128x128xf32>
    %add3A_228 = arith.addf %add3A_222, %mul3A_227 : vector<128x128xf32>
    %get3A_229 = arith.constant 6 : index
    %get3A_230 = arith.constant 1 : index
    %get3A_231 = memref.load %arg4[%get3A_229, %get3A_230] : memref<10x10xf32, #tpu.memory_space<smem>>
    %mul3A_232 = vector.broadcast %get3A_231 : f32 to vector<128x128xf32>
    %mul3A_233 = arith.mulf %max3A_85, %mul3A_232 : vector<128x128xf32>
    %add3A_234 = arith.addf %add3A_228, %mul3A_233 : vector<128x128xf32>
    %get3A_235 = arith.constant 7 : index
    %get3A_236 = arith.constant 1 : index
    %get3A_237 = memref.load %arg4[%get3A_235, %get3A_236] : memref<10x10xf32, #tpu.memory_space<smem>>
    %mul3A_238 = vector.broadcast %get3A_237 : f32 to vector<128x128xf32>
    %mul3A_239 = arith.mulf %max3A_97, %mul3A_238 : vector<128x128xf32>
    %add3A_240 = arith.addf %add3A_234, %mul3A_239 : vector<128x128xf32>
    %get3A_241 = arith.constant 8 : index
    %get3A_242 = arith.constant 1 : index
    %get3A_243 = memref.load %arg4[%get3A_241, %get3A_242] : memref<10x10xf32, #tpu.memory_space<smem>>
    %mul3A_244 = vector.broadcast %get3A_243 : f32 to vector<128x128xf32>
    %mul3A_245 = arith.mulf %max3A_109, %mul3A_244 : vector<128x128xf32>
    %add3A_246 = arith.addf %add3A_240, %mul3A_245 : vector<128x128xf32>
    %get3A_247 = arith.constant 9 : index
    %get3A_248 = arith.constant 1 : index
    %get3A_249 = memref.load %arg4[%get3A_247, %get3A_248] : memref<10x10xf32, #tpu.memory_space<smem>>
    %mul3A_250 = vector.broadcast %get3A_249 : f32 to vector<128x128xf32>
    %mul3A_251 = arith.mulf %max3A_121, %mul3A_250 : vector<128x128xf32>
    %add3A_252 = arith.addf %add3A_246, %mul3A_251 : vector<128x128xf32>
    %get3A_253 = arith.constant 1 : index
    %get3A_254 = memref.load %arg5[%get3A_253] : memref<10xf32, #tpu.memory_space<smem>>
    %add3A_255 = vector.broadcast %get3A_254 : f32 to vector<128x128xf32>
    %add3A_256 = arith.addf %add3A_252, %add3A_255 : vector<128x128xf32>
    %max3A_257 = arith.constant 0.000000e+00 : f32
    %max3A_258 = vector.broadcast %max3A_257 : f32 to vector<128x128xf32>
    %max3A_259 = arith.maximumf %add3A_256, %max3A_258 : vector<128x128xf32>
    %get3A_260 = arith.constant 0 : index
    %get3A_261 = arith.constant 2 : index
    %get3A_262 = memref.load %arg4[%get3A_260, %get3A_261] : memref<10x10xf32, #tpu.memory_space<smem>>
    %mul3A_263 = vector.broadcast %get3A_262 : f32 to vector<128x128xf32>
    %mul3A_264 = arith.mulf %max3A_13, %mul3A_263 : vector<128x128xf32>
    %add3A_265 = arith.constant 0.000000e+00 : f32
    %add3A_266 = vector.broadcast %add3A_265 : f32 to vector<128x128xf32>
    %add3A_267 = arith.addf %add3A_266, %mul3A_264 : vector<128x128xf32>
    %get3A_268 = arith.constant 1 : index
    %get3A_269 = arith.constant 2 : index
    %get3A_270 = memref.load %arg4[%get3A_268, %get3A_269] : memref<10x10xf32, #tpu.memory_space<smem>>
    %mul3A_271 = vector.broadcast %get3A_270 : f32 to vector<128x128xf32>
    %mul3A_272 = arith.mulf %max3A_25, %mul3A_271 : vector<128x128xf32>
    %add3A_273 = arith.addf %add3A_267, %mul3A_272 : vector<128x128xf32>
    %get3A_274 = arith.constant 2 : index
    %get3A_275 = arith.constant 2 : index
    %get3A_276 = memref.load %arg4[%get3A_274, %get3A_275] : memref<10x10xf32, #tpu.memory_space<smem>>
    %mul3A_277 = vector.broadcast %get3A_276 : f32 to vector<128x128xf32>
    %mul3A_278 = arith.mulf %max3A_37, %mul3A_277 : vector<128x128xf32>
    %add3A_279 = arith.addf %add3A_273, %mul3A_278 : vector<128x128xf32>
    %get3A_280 = arith.constant 3 : index
    %get3A_281 = arith.constant 2 : index
    %get3A_282 = memref.load %arg4[%get3A_280, %get3A_281] : memref<10x10xf32, #tpu.memory_space<smem>>
    %mul3A_283 = vector.broadcast %get3A_282 : f32 to vector<128x128xf32>
    %mul3A_284 = arith.mulf %max3A_49, %mul3A_283 : vector<128x128xf32>
    %add3A_285 = arith.addf %add3A_279, %mul3A_284 : vector<128x128xf32>
    %get3A_286 = arith.constant 4 : index
    %get3A_287 = arith.constant 2 : index
    %get3A_288 = memref.load %arg4[%get3A_286, %get3A_287] : memref<10x10xf32, #tpu.memory_space<smem>>
    %mul3A_289 = vector.broadcast %get3A_288 : f32 to vector<128x128xf32>
    %mul3A_290 = arith.mulf %max3A_61, %mul3A_289 : vector<128x128xf32>
    %add3A_291 = arith.addf %add3A_285, %mul3A_290 : vector<128x128xf32>
    %get3A_292 = arith.constant 5 : index
    %get3A_293 = arith.constant 2 : index
    %get3A_294 = memref.load %arg4[%get3A_292, %get3A_293] : memref<10x10xf32, #tpu.memory_space<smem>>
    %mul3A_295 = vector.broadcast %get3A_294 : f32 to vector<128x128xf32>
    %mul3A_296 = arith.mulf %max3A_73, %mul3A_295 : vector<128x128xf32>
    %add3A_297 = arith.addf %add3A_291, %mul3A_296 : vector<128x128xf32>
    %get3A_298 = arith.constant 6 : index
    %get3A_299 = arith.constant 2 : index
    %get3A_300 = memref.load %arg4[%get3A_298, %get3A_299] : memref<10x10xf32, #tpu.memory_space<smem>>
    %mul3A_301 = vector.broadcast %get3A_300 : f32 to vector<128x128xf32>
    %mul3A_302 = arith.mulf %max3A_85, %mul3A_301 : vector<128x128xf32>
    %add3A_303 = arith.addf %add3A_297, %mul3A_302 : vector<128x128xf32>
    %get3A_304 = arith.constant 7 : index
    %get3A_305 = arith.constant 2 : index
    %get3A_306 = memref.load %arg4[%get3A_304, %get3A_305] : memref<10x10xf32, #tpu.memory_space<smem>>
    %mul3A_307 = vector.broadcast %get3A_306 : f32 to vector<128x128xf32>
    %mul3A_308 = arith.mulf %max3A_97, %mul3A_307 : vector<128x128xf32>
    %add3A_309 = arith.addf %add3A_303, %mul3A_308 : vector<128x128xf32>
    %get3A_310 = arith.constant 8 : index
    %get3A_311 = arith.constant 2 : index
    %get3A_312 = memref.load %arg4[%get3A_310, %get3A_311] : memref<10x10xf32, #tpu.memory_space<smem>>
    %mul3A_313 = vector.broadcast %get3A_312 : f32 to vector<128x128xf32>
    %mul3A_314 = arith.mulf %max3A_109, %mul3A_313 : vector<128x128xf32>
    %add3A_315 = arith.addf %add3A_309, %mul3A_314 : vector<128x128xf32>
    %get3A_316 = arith.constant 9 : index
    %get3A_317 = arith.constant 2 : index
    %get3A_318 = memref.load %arg4[%get3A_316, %get3A_317] : memref<10x10xf32, #tpu.memory_space<smem>>
    %mul3A_319 = vector.broadcast %get3A_318 : f32 to vector<128x128xf32>
    %mul3A_320 = arith.mulf %max3A_121, %mul3A_319 : vector<128x128xf32>
    %add3A_321 = arith.addf %add3A_315, %mul3A_320 : vector<128x128xf32>
    %get3A_322 = arith.constant 2 : index
    %get3A_323 = memref.load %arg5[%get3A_322] : memref<10xf32, #tpu.memory_space<smem>>
    %add3A_324 = vector.broadcast %get3A_323 : f32 to vector<128x128xf32>
    %add3A_325 = arith.addf %add3A_321, %add3A_324 : vector<128x128xf32>
    %max3A_326 = arith.constant 0.000000e+00 : f32
    %max3A_327 = vector.broadcast %max3A_326 : f32 to vector<128x128xf32>
    %max3A_328 = arith.maximumf %add3A_325, %max3A_327 : vector<128x128xf32>
    %get3A_329 = arith.constant 0 : index
    %get3A_330 = arith.constant 3 : index
    %get3A_331 = memref.load %arg4[%get3A_329, %get3A_330] : memref<10x10xf32, #tpu.memory_space<smem>>
    %mul3A_332 = vector.broadcast %get3A_331 : f32 to vector<128x128xf32>
    %mul3A_333 = arith.mulf %max3A_13, %mul3A_332 : vector<128x128xf32>
    %add3A_334 = arith.constant 0.000000e+00 : f32
    %add3A_335 = vector.broadcast %add3A_334 : f32 to vector<128x128xf32>
    %add3A_336 = arith.addf %add3A_335, %mul3A_333 : vector<128x128xf32>
    %get3A_337 = arith.constant 1 : index
    %get3A_338 = arith.constant 3 : index
    %get3A_339 = memref.load %arg4[%get3A_337, %get3A_338] : memref<10x10xf32, #tpu.memory_space<smem>>
    %mul3A_340 = vector.broadcast %get3A_339 : f32 to vector<128x128xf32>
    %mul3A_341 = arith.mulf %max3A_25, %mul3A_340 : vector<128x128xf32>
    %add3A_342 = arith.addf %add3A_336, %mul3A_341 : vector<128x128xf32>
    %get3A_343 = arith.constant 2 : index
    %get3A_344 = arith.constant 3 : index
    %get3A_345 = memref.load %arg4[%get3A_343, %get3A_344] : memref<10x10xf32, #tpu.memory_space<smem>>
    %mul3A_346 = vector.broadcast %get3A_345 : f32 to vector<128x128xf32>
    %mul3A_347 = arith.mulf %max3A_37, %mul3A_346 : vector<128x128xf32>
    %add3A_348 = arith.addf %add3A_342, %mul3A_347 : vector<128x128xf32>
    %get3A_349 = arith.constant 3 : index
    %get3A_350 = arith.constant 3 : index
    %get3A_351 = memref.load %arg4[%get3A_349, %get3A_350] : memref<10x10xf32, #tpu.memory_space<smem>>
    %mul3A_352 = vector.broadcast %get3A_351 : f32 to vector<128x128xf32>
    %mul3A_353 = arith.mulf %max3A_49, %mul3A_352 : vector<128x128xf32>
    %add3A_354 = arith.addf %add3A_348, %mul3A_353 : vector<128x128xf32>
    %get3A_355 = arith.constant 4 : index
    %get3A_356 = arith.constant 3 : index
    %get3A_357 = memref.load %arg4[%get3A_355, %get3A_356] : memref<10x10xf32, #tpu.memory_space<smem>>
    %mul3A_358 = vector.broadcast %get3A_357 : f32 to vector<128x128xf32>
    %mul3A_359 = arith.mulf %max3A_61, %mul3A_358 : vector<128x128xf32>
    %add3A_360 = arith.addf %add3A_354, %mul3A_359 : vector<128x128xf32>
    %get3A_361 = arith.constant 5 : index
    %get3A_362 = arith.constant 3 : index
    %get3A_363 = memref.load %arg4[%get3A_361, %get3A_362] : memref<10x10xf32, #tpu.memory_space<smem>>
    %mul3A_364 = vector.broadcast %get3A_363 : f32 to vector<128x128xf32>
    %mul3A_365 = arith.mulf %max3A_73, %mul3A_364 : vector<128x128xf32>
    %add3A_366 = arith.addf %add3A_360, %mul3A_365 : vector<128x128xf32>
    %get3A_367 = arith.constant 6 : index
    %get3A_368 = arith.constant 3 : index
    %get3A_369 = memref.load %arg4[%get3A_367, %get3A_368] : memref<10x10xf32, #tpu.memory_space<smem>>
    %mul3A_370 = vector.broadcast %get3A_369 : f32 to vector<128x128xf32>
    %mul3A_371 = arith.mulf %max3A_85, %mul3A_370 : vector<128x128xf32>
    %add3A_372 = arith.addf %add3A_366, %mul3A_371 : vector<128x128xf32>
    %get3A_373 = arith.constant 7 : index
    %get3A_374 = arith.constant 3 : index
    %get3A_375 = memref.load %arg4[%get3A_373, %get3A_374] : memref<10x10xf32, #tpu.memory_space<smem>>
    %mul3A_376 = vector.broadcast %get3A_375 : f32 to vector<128x128xf32>
    %mul3A_377 = arith.mulf %max3A_97, %mul3A_376 : vector<128x128xf32>
    %add3A_378 = arith.addf %add3A_372, %mul3A_377 : vector<128x128xf32>
    %get3A_379 = arith.constant 8 : index
    %get3A_380 = arith.constant 3 : index
    %get3A_381 = memref.load %arg4[%get3A_379, %get3A_380] : memref<10x10xf32, #tpu.memory_space<smem>>
    %mul3A_382 = vector.broadcast %get3A_381 : f32 to vector<128x128xf32>
    %mul3A_383 = arith.mulf %max3A_109, %mul3A_382 : vector<128x128xf32>
    %add3A_384 = arith.addf %add3A_378, %mul3A_383 : vector<128x128xf32>
    %get3A_385 = arith.constant 9 : index
    %get3A_386 = arith.constant 3 : index
    %get3A_387 = memref.load %arg4[%get3A_385, %get3A_386] : memref<10x10xf32, #tpu.memory_space<smem>>
    %mul3A_388 = vector.broadcast %get3A_387 : f32 to vector<128x128xf32>
    %mul3A_389 = arith.mulf %max3A_121, %mul3A_388 : vector<128x128xf32>
    %add3A_390 = arith.addf %add3A_384, %mul3A_389 : vector<128x128xf32>
    %get3A_391 = arith.constant 3 : index
    %get3A_392 = memref.load %arg5[%get3A_391] : memref<10xf32, #tpu.memory_space<smem>>
    %add3A_393 = vector.broadcast %get3A_392 : f32 to vector<128x128xf32>
    %add3A_394 = arith.addf %add3A_390, %add3A_393 : vector<128x128xf32>
    %max3A_395 = arith.constant 0.000000e+00 : f32
    %max3A_396 = vector.broadcast %max3A_395 : f32 to vector<128x128xf32>
    %max3A_397 = arith.maximumf %add3A_394, %max3A_396 : vector<128x128xf32>
    %get3A_398 = arith.constant 0 : index
    %get3A_399 = arith.constant 4 : index
    %get3A_400 = memref.load %arg4[%get3A_398, %get3A_399] : memref<10x10xf32, #tpu.memory_space<smem>>
    %mul3A_401 = vector.broadcast %get3A_400 : f32 to vector<128x128xf32>
    %mul3A_402 = arith.mulf %max3A_13, %mul3A_401 : vector<128x128xf32>
    %add3A_403 = arith.constant 0.000000e+00 : f32
    %add3A_404 = vector.broadcast %add3A_403 : f32 to vector<128x128xf32>
    %add3A_405 = arith.addf %add3A_404, %mul3A_402 : vector<128x128xf32>
    %get3A_406 = arith.constant 1 : index
    %get3A_407 = arith.constant 4 : index
    %get3A_408 = memref.load %arg4[%get3A_406, %get3A_407] : memref<10x10xf32, #tpu.memory_space<smem>>
    %mul3A_409 = vector.broadcast %get3A_408 : f32 to vector<128x128xf32>
    %mul3A_410 = arith.mulf %max3A_25, %mul3A_409 : vector<128x128xf32>
    %add3A_411 = arith.addf %add3A_405, %mul3A_410 : vector<128x128xf32>
    %get3A_412 = arith.constant 2 : index
    %get3A_413 = arith.constant 4 : index
    %get3A_414 = memref.load %arg4[%get3A_412, %get3A_413] : memref<10x10xf32, #tpu.memory_space<smem>>
    %mul3A_415 = vector.broadcast %get3A_414 : f32 to vector<128x128xf32>
    %mul3A_416 = arith.mulf %max3A_37, %mul3A_415 : vector<128x128xf32>
    %add3A_417 = arith.addf %add3A_411, %mul3A_416 : vector<128x128xf32>
    %get3A_418 = arith.constant 3 : index
    %get3A_419 = arith.constant 4 : index
    %get3A_420 = memref.load %arg4[%get3A_418, %get3A_419] : memref<10x10xf32, #tpu.memory_space<smem>>
    %mul3A_421 = vector.broadcast %get3A_420 : f32 to vector<128x128xf32>
    %mul3A_422 = arith.mulf %max3A_49, %mul3A_421 : vector<128x128xf32>
    %add3A_423 = arith.addf %add3A_417, %mul3A_422 : vector<128x128xf32>
    %get3A_424 = arith.constant 4 : index
    %get3A_425 = arith.constant 4 : index
    %get3A_426 = memref.load %arg4[%get3A_424, %get3A_425] : memref<10x10xf32, #tpu.memory_space<smem>>
    %mul3A_427 = vector.broadcast %get3A_426 : f32 to vector<128x128xf32>
    %mul3A_428 = arith.mulf %max3A_61, %mul3A_427 : vector<128x128xf32>
    %add3A_429 = arith.addf %add3A_423, %mul3A_428 : vector<128x128xf32>
    %get3A_430 = arith.constant 5 : index
    %get3A_431 = arith.constant 4 : index
    %get3A_432 = memref.load %arg4[%get3A_430, %get3A_431] : memref<10x10xf32, #tpu.memory_space<smem>>
    %mul3A_433 = vector.broadcast %get3A_432 : f32 to vector<128x128xf32>
    %mul3A_434 = arith.mulf %max3A_73, %mul3A_433 : vector<128x128xf32>
    %add3A_435 = arith.addf %add3A_429, %mul3A_434 : vector<128x128xf32>
    %get3A_436 = arith.constant 6 : index
    %get3A_437 = arith.constant 4 : index
    %get3A_438 = memref.load %arg4[%get3A_436, %get3A_437] : memref<10x10xf32, #tpu.memory_space<smem>>
    %mul3A_439 = vector.broadcast %get3A_438 : f32 to vector<128x128xf32>
    %mul3A_440 = arith.mulf %max3A_85, %mul3A_439 : vector<128x128xf32>
    %add3A_441 = arith.addf %add3A_435, %mul3A_440 : vector<128x128xf32>
    %get3A_442 = arith.constant 7 : index
    %get3A_443 = arith.constant 4 : index
    %get3A_444 = memref.load %arg4[%get3A_442, %get3A_443] : memref<10x10xf32, #tpu.memory_space<smem>>
    %mul3A_445 = vector.broadcast %get3A_444 : f32 to vector<128x128xf32>
    %mul3A_446 = arith.mulf %max3A_97, %mul3A_445 : vector<128x128xf32>
    %add3A_447 = arith.addf %add3A_441, %mul3A_446 : vector<128x128xf32>
    %get3A_448 = arith.constant 8 : index
    %get3A_449 = arith.constant 4 : index
    %get3A_450 = memref.load %arg4[%get3A_448, %get3A_449] : memref<10x10xf32, #tpu.memory_space<smem>>
    %mul3A_451 = vector.broadcast %get3A_450 : f32 to vector<128x128xf32>
    %mul3A_452 = arith.mulf %max3A_109, %mul3A_451 : vector<128x128xf32>
    %add3A_453 = arith.addf %add3A_447, %mul3A_452 : vector<128x128xf32>
    %get3A_454 = arith.constant 9 : index
    %get3A_455 = arith.constant 4 : index
    %get3A_456 = memref.load %arg4[%get3A_454, %get3A_455] : memref<10x10xf32, #tpu.memory_space<smem>>
    %mul3A_457 = vector.broadcast %get3A_456 : f32 to vector<128x128xf32>
    %mul3A_458 = arith.mulf %max3A_121, %mul3A_457 : vector<128x128xf32>
    %add3A_459 = arith.addf %add3A_453, %mul3A_458 : vector<128x128xf32>
    %get3A_460 = arith.constant 4 : index
    %get3A_461 = memref.load %arg5[%get3A_460] : memref<10xf32, #tpu.memory_space<smem>>
    %add3A_462 = vector.broadcast %get3A_461 : f32 to vector<128x128xf32>
    %add3A_463 = arith.addf %add3A_459, %add3A_462 : vector<128x128xf32>
    %max3A_464 = arith.constant 0.000000e+00 : f32
    %max3A_465 = vector.broadcast %max3A_464 : f32 to vector<128x128xf32>
    %max3A_466 = arith.maximumf %add3A_463, %max3A_465 : vector<128x128xf32>
    %get3A_467 = arith.constant 0 : index
    %get3A_468 = arith.constant 5 : index
    %get3A_469 = memref.load %arg4[%get3A_467, %get3A_468] : memref<10x10xf32, #tpu.memory_space<smem>>
    %mul3A_470 = vector.broadcast %get3A_469 : f32 to vector<128x128xf32>
    %mul3A_471 = arith.mulf %max3A_13, %mul3A_470 : vector<128x128xf32>
    %add3A_472 = arith.constant 0.000000e+00 : f32
    %add3A_473 = vector.broadcast %add3A_472 : f32 to vector<128x128xf32>
    %add3A_474 = arith.addf %add3A_473, %mul3A_471 : vector<128x128xf32>
    %get3A_475 = arith.constant 1 : index
    %get3A_476 = arith.constant 5 : index
    %get3A_477 = memref.load %arg4[%get3A_475, %get3A_476] : memref<10x10xf32, #tpu.memory_space<smem>>
    %mul3A_478 = vector.broadcast %get3A_477 : f32 to vector<128x128xf32>
    %mul3A_479 = arith.mulf %max3A_25, %mul3A_478 : vector<128x128xf32>
    %add3A_480 = arith.addf %add3A_474, %mul3A_479 : vector<128x128xf32>
    %get3A_481 = arith.constant 2 : index
    %get3A_482 = arith.constant 5 : index
    %get3A_483 = memref.load %arg4[%get3A_481, %get3A_482] : memref<10x10xf32, #tpu.memory_space<smem>>
    %mul3A_484 = vector.broadcast %get3A_483 : f32 to vector<128x128xf32>
    %mul3A_485 = arith.mulf %max3A_37, %mul3A_484 : vector<128x128xf32>
    %add3A_486 = arith.addf %add3A_480, %mul3A_485 : vector<128x128xf32>
    %get3A_487 = arith.constant 3 : index
    %get3A_488 = arith.constant 5 : index
    %get3A_489 = memref.load %arg4[%get3A_487, %get3A_488] : memref<10x10xf32, #tpu.memory_space<smem>>
    %mul3A_490 = vector.broadcast %get3A_489 : f32 to vector<128x128xf32>
    %mul3A_491 = arith.mulf %max3A_49, %mul3A_490 : vector<128x128xf32>
    %add3A_492 = arith.addf %add3A_486, %mul3A_491 : vector<128x128xf32>
    %get3A_493 = arith.constant 4 : index
    %get3A_494 = arith.constant 5 : index
    %get3A_495 = memref.load %arg4[%get3A_493, %get3A_494] : memref<10x10xf32, #tpu.memory_space<smem>>
    %mul3A_496 = vector.broadcast %get3A_495 : f32 to vector<128x128xf32>
    %mul3A_497 = arith.mulf %max3A_61, %mul3A_496 : vector<128x128xf32>
    %add3A_498 = arith.addf %add3A_492, %mul3A_497 : vector<128x128xf32>
    %get3A_499 = arith.constant 5 : index
    %get3A_500 = arith.constant 5 : index
    %get3A_501 = memref.load %arg4[%get3A_499, %get3A_500] : memref<10x10xf32, #tpu.memory_space<smem>>
    %mul3A_502 = vector.broadcast %get3A_501 : f32 to vector<128x128xf32>
    %mul3A_503 = arith.mulf %max3A_73, %mul3A_502 : vector<128x128xf32>
    %add3A_504 = arith.addf %add3A_498, %mul3A_503 : vector<128x128xf32>
    %get3A_505 = arith.constant 6 : index
    %get3A_506 = arith.constant 5 : index
    %get3A_507 = memref.load %arg4[%get3A_505, %get3A_506] : memref<10x10xf32, #tpu.memory_space<smem>>
    %mul3A_508 = vector.broadcast %get3A_507 : f32 to vector<128x128xf32>
    %mul3A_509 = arith.mulf %max3A_85, %mul3A_508 : vector<128x128xf32>
    %add3A_510 = arith.addf %add3A_504, %mul3A_509 : vector<128x128xf32>
    %get3A_511 = arith.constant 7 : index
    %get3A_512 = arith.constant 5 : index
    %get3A_513 = memref.load %arg4[%get3A_511, %get3A_512] : memref<10x10xf32, #tpu.memory_space<smem>>
    %mul3A_514 = vector.broadcast %get3A_513 : f32 to vector<128x128xf32>
    %mul3A_515 = arith.mulf %max3A_97, %mul3A_514 : vector<128x128xf32>
    %add3A_516 = arith.addf %add3A_510, %mul3A_515 : vector<128x128xf32>
    %get3A_517 = arith.constant 8 : index
    %get3A_518 = arith.constant 5 : index
    %get3A_519 = memref.load %arg4[%get3A_517, %get3A_518] : memref<10x10xf32, #tpu.memory_space<smem>>
    %mul3A_520 = vector.broadcast %get3A_519 : f32 to vector<128x128xf32>
    %mul3A_521 = arith.mulf %max3A_109, %mul3A_520 : vector<128x128xf32>
    %add3A_522 = arith.addf %add3A_516, %mul3A_521 : vector<128x128xf32>
    %get3A_523 = arith.constant 9 : index
    %get3A_524 = arith.constant 5 : index
    %get3A_525 = memref.load %arg4[%get3A_523, %get3A_524] : memref<10x10xf32, #tpu.memory_space<smem>>
    %mul3A_526 = vector.broadcast %get3A_525 : f32 to vector<128x128xf32>
    %mul3A_527 = arith.mulf %max3A_121, %mul3A_526 : vector<128x128xf32>
    %add3A_528 = arith.addf %add3A_522, %mul3A_527 : vector<128x128xf32>
    %get3A_529 = arith.constant 5 : index
    %get3A_530 = memref.load %arg5[%get3A_529] : memref<10xf32, #tpu.memory_space<smem>>
    %add3A_531 = vector.broadcast %get3A_530 : f32 to vector<128x128xf32>
    %add3A_532 = arith.addf %add3A_528, %add3A_531 : vector<128x128xf32>
    %max3A_533 = arith.constant 0.000000e+00 : f32
    %max3A_534 = vector.broadcast %max3A_533 : f32 to vector<128x128xf32>
    %max3A_535 = arith.maximumf %add3A_532, %max3A_534 : vector<128x128xf32>
    %get3A_536 = arith.constant 0 : index
    %get3A_537 = arith.constant 6 : index
    %get3A_538 = memref.load %arg4[%get3A_536, %get3A_537] : memref<10x10xf32, #tpu.memory_space<smem>>
    %mul3A_539 = vector.broadcast %get3A_538 : f32 to vector<128x128xf32>
    %mul3A_540 = arith.mulf %max3A_13, %mul3A_539 : vector<128x128xf32>
    %add3A_541 = arith.constant 0.000000e+00 : f32
    %add3A_542 = vector.broadcast %add3A_541 : f32 to vector<128x128xf32>
    %add3A_543 = arith.addf %add3A_542, %mul3A_540 : vector<128x128xf32>
    %get3A_544 = arith.constant 1 : index
    %get3A_545 = arith.constant 6 : index
    %get3A_546 = memref.load %arg4[%get3A_544, %get3A_545] : memref<10x10xf32, #tpu.memory_space<smem>>
    %mul3A_547 = vector.broadcast %get3A_546 : f32 to vector<128x128xf32>
    %mul3A_548 = arith.mulf %max3A_25, %mul3A_547 : vector<128x128xf32>
    %add3A_549 = arith.addf %add3A_543, %mul3A_548 : vector<128x128xf32>
    %get3A_550 = arith.constant 2 : index
    %get3A_551 = arith.constant 6 : index
    %get3A_552 = memref.load %arg4[%get3A_550, %get3A_551] : memref<10x10xf32, #tpu.memory_space<smem>>
    %mul3A_553 = vector.broadcast %get3A_552 : f32 to vector<128x128xf32>
    %mul3A_554 = arith.mulf %max3A_37, %mul3A_553 : vector<128x128xf32>
    %add3A_555 = arith.addf %add3A_549, %mul3A_554 : vector<128x128xf32>
    %get3A_556 = arith.constant 3 : index
    %get3A_557 = arith.constant 6 : index
    %get3A_558 = memref.load %arg4[%get3A_556, %get3A_557] : memref<10x10xf32, #tpu.memory_space<smem>>
    %mul3A_559 = vector.broadcast %get3A_558 : f32 to vector<128x128xf32>
    %mul3A_560 = arith.mulf %max3A_49, %mul3A_559 : vector<128x128xf32>
    %add3A_561 = arith.addf %add3A_555, %mul3A_560 : vector<128x128xf32>
    %get3A_562 = arith.constant 4 : index
    %get3A_563 = arith.constant 6 : index
    %get3A_564 = memref.load %arg4[%get3A_562, %get3A_563] : memref<10x10xf32, #tpu.memory_space<smem>>
    %mul3A_565 = vector.broadcast %get3A_564 : f32 to vector<128x128xf32>
    %mul3A_566 = arith.mulf %max3A_61, %mul3A_565 : vector<128x128xf32>
    %add3A_567 = arith.addf %add3A_561, %mul3A_566 : vector<128x128xf32>
    %get3A_568 = arith.constant 5 : index
    %get3A_569 = arith.constant 6 : index
    %get3A_570 = memref.load %arg4[%get3A_568, %get3A_569] : memref<10x10xf32, #tpu.memory_space<smem>>
    %mul3A_571 = vector.broadcast %get3A_570 : f32 to vector<128x128xf32>
    %mul3A_572 = arith.mulf %max3A_73, %mul3A_571 : vector<128x128xf32>
    %add3A_573 = arith.addf %add3A_567, %mul3A_572 : vector<128x128xf32>
    %get3A_574 = arith.constant 6 : index
    %get3A_575 = arith.constant 6 : index
    %get3A_576 = memref.load %arg4[%get3A_574, %get3A_575] : memref<10x10xf32, #tpu.memory_space<smem>>
    %mul3A_577 = vector.broadcast %get3A_576 : f32 to vector<128x128xf32>
    %mul3A_578 = arith.mulf %max3A_85, %mul3A_577 : vector<128x128xf32>
    %add3A_579 = arith.addf %add3A_573, %mul3A_578 : vector<128x128xf32>
    %get3A_580 = arith.constant 7 : index
    %get3A_581 = arith.constant 6 : index
    %get3A_582 = memref.load %arg4[%get3A_580, %get3A_581] : memref<10x10xf32, #tpu.memory_space<smem>>
    %mul3A_583 = vector.broadcast %get3A_582 : f32 to vector<128x128xf32>
    %mul3A_584 = arith.mulf %max3A_97, %mul3A_583 : vector<128x128xf32>
    %add3A_585 = arith.addf %add3A_579, %mul3A_584 : vector<128x128xf32>
    %get3A_586 = arith.constant 8 : index
    %get3A_587 = arith.constant 6 : index
    %get3A_588 = memref.load %arg4[%get3A_586, %get3A_587] : memref<10x10xf32, #tpu.memory_space<smem>>
    %mul3A_589 = vector.broadcast %get3A_588 : f32 to vector<128x128xf32>
    %mul3A_590 = arith.mulf %max3A_109, %mul3A_589 : vector<128x128xf32>
    %add3A_591 = arith.addf %add3A_585, %mul3A_590 : vector<128x128xf32>
    %get3A_592 = arith.constant 9 : index
    %get3A_593 = arith.constant 6 : index
    %get3A_594 = memref.load %arg4[%get3A_592, %get3A_593] : memref<10x10xf32, #tpu.memory_space<smem>>
    %mul3A_595 = vector.broadcast %get3A_594 : f32 to vector<128x128xf32>
    %mul3A_596 = arith.mulf %max3A_121, %mul3A_595 : vector<128x128xf32>
    %add3A_597 = arith.addf %add3A_591, %mul3A_596 : vector<128x128xf32>
    %get3A_598 = arith.constant 6 : index
    %get3A_599 = memref.load %arg5[%get3A_598] : memref<10xf32, #tpu.memory_space<smem>>
    %add3A_600 = vector.broadcast %get3A_599 : f32 to vector<128x128xf32>
    %add3A_601 = arith.addf %add3A_597, %add3A_600 : vector<128x128xf32>
    %max3A_602 = arith.constant 0.000000e+00 : f32
    %max3A_603 = vector.broadcast %max3A_602 : f32 to vector<128x128xf32>
    %max3A_604 = arith.maximumf %add3A_601, %max3A_603 : vector<128x128xf32>
    %get3A_605 = arith.constant 0 : index
    %get3A_606 = arith.constant 7 : index
    %get3A_607 = memref.load %arg4[%get3A_605, %get3A_606] : memref<10x10xf32, #tpu.memory_space<smem>>
    %mul3A_608 = vector.broadcast %get3A_607 : f32 to vector<128x128xf32>
    %mul3A_609 = arith.mulf %max3A_13, %mul3A_608 : vector<128x128xf32>
    %add3A_610 = arith.constant 0.000000e+00 : f32
    %add3A_611 = vector.broadcast %add3A_610 : f32 to vector<128x128xf32>
    %add3A_612 = arith.addf %add3A_611, %mul3A_609 : vector<128x128xf32>
    %get3A_613 = arith.constant 1 : index
    %get3A_614 = arith.constant 7 : index
    %get3A_615 = memref.load %arg4[%get3A_613, %get3A_614] : memref<10x10xf32, #tpu.memory_space<smem>>
    %mul3A_616 = vector.broadcast %get3A_615 : f32 to vector<128x128xf32>
    %mul3A_617 = arith.mulf %max3A_25, %mul3A_616 : vector<128x128xf32>
    %add3A_618 = arith.addf %add3A_612, %mul3A_617 : vector<128x128xf32>
    %get3A_619 = arith.constant 2 : index
    %get3A_620 = arith.constant 7 : index
    %get3A_621 = memref.load %arg4[%get3A_619, %get3A_620] : memref<10x10xf32, #tpu.memory_space<smem>>
    %mul3A_622 = vector.broadcast %get3A_621 : f32 to vector<128x128xf32>
    %mul3A_623 = arith.mulf %max3A_37, %mul3A_622 : vector<128x128xf32>
    %add3A_624 = arith.addf %add3A_618, %mul3A_623 : vector<128x128xf32>
    %get3A_625 = arith.constant 3 : index
    %get3A_626 = arith.constant 7 : index
    %get3A_627 = memref.load %arg4[%get3A_625, %get3A_626] : memref<10x10xf32, #tpu.memory_space<smem>>
    %mul3A_628 = vector.broadcast %get3A_627 : f32 to vector<128x128xf32>
    %mul3A_629 = arith.mulf %max3A_49, %mul3A_628 : vector<128x128xf32>
    %add3A_630 = arith.addf %add3A_624, %mul3A_629 : vector<128x128xf32>
    %get3A_631 = arith.constant 4 : index
    %get3A_632 = arith.constant 7 : index
    %get3A_633 = memref.load %arg4[%get3A_631, %get3A_632] : memref<10x10xf32, #tpu.memory_space<smem>>
    %mul3A_634 = vector.broadcast %get3A_633 : f32 to vector<128x128xf32>
    %mul3A_635 = arith.mulf %max3A_61, %mul3A_634 : vector<128x128xf32>
    %add3A_636 = arith.addf %add3A_630, %mul3A_635 : vector<128x128xf32>
    %get3A_637 = arith.constant 5 : index
    %get3A_638 = arith.constant 7 : index
    %get3A_639 = memref.load %arg4[%get3A_637, %get3A_638] : memref<10x10xf32, #tpu.memory_space<smem>>
    %mul3A_640 = vector.broadcast %get3A_639 : f32 to vector<128x128xf32>
    %mul3A_641 = arith.mulf %max3A_73, %mul3A_640 : vector<128x128xf32>
    %add3A_642 = arith.addf %add3A_636, %mul3A_641 : vector<128x128xf32>
    %get3A_643 = arith.constant 6 : index
    %get3A_644 = arith.constant 7 : index
    %get3A_645 = memref.load %arg4[%get3A_643, %get3A_644] : memref<10x10xf32, #tpu.memory_space<smem>>
    %mul3A_646 = vector.broadcast %get3A_645 : f32 to vector<128x128xf32>
    %mul3A_647 = arith.mulf %max3A_85, %mul3A_646 : vector<128x128xf32>
    %add3A_648 = arith.addf %add3A_642, %mul3A_647 : vector<128x128xf32>
    %get3A_649 = arith.constant 7 : index
    %get3A_650 = arith.constant 7 : index
    %get3A_651 = memref.load %arg4[%get3A_649, %get3A_650] : memref<10x10xf32, #tpu.memory_space<smem>>
    %mul3A_652 = vector.broadcast %get3A_651 : f32 to vector<128x128xf32>
    %mul3A_653 = arith.mulf %max3A_97, %mul3A_652 : vector<128x128xf32>
    %add3A_654 = arith.addf %add3A_648, %mul3A_653 : vector<128x128xf32>
    %get3A_655 = arith.constant 8 : index
    %get3A_656 = arith.constant 7 : index
    %get3A_657 = memref.load %arg4[%get3A_655, %get3A_656] : memref<10x10xf32, #tpu.memory_space<smem>>
    %mul3A_658 = vector.broadcast %get3A_657 : f32 to vector<128x128xf32>
    %mul3A_659 = arith.mulf %max3A_109, %mul3A_658 : vector<128x128xf32>
    %add3A_660 = arith.addf %add3A_654, %mul3A_659 : vector<128x128xf32>
    %get3A_661 = arith.constant 9 : index
    %get3A_662 = arith.constant 7 : index
    %get3A_663 = memref.load %arg4[%get3A_661, %get3A_662] : memref<10x10xf32, #tpu.memory_space<smem>>
    %mul3A_664 = vector.broadcast %get3A_663 : f32 to vector<128x128xf32>
    %mul3A_665 = arith.mulf %max3A_121, %mul3A_664 : vector<128x128xf32>
    %add3A_666 = arith.addf %add3A_660, %mul3A_665 : vector<128x128xf32>
    %get3A_667 = arith.constant 7 : index
    %get3A_668 = memref.load %arg5[%get3A_667] : memref<10xf32, #tpu.memory_space<smem>>
    %add3A_669 = vector.broadcast %get3A_668 : f32 to vector<128x128xf32>
    %add3A_670 = arith.addf %add3A_666, %add3A_669 : vector<128x128xf32>
    %max3A_671 = arith.constant 0.000000e+00 : f32
    %max3A_672 = vector.broadcast %max3A_671 : f32 to vector<128x128xf32>
    %max3A_673 = arith.maximumf %add3A_670, %max3A_672 : vector<128x128xf32>
    %get3A_674 = arith.constant 0 : index
    %get3A_675 = arith.constant 8 : index
    %get3A_676 = memref.load %arg4[%get3A_674, %get3A_675] : memref<10x10xf32, #tpu.memory_space<smem>>
    %mul3A_677 = vector.broadcast %get3A_676 : f32 to vector<128x128xf32>
    %mul3A_678 = arith.mulf %max3A_13, %mul3A_677 : vector<128x128xf32>
    %add3A_679 = arith.constant 0.000000e+00 : f32
    %add3A_680 = vector.broadcast %add3A_679 : f32 to vector<128x128xf32>
    %add3A_681 = arith.addf %add3A_680, %mul3A_678 : vector<128x128xf32>
    %get3A_682 = arith.constant 1 : index
    %get3A_683 = arith.constant 8 : index
    %get3A_684 = memref.load %arg4[%get3A_682, %get3A_683] : memref<10x10xf32, #tpu.memory_space<smem>>
    %mul3A_685 = vector.broadcast %get3A_684 : f32 to vector<128x128xf32>
    %mul3A_686 = arith.mulf %max3A_25, %mul3A_685 : vector<128x128xf32>
    %add3A_687 = arith.addf %add3A_681, %mul3A_686 : vector<128x128xf32>
    %get3A_688 = arith.constant 2 : index
    %get3A_689 = arith.constant 8 : index
    %get3A_690 = memref.load %arg4[%get3A_688, %get3A_689] : memref<10x10xf32, #tpu.memory_space<smem>>
    %mul3A_691 = vector.broadcast %get3A_690 : f32 to vector<128x128xf32>
    %mul3A_692 = arith.mulf %max3A_37, %mul3A_691 : vector<128x128xf32>
    %add3A_693 = arith.addf %add3A_687, %mul3A_692 : vector<128x128xf32>
    %get3A_694 = arith.constant 3 : index
    %get3A_695 = arith.constant 8 : index
    %get3A_696 = memref.load %arg4[%get3A_694, %get3A_695] : memref<10x10xf32, #tpu.memory_space<smem>>
    %mul3A_697 = vector.broadcast %get3A_696 : f32 to vector<128x128xf32>
    %mul3A_698 = arith.mulf %max3A_49, %mul3A_697 : vector<128x128xf32>
    %add3A_699 = arith.addf %add3A_693, %mul3A_698 : vector<128x128xf32>
    %get3A_700 = arith.constant 4 : index
    %get3A_701 = arith.constant 8 : index
    %get3A_702 = memref.load %arg4[%get3A_700, %get3A_701] : memref<10x10xf32, #tpu.memory_space<smem>>
    %mul3A_703 = vector.broadcast %get3A_702 : f32 to vector<128x128xf32>
    %mul3A_704 = arith.mulf %max3A_61, %mul3A_703 : vector<128x128xf32>
    %add3A_705 = arith.addf %add3A_699, %mul3A_704 : vector<128x128xf32>
    %get3A_706 = arith.constant 5 : index
    %get3A_707 = arith.constant 8 : index
    %get3A_708 = memref.load %arg4[%get3A_706, %get3A_707] : memref<10x10xf32, #tpu.memory_space<smem>>
    %mul3A_709 = vector.broadcast %get3A_708 : f32 to vector<128x128xf32>
    %mul3A_710 = arith.mulf %max3A_73, %mul3A_709 : vector<128x128xf32>
    %add3A_711 = arith.addf %add3A_705, %mul3A_710 : vector<128x128xf32>
    %get3A_712 = arith.constant 6 : index
    %get3A_713 = arith.constant 8 : index
    %get3A_714 = memref.load %arg4[%get3A_712, %get3A_713] : memref<10x10xf32, #tpu.memory_space<smem>>
    %mul3A_715 = vector.broadcast %get3A_714 : f32 to vector<128x128xf32>
    %mul3A_716 = arith.mulf %max3A_85, %mul3A_715 : vector<128x128xf32>
    %add3A_717 = arith.addf %add3A_711, %mul3A_716 : vector<128x128xf32>
    %get3A_718 = arith.constant 7 : index
    %get3A_719 = arith.constant 8 : index
    %get3A_720 = memref.load %arg4[%get3A_718, %get3A_719] : memref<10x10xf32, #tpu.memory_space<smem>>
    %mul3A_721 = vector.broadcast %get3A_720 : f32 to vector<128x128xf32>
    %mul3A_722 = arith.mulf %max3A_97, %mul3A_721 : vector<128x128xf32>
    %add3A_723 = arith.addf %add3A_717, %mul3A_722 : vector<128x128xf32>
    %get3A_724 = arith.constant 8 : index
    %get3A_725 = arith.constant 8 : index
    %get3A_726 = memref.load %arg4[%get3A_724, %get3A_725] : memref<10x10xf32, #tpu.memory_space<smem>>
    %mul3A_727 = vector.broadcast %get3A_726 : f32 to vector<128x128xf32>
    %mul3A_728 = arith.mulf %max3A_109, %mul3A_727 : vector<128x128xf32>
    %add3A_729 = arith.addf %add3A_723, %mul3A_728 : vector<128x128xf32>
    %get3A_730 = arith.constant 9 : index
    %get3A_731 = arith.constant 8 : index
    %get3A_732 = memref.load %arg4[%get3A_730, %get3A_731] : memref<10x10xf32, #tpu.memory_space<smem>>
    %mul3A_733 = vector.broadcast %get3A_732 : f32 to vector<128x128xf32>
    %mul3A_734 = arith.mulf %max3A_121, %mul3A_733 : vector<128x128xf32>
    %add3A_735 = arith.addf %add3A_729, %mul3A_734 : vector<128x128xf32>
    %get3A_736 = arith.constant 8 : index
    %get3A_737 = memref.load %arg5[%get3A_736] : memref<10xf32, #tpu.memory_space<smem>>
    %add3A_738 = vector.broadcast %get3A_737 : f32 to vector<128x128xf32>
    %add3A_739 = arith.addf %add3A_735, %add3A_738 : vector<128x128xf32>
    %max3A_740 = arith.constant 0.000000e+00 : f32
    %max3A_741 = vector.broadcast %max3A_740 : f32 to vector<128x128xf32>
    %max3A_742 = arith.maximumf %add3A_739, %max3A_741 : vector<128x128xf32>
    %get3A_743 = arith.constant 0 : index
    %get3A_744 = arith.constant 9 : index
    %get3A_745 = memref.load %arg4[%get3A_743, %get3A_744] : memref<10x10xf32, #tpu.memory_space<smem>>
    %mul3A_746 = vector.broadcast %get3A_745 : f32 to vector<128x128xf32>
    %mul3A_747 = arith.mulf %max3A_13, %mul3A_746 : vector<128x128xf32>
    %add3A_748 = arith.constant 0.000000e+00 : f32
    %add3A_749 = vector.broadcast %add3A_748 : f32 to vector<128x128xf32>
    %add3A_750 = arith.addf %add3A_749, %mul3A_747 : vector<128x128xf32>
    %get3A_751 = arith.constant 1 : index
    %get3A_752 = arith.constant 9 : index
    %get3A_753 = memref.load %arg4[%get3A_751, %get3A_752] : memref<10x10xf32, #tpu.memory_space<smem>>
    %mul3A_754 = vector.broadcast %get3A_753 : f32 to vector<128x128xf32>
    %mul3A_755 = arith.mulf %max3A_25, %mul3A_754 : vector<128x128xf32>
    %add3A_756 = arith.addf %add3A_750, %mul3A_755 : vector<128x128xf32>
    %get3A_757 = arith.constant 2 : index
    %get3A_758 = arith.constant 9 : index
    %get3A_759 = memref.load %arg4[%get3A_757, %get3A_758] : memref<10x10xf32, #tpu.memory_space<smem>>
    %mul3A_760 = vector.broadcast %get3A_759 : f32 to vector<128x128xf32>
    %mul3A_761 = arith.mulf %max3A_37, %mul3A_760 : vector<128x128xf32>
    %add3A_762 = arith.addf %add3A_756, %mul3A_761 : vector<128x128xf32>
    %get3A_763 = arith.constant 3 : index
    %get3A_764 = arith.constant 9 : index
    %get3A_765 = memref.load %arg4[%get3A_763, %get3A_764] : memref<10x10xf32, #tpu.memory_space<smem>>
    %mul3A_766 = vector.broadcast %get3A_765 : f32 to vector<128x128xf32>
    %mul3A_767 = arith.mulf %max3A_49, %mul3A_766 : vector<128x128xf32>
    %add3A_768 = arith.addf %add3A_762, %mul3A_767 : vector<128x128xf32>
    %get3A_769 = arith.constant 4 : index
    %get3A_770 = arith.constant 9 : index
    %get3A_771 = memref.load %arg4[%get3A_769, %get3A_770] : memref<10x10xf32, #tpu.memory_space<smem>>
    %mul3A_772 = vector.broadcast %get3A_771 : f32 to vector<128x128xf32>
    %mul3A_773 = arith.mulf %max3A_61, %mul3A_772 : vector<128x128xf32>
    %add3A_774 = arith.addf %add3A_768, %mul3A_773 : vector<128x128xf32>
    %get3A_775 = arith.constant 5 : index
    %get3A_776 = arith.constant 9 : index
    %get3A_777 = memref.load %arg4[%get3A_775, %get3A_776] : memref<10x10xf32, #tpu.memory_space<smem>>
    %mul3A_778 = vector.broadcast %get3A_777 : f32 to vector<128x128xf32>
    %mul3A_779 = arith.mulf %max3A_73, %mul3A_778 : vector<128x128xf32>
    %add3A_780 = arith.addf %add3A_774, %mul3A_779 : vector<128x128xf32>
    %get3A_781 = arith.constant 6 : index
    %get3A_782 = arith.constant 9 : index
    %get3A_783 = memref.load %arg4[%get3A_781, %get3A_782] : memref<10x10xf32, #tpu.memory_space<smem>>
    %mul3A_784 = vector.broadcast %get3A_783 : f32 to vector<128x128xf32>
    %mul3A_785 = arith.mulf %max3A_85, %mul3A_784 : vector<128x128xf32>
    %add3A_786 = arith.addf %add3A_780, %mul3A_785 : vector<128x128xf32>
    %get3A_787 = arith.constant 7 : index
    %get3A_788 = arith.constant 9 : index
    %get3A_789 = memref.load %arg4[%get3A_787, %get3A_788] : memref<10x10xf32, #tpu.memory_space<smem>>
    %mul3A_790 = vector.broadcast %get3A_789 : f32 to vector<128x128xf32>
    %mul3A_791 = arith.mulf %max3A_97, %mul3A_790 : vector<128x128xf32>
    %add3A_792 = arith.addf %add3A_786, %mul3A_791 : vector<128x128xf32>
    %get3A_793 = arith.constant 8 : index
    %get3A_794 = arith.constant 9 : index
    %get3A_795 = memref.load %arg4[%get3A_793, %get3A_794] : memref<10x10xf32, #tpu.memory_space<smem>>
    %mul3A_796 = vector.broadcast %get3A_795 : f32 to vector<128x128xf32>
    %mul3A_797 = arith.mulf %max3A_109, %mul3A_796 : vector<128x128xf32>
    %add3A_798 = arith.addf %add3A_792, %mul3A_797 : vector<128x128xf32>
    %get3A_799 = arith.constant 9 : index
    %get3A_800 = arith.constant 9 : index
    %get3A_801 = memref.load %arg4[%get3A_799, %get3A_800] : memref<10x10xf32, #tpu.memory_space<smem>>
    %mul3A_802 = vector.broadcast %get3A_801 : f32 to vector<128x128xf32>
    %mul3A_803 = arith.mulf %max3A_121, %mul3A_802 : vector<128x128xf32>
    %add3A_804 = arith.addf %add3A_798, %mul3A_803 : vector<128x128xf32>
    %get3A_805 = arith.constant 9 : index
    %get3A_806 = memref.load %arg5[%get3A_805] : memref<10xf32, #tpu.memory_space<smem>>
    %add3A_807 = vector.broadcast %get3A_806 : f32 to vector<128x128xf32>
    %add3A_808 = arith.addf %add3A_804, %add3A_807 : vector<128x128xf32>
    %max3A_809 = arith.constant 0.000000e+00 : f32
    %max3A_810 = vector.broadcast %max3A_809 : f32 to vector<128x128xf32>
    %max3A_811 = arith.maximumf %add3A_808, %max3A_810 : vector<128x128xf32>
    %get3A_812 = arith.constant 0 : index
    %get3A_813 = arith.constant 0 : index
    %get3A_814 = memref.load %arg6[%get3A_812, %get3A_813] : memref<10x10xf32, #tpu.memory_space<smem>>
    %mul3A_815 = vector.broadcast %get3A_814 : f32 to vector<128x128xf32>
    %mul3A_816 = arith.mulf %max3A_190, %mul3A_815 : vector<128x128xf32>
    %add3A_817 = arith.constant 0.000000e+00 : f32
    %add3A_818 = vector.broadcast %add3A_817 : f32 to vector<128x128xf32>
    %add3A_819 = arith.addf %add3A_818, %mul3A_816 : vector<128x128xf32>
    %get3A_820 = arith.constant 1 : index
    %get3A_821 = arith.constant 0 : index
    %get3A_822 = memref.load %arg6[%get3A_820, %get3A_821] : memref<10x10xf32, #tpu.memory_space<smem>>
    %mul3A_823 = vector.broadcast %get3A_822 : f32 to vector<128x128xf32>
    %mul3A_824 = arith.mulf %max3A_259, %mul3A_823 : vector<128x128xf32>
    %add3A_825 = arith.addf %add3A_819, %mul3A_824 : vector<128x128xf32>
    %get3A_826 = arith.constant 2 : index
    %get3A_827 = arith.constant 0 : index
    %get3A_828 = memref.load %arg6[%get3A_826, %get3A_827] : memref<10x10xf32, #tpu.memory_space<smem>>
    %mul3A_829 = vector.broadcast %get3A_828 : f32 to vector<128x128xf32>
    %mul3A_830 = arith.mulf %max3A_328, %mul3A_829 : vector<128x128xf32>
    %add3A_831 = arith.addf %add3A_825, %mul3A_830 : vector<128x128xf32>
    %get3A_832 = arith.constant 3 : index
    %get3A_833 = arith.constant 0 : index
    %get3A_834 = memref.load %arg6[%get3A_832, %get3A_833] : memref<10x10xf32, #tpu.memory_space<smem>>
    %mul3A_835 = vector.broadcast %get3A_834 : f32 to vector<128x128xf32>
    %mul3A_836 = arith.mulf %max3A_397, %mul3A_835 : vector<128x128xf32>
    %add3A_837 = arith.addf %add3A_831, %mul3A_836 : vector<128x128xf32>
    %get3A_838 = arith.constant 4 : index
    %get3A_839 = arith.constant 0 : index
    %get3A_840 = memref.load %arg6[%get3A_838, %get3A_839] : memref<10x10xf32, #tpu.memory_space<smem>>
    %mul3A_841 = vector.broadcast %get3A_840 : f32 to vector<128x128xf32>
    %mul3A_842 = arith.mulf %max3A_466, %mul3A_841 : vector<128x128xf32>
    %add3A_843 = arith.addf %add3A_837, %mul3A_842 : vector<128x128xf32>
    %get3A_844 = arith.constant 5 : index
    %get3A_845 = arith.constant 0 : index
    %get3A_846 = memref.load %arg6[%get3A_844, %get3A_845] : memref<10x10xf32, #tpu.memory_space<smem>>
    %mul3A_847 = vector.broadcast %get3A_846 : f32 to vector<128x128xf32>
    %mul3A_848 = arith.mulf %max3A_535, %mul3A_847 : vector<128x128xf32>
    %add3A_849 = arith.addf %add3A_843, %mul3A_848 : vector<128x128xf32>
    %get3A_850 = arith.constant 6 : index
    %get3A_851 = arith.constant 0 : index
    %get3A_852 = memref.load %arg6[%get3A_850, %get3A_851] : memref<10x10xf32, #tpu.memory_space<smem>>
    %mul3A_853 = vector.broadcast %get3A_852 : f32 to vector<128x128xf32>
    %mul3A_854 = arith.mulf %max3A_604, %mul3A_853 : vector<128x128xf32>
    %add3A_855 = arith.addf %add3A_849, %mul3A_854 : vector<128x128xf32>
    %get3A_856 = arith.constant 7 : index
    %get3A_857 = arith.constant 0 : index
    %get3A_858 = memref.load %arg6[%get3A_856, %get3A_857] : memref<10x10xf32, #tpu.memory_space<smem>>
    %mul3A_859 = vector.broadcast %get3A_858 : f32 to vector<128x128xf32>
    %mul3A_860 = arith.mulf %max3A_673, %mul3A_859 : vector<128x128xf32>
    %add3A_861 = arith.addf %add3A_855, %mul3A_860 : vector<128x128xf32>
    %get3A_862 = arith.constant 8 : index
    %get3A_863 = arith.constant 0 : index
    %get3A_864 = memref.load %arg6[%get3A_862, %get3A_863] : memref<10x10xf32, #tpu.memory_space<smem>>
    %mul3A_865 = vector.broadcast %get3A_864 : f32 to vector<128x128xf32>
    %mul3A_866 = arith.mulf %max3A_742, %mul3A_865 : vector<128x128xf32>
    %add3A_867 = arith.addf %add3A_861, %mul3A_866 : vector<128x128xf32>
    %get3A_868 = arith.constant 9 : index
    %get3A_869 = arith.constant 0 : index
    %get3A_870 = memref.load %arg6[%get3A_868, %get3A_869] : memref<10x10xf32, #tpu.memory_space<smem>>
    %mul3A_871 = vector.broadcast %get3A_870 : f32 to vector<128x128xf32>
    %mul3A_872 = arith.mulf %max3A_811, %mul3A_871 : vector<128x128xf32>
    %add3A_873 = arith.addf %add3A_867, %mul3A_872 : vector<128x128xf32>
    %get3A_874 = arith.constant 0 : index
    %get3A_875 = memref.load %arg7[%get3A_874] : memref<10xf32, #tpu.memory_space<smem>>
    %add3A_876 = vector.broadcast %get3A_875 : f32 to vector<128x128xf32>
    %add3A_877 = arith.addf %add3A_873, %add3A_876 : vector<128x128xf32>
    %max3A_878 = arith.constant 0.000000e+00 : f32
    %max3A_879 = vector.broadcast %max3A_878 : f32 to vector<128x128xf32>
    %max3A_880 = arith.maximumf %add3A_877, %max3A_879 : vector<128x128xf32>
    %get3A_881 = arith.constant 0 : index
    %get3A_882 = arith.constant 1 : index
    %get3A_883 = memref.load %arg6[%get3A_881, %get3A_882] : memref<10x10xf32, #tpu.memory_space<smem>>
    %mul3A_884 = vector.broadcast %get3A_883 : f32 to vector<128x128xf32>
    %mul3A_885 = arith.mulf %max3A_190, %mul3A_884 : vector<128x128xf32>
    %add3A_886 = arith.constant 0.000000e+00 : f32
    %add3A_887 = vector.broadcast %add3A_886 : f32 to vector<128x128xf32>
    %add3A_888 = arith.addf %add3A_887, %mul3A_885 : vector<128x128xf32>
    %get3A_889 = arith.constant 1 : index
    %get3A_890 = arith.constant 1 : index
    %get3A_891 = memref.load %arg6[%get3A_889, %get3A_890] : memref<10x10xf32, #tpu.memory_space<smem>>
    %mul3A_892 = vector.broadcast %get3A_891 : f32 to vector<128x128xf32>
    %mul3A_893 = arith.mulf %max3A_259, %mul3A_892 : vector<128x128xf32>
    %add3A_894 = arith.addf %add3A_888, %mul3A_893 : vector<128x128xf32>
    %get3A_895 = arith.constant 2 : index
    %get3A_896 = arith.constant 1 : index
    %get3A_897 = memref.load %arg6[%get3A_895, %get3A_896] : memref<10x10xf32, #tpu.memory_space<smem>>
    %mul3A_898 = vector.broadcast %get3A_897 : f32 to vector<128x128xf32>
    %mul3A_899 = arith.mulf %max3A_328, %mul3A_898 : vector<128x128xf32>
    %add3A_900 = arith.addf %add3A_894, %mul3A_899 : vector<128x128xf32>
    %get3A_901 = arith.constant 3 : index
    %get3A_902 = arith.constant 1 : index
    %get3A_903 = memref.load %arg6[%get3A_901, %get3A_902] : memref<10x10xf32, #tpu.memory_space<smem>>
    %mul3A_904 = vector.broadcast %get3A_903 : f32 to vector<128x128xf32>
    %mul3A_905 = arith.mulf %max3A_397, %mul3A_904 : vector<128x128xf32>
    %add3A_906 = arith.addf %add3A_900, %mul3A_905 : vector<128x128xf32>
    %get3A_907 = arith.constant 4 : index
    %get3A_908 = arith.constant 1 : index
    %get3A_909 = memref.load %arg6[%get3A_907, %get3A_908] : memref<10x10xf32, #tpu.memory_space<smem>>
    %mul3A_910 = vector.broadcast %get3A_909 : f32 to vector<128x128xf32>
    %mul3A_911 = arith.mulf %max3A_466, %mul3A_910 : vector<128x128xf32>
    %add3A_912 = arith.addf %add3A_906, %mul3A_911 : vector<128x128xf32>
    %get3A_913 = arith.constant 5 : index
    %get3A_914 = arith.constant 1 : index
    %get3A_915 = memref.load %arg6[%get3A_913, %get3A_914] : memref<10x10xf32, #tpu.memory_space<smem>>
    %mul3A_916 = vector.broadcast %get3A_915 : f32 to vector<128x128xf32>
    %mul3A_917 = arith.mulf %max3A_535, %mul3A_916 : vector<128x128xf32>
    %add3A_918 = arith.addf %add3A_912, %mul3A_917 : vector<128x128xf32>
    %get3A_919 = arith.constant 6 : index
    %get3A_920 = arith.constant 1 : index
    %get3A_921 = memref.load %arg6[%get3A_919, %get3A_920] : memref<10x10xf32, #tpu.memory_space<smem>>
    %mul3A_922 = vector.broadcast %get3A_921 : f32 to vector<128x128xf32>
    %mul3A_923 = arith.mulf %max3A_604, %mul3A_922 : vector<128x128xf32>
    %add3A_924 = arith.addf %add3A_918, %mul3A_923 : vector<128x128xf32>
    %get3A_925 = arith.constant 7 : index
    %get3A_926 = arith.constant 1 : index
    %get3A_927 = memref.load %arg6[%get3A_925, %get3A_926] : memref<10x10xf32, #tpu.memory_space<smem>>
    %mul3A_928 = vector.broadcast %get3A_927 : f32 to vector<128x128xf32>
    %mul3A_929 = arith.mulf %max3A_673, %mul3A_928 : vector<128x128xf32>
    %add3A_930 = arith.addf %add3A_924, %mul3A_929 : vector<128x128xf32>
    %get3A_931 = arith.constant 8 : index
    %get3A_932 = arith.constant 1 : index
    %get3A_933 = memref.load %arg6[%get3A_931, %get3A_932] : memref<10x10xf32, #tpu.memory_space<smem>>
    %mul3A_934 = vector.broadcast %get3A_933 : f32 to vector<128x128xf32>
    %mul3A_935 = arith.mulf %max3A_742, %mul3A_934 : vector<128x128xf32>
    %add3A_936 = arith.addf %add3A_930, %mul3A_935 : vector<128x128xf32>
    %get3A_937 = arith.constant 9 : index
    %get3A_938 = arith.constant 1 : index
    %get3A_939 = memref.load %arg6[%get3A_937, %get3A_938] : memref<10x10xf32, #tpu.memory_space<smem>>
    %mul3A_940 = vector.broadcast %get3A_939 : f32 to vector<128x128xf32>
    %mul3A_941 = arith.mulf %max3A_811, %mul3A_940 : vector<128x128xf32>
    %add3A_942 = arith.addf %add3A_936, %mul3A_941 : vector<128x128xf32>
    %get3A_943 = arith.constant 1 : index
    %get3A_944 = memref.load %arg7[%get3A_943] : memref<10xf32, #tpu.memory_space<smem>>
    %add3A_945 = vector.broadcast %get3A_944 : f32 to vector<128x128xf32>
    %add3A_946 = arith.addf %add3A_942, %add3A_945 : vector<128x128xf32>
    %max3A_947 = arith.constant 0.000000e+00 : f32
    %max3A_948 = vector.broadcast %max3A_947 : f32 to vector<128x128xf32>
    %max3A_949 = arith.maximumf %add3A_946, %max3A_948 : vector<128x128xf32>
    %get3A_950 = arith.constant 0 : index
    %get3A_951 = arith.constant 2 : index
    %get3A_952 = memref.load %arg6[%get3A_950, %get3A_951] : memref<10x10xf32, #tpu.memory_space<smem>>
    %mul3A_953 = vector.broadcast %get3A_952 : f32 to vector<128x128xf32>
    %mul3A_954 = arith.mulf %max3A_190, %mul3A_953 : vector<128x128xf32>
    %add3A_955 = arith.constant 0.000000e+00 : f32
    %add3A_956 = vector.broadcast %add3A_955 : f32 to vector<128x128xf32>
    %add3A_957 = arith.addf %add3A_956, %mul3A_954 : vector<128x128xf32>
    %get3A_958 = arith.constant 1 : index
    %get3A_959 = arith.constant 2 : index
    %get3A_960 = memref.load %arg6[%get3A_958, %get3A_959] : memref<10x10xf32, #tpu.memory_space<smem>>
    %mul3A_961 = vector.broadcast %get3A_960 : f32 to vector<128x128xf32>
    %mul3A_962 = arith.mulf %max3A_259, %mul3A_961 : vector<128x128xf32>
    %add3A_963 = arith.addf %add3A_957, %mul3A_962 : vector<128x128xf32>
    %get3A_964 = arith.constant 2 : index
    %get3A_965 = arith.constant 2 : index
    %get3A_966 = memref.load %arg6[%get3A_964, %get3A_965] : memref<10x10xf32, #tpu.memory_space<smem>>
    %mul3A_967 = vector.broadcast %get3A_966 : f32 to vector<128x128xf32>
    %mul3A_968 = arith.mulf %max3A_328, %mul3A_967 : vector<128x128xf32>
    %add3A_969 = arith.addf %add3A_963, %mul3A_968 : vector<128x128xf32>
    %get3A_970 = arith.constant 3 : index
    %get3A_971 = arith.constant 2 : index
    %get3A_972 = memref.load %arg6[%get3A_970, %get3A_971] : memref<10x10xf32, #tpu.memory_space<smem>>
    %mul3A_973 = vector.broadcast %get3A_972 : f32 to vector<128x128xf32>
    %mul3A_974 = arith.mulf %max3A_397, %mul3A_973 : vector<128x128xf32>
    %add3A_975 = arith.addf %add3A_969, %mul3A_974 : vector<128x128xf32>
    %get3A_976 = arith.constant 4 : index
    %get3A_977 = arith.constant 2 : index
    %get3A_978 = memref.load %arg6[%get3A_976, %get3A_977] : memref<10x10xf32, #tpu.memory_space<smem>>
    %mul3A_979 = vector.broadcast %get3A_978 : f32 to vector<128x128xf32>
    %mul3A_980 = arith.mulf %max3A_466, %mul3A_979 : vector<128x128xf32>
    %add3A_981 = arith.addf %add3A_975, %mul3A_980 : vector<128x128xf32>
    %get3A_982 = arith.constant 5 : index
    %get3A_983 = arith.constant 2 : index
    %get3A_984 = memref.load %arg6[%get3A_982, %get3A_983] : memref<10x10xf32, #tpu.memory_space<smem>>
    %mul3A_985 = vector.broadcast %get3A_984 : f32 to vector<128x128xf32>
    %mul3A_986 = arith.mulf %max3A_535, %mul3A_985 : vector<128x128xf32>
    %add3A_987 = arith.addf %add3A_981, %mul3A_986 : vector<128x128xf32>
    %get3A_988 = arith.constant 6 : index
    %get3A_989 = arith.constant 2 : index
    %get3A_990 = memref.load %arg6[%get3A_988, %get3A_989] : memref<10x10xf32, #tpu.memory_space<smem>>
    %mul3A_991 = vector.broadcast %get3A_990 : f32 to vector<128x128xf32>
    %mul3A_992 = arith.mulf %max3A_604, %mul3A_991 : vector<128x128xf32>
    %add3A_993 = arith.addf %add3A_987, %mul3A_992 : vector<128x128xf32>
    %get3A_994 = arith.constant 7 : index
    %get3A_995 = arith.constant 2 : index
    %get3A_996 = memref.load %arg6[%get3A_994, %get3A_995] : memref<10x10xf32, #tpu.memory_space<smem>>
    %mul3A_997 = vector.broadcast %get3A_996 : f32 to vector<128x128xf32>
    %mul3A_998 = arith.mulf %max3A_673, %mul3A_997 : vector<128x128xf32>
    %add3A_999 = arith.addf %add3A_993, %mul3A_998 : vector<128x128xf32>
    %get3A_1000 = arith.constant 8 : index
    %get3A_1001 = arith.constant 2 : index
    %get3A_1002 = memref.load %arg6[%get3A_1000, %get3A_1001] : memref<10x10xf32, #tpu.memory_space<smem>>
    %mul3A_1003 = vector.broadcast %get3A_1002 : f32 to vector<128x128xf32>
    %mul3A_1004 = arith.mulf %max3A_742, %mul3A_1003 : vector<128x128xf32>
    %add3A_1005 = arith.addf %add3A_999, %mul3A_1004 : vector<128x128xf32>
    %get3A_1006 = arith.constant 9 : index
    %get3A_1007 = arith.constant 2 : index
    %get3A_1008 = memref.load %arg6[%get3A_1006, %get3A_1007] : memref<10x10xf32, #tpu.memory_space<smem>>
    %mul3A_1009 = vector.broadcast %get3A_1008 : f32 to vector<128x128xf32>
    %mul3A_1010 = arith.mulf %max3A_811, %mul3A_1009 : vector<128x128xf32>
    %add3A_1011 = arith.addf %add3A_1005, %mul3A_1010 : vector<128x128xf32>
    %get3A_1012 = arith.constant 2 : index
    %get3A_1013 = memref.load %arg7[%get3A_1012] : memref<10xf32, #tpu.memory_space<smem>>
    %add3A_1014 = vector.broadcast %get3A_1013 : f32 to vector<128x128xf32>
    %add3A_1015 = arith.addf %add3A_1011, %add3A_1014 : vector<128x128xf32>
    %max3A_1016 = arith.constant 0.000000e+00 : f32
    %max3A_1017 = vector.broadcast %max3A_1016 : f32 to vector<128x128xf32>
    %max3A_1018 = arith.maximumf %add3A_1015, %max3A_1017 : vector<128x128xf32>
    %get3A_1019 = arith.constant 0 : index
    %get3A_1020 = arith.constant 3 : index
    %get3A_1021 = memref.load %arg6[%get3A_1019, %get3A_1020] : memref<10x10xf32, #tpu.memory_space<smem>>
    %mul3A_1022 = vector.broadcast %get3A_1021 : f32 to vector<128x128xf32>
    %mul3A_1023 = arith.mulf %max3A_190, %mul3A_1022 : vector<128x128xf32>
    %add3A_1024 = arith.constant 0.000000e+00 : f32
    %add3A_1025 = vector.broadcast %add3A_1024 : f32 to vector<128x128xf32>
    %add3A_1026 = arith.addf %add3A_1025, %mul3A_1023 : vector<128x128xf32>
    %get3A_1027 = arith.constant 1 : index
    %get3A_1028 = arith.constant 3 : index
    %get3A_1029 = memref.load %arg6[%get3A_1027, %get3A_1028] : memref<10x10xf32, #tpu.memory_space<smem>>
    %mul3A_1030 = vector.broadcast %get3A_1029 : f32 to vector<128x128xf32>
    %mul3A_1031 = arith.mulf %max3A_259, %mul3A_1030 : vector<128x128xf32>
    %add3A_1032 = arith.addf %add3A_1026, %mul3A_1031 : vector<128x128xf32>
    %get3A_1033 = arith.constant 2 : index
    %get3A_1034 = arith.constant 3 : index
    %get3A_1035 = memref.load %arg6[%get3A_1033, %get3A_1034] : memref<10x10xf32, #tpu.memory_space<smem>>
    %mul3A_1036 = vector.broadcast %get3A_1035 : f32 to vector<128x128xf32>
    %mul3A_1037 = arith.mulf %max3A_328, %mul3A_1036 : vector<128x128xf32>
    %add3A_1038 = arith.addf %add3A_1032, %mul3A_1037 : vector<128x128xf32>
    %get3A_1039 = arith.constant 3 : index
    %get3A_1040 = arith.constant 3 : index
    %get3A_1041 = memref.load %arg6[%get3A_1039, %get3A_1040] : memref<10x10xf32, #tpu.memory_space<smem>>
    %mul3A_1042 = vector.broadcast %get3A_1041 : f32 to vector<128x128xf32>
    %mul3A_1043 = arith.mulf %max3A_397, %mul3A_1042 : vector<128x128xf32>
    %add3A_1044 = arith.addf %add3A_1038, %mul3A_1043 : vector<128x128xf32>
    %get3A_1045 = arith.constant 4 : index
    %get3A_1046 = arith.constant 3 : index
    %get3A_1047 = memref.load %arg6[%get3A_1045, %get3A_1046] : memref<10x10xf32, #tpu.memory_space<smem>>
    %mul3A_1048 = vector.broadcast %get3A_1047 : f32 to vector<128x128xf32>
    %mul3A_1049 = arith.mulf %max3A_466, %mul3A_1048 : vector<128x128xf32>
    %add3A_1050 = arith.addf %add3A_1044, %mul3A_1049 : vector<128x128xf32>
    %get3A_1051 = arith.constant 5 : index
    %get3A_1052 = arith.constant 3 : index
    %get3A_1053 = memref.load %arg6[%get3A_1051, %get3A_1052] : memref<10x10xf32, #tpu.memory_space<smem>>
    %mul3A_1054 = vector.broadcast %get3A_1053 : f32 to vector<128x128xf32>
    %mul3A_1055 = arith.mulf %max3A_535, %mul3A_1054 : vector<128x128xf32>
    %add3A_1056 = arith.addf %add3A_1050, %mul3A_1055 : vector<128x128xf32>
    %get3A_1057 = arith.constant 6 : index
    %get3A_1058 = arith.constant 3 : index
    %get3A_1059 = memref.load %arg6[%get3A_1057, %get3A_1058] : memref<10x10xf32, #tpu.memory_space<smem>>
    %mul3A_1060 = vector.broadcast %get3A_1059 : f32 to vector<128x128xf32>
    %mul3A_1061 = arith.mulf %max3A_604, %mul3A_1060 : vector<128x128xf32>
    %add3A_1062 = arith.addf %add3A_1056, %mul3A_1061 : vector<128x128xf32>
    %get3A_1063 = arith.constant 7 : index
    %get3A_1064 = arith.constant 3 : index
    %get3A_1065 = memref.load %arg6[%get3A_1063, %get3A_1064] : memref<10x10xf32, #tpu.memory_space<smem>>
    %mul3A_1066 = vector.broadcast %get3A_1065 : f32 to vector<128x128xf32>
    %mul3A_1067 = arith.mulf %max3A_673, %mul3A_1066 : vector<128x128xf32>
    %add3A_1068 = arith.addf %add3A_1062, %mul3A_1067 : vector<128x128xf32>
    %get3A_1069 = arith.constant 8 : index
    %get3A_1070 = arith.constant 3 : index
    %get3A_1071 = memref.load %arg6[%get3A_1069, %get3A_1070] : memref<10x10xf32, #tpu.memory_space<smem>>
    %mul3A_1072 = vector.broadcast %get3A_1071 : f32 to vector<128x128xf32>
    %mul3A_1073 = arith.mulf %max3A_742, %mul3A_1072 : vector<128x128xf32>
    %add3A_1074 = arith.addf %add3A_1068, %mul3A_1073 : vector<128x128xf32>
    %get3A_1075 = arith.constant 9 : index
    %get3A_1076 = arith.constant 3 : index
    %get3A_1077 = memref.load %arg6[%get3A_1075, %get3A_1076] : memref<10x10xf32, #tpu.memory_space<smem>>
    %mul3A_1078 = vector.broadcast %get3A_1077 : f32 to vector<128x128xf32>
    %mul3A_1079 = arith.mulf %max3A_811, %mul3A_1078 : vector<128x128xf32>
    %add3A_1080 = arith.addf %add3A_1074, %mul3A_1079 : vector<128x128xf32>
    %get3A_1081 = arith.constant 3 : index
    %get3A_1082 = memref.load %arg7[%get3A_1081] : memref<10xf32, #tpu.memory_space<smem>>
    %add3A_1083 = vector.broadcast %get3A_1082 : f32 to vector<128x128xf32>
    %add3A_1084 = arith.addf %add3A_1080, %add3A_1083 : vector<128x128xf32>
    %max3A_1085 = arith.constant 0.000000e+00 : f32
    %max3A_1086 = vector.broadcast %max3A_1085 : f32 to vector<128x128xf32>
    %max3A_1087 = arith.maximumf %add3A_1084, %max3A_1086 : vector<128x128xf32>
    %get3A_1088 = arith.constant 0 : index
    %get3A_1089 = arith.constant 4 : index
    %get3A_1090 = memref.load %arg6[%get3A_1088, %get3A_1089] : memref<10x10xf32, #tpu.memory_space<smem>>
    %mul3A_1091 = vector.broadcast %get3A_1090 : f32 to vector<128x128xf32>
    %mul3A_1092 = arith.mulf %max3A_190, %mul3A_1091 : vector<128x128xf32>
    %add3A_1093 = arith.constant 0.000000e+00 : f32
    %add3A_1094 = vector.broadcast %add3A_1093 : f32 to vector<128x128xf32>
    %add3A_1095 = arith.addf %add3A_1094, %mul3A_1092 : vector<128x128xf32>
    %get3A_1096 = arith.constant 1 : index
    %get3A_1097 = arith.constant 4 : index
    %get3A_1098 = memref.load %arg6[%get3A_1096, %get3A_1097] : memref<10x10xf32, #tpu.memory_space<smem>>
    %mul3A_1099 = vector.broadcast %get3A_1098 : f32 to vector<128x128xf32>
    %mul3A_1100 = arith.mulf %max3A_259, %mul3A_1099 : vector<128x128xf32>
    %add3A_1101 = arith.addf %add3A_1095, %mul3A_1100 : vector<128x128xf32>
    %get3A_1102 = arith.constant 2 : index
    %get3A_1103 = arith.constant 4 : index
    %get3A_1104 = memref.load %arg6[%get3A_1102, %get3A_1103] : memref<10x10xf32, #tpu.memory_space<smem>>
    %mul3A_1105 = vector.broadcast %get3A_1104 : f32 to vector<128x128xf32>
    %mul3A_1106 = arith.mulf %max3A_328, %mul3A_1105 : vector<128x128xf32>
    %add3A_1107 = arith.addf %add3A_1101, %mul3A_1106 : vector<128x128xf32>
    %get3A_1108 = arith.constant 3 : index
    %get3A_1109 = arith.constant 4 : index
    %get3A_1110 = memref.load %arg6[%get3A_1108, %get3A_1109] : memref<10x10xf32, #tpu.memory_space<smem>>
    %mul3A_1111 = vector.broadcast %get3A_1110 : f32 to vector<128x128xf32>
    %mul3A_1112 = arith.mulf %max3A_397, %mul3A_1111 : vector<128x128xf32>
    %add3A_1113 = arith.addf %add3A_1107, %mul3A_1112 : vector<128x128xf32>
    %get3A_1114 = arith.constant 4 : index
    %get3A_1115 = arith.constant 4 : index
    %get3A_1116 = memref.load %arg6[%get3A_1114, %get3A_1115] : memref<10x10xf32, #tpu.memory_space<smem>>
    %mul3A_1117 = vector.broadcast %get3A_1116 : f32 to vector<128x128xf32>
    %mul3A_1118 = arith.mulf %max3A_466, %mul3A_1117 : vector<128x128xf32>
    %add3A_1119 = arith.addf %add3A_1113, %mul3A_1118 : vector<128x128xf32>
    %get3A_1120 = arith.constant 5 : index
    %get3A_1121 = arith.constant 4 : index
    %get3A_1122 = memref.load %arg6[%get3A_1120, %get3A_1121] : memref<10x10xf32, #tpu.memory_space<smem>>
    %mul3A_1123 = vector.broadcast %get3A_1122 : f32 to vector<128x128xf32>
    %mul3A_1124 = arith.mulf %max3A_535, %mul3A_1123 : vector<128x128xf32>
    %add3A_1125 = arith.addf %add3A_1119, %mul3A_1124 : vector<128x128xf32>
    %get3A_1126 = arith.constant 6 : index
    %get3A_1127 = arith.constant 4 : index
    %get3A_1128 = memref.load %arg6[%get3A_1126, %get3A_1127] : memref<10x10xf32, #tpu.memory_space<smem>>
    %mul3A_1129 = vector.broadcast %get3A_1128 : f32 to vector<128x128xf32>
    %mul3A_1130 = arith.mulf %max3A_604, %mul3A_1129 : vector<128x128xf32>
    %add3A_1131 = arith.addf %add3A_1125, %mul3A_1130 : vector<128x128xf32>
    %get3A_1132 = arith.constant 7 : index
    %get3A_1133 = arith.constant 4 : index
    %get3A_1134 = memref.load %arg6[%get3A_1132, %get3A_1133] : memref<10x10xf32, #tpu.memory_space<smem>>
    %mul3A_1135 = vector.broadcast %get3A_1134 : f32 to vector<128x128xf32>
    %mul3A_1136 = arith.mulf %max3A_673, %mul3A_1135 : vector<128x128xf32>
    %add3A_1137 = arith.addf %add3A_1131, %mul3A_1136 : vector<128x128xf32>
    %get3A_1138 = arith.constant 8 : index
    %get3A_1139 = arith.constant 4 : index
    %get3A_1140 = memref.load %arg6[%get3A_1138, %get3A_1139] : memref<10x10xf32, #tpu.memory_space<smem>>
    %mul3A_1141 = vector.broadcast %get3A_1140 : f32 to vector<128x128xf32>
    %mul3A_1142 = arith.mulf %max3A_742, %mul3A_1141 : vector<128x128xf32>
    %add3A_1143 = arith.addf %add3A_1137, %mul3A_1142 : vector<128x128xf32>
    %get3A_1144 = arith.constant 9 : index
    %get3A_1145 = arith.constant 4 : index
    %get3A_1146 = memref.load %arg6[%get3A_1144, %get3A_1145] : memref<10x10xf32, #tpu.memory_space<smem>>
    %mul3A_1147 = vector.broadcast %get3A_1146 : f32 to vector<128x128xf32>
    %mul3A_1148 = arith.mulf %max3A_811, %mul3A_1147 : vector<128x128xf32>
    %add3A_1149 = arith.addf %add3A_1143, %mul3A_1148 : vector<128x128xf32>
    %get3A_1150 = arith.constant 4 : index
    %get3A_1151 = memref.load %arg7[%get3A_1150] : memref<10xf32, #tpu.memory_space<smem>>
    %add3A_1152 = vector.broadcast %get3A_1151 : f32 to vector<128x128xf32>
    %add3A_1153 = arith.addf %add3A_1149, %add3A_1152 : vector<128x128xf32>
    %max3A_1154 = arith.constant 0.000000e+00 : f32
    %max3A_1155 = vector.broadcast %max3A_1154 : f32 to vector<128x128xf32>
    %max3A_1156 = arith.maximumf %add3A_1153, %max3A_1155 : vector<128x128xf32>
    %get3A_1157 = arith.constant 0 : index
    %get3A_1158 = arith.constant 5 : index
    %get3A_1159 = memref.load %arg6[%get3A_1157, %get3A_1158] : memref<10x10xf32, #tpu.memory_space<smem>>
    %mul3A_1160 = vector.broadcast %get3A_1159 : f32 to vector<128x128xf32>
    %mul3A_1161 = arith.mulf %max3A_190, %mul3A_1160 : vector<128x128xf32>
    %add3A_1162 = arith.constant 0.000000e+00 : f32
    %add3A_1163 = vector.broadcast %add3A_1162 : f32 to vector<128x128xf32>
    %add3A_1164 = arith.addf %add3A_1163, %mul3A_1161 : vector<128x128xf32>
    %get3A_1165 = arith.constant 1 : index
    %get3A_1166 = arith.constant 5 : index
    %get3A_1167 = memref.load %arg6[%get3A_1165, %get3A_1166] : memref<10x10xf32, #tpu.memory_space<smem>>
    %mul3A_1168 = vector.broadcast %get3A_1167 : f32 to vector<128x128xf32>
    %mul3A_1169 = arith.mulf %max3A_259, %mul3A_1168 : vector<128x128xf32>
    %add3A_1170 = arith.addf %add3A_1164, %mul3A_1169 : vector<128x128xf32>
    %get3A_1171 = arith.constant 2 : index
    %get3A_1172 = arith.constant 5 : index
    %get3A_1173 = memref.load %arg6[%get3A_1171, %get3A_1172] : memref<10x10xf32, #tpu.memory_space<smem>>
    %mul3A_1174 = vector.broadcast %get3A_1173 : f32 to vector<128x128xf32>
    %mul3A_1175 = arith.mulf %max3A_328, %mul3A_1174 : vector<128x128xf32>
    %add3A_1176 = arith.addf %add3A_1170, %mul3A_1175 : vector<128x128xf32>
    %get3A_1177 = arith.constant 3 : index
    %get3A_1178 = arith.constant 5 : index
    %get3A_1179 = memref.load %arg6[%get3A_1177, %get3A_1178] : memref<10x10xf32, #tpu.memory_space<smem>>
    %mul3A_1180 = vector.broadcast %get3A_1179 : f32 to vector<128x128xf32>
    %mul3A_1181 = arith.mulf %max3A_397, %mul3A_1180 : vector<128x128xf32>
    %add3A_1182 = arith.addf %add3A_1176, %mul3A_1181 : vector<128x128xf32>
    %get3A_1183 = arith.constant 4 : index
    %get3A_1184 = arith.constant 5 : index
    %get3A_1185 = memref.load %arg6[%get3A_1183, %get3A_1184] : memref<10x10xf32, #tpu.memory_space<smem>>
    %mul3A_1186 = vector.broadcast %get3A_1185 : f32 to vector<128x128xf32>
    %mul3A_1187 = arith.mulf %max3A_466, %mul3A_1186 : vector<128x128xf32>
    %add3A_1188 = arith.addf %add3A_1182, %mul3A_1187 : vector<128x128xf32>
    %get3A_1189 = arith.constant 5 : index
    %get3A_1190 = arith.constant 5 : index
    %get3A_1191 = memref.load %arg6[%get3A_1189, %get3A_1190] : memref<10x10xf32, #tpu.memory_space<smem>>
    %mul3A_1192 = vector.broadcast %get3A_1191 : f32 to vector<128x128xf32>
    %mul3A_1193 = arith.mulf %max3A_535, %mul3A_1192 : vector<128x128xf32>
    %add3A_1194 = arith.addf %add3A_1188, %mul3A_1193 : vector<128x128xf32>
    %get3A_1195 = arith.constant 6 : index
    %get3A_1196 = arith.constant 5 : index
    %get3A_1197 = memref.load %arg6[%get3A_1195, %get3A_1196] : memref<10x10xf32, #tpu.memory_space<smem>>
    %mul3A_1198 = vector.broadcast %get3A_1197 : f32 to vector<128x128xf32>
    %mul3A_1199 = arith.mulf %max3A_604, %mul3A_1198 : vector<128x128xf32>
    %add3A_1200 = arith.addf %add3A_1194, %mul3A_1199 : vector<128x128xf32>
    %get3A_1201 = arith.constant 7 : index
    %get3A_1202 = arith.constant 5 : index
    %get3A_1203 = memref.load %arg6[%get3A_1201, %get3A_1202] : memref<10x10xf32, #tpu.memory_space<smem>>
    %mul3A_1204 = vector.broadcast %get3A_1203 : f32 to vector<128x128xf32>
    %mul3A_1205 = arith.mulf %max3A_673, %mul3A_1204 : vector<128x128xf32>
    %add3A_1206 = arith.addf %add3A_1200, %mul3A_1205 : vector<128x128xf32>
    %get3A_1207 = arith.constant 8 : index
    %get3A_1208 = arith.constant 5 : index
    %get3A_1209 = memref.load %arg6[%get3A_1207, %get3A_1208] : memref<10x10xf32, #tpu.memory_space<smem>>
    %mul3A_1210 = vector.broadcast %get3A_1209 : f32 to vector<128x128xf32>
    %mul3A_1211 = arith.mulf %max3A_742, %mul3A_1210 : vector<128x128xf32>
    %add3A_1212 = arith.addf %add3A_1206, %mul3A_1211 : vector<128x128xf32>
    %get3A_1213 = arith.constant 9 : index
    %get3A_1214 = arith.constant 5 : index
    %get3A_1215 = memref.load %arg6[%get3A_1213, %get3A_1214] : memref<10x10xf32, #tpu.memory_space<smem>>
    %mul3A_1216 = vector.broadcast %get3A_1215 : f32 to vector<128x128xf32>
    %mul3A_1217 = arith.mulf %max3A_811, %mul3A_1216 : vector<128x128xf32>
    %add3A_1218 = arith.addf %add3A_1212, %mul3A_1217 : vector<128x128xf32>
    %get3A_1219 = arith.constant 5 : index
    %get3A_1220 = memref.load %arg7[%get3A_1219] : memref<10xf32, #tpu.memory_space<smem>>
    %add3A_1221 = vector.broadcast %get3A_1220 : f32 to vector<128x128xf32>
    %add3A_1222 = arith.addf %add3A_1218, %add3A_1221 : vector<128x128xf32>
    %max3A_1223 = arith.constant 0.000000e+00 : f32
    %max3A_1224 = vector.broadcast %max3A_1223 : f32 to vector<128x128xf32>
    %max3A_1225 = arith.maximumf %add3A_1222, %max3A_1224 : vector<128x128xf32>
    %get3A_1226 = arith.constant 0 : index
    %get3A_1227 = arith.constant 6 : index
    %get3A_1228 = memref.load %arg6[%get3A_1226, %get3A_1227] : memref<10x10xf32, #tpu.memory_space<smem>>
    %mul3A_1229 = vector.broadcast %get3A_1228 : f32 to vector<128x128xf32>
    %mul3A_1230 = arith.mulf %max3A_190, %mul3A_1229 : vector<128x128xf32>
    %add3A_1231 = arith.constant 0.000000e+00 : f32
    %add3A_1232 = vector.broadcast %add3A_1231 : f32 to vector<128x128xf32>
    %add3A_1233 = arith.addf %add3A_1232, %mul3A_1230 : vector<128x128xf32>
    %get3A_1234 = arith.constant 1 : index
    %get3A_1235 = arith.constant 6 : index
    %get3A_1236 = memref.load %arg6[%get3A_1234, %get3A_1235] : memref<10x10xf32, #tpu.memory_space<smem>>
    %mul3A_1237 = vector.broadcast %get3A_1236 : f32 to vector<128x128xf32>
    %mul3A_1238 = arith.mulf %max3A_259, %mul3A_1237 : vector<128x128xf32>
    %add3A_1239 = arith.addf %add3A_1233, %mul3A_1238 : vector<128x128xf32>
    %get3A_1240 = arith.constant 2 : index
    %get3A_1241 = arith.constant 6 : index
    %get3A_1242 = memref.load %arg6[%get3A_1240, %get3A_1241] : memref<10x10xf32, #tpu.memory_space<smem>>
    %mul3A_1243 = vector.broadcast %get3A_1242 : f32 to vector<128x128xf32>
    %mul3A_1244 = arith.mulf %max3A_328, %mul3A_1243 : vector<128x128xf32>
    %add3A_1245 = arith.addf %add3A_1239, %mul3A_1244 : vector<128x128xf32>
    %get3A_1246 = arith.constant 3 : index
    %get3A_1247 = arith.constant 6 : index
    %get3A_1248 = memref.load %arg6[%get3A_1246, %get3A_1247] : memref<10x10xf32, #tpu.memory_space<smem>>
    %mul3A_1249 = vector.broadcast %get3A_1248 : f32 to vector<128x128xf32>
    %mul3A_1250 = arith.mulf %max3A_397, %mul3A_1249 : vector<128x128xf32>
    %add3A_1251 = arith.addf %add3A_1245, %mul3A_1250 : vector<128x128xf32>
    %get3A_1252 = arith.constant 4 : index
    %get3A_1253 = arith.constant 6 : index
    %get3A_1254 = memref.load %arg6[%get3A_1252, %get3A_1253] : memref<10x10xf32, #tpu.memory_space<smem>>
    %mul3A_1255 = vector.broadcast %get3A_1254 : f32 to vector<128x128xf32>
    %mul3A_1256 = arith.mulf %max3A_466, %mul3A_1255 : vector<128x128xf32>
    %add3A_1257 = arith.addf %add3A_1251, %mul3A_1256 : vector<128x128xf32>
    %get3A_1258 = arith.constant 5 : index
    %get3A_1259 = arith.constant 6 : index
    %get3A_1260 = memref.load %arg6[%get3A_1258, %get3A_1259] : memref<10x10xf32, #tpu.memory_space<smem>>
    %mul3A_1261 = vector.broadcast %get3A_1260 : f32 to vector<128x128xf32>
    %mul3A_1262 = arith.mulf %max3A_535, %mul3A_1261 : vector<128x128xf32>
    %add3A_1263 = arith.addf %add3A_1257, %mul3A_1262 : vector<128x128xf32>
    %get3A_1264 = arith.constant 6 : index
    %get3A_1265 = arith.constant 6 : index
    %get3A_1266 = memref.load %arg6[%get3A_1264, %get3A_1265] : memref<10x10xf32, #tpu.memory_space<smem>>
    %mul3A_1267 = vector.broadcast %get3A_1266 : f32 to vector<128x128xf32>
    %mul3A_1268 = arith.mulf %max3A_604, %mul3A_1267 : vector<128x128xf32>
    %add3A_1269 = arith.addf %add3A_1263, %mul3A_1268 : vector<128x128xf32>
    %get3A_1270 = arith.constant 7 : index
    %get3A_1271 = arith.constant 6 : index
    %get3A_1272 = memref.load %arg6[%get3A_1270, %get3A_1271] : memref<10x10xf32, #tpu.memory_space<smem>>
    %mul3A_1273 = vector.broadcast %get3A_1272 : f32 to vector<128x128xf32>
    %mul3A_1274 = arith.mulf %max3A_673, %mul3A_1273 : vector<128x128xf32>
    %add3A_1275 = arith.addf %add3A_1269, %mul3A_1274 : vector<128x128xf32>
    %get3A_1276 = arith.constant 8 : index
    %get3A_1277 = arith.constant 6 : index
    %get3A_1278 = memref.load %arg6[%get3A_1276, %get3A_1277] : memref<10x10xf32, #tpu.memory_space<smem>>
    %mul3A_1279 = vector.broadcast %get3A_1278 : f32 to vector<128x128xf32>
    %mul3A_1280 = arith.mulf %max3A_742, %mul3A_1279 : vector<128x128xf32>
    %add3A_1281 = arith.addf %add3A_1275, %mul3A_1280 : vector<128x128xf32>
    %get3A_1282 = arith.constant 9 : index
    %get3A_1283 = arith.constant 6 : index
    %get3A_1284 = memref.load %arg6[%get3A_1282, %get3A_1283] : memref<10x10xf32, #tpu.memory_space<smem>>
    %mul3A_1285 = vector.broadcast %get3A_1284 : f32 to vector<128x128xf32>
    %mul3A_1286 = arith.mulf %max3A_811, %mul3A_1285 : vector<128x128xf32>
    %add3A_1287 = arith.addf %add3A_1281, %mul3A_1286 : vector<128x128xf32>
    %get3A_1288 = arith.constant 6 : index
    %get3A_1289 = memref.load %arg7[%get3A_1288] : memref<10xf32, #tpu.memory_space<smem>>
    %add3A_1290 = vector.broadcast %get3A_1289 : f32 to vector<128x128xf32>
    %add3A_1291 = arith.addf %add3A_1287, %add3A_1290 : vector<128x128xf32>
    %max3A_1292 = arith.constant 0.000000e+00 : f32
    %max3A_1293 = vector.broadcast %max3A_1292 : f32 to vector<128x128xf32>
    %max3A_1294 = arith.maximumf %add3A_1291, %max3A_1293 : vector<128x128xf32>
    %get3A_1295 = arith.constant 0 : index
    %get3A_1296 = arith.constant 7 : index
    %get3A_1297 = memref.load %arg6[%get3A_1295, %get3A_1296] : memref<10x10xf32, #tpu.memory_space<smem>>
    %mul3A_1298 = vector.broadcast %get3A_1297 : f32 to vector<128x128xf32>
    %mul3A_1299 = arith.mulf %max3A_190, %mul3A_1298 : vector<128x128xf32>
    %add3A_1300 = arith.constant 0.000000e+00 : f32
    %add3A_1301 = vector.broadcast %add3A_1300 : f32 to vector<128x128xf32>
    %add3A_1302 = arith.addf %add3A_1301, %mul3A_1299 : vector<128x128xf32>
    %get3A_1303 = arith.constant 1 : index
    %get3A_1304 = arith.constant 7 : index
    %get3A_1305 = memref.load %arg6[%get3A_1303, %get3A_1304] : memref<10x10xf32, #tpu.memory_space<smem>>
    %mul3A_1306 = vector.broadcast %get3A_1305 : f32 to vector<128x128xf32>
    %mul3A_1307 = arith.mulf %max3A_259, %mul3A_1306 : vector<128x128xf32>
    %add3A_1308 = arith.addf %add3A_1302, %mul3A_1307 : vector<128x128xf32>
    %get3A_1309 = arith.constant 2 : index
    %get3A_1310 = arith.constant 7 : index
    %get3A_1311 = memref.load %arg6[%get3A_1309, %get3A_1310] : memref<10x10xf32, #tpu.memory_space<smem>>
    %mul3A_1312 = vector.broadcast %get3A_1311 : f32 to vector<128x128xf32>
    %mul3A_1313 = arith.mulf %max3A_328, %mul3A_1312 : vector<128x128xf32>
    %add3A_1314 = arith.addf %add3A_1308, %mul3A_1313 : vector<128x128xf32>
    %get3A_1315 = arith.constant 3 : index
    %get3A_1316 = arith.constant 7 : index
    %get3A_1317 = memref.load %arg6[%get3A_1315, %get3A_1316] : memref<10x10xf32, #tpu.memory_space<smem>>
    %mul3A_1318 = vector.broadcast %get3A_1317 : f32 to vector<128x128xf32>
    %mul3A_1319 = arith.mulf %max3A_397, %mul3A_1318 : vector<128x128xf32>
    %add3A_1320 = arith.addf %add3A_1314, %mul3A_1319 : vector<128x128xf32>
    %get3A_1321 = arith.constant 4 : index
    %get3A_1322 = arith.constant 7 : index
    %get3A_1323 = memref.load %arg6[%get3A_1321, %get3A_1322] : memref<10x10xf32, #tpu.memory_space<smem>>
    %mul3A_1324 = vector.broadcast %get3A_1323 : f32 to vector<128x128xf32>
    %mul3A_1325 = arith.mulf %max3A_466, %mul3A_1324 : vector<128x128xf32>
    %add3A_1326 = arith.addf %add3A_1320, %mul3A_1325 : vector<128x128xf32>
    %get3A_1327 = arith.constant 5 : index
    %get3A_1328 = arith.constant 7 : index
    %get3A_1329 = memref.load %arg6[%get3A_1327, %get3A_1328] : memref<10x10xf32, #tpu.memory_space<smem>>
    %mul3A_1330 = vector.broadcast %get3A_1329 : f32 to vector<128x128xf32>
    %mul3A_1331 = arith.mulf %max3A_535, %mul3A_1330 : vector<128x128xf32>
    %add3A_1332 = arith.addf %add3A_1326, %mul3A_1331 : vector<128x128xf32>
    %get3A_1333 = arith.constant 6 : index
    %get3A_1334 = arith.constant 7 : index
    %get3A_1335 = memref.load %arg6[%get3A_1333, %get3A_1334] : memref<10x10xf32, #tpu.memory_space<smem>>
    %mul3A_1336 = vector.broadcast %get3A_1335 : f32 to vector<128x128xf32>
    %mul3A_1337 = arith.mulf %max3A_604, %mul3A_1336 : vector<128x128xf32>
    %add3A_1338 = arith.addf %add3A_1332, %mul3A_1337 : vector<128x128xf32>
    %get3A_1339 = arith.constant 7 : index
    %get3A_1340 = arith.constant 7 : index
    %get3A_1341 = memref.load %arg6[%get3A_1339, %get3A_1340] : memref<10x10xf32, #tpu.memory_space<smem>>
    %mul3A_1342 = vector.broadcast %get3A_1341 : f32 to vector<128x128xf32>
    %mul3A_1343 = arith.mulf %max3A_673, %mul3A_1342 : vector<128x128xf32>
    %add3A_1344 = arith.addf %add3A_1338, %mul3A_1343 : vector<128x128xf32>
    %get3A_1345 = arith.constant 8 : index
    %get3A_1346 = arith.constant 7 : index
    %get3A_1347 = memref.load %arg6[%get3A_1345, %get3A_1346] : memref<10x10xf32, #tpu.memory_space<smem>>
    %mul3A_1348 = vector.broadcast %get3A_1347 : f32 to vector<128x128xf32>
    %mul3A_1349 = arith.mulf %max3A_742, %mul3A_1348 : vector<128x128xf32>
    %add3A_1350 = arith.addf %add3A_1344, %mul3A_1349 : vector<128x128xf32>
    %get3A_1351 = arith.constant 9 : index
    %get3A_1352 = arith.constant 7 : index
    %get3A_1353 = memref.load %arg6[%get3A_1351, %get3A_1352] : memref<10x10xf32, #tpu.memory_space<smem>>
    %mul3A_1354 = vector.broadcast %get3A_1353 : f32 to vector<128x128xf32>
    %mul3A_1355 = arith.mulf %max3A_811, %mul3A_1354 : vector<128x128xf32>
    %add3A_1356 = arith.addf %add3A_1350, %mul3A_1355 : vector<128x128xf32>
    %get3A_1357 = arith.constant 7 : index
    %get3A_1358 = memref.load %arg7[%get3A_1357] : memref<10xf32, #tpu.memory_space<smem>>
    %add3A_1359 = vector.broadcast %get3A_1358 : f32 to vector<128x128xf32>
    %add3A_1360 = arith.addf %add3A_1356, %add3A_1359 : vector<128x128xf32>
    %max3A_1361 = arith.constant 0.000000e+00 : f32
    %max3A_1362 = vector.broadcast %max3A_1361 : f32 to vector<128x128xf32>
    %max3A_1363 = arith.maximumf %add3A_1360, %max3A_1362 : vector<128x128xf32>
    %get3A_1364 = arith.constant 0 : index
    %get3A_1365 = arith.constant 8 : index
    %get3A_1366 = memref.load %arg6[%get3A_1364, %get3A_1365] : memref<10x10xf32, #tpu.memory_space<smem>>
    %mul3A_1367 = vector.broadcast %get3A_1366 : f32 to vector<128x128xf32>
    %mul3A_1368 = arith.mulf %max3A_190, %mul3A_1367 : vector<128x128xf32>
    %add3A_1369 = arith.constant 0.000000e+00 : f32
    %add3A_1370 = vector.broadcast %add3A_1369 : f32 to vector<128x128xf32>
    %add3A_1371 = arith.addf %add3A_1370, %mul3A_1368 : vector<128x128xf32>
    %get3A_1372 = arith.constant 1 : index
    %get3A_1373 = arith.constant 8 : index
    %get3A_1374 = memref.load %arg6[%get3A_1372, %get3A_1373] : memref<10x10xf32, #tpu.memory_space<smem>>
    %mul3A_1375 = vector.broadcast %get3A_1374 : f32 to vector<128x128xf32>
    %mul3A_1376 = arith.mulf %max3A_259, %mul3A_1375 : vector<128x128xf32>
    %add3A_1377 = arith.addf %add3A_1371, %mul3A_1376 : vector<128x128xf32>
    %get3A_1378 = arith.constant 2 : index
    %get3A_1379 = arith.constant 8 : index
    %get3A_1380 = memref.load %arg6[%get3A_1378, %get3A_1379] : memref<10x10xf32, #tpu.memory_space<smem>>
    %mul3A_1381 = vector.broadcast %get3A_1380 : f32 to vector<128x128xf32>
    %mul3A_1382 = arith.mulf %max3A_328, %mul3A_1381 : vector<128x128xf32>
    %add3A_1383 = arith.addf %add3A_1377, %mul3A_1382 : vector<128x128xf32>
    %get3A_1384 = arith.constant 3 : index
    %get3A_1385 = arith.constant 8 : index
    %get3A_1386 = memref.load %arg6[%get3A_1384, %get3A_1385] : memref<10x10xf32, #tpu.memory_space<smem>>
    %mul3A_1387 = vector.broadcast %get3A_1386 : f32 to vector<128x128xf32>
    %mul3A_1388 = arith.mulf %max3A_397, %mul3A_1387 : vector<128x128xf32>
    %add3A_1389 = arith.addf %add3A_1383, %mul3A_1388 : vector<128x128xf32>
    %get3A_1390 = arith.constant 4 : index
    %get3A_1391 = arith.constant 8 : index
    %get3A_1392 = memref.load %arg6[%get3A_1390, %get3A_1391] : memref<10x10xf32, #tpu.memory_space<smem>>
    %mul3A_1393 = vector.broadcast %get3A_1392 : f32 to vector<128x128xf32>
    %mul3A_1394 = arith.mulf %max3A_466, %mul3A_1393 : vector<128x128xf32>
    %add3A_1395 = arith.addf %add3A_1389, %mul3A_1394 : vector<128x128xf32>
    %get3A_1396 = arith.constant 5 : index
    %get3A_1397 = arith.constant 8 : index
    %get3A_1398 = memref.load %arg6[%get3A_1396, %get3A_1397] : memref<10x10xf32, #tpu.memory_space<smem>>
    %mul3A_1399 = vector.broadcast %get3A_1398 : f32 to vector<128x128xf32>
    %mul3A_1400 = arith.mulf %max3A_535, %mul3A_1399 : vector<128x128xf32>
    %add3A_1401 = arith.addf %add3A_1395, %mul3A_1400 : vector<128x128xf32>
    %get3A_1402 = arith.constant 6 : index
    %get3A_1403 = arith.constant 8 : index
    %get3A_1404 = memref.load %arg6[%get3A_1402, %get3A_1403] : memref<10x10xf32, #tpu.memory_space<smem>>
    %mul3A_1405 = vector.broadcast %get3A_1404 : f32 to vector<128x128xf32>
    %mul3A_1406 = arith.mulf %max3A_604, %mul3A_1405 : vector<128x128xf32>
    %add3A_1407 = arith.addf %add3A_1401, %mul3A_1406 : vector<128x128xf32>
    %get3A_1408 = arith.constant 7 : index
    %get3A_1409 = arith.constant 8 : index
    %get3A_1410 = memref.load %arg6[%get3A_1408, %get3A_1409] : memref<10x10xf32, #tpu.memory_space<smem>>
    %mul3A_1411 = vector.broadcast %get3A_1410 : f32 to vector<128x128xf32>
    %mul3A_1412 = arith.mulf %max3A_673, %mul3A_1411 : vector<128x128xf32>
    %add3A_1413 = arith.addf %add3A_1407, %mul3A_1412 : vector<128x128xf32>
    %get3A_1414 = arith.constant 8 : index
    %get3A_1415 = arith.constant 8 : index
    %get3A_1416 = memref.load %arg6[%get3A_1414, %get3A_1415] : memref<10x10xf32, #tpu.memory_space<smem>>
    %mul3A_1417 = vector.broadcast %get3A_1416 : f32 to vector<128x128xf32>
    %mul3A_1418 = arith.mulf %max3A_742, %mul3A_1417 : vector<128x128xf32>
    %add3A_1419 = arith.addf %add3A_1413, %mul3A_1418 : vector<128x128xf32>
    %get3A_1420 = arith.constant 9 : index
    %get3A_1421 = arith.constant 8 : index
    %get3A_1422 = memref.load %arg6[%get3A_1420, %get3A_1421] : memref<10x10xf32, #tpu.memory_space<smem>>
    %mul3A_1423 = vector.broadcast %get3A_1422 : f32 to vector<128x128xf32>
    %mul3A_1424 = arith.mulf %max3A_811, %mul3A_1423 : vector<128x128xf32>
    %add3A_1425 = arith.addf %add3A_1419, %mul3A_1424 : vector<128x128xf32>
    %get3A_1426 = arith.constant 8 : index
    %get3A_1427 = memref.load %arg7[%get3A_1426] : memref<10xf32, #tpu.memory_space<smem>>
    %add3A_1428 = vector.broadcast %get3A_1427 : f32 to vector<128x128xf32>
    %add3A_1429 = arith.addf %add3A_1425, %add3A_1428 : vector<128x128xf32>
    %max3A_1430 = arith.constant 0.000000e+00 : f32
    %max3A_1431 = vector.broadcast %max3A_1430 : f32 to vector<128x128xf32>
    %max3A_1432 = arith.maximumf %add3A_1429, %max3A_1431 : vector<128x128xf32>
    %get3A_1433 = arith.constant 0 : index
    %get3A_1434 = arith.constant 9 : index
    %get3A_1435 = memref.load %arg6[%get3A_1433, %get3A_1434] : memref<10x10xf32, #tpu.memory_space<smem>>
    %mul3A_1436 = vector.broadcast %get3A_1435 : f32 to vector<128x128xf32>
    %mul3A_1437 = arith.mulf %max3A_190, %mul3A_1436 : vector<128x128xf32>
    %add3A_1438 = arith.constant 0.000000e+00 : f32
    %add3A_1439 = vector.broadcast %add3A_1438 : f32 to vector<128x128xf32>
    %add3A_1440 = arith.addf %add3A_1439, %mul3A_1437 : vector<128x128xf32>
    %get3A_1441 = arith.constant 1 : index
    %get3A_1442 = arith.constant 9 : index
    %get3A_1443 = memref.load %arg6[%get3A_1441, %get3A_1442] : memref<10x10xf32, #tpu.memory_space<smem>>
    %mul3A_1444 = vector.broadcast %get3A_1443 : f32 to vector<128x128xf32>
    %mul3A_1445 = arith.mulf %max3A_259, %mul3A_1444 : vector<128x128xf32>
    %add3A_1446 = arith.addf %add3A_1440, %mul3A_1445 : vector<128x128xf32>
    %get3A_1447 = arith.constant 2 : index
    %get3A_1448 = arith.constant 9 : index
    %get3A_1449 = memref.load %arg6[%get3A_1447, %get3A_1448] : memref<10x10xf32, #tpu.memory_space<smem>>
    %mul3A_1450 = vector.broadcast %get3A_1449 : f32 to vector<128x128xf32>
    %mul3A_1451 = arith.mulf %max3A_328, %mul3A_1450 : vector<128x128xf32>
    %add3A_1452 = arith.addf %add3A_1446, %mul3A_1451 : vector<128x128xf32>
    %get3A_1453 = arith.constant 3 : index
    %get3A_1454 = arith.constant 9 : index
    %get3A_1455 = memref.load %arg6[%get3A_1453, %get3A_1454] : memref<10x10xf32, #tpu.memory_space<smem>>
    %mul3A_1456 = vector.broadcast %get3A_1455 : f32 to vector<128x128xf32>
    %mul3A_1457 = arith.mulf %max3A_397, %mul3A_1456 : vector<128x128xf32>
    %add3A_1458 = arith.addf %add3A_1452, %mul3A_1457 : vector<128x128xf32>
    %get3A_1459 = arith.constant 4 : index
    %get3A_1460 = arith.constant 9 : index
    %get3A_1461 = memref.load %arg6[%get3A_1459, %get3A_1460] : memref<10x10xf32, #tpu.memory_space<smem>>
    %mul3A_1462 = vector.broadcast %get3A_1461 : f32 to vector<128x128xf32>
    %mul3A_1463 = arith.mulf %max3A_466, %mul3A_1462 : vector<128x128xf32>
    %add3A_1464 = arith.addf %add3A_1458, %mul3A_1463 : vector<128x128xf32>
    %get3A_1465 = arith.constant 5 : index
    %get3A_1466 = arith.constant 9 : index
    %get3A_1467 = memref.load %arg6[%get3A_1465, %get3A_1466] : memref<10x10xf32, #tpu.memory_space<smem>>
    %mul3A_1468 = vector.broadcast %get3A_1467 : f32 to vector<128x128xf32>
    %mul3A_1469 = arith.mulf %max3A_535, %mul3A_1468 : vector<128x128xf32>
    %add3A_1470 = arith.addf %add3A_1464, %mul3A_1469 : vector<128x128xf32>
    %get3A_1471 = arith.constant 6 : index
    %get3A_1472 = arith.constant 9 : index
    %get3A_1473 = memref.load %arg6[%get3A_1471, %get3A_1472] : memref<10x10xf32, #tpu.memory_space<smem>>
    %mul3A_1474 = vector.broadcast %get3A_1473 : f32 to vector<128x128xf32>
    %mul3A_1475 = arith.mulf %max3A_604, %mul3A_1474 : vector<128x128xf32>
    %add3A_1476 = arith.addf %add3A_1470, %mul3A_1475 : vector<128x128xf32>
    %get3A_1477 = arith.constant 7 : index
    %get3A_1478 = arith.constant 9 : index
    %get3A_1479 = memref.load %arg6[%get3A_1477, %get3A_1478] : memref<10x10xf32, #tpu.memory_space<smem>>
    %mul3A_1480 = vector.broadcast %get3A_1479 : f32 to vector<128x128xf32>
    %mul3A_1481 = arith.mulf %max3A_673, %mul3A_1480 : vector<128x128xf32>
    %add3A_1482 = arith.addf %add3A_1476, %mul3A_1481 : vector<128x128xf32>
    %get3A_1483 = arith.constant 8 : index
    %get3A_1484 = arith.constant 9 : index
    %get3A_1485 = memref.load %arg6[%get3A_1483, %get3A_1484] : memref<10x10xf32, #tpu.memory_space<smem>>
    %mul3A_1486 = vector.broadcast %get3A_1485 : f32 to vector<128x128xf32>
    %mul3A_1487 = arith.mulf %max3A_742, %mul3A_1486 : vector<128x128xf32>
    %add3A_1488 = arith.addf %add3A_1482, %mul3A_1487 : vector<128x128xf32>
    %get3A_1489 = arith.constant 9 : index
    %get3A_1490 = arith.constant 9 : index
    %get3A_1491 = memref.load %arg6[%get3A_1489, %get3A_1490] : memref<10x10xf32, #tpu.memory_space<smem>>
    %mul3A_1492 = vector.broadcast %get3A_1491 : f32 to vector<128x128xf32>
    %mul3A_1493 = arith.mulf %max3A_811, %mul3A_1492 : vector<128x128xf32>
    %add3A_1494 = arith.addf %add3A_1488, %mul3A_1493 : vector<128x128xf32>
    %get3A_1495 = arith.constant 9 : index
    %get3A_1496 = memref.load %arg7[%get3A_1495] : memref<10xf32, #tpu.memory_space<smem>>
    %add3A_1497 = vector.broadcast %get3A_1496 : f32 to vector<128x128xf32>
    %add3A_1498 = arith.addf %add3A_1494, %add3A_1497 : vector<128x128xf32>
    %max3A_1499 = arith.constant 0.000000e+00 : f32
    %max3A_1500 = vector.broadcast %max3A_1499 : f32 to vector<128x128xf32>
    %max3A_1501 = arith.maximumf %add3A_1498, %max3A_1500 : vector<128x128xf32>
    %get3A_1502 = arith.constant 0 : index
    %get3A_1503 = arith.constant 0 : index
    %get3A_1504 = memref.load %arg8[%get3A_1502, %get3A_1503] : memref<10x1xf32, #tpu.memory_space<smem>>
    %mul3A_1505 = vector.broadcast %get3A_1504 : f32 to vector<128x128xf32>
    %mul3A_1506 = arith.mulf %max3A_880, %mul3A_1505 : vector<128x128xf32>
    %add3A_1507 = arith.constant 0.000000e+00 : f32
    %add3A_1508 = vector.broadcast %add3A_1507 : f32 to vector<128x128xf32>
    %add3A_1509 = arith.addf %add3A_1508, %mul3A_1506 : vector<128x128xf32>
    %get3A_1510 = arith.constant 1 : index
    %get3A_1511 = arith.constant 0 : index
    %get3A_1512 = memref.load %arg8[%get3A_1510, %get3A_1511] : memref<10x1xf32, #tpu.memory_space<smem>>
    %mul3A_1513 = vector.broadcast %get3A_1512 : f32 to vector<128x128xf32>
    %mul3A_1514 = arith.mulf %max3A_949, %mul3A_1513 : vector<128x128xf32>
    %add3A_1515 = arith.addf %add3A_1509, %mul3A_1514 : vector<128x128xf32>
    %get3A_1516 = arith.constant 2 : index
    %get3A_1517 = arith.constant 0 : index
    %get3A_1518 = memref.load %arg8[%get3A_1516, %get3A_1517] : memref<10x1xf32, #tpu.memory_space<smem>>
    %mul3A_1519 = vector.broadcast %get3A_1518 : f32 to vector<128x128xf32>
    %mul3A_1520 = arith.mulf %max3A_1018, %mul3A_1519 : vector<128x128xf32>
    %add3A_1521 = arith.addf %add3A_1515, %mul3A_1520 : vector<128x128xf32>
    %get3A_1522 = arith.constant 3 : index
    %get3A_1523 = arith.constant 0 : index
    %get3A_1524 = memref.load %arg8[%get3A_1522, %get3A_1523] : memref<10x1xf32, #tpu.memory_space<smem>>
    %mul3A_1525 = vector.broadcast %get3A_1524 : f32 to vector<128x128xf32>
    %mul3A_1526 = arith.mulf %max3A_1087, %mul3A_1525 : vector<128x128xf32>
    %add3A_1527 = arith.addf %add3A_1521, %mul3A_1526 : vector<128x128xf32>
    %get3A_1528 = arith.constant 4 : index
    %get3A_1529 = arith.constant 0 : index
    %get3A_1530 = memref.load %arg8[%get3A_1528, %get3A_1529] : memref<10x1xf32, #tpu.memory_space<smem>>
    %mul3A_1531 = vector.broadcast %get3A_1530 : f32 to vector<128x128xf32>
    %mul3A_1532 = arith.mulf %max3A_1156, %mul3A_1531 : vector<128x128xf32>
    %add3A_1533 = arith.addf %add3A_1527, %mul3A_1532 : vector<128x128xf32>
    %get3A_1534 = arith.constant 5 : index
    %get3A_1535 = arith.constant 0 : index
    %get3A_1536 = memref.load %arg8[%get3A_1534, %get3A_1535] : memref<10x1xf32, #tpu.memory_space<smem>>
    %mul3A_1537 = vector.broadcast %get3A_1536 : f32 to vector<128x128xf32>
    %mul3A_1538 = arith.mulf %max3A_1225, %mul3A_1537 : vector<128x128xf32>
    %add3A_1539 = arith.addf %add3A_1533, %mul3A_1538 : vector<128x128xf32>
    %get3A_1540 = arith.constant 6 : index
    %get3A_1541 = arith.constant 0 : index
    %get3A_1542 = memref.load %arg8[%get3A_1540, %get3A_1541] : memref<10x1xf32, #tpu.memory_space<smem>>
    %mul3A_1543 = vector.broadcast %get3A_1542 : f32 to vector<128x128xf32>
    %mul3A_1544 = arith.mulf %max3A_1294, %mul3A_1543 : vector<128x128xf32>
    %add3A_1545 = arith.addf %add3A_1539, %mul3A_1544 : vector<128x128xf32>
    %get3A_1546 = arith.constant 7 : index
    %get3A_1547 = arith.constant 0 : index
    %get3A_1548 = memref.load %arg8[%get3A_1546, %get3A_1547] : memref<10x1xf32, #tpu.memory_space<smem>>
    %mul3A_1549 = vector.broadcast %get3A_1548 : f32 to vector<128x128xf32>
    %mul3A_1550 = arith.mulf %max3A_1363, %mul3A_1549 : vector<128x128xf32>
    %add3A_1551 = arith.addf %add3A_1545, %mul3A_1550 : vector<128x128xf32>
    %get3A_1552 = arith.constant 8 : index
    %get3A_1553 = arith.constant 0 : index
    %get3A_1554 = memref.load %arg8[%get3A_1552, %get3A_1553] : memref<10x1xf32, #tpu.memory_space<smem>>
    %mul3A_1555 = vector.broadcast %get3A_1554 : f32 to vector<128x128xf32>
    %mul3A_1556 = arith.mulf %max3A_1432, %mul3A_1555 : vector<128x128xf32>
    %add3A_1557 = arith.addf %add3A_1551, %mul3A_1556 : vector<128x128xf32>
    %get3A_1558 = arith.constant 9 : index
    %get3A_1559 = arith.constant 0 : index
    %get3A_1560 = memref.load %arg8[%get3A_1558, %get3A_1559] : memref<10x1xf32, #tpu.memory_space<smem>>
    %mul3A_1561 = vector.broadcast %get3A_1560 : f32 to vector<128x128xf32>
    %mul3A_1562 = arith.mulf %max3A_1501, %mul3A_1561 : vector<128x128xf32>
    %add3A_1563 = arith.addf %add3A_1557, %mul3A_1562 : vector<128x128xf32>
    %get3A_1564 = arith.constant 0 : index
    %get3A_1565 = memref.load %arg9[%get3A_1564] : memref<1xf32, #tpu.memory_space<smem>>
    %add3A_1566 = vector.broadcast %get3A_1565 : f32 to vector<128x128xf32>
    %add3A_1567 = arith.addf %add3A_1563, %add3A_1566 : vector<128x128xf32>
    %neg3A = arith.constant 0.000000e+00 : f32
    %neg3A_1568 = vector.broadcast %neg3A : f32 to vector<128x128xf32>
    %neg3A_1569 = arith.subf %neg3A_1568, %add3A_1567 : vector<128x128xf32>
    %exp3A = math.exp %neg3A_1569 : vector<128x128xf32>
    %add3A_1570 = arith.constant 1.000000e+00 : f32
    %add3A_1571 = vector.broadcast %add3A_1570 : f32 to vector<128x128xf32>
    %add3A_1572 = arith.addf %add3A_1571, %exp3A : vector<128x128xf32>
    %div3A = arith.constant 1.000000e+00 : f32
    %div3A_1573 = vector.broadcast %div3A : f32 to vector<128x128xf32>
    %div3A_1574 = arith.divf %div3A_1573, %add3A_1572 : vector<128x128xf32>
    %swap3A = arith.constant 0 : index
    %swap3A_1575 = arith.constant 0 : index
    %swap3A_1576 = vector.load %arg10[%swap3A, %swap3A_1575] : memref<128x128xf32, #tpu.memory_space<vmem>>, vector<128x128xf32>
    tpu.vector_store %arg10[%swap3A, %swap3A_1575], %div3A_1574 {strides = array<i32>} : memref<128x128xf32, #tpu.memory_space<vmem>>, vector<128x128xf32>,
    return
  }
}

</mosaic_0001>

<sc_bundles>
// kernel: kernel.6.cloned.1.call-start
scs
__scs_entry_jumppad:
0x0: {  	(pc) =	sbr.rel $0x88, $3  }
0x1: {  	(tag) =	ssettag $0x0;
	lr =	simm.s32 $0x1  }
0x2: {  	[smem:$0x3F8C] =	sst lr;
	_ =	strace $0xD0000000  }
0x3: {  	_ = 	snop  }
0x4: {  	_ = 	snop  }
0x5: {  	_ = 	snop  }
0x6: {  	_ = 	snop  }
0x7: {  	_ = 	snop  }
__scs_overlays_trampoline_lowered:
0x8: {  	[smem:$0x3F9B] =	sst s0  }
0x9: {  	[smem:$0x3F9C] =	sst s1  }
0xa: {  	[smem:$0x3F9D] =	sst s2  }
0xb: {  	[smem:$0x3F9E] =	sst s3  }
0xc: {  	[smem:$0x3F9F] =	sst s4  }
0xd: {  	[smem:$0x3FA0] =	sst s5  }
0xe: {  	[smem:$0x3FA1] =	sst s6  }
0xf: {  	[smem:$0x3FA2] =	sst s7  }
0x10: {  	[smem:$0x3FA3] =	sst s8  }
0x11: {  	[smem:$0x3FA4] =	sst s9;
	s0 =	simm.s32 @!p0 $0x0  }
0x12: {  	s1 =	sld [smem:$0x3F8A];
	s0 =	simm.s32 @p0 $0x1  }
0x13: {  	[smem:$0x3FA5] =	sst s0;
	s0 =	simm.s32 @!p1 $0x0  }
0x14: {  	s2 =	sld [smem:$0x3F89];
	s0 =	simm.s32 @p1 $0x1  }
0x15: {  	[smem:$0x3FA6] =	sst s0;
	s0 =	simm.s32 @!p2 $0x0  }
0x16: {  	s3 =	sld [smem:$0x3FDB];
	s0 =	simm.s32 @p2 $0x1  }
0x17: {  	s4 =	simm.s32 $0x1BF5;
	[smem:$0x3FA8] =	sst s0  }
0x18: {  	s0 =	sld [smem:$0x3F8B];
	_ =	swait.ge [sflag:s4], $0x0  }
0x19: {  	s7 =	sld [smem:$0x3F8C]  }
0x1a: {  	s8 =	sadd.s32 $0xFFFFE003, lr  }
0x1b: {  	s9 =	sadd.s32 $0xFFFFFEF7, lr;
	s5 =	simm.s32 $0xFFFFFFFF;
	p2 =	slt.u32 s8, $0xFFFFF086  }
0x1c: {  	p1 =	slt.u32 s9, $0xF7A;
	s5 =	simm.s32 @!p2 $0x0  }
0x1d: {  	s5 =	simm.s32 @p1 $0x1;
	p0 =	seq.s32 s7, s2  }
0x1e: {  	s7 =	smul.u32 @!p0 $0xF7A, s2;
	p2 =	seq.s32 @!p0 s5, $0x0  }
0x1f: {  	s9 =	smul.u32 $0xF7A, s1;
	s8 =	simm.s32 @!p0 $0x1BF5;
	p2 =	por !p2, p0  }
0x20: {  	[sflag:s8] =	ssyncset.s32 @!p0 $0xFFFFF086;
	s6 =	sadd.s32 @!p0 s3, s7;
	s7 =	simm.s32 @!p0 $0x108  }
0x21: {  	s3 =	sadd.s32 s3, s9;
	s6 =	sadd.s32 @!p0 $0x88, s6;
	s7 =	simm.s32 @p2 $0x1082  }
0x22: {  	[simem:s7], [sflag:s8] =	dma.local @!p0 [hbm:s6], $0xF7A  }
0x23: {  	s9 =	sor.u32 $0xD0000000, s2;
	s6 =	simm.s32 $0x108;
	_ =	swait.ge @!p0 [sflag:s8], $0x0  }
0x24: {  	s3 =	sadd.s32 $0x88, s3;
	s6 =	simm.s32 @!p1 $0x1082;
	[sflag:s4] =	ssyncset.s32 $0xFFFFF086  }
0x25: {  	[simem:s6], [sflag:s4] =	dma.local [hbm:s3], $0xF7A  }
0x26: {  	[smem:$0x3F8C] =	sst s1;
	(tag) =	ssettag s2;
	_ =	strace s9  }
0x27: {  	s1 =	sld [smem:$0x3F9C]  }
0x28: {  	s2 =	sld [smem:$0x3F9D]  }
0x29: {  	s4 =	sld [smem:$0x3F9F]  }
0x2a: {  	p0 =	seq.s32 s5, $0x0;
	s5 =	sld [smem:$0x3FA0]  }
0x2b: {  	s6 =	sld [smem:$0x3FA1]  }
0x2c: {  	s7 =	sld [smem:$0x3FA2]  }
0x2d: {  	s3 =	simm.s32 $0x108;
	s8 =	sld [smem:$0x3FA3]  }
0x2e: {  	s3 =	simm.s32 @!p0 $0x1082;
	s9 =	sld [smem:$0x3FA4]  }
0x2f: {  	lr =	sadd.s32 s0, s3;
	s0 =	sld [smem:$0x3F9B]  }
0x30: {  	s3 =	sld [smem:$0x3F9E]  }
0x31: {  	[smem:$0x3FA7] =	sst s10  }
0x32: {  	s10 =	sld [smem:$0x3FA5];
	_ =	sdelay $0x3  }
0x33: {  	p0 =	seq.s32 s10, $0x1;
	s10 =	sld [smem:$0x3FA7];
	_ =	sdelay $0x3  }
0x34: {  	[smem:$0x3FA7] =	sst s10  }
0x35: {  	s10 =	sld [smem:$0x3FA6];
	_ =	sdelay $0x3  }
0x36: {  	p1 =	seq.s32 s10, $0x1;
	s10 =	sld [smem:$0x3FA7];
	_ =	sdelay $0x3  }
0x37: {  	[smem:$0x3FA7] =	sst s10  }
0x38: {  	s10 =	sld [smem:$0x3FA8]  }
0x39: {  	_ = 	snop;
	(pc) =	sbr.ind lr, $3  }
0x3a: {  	_ = 	snop  }
0x3b: {  	_ = 	snop  }
0x3c: {  	p2 =	seq.s32 s10, $0x1;
	s10 =	sld [smem:$0x3FA7]  }
0x3d: {  	_ =	shalt  }
0x3e: {  	_ =	shalt  }
0x3f: {  	_ =	shalt  }
0x40: {  	_ =	shalt  }
0x41: {  	_ =	shalt  }
0x42: {  	_ =	shalt  }
0x43: {  	_ =	shalt  }
0x44: {  	_ =	shalt  }
0x45: {  	_ =	shalt  }
0x46: {  	_ =	shalt  }
0x47: {  	_ =	shalt  }
0x48: {  	_ =	shalt  }
0x49: {  	_ =	shalt  }
0x4a: {  	_ =	shalt  }
0x4b: {  	_ =	shalt  }
0x4c: {  	_ =	shalt  }
0x4d: {  	_ =	shalt  }
0x4e: {  	_ =	shalt  }
0x4f: {  	_ =	shalt  }
0x50: {  	_ =	shalt  }
0x51: {  	_ =	shalt  }
0x52: {  	_ =	shalt  }
0x53: {  	_ =	shalt  }
0x54: {  	_ =	shalt  }
0x55: {  	_ =	shalt  }
0x56: {  	_ =	shalt  }
0x57: {  	_ =	shalt  }
0x58: {  	_ =	shalt  }
0x59: {  	_ =	shalt  }
0x5a: {  	_ =	shalt  }
0x5b: {  	_ =	shalt  }
0x5c: {  	_ =	shalt  }
0x5d: {  	_ =	shalt  }
0x5e: {  	_ =	shalt  }
0x5f: {  	_ =	shalt  }
0x60: {  	_ =	shalt  }
0x61: {  	_ =	shalt  }
0x62: {  	_ =	shalt  }
0x63: {  	_ =	shalt  }
0x64: {  	_ =	shalt  }
0x65: {  	_ =	shalt  }
0x66: {  	_ =	shalt  }
0x67: {  	_ =	shalt  }
0x68: {  	_ =	shalt  }
0x69: {  	_ =	shalt  }
0x6a: {  	_ =	shalt  }
0x6b: {  	_ =	shalt  }
0x6c: {  	_ =	shalt  }
0x6d: {  	_ =	shalt  }
0x6e: {  	_ =	shalt  }
0x6f: {  	_ =	shalt  }
0x70: {  	_ =	shalt  }
0x71: {  	_ =	shalt  }
0x72: {  	_ =	shalt  }
0x73: {  	_ =	shalt  }
0x74: {  	_ =	shalt  }
0x75: {  	_ =	shalt  }
0x76: {  	_ =	shalt  }
0x77: {  	_ =	shalt  }
0x78: {  	_ =	shalt  }
0x79: {  	_ =	shalt  }
0x7a: {  	_ =	shalt  }
0x7b: {  	_ =	shalt  }
0x7c: {  	_ =	shalt  }
0x7d: {  	_ =	shalt  }
0x7e: {  	_ =	shalt  }
0x7f: {  	_ =	shalt  }
0x80: {  	_ =	shalt  }
0x81: {  	_ =	shalt  }
0x82: {  	_ =	shalt  }
0x83: {  	_ =	shalt  }
0x84: {  	_ =	shalt  }
0x85: {  	_ =	shalt  }
0x86: {  	_ =	shalt  }
0x87: {  	_ =	shalt  }
.Lfunc_end0:
.L_simem_size_0:
called_computation_lowered:
.L_overlay_start_0:
0x88: {  	s2 =	sld [smem:$0x3FD9]  }
0x89: {  	s3 =	sld [smem:$0x3FFE];
	_ =	sdelay $0x1  }
0x8a: {  	s1 =	srdreg.scid  }
0x8b: {  	s0 =	sand.u32 $0x1, s1  }
0x8c: {  	s14 =	sshll.u32 s0, $0xA;
	s2 =	sadd.s32 s3, s2  }
0x8d: {  	s2 =	sadd.s32 s2, s14  }
0x8e: {  	[smem:$0x3FB3] =	sst s2  }
0x8f: {  	_ = 	snop  }
0x90: {  	s2 =	sld [smem:$0x3FD0];
	_ =	sdelay $0x1  }
0x91: {  	s15 =	sld [smem:$0x3FC9]  }
0x92: {  	s5 =	simm.s32 $0xA;
	s6 =	simm.s32 $0x10;
	s4 =	sld [smem:$0x3FC8]  }
0x93: {  	[smem:s6], [sflag:s5] =	dma.local [hbm:s2], $0x1  }
0x94: {  	_ =	swait.eq [sflag:s5], $0x1  }
0x95: {  	[sflag:s5] =	ssyncset.done $0x0  }
0x96: {  	s16 =	sld [smem:$0x10];
	[sflag:s5] =	ssyncadd.s32 $0xFFFFFFFF  }
0x97: {  	s17 =	sld [smem:$0x11];
	(tm) =	ssettm $0x1  }
0x98: {  	s18 =	sld [smem:$0x3FFB];
	_ =	sdelay $0x3  }
0x99: {  	_ =	strace s18  }
0x9a: {  	s6 =	sld [smem:$0x3FFC];
	_ =	sdelay $0x3  }
0x9b: {  	_ =	strace s6  }
0x9c: {  	s6 =	sld [smem:$0x3FFD];
	_ =	sdelay $0x3  }
0x9d: {  	_ =	strace s6  }
0x9e: {  	_ =	strace $0x8FFFFFFF  }
0x9f: {  	s19 =	sld [smem:$0x3FDB];
	_ =	sdelay $0x1  }
0xa0: {  	s7 =	simm.s32 $_scs_section_size  }
0xa1: {  	s8 =	simm.s32 $_size__tile_overlayer_lowered;
	s9 =	simm.s32 $_tile_overlayer_lowered  }
0xa2: {  	s22 =	simm.s32 $0x1BFF;
	s21 =	sshll.u32 s9, $0x1;
	s6 =	sadd.s32 s7, s19  }
0xa3: {  	s10 =	simm.s32 $0x0;
	s20 =	sshll.u32 s8, $0x1;
	s8 =	sadd.s32 s21, s6  }
0xa4: {  	[timem:s10], [sflag:s22] =	dma.local [hbm:s8], s20  }
0xa5: {  	_ =	swait.ge [sflag:s22], s20  }
0xa6: {  	s7 =	ssub.s32 $0x0, s20;
	[sflag:s22] =	ssyncset.done $0x0  }
0xa7: {  	[sflag:s22] =	ssyncadd.s32 s7;
	_ =	sdelay $0x1  }
0xa8: {  	s23 =	simm.s32 $0x1B8B  }
0xa9: {  	_ =	swait.ge [sflag:s23], $0x1  }
0xaa: {  	[sflag:s23] =	ssyncset.done $0x0  }
0xab: {  	s25 =	simm.s32 $0x1B8E;
	s24 =	sld [smem:$0x3FFE];
	[sflag:s23] =	ssyncadd.s32 $0xFFFFFFFF  }
0xac: {  	s26 =	simm.s32 $execute0_lowered;
	[smem:$0x3FD2] =	sst s25  }
0xad: {  	s8 =	sshll.u32 s26, $0x1;
	_ =	strace $0x80000046;
	[dreg:$0x1] =	wrdreg $0xFFFFFFFF  }
0xae: {  	s28 =	simm.s32 $_size_execute0_lowered;
	s6 =	sadd.s32 s6, s8;
	[dreg:$0x0] =	wrdreg $0x0  }
0xaf: {  	s8 =	sshll.u32 s28, $0x1;
	[dreg:$0x2] =	wrdreg s6  }
0xb0: {  	[dreg:$0x3] =	wrdreg s8  }
0xb1: {  	[dreg:$0x4] =	wrdreg $0xC0  }
0xb2: {  	_ =	task [dreg:s10], $0x5FFFF  }
0xb3: {  	[dreg:$0x1] =	wrdreg $0xFFFFFFFF  }
0xb4: {  	[dreg:$0x0] =	wrdreg $0x60  }
0xb5: {  	[dreg:$0x2] =	wrdreg s15  }
0xb6: {  	[dreg:$0x3] =	wrdreg s4  }
0xb7: {  	[dreg:$0x4] =	wrdreg s24  }
0xb8: {  	[dreg:$0x5] =	wrdreg s17  }
0xb9: {  	[dreg:$0x6] =	wrdreg s16  }
0xba: {  	[dreg:$0x7] =	wrdreg $0x9  }
0xbb: {  	_ =	task.clear_ibuf [dreg:s10], $0x8FFFF;
	_ =	strace $0x90000046  }
0xbc: {  	s29 =	simm.s32 $0x9;
	_ =	strace $0x80000048  }
0xbd: {  	_ =	swait.ge [sflag:s29], $0x1  }
0xbe: {  	[sflag:s29] =	ssyncadd.s32 $0xFFFFFFFF  }
0xbf: {  	_ =	strace $0x90000048  }
0xc0: {  	_ =	sfence  }
0xc1: {  	s30 =	sld [smem:$0x0];
	_ =	sdelay $0x2  }
0xc2: {  	s31 =	sshll.u32 s1, $0xD;
	s1 =	sshrl.u32 s1, $0x2  }
0xc3: {  	s3 =	sand.u32 $0x4000, s31;
	s1 =	sadd.s32 s1, s30  }
0xc4: {  	s0 =	sor.u32 s3, s0;
	s1 =	sshll.u32 s1, $0x11  }
0xc5: {  	s0 =	sor.u32 s1, s0  }
0xc6: {  	s0 =	sadd.s32 $0x8F2B, s0  }
0xc7: {  	[sflag:s0] =	ssyncadd.remote.s32 $0x1  }
0xc8: {  	_ =	sfence.sel $0xFFFF  }
0xc9: {  	[dreg:$0x0] =	wrdreg $0xFFFFFFFF;
	(pc) =	sbr.abs _section_cstart, $3  }
0xca: {  	[dreg:$0x1] =	wrdreg $0xFFFFFFFF  }
0xcb: {  	_ =	task.clear_ibuf [dreg:s10], $0x2FFFF;
	_ =	strace $0x9FFFFFFF  }
0xcc: {  	(tm) =	ssettm $0x7FFFFFFF  }
0xcd: {  	_ =	shalt  }
tec
execute0_lowered:
.L_overlay_start_1:
0x0: {  	(tag) =	ssettag $0x1  }
0x1: {  	s0 =	rddreg [dreg:$0x0]  }
0x2: {  	s3 =	rddreg [dreg:$0x1]  }
0x3: {  	s4 =	rddreg [dreg:$0x2]  }
0x4: {  	s1 =	rddreg [dreg:$0x3]  }
0x5: {  	s10 =	rddreg [dreg:$0x4];
	s2 =	simm.s32 $0x0  }
0x6: {  	s6 =	srdreg.scid;
	s11 =	stileid.u32;
	s13 =	simm.s32 $0x3  }
0x7: {  	s14 =	simm.s32 $0x200;
	s15 =	simm.s32 $0x40;
	s16 =	simm.s32 $0x400  }
0x8: {  	s17 =	simm.s32 $0x4400;
	s18 =	simm.s32 $0x8400;
	s19 =	simm.s32 $0x8480  }
0x9: {  	s20 =	simm.s32 $0x1;
	s21 =	simm.s32 $0x2400;
	s23 =	simm.s32 $0x6400  }
0xa: {  	s24 =	simm.s32 $0x8440;
	s25 =	simm.s32 $0x84C0;
	s26 =	simm.s32 $0x2  }
0xb: {  	s30 =	simm.s32 $0x3C0;
	s31 =	simm.s32 $0x0;
	[smem:$0x7FF] =	sst s2  }
0xc: {  	s5 =	sadd.s32 $0x2600, s4;
	s7 =	sand.u32 $0x1, s6;
	s6 =	sadd.s32 $0x2800, s4  }
0xd: {  	s11 =	sshll.u32 s11, $0x7;
	_ =	strace $0x80000047;
	[dreg:$0x6] =	wrdreg s5  }
0xe: {  	s5 =	sadd.s32 $0x29A00, s4;
	s8 =	ssub.s32 $0x2, s7;
	s12 =	sshll.u32 s7, $0x6  }
0xf: {  	s7 =	sadd.s32 $0x129A00, s4;
	s9 =	sshrl.u32 s8, $0x1;
	s11 =	sor.u32 s12, s11  }
0x10: {  	s4 =	simm.s32 $0x1C0;
	s29 =	ssub.s32 s8, s9;
	s8 =	sadd.s32 s0, s11  }
0x11: {  	vm0 =	vcmask $0x3F3C;
	s9 =	sadd.s32 s3, s11;
	s10 =	sadd.s32 s10, s11;
	s11 =	smax.u32 s29, $0x1  }
.LBB2_1:
0x12: {  	s0 =	rddreg [dreg:$0x6];
	s3 =	simm.s32 $0x8500  }
0x13: {  	[tilespmem:s3], [sflag:$0x3] =	stream.linear.gather [hbm4b:s0+s2], $0x80, $0x38;
	[tilespmem:$0x87C0] =	vst v63  }
0x14: {  	_ =	swait.ge [sflag:s13], $0x80  }
0x15: {  	[sflag:s13] =	ssyncset.done $0x0  }
0x16: {  	[sflag:s13] =	ssyncadd.s32 $0xFFFFFF80  }
0x17: {  	v0 =	vld [tilespmem:$0x8500]  }
0x18: {  	v1 =	vld [tilespmem:$0x8510];
	[tilespmem:s2], [sflag:$0x3] =	stream.linear.gather [hbm4b:s8+s2], $0x200, $0x38  }
0x19: {  	_ =	swait.ge [sflag:s13], $0x200  }
0x1a: {  	[sflag:s13] =	ssyncset.done $0x0  }
0x1b: {  	[sflag:s13] =	ssyncadd.s32 $0xFFFFFE00  }
0x1c: {  	[tilespmem:s14], [sflag:$0x3] =	stream.linear.gather [hbm4b:s9+s2], $0x200, $0x38;
	[tilespmem:$0x87C0] =	vst v63  }
0x1d: {  	_ =	swait.ge [sflag:s13], $0x200  }
0x1e: {  	[sflag:s13] =	ssyncset.done $0x0  }
0x1f: {  	[sflag:s13] =	ssyncadd.s32 $0xFFFFFE00  }
0x20: {  	[tilespmem:s16], [sflag:$0x1] =	stream.indirect.gather [hbm4b:s5+s15], $0x80, s2, s15, $0xb8;
	[tilespmem:$0x87C0] =	vst v63  }
0x21: {  	_ = 	snop  }
0x22: {  	[tilespmem:s17], [sflag:$0x1] =	stream.indirect.gather [hbm4b:s6+s15], $0x80, s14, s15, $0xb8;
	[tilespmem:$0x87C0] =	vst v63  }
0x23: {  	_ = 	snop  }
0x24: {  	[tilespmem:s18], [sflag:$0x1] =	stream.indirect.gather [hbm4b:s7+s15], $0x1, s2, s15, $0xb8;
	[tilespmem:$0x87C0] =	vst v63  }
0x25: {  	_ = 	snop  }
0x26: {  	[tilespmem:s19], [sflag:$0x1] =	stream.indirect.gather [hbm4b:s1+s15], $0x1, s14, s15, $0xb8;
	[tilespmem:$0x87C0] =	vst v63  }
0x27: {  	_ =	swait.ge [sflag:s20], $0x2000  }
0x28: {  	[sflag:s20] =	ssyncset.done $0x0  }
0x29: {  	[sflag:s20] =	ssyncadd.s32 $0xFFFFE000  }
0x2a: {  	_ =	swait.ge [sflag:s20], $0x2000  }
0x2b: {  	[sflag:s20] =	ssyncset.done $0x0  }
0x2c: {  	[sflag:s20] =	ssyncadd.s32 $0xFFFFE000  }
0x2d: {  	_ =	swait.ge [sflag:s20], $0x40  }
0x2e: {  	[sflag:s20] =	ssyncset.done $0x0  }
0x2f: {  	[sflag:s20] =	ssyncadd.s32 $0xFFFFFFC0  }
0x30: {  	_ =	swait.ge [sflag:s20], $0x40  }
0x31: {  	[sflag:s20] =	ssyncset.done $0x0  }
0x32: {  	[sflag:s20] =	ssyncadd.s32 $0xFFFFFFC0  }
0x33: {  	[tilespmem:s21], [sflag:$0x2] =	stream.indirect.gather [hbm4b:s5+s15], $0x80, s15, s15, $0xb8;
	[tilespmem:$0x87C0] =	vst v63  }
0x34: {  	s12 =	simm.s32 $0x240  }
0x35: {  	[tilespmem:s23], [sflag:$0x2] =	stream.indirect.gather [hbm4b:s6+s15], $0x80, s12, s15, $0xb8;
	[tilespmem:$0x87C0] =	vst v63  }
0x36: {  	_ = 	snop  }
0x37: {  	[tilespmem:s24], [sflag:$0x2] =	stream.indirect.gather [hbm4b:s7+s15], $0x1, s15, s15, $0xb8;
	[tilespmem:$0x87C0] =	vst v63  }
0x38: {  	s22 =	simm.s32 $0x440  }
0x39: {  	[tilespmem:s25], [sflag:$0x2] =	stream.indirect.gather [hbm4b:s1+s15], $0x1, s12, s15, $0xb8;
	[tilespmem:$0x87C0] =	vst v63  }
0x3a: {  	s29 =	simm.s32 $0x4440;
	v2 =	vld [tilespmem:s22+$0xFFFFFFC0]  }
0x3b: {  	v3 =	vld [tilespmem:s29+$0xFFFFFFC0]  }
0x3c: {  	v4 =	vld [tilespmem:s22+$0xFFFFFFD0]  }
0x3d: {  	v5 =	vld [tilespmem:s29+$0xFFFFFFD0]  }
0x3e: {  	v6 =	vld [tilespmem:s22+$0xFFFFFFE0]  }
0x3f: {  	v7 =	vld [tilespmem:s29+$0xFFFFFFE0]  }
0x40: {  	v8 =	vld [tilespmem:s22+$0xFFFFFFF0]  }
0x41: {  	v9 =	vld [tilespmem:s29+$0xFFFFFFF0]  }
0x42: {  	v10 =	vld [tilespmem:s22+$0x0]  }
0x43: {  	v11 =	vld [tilespmem:s22+$0x20];
	v2 =	vmul.f32 v3, v2;
	v3 =	vmul.f32 v5, v4  }
0x44: {  	v4 =	vld [tilespmem:s29+$0x0]  }
0x45: {  	v5 =	vld [tilespmem:s22+$0x10];
	v2 =	vadd.f32 v3, v2;
	v3 =	vmul.f32 v7, v6  }
0x46: {  	v6 =	vld [tilespmem:s29+$0x10]  }
0x47: {  	v7 =	vmul.f32 v9, v8;
	v9 =	vld [tilespmem:s29+$0x20];
	v3 =	vadd.f32 v3, v2;
	_ =	sdelay $0x1  }
0x48: {  	v2 =	vld [tilespmem:s22+$0x30];
	v8 =	vmul.f32 v4, v10;
	v7 =	vadd.f32 v7, v3  }
0x49: {  	s12 =	simm.s32 $0x4C0;
	v3 =	vld [tilespmem:s29+$0x30]  }
0x4a: {  	s22 =	simm.s32 $0x44C0;
	v4 =	vld [tilespmem:s12+$0xFFFFFFC0];
	v5 =	vmul.f32 v6, v5;
	v10 =	vadd.f32 v8, v7  }
0x4b: {  	v6 =	vmul.f32 v9, v11;
	v9 =	vld [tilespmem:s22+$0xFFFFFFD0]  }
0x4c: {  	v7 =	vld [tilespmem:s22+$0xFFFFFFC0];
	v5 =	vadd.f32 v5, v10  }
0x4d: {  	s28 =	simm.s32 $0x2;
	s0 =	simm.s32 $0x1;
	s3 =	simm.s32 $0x0;
	v8 =	vld [tilespmem:s12+$0xFFFFFFD0]  }
.LBB2_2:
0x4e: {  	p0 =	sne.s32 s28, $0x3F;
	v10 =	vld [tilespmem:s12+$0xFFFFFFE0];
	v5 =	vadd.f32 v6, v5;
	v2 =	vmul.f32 v3, v2  }
0x4f: {  	v3 =	vld [tilespmem:s22+$0xFFFFFFE0]  }
0x50: {  	v6 =	vld [tilespmem:s12+$0xFFFFFFF0];
	v2 =	vadd.f32 v2, v5  }
0x51: {  	v5 =	vld [tilespmem:s22+$0xFFFFFFF0]  }
0x52: {  	v4 =	vmul.f32 v7, v4;
	v7 =	vmul.f32 v9, v8;
	v8 =	vld [tilespmem:s12+$0x0];
	(xrf2) =	vadd.scan.msk.f32 $0xffff, v2  }
0x53: {  	v2 =	vld [tilespmem:s22+$0x0]  }
0x54: {  	v4 =	vadd.f32 v7, v4;
	v3 =	vmul.f32 v3, v10;
	v7 =	vld [tilespmem:s12+$0x10]  }
0x55: {  	v9 =	vld [tilespmem:s22+$0x10]  }
0x56: {  	v3 =	vadd.f32 v3, v4;
	v4 =	vmul.f32 v5, v6;
	v6 =	vld [tilespmem:s12+$0x20]  }
0x57: {  	v10 =	vld [tilespmem:s22+$0x20]  }
0x58: {  	v11 =	vmov s3;
	s3 =	smov.u32 s0;
	s0 =	smov.u32 s28;
	v5 =	vadd.f32 v4, v3;
	v8 =	vmul.f32 v2, v8;
	v2 =	vld [tilespmem:s12+$0x30]  }
.Ltmp0:
0x59: {  	s12 =	sadd.s32 $0x80, s12;
	v3 =	vld [tilespmem:s22+$0x30];
	(pc) =	sbr.rel @p0 .LBB2_2-.Ltmp0, $4  }
0x5a: {  	s22 =	sadd.s32 $0x80, s22;
	v4 =	vld [tilespmem:s12+$0xFFFFFFC0];
	v5 =	vadd.f32 v8, v5;
	v9 =	vmul.f32 v9, v7  }
0x5b: {  	v7 =	vld [tilespmem:s22+$0xFFFFFFC0]  }
0x5c: {  	s29 =	simm.s32 $0x8580;
	v8 =	vld [tilespmem:s12+$0xFFFFFFD0];
	v5 =	vadd.f32 v9, v5;
	v6 =	vmul.f32 v10, v6;
	v10, _, _ =	vpop (xrf2)  }
0x5d: {  	s28 =	sadd.s32 $0x1, s28;
	v9 =	vld [tilespmem:s22+$0xFFFFFFD0];
	[tilespmem:v11+s29+$0x0] =	vst.idx.msk vm0, v10  }
0x5e: {  	v10 =	vld [tilespmem:s12+$0xFFFFFFE0]  }
0x5f: {  	v11 =	vld [tilespmem:s22+$0xFFFFFFE0]  }
0x60: {  	v12 =	vld [tilespmem:s12+$0xFFFFFFF0]  }
0x61: {  	v13 =	vld [tilespmem:s22+$0xFFFFFFF0]  }
0x62: {  	v44 =	vld [tilespmem:s12+$0x0];
	v4 =	vmul.f32 v7, v4;
	v43 =	vmul.f32 v9, v8  }
0x63: {  	v45 =	vld [tilespmem:s22+$0x0]  }
0x64: {  	v47 =	vld [tilespmem:s12+$0x10];
	v46 =	vmul.f32 v11, v10;
	v4 =	vadd.f32 v43, v4  }
0x65: {  	v48 =	vld [tilespmem:s22+$0x10]  }
0x66: {  	v50 =	vld [tilespmem:s12+$0x20];
	v49 =	vmul.f32 v13, v12;
	v4 =	vadd.f32 v46, v4  }
0x67: {  	v51 =	vld [tilespmem:s22+$0x20]  }
0x68: {  	v53 =	vld [tilespmem:s12+$0x30];
	v52 =	vmul.f32 v45, v44;
	v4 =	vadd.f32 v49, v4  }
0x69: {  	v54 =	vld [tilespmem:s22+$0x30]  }
0x6a: {  	v55 =	vmul.f32 v48, v47;
	v4 =	vadd.f32 v52, v4;
	_ =	sdelay $0x1  }
0x6b: {  	v56 =	vmul.f32 v51, v50;
	v4 =	vadd.f32 v55, v4  }
0x6c: {  	v5 =	vadd.f32 v6, v5;
	v2 =	vmul.f32 v3, v2  }
0x6d: {  	v57 =	vmul.f32 v54, v53;
	v3 =	vadd.f32 v56, v4  }
0x6e: {  	v2 =	vadd.f32 v2, v5  }
0x6f: {  	v3 =	vadd.f32 v57, v3  }
0x70: {  	(xrf2) =	vadd.scan.msk.f32 $0xffff, v2  }
0x71: {  	(xrf2) =	vadd.scan.msk.f32 $0xffff, v3;
	_ =	sdelay $0x4  }
0x72: {  	v2 =	vmov s3  }
0x73: {  	v3 =	vmov s0;
	_ =	sdelay $0x2  }
0x74: {  	v58, _, _ =	vpop (xrf2)  }
0x75: {  	[tilespmem:v2+s29+$0x0] =	vst.idx.msk vm0, v58;
	v2, _, _ =	vpop (xrf2)  }
0x76: {  	[tilespmem:v3+s29+$0x0] =	vst.idx.msk vm0, v2  }
0x77: {  	s22 =	simm.s32 $0x8400;
	v2 =	vld [tilespmem:s29+$0x0]  }
0x78: {  	v3 =	vld [tilespmem:s22+$0x0]  }
0x79: {  	s29 =	simm.s32 $0x8480  }
0x7a: {  	v4 =	vld [tilespmem:s29+$0x0];
	_ =	sdelay $0x2  }
0x7b: {  	v2 =	vadd.f32 v3, v2;
	_ =	sdelay $0x1  }
0x7c: {  	v2 =	vadd.f32 v4, v2;
	_ =	sdelay $0x1  }
0x7d: {  	v2 =	vmax.f32 v2, $0.0e+00  }
0x7e: {  	v2 =	vmul.f32 v2, v0;
	_ =	sdelay $0x1  }
0x7f: {  	v2 =	vadd.f32 v2, v1;
	_ =	sdelay $0x1  }
0x80: {  	v2 =	vsub.f32 $0.0e+00, v2;
	_ =	sdelay $0x1  }
0x81: {  	v2 =	vmul.f32 $1.442695020e+00, v2;
	_ =	sdelay $0x1  }
0x82: {  	(erf) = vpow2.f32 v2  }
0x83: {  	s12 =	simm.s32 $0x8410  }
0x84: {  	s3 =	simm.s32 $0x8590;
	v3 =	vld [tilespmem:s12+$0x0]  }
0x85: {  	v2 =	vld [tilespmem:s3+$0x0]  }
0x86: {  	s22 =	simm.s32 $0x8490  }
0x87: {  	v59 =	vld [tilespmem:s22+$0x0];
	_ =	sdelay $0x2  }
0x88: {  	v2 =	vadd.f32 v3, v2  }
0x89: {  	v60 =	vpop (erf)  }
0x8a: {  	v2 =	vadd.f32 v59, v2;
	v5 =	vadd.f32 $1.000000000e+00, v60;
	_ =	sdelay $0x1  }
0x8b: {  	v2 =	vmax.f32 v2, $0.0e+00;
	(erf) = vrcp.f32 v5  }
0x8c: {  	v2 =	vmul.f32 v2, v0;
	_ =	sdelay $0x1  }
0x8d: {  	s0 =	simm.s32 $0x8420;
	v2 =	vadd.f32 v2, v1  }
0x8e: {  	v61 =	vld [tilespmem:s0+$0x0];
	s29 =	simm.s32 $0x85A0  }
0x8f: {  	v3 =	vld [tilespmem:s29+$0x0];
	v2 =	vsub.f32 $0.0e+00, v2  }
0x90: {  	s3 =	simm.s32 $0x84A0  }
0x91: {  	v62 =	vld [tilespmem:s3+$0x0];
	v2 =	vmul.f32 $1.442695020e+00, v2;
	_ =	sdelay $0x1  }
0x92: {  	v63 =	vpop (erf);
	(erf) = vpow2.f32 v2  }
0x93: {  	v3 =	vadd.f32 v61, v3;
	_ =	sdelay $0x1  }
0x94: {  	v3 =	vadd.f32 v62, v3;
	_ =	sdelay $0x1  }
0x95: {  	v3 =	vmax.f32 v3, $0.0e+00  }
0x96: {  	v3 =	vmul.f32 v3, v0  }
0x97: {  	s12 =	simm.s32 $0x85C0  }
0x98: {  	s28 =	simm.s32 $0x85B0;
	s22 =	simm.s32 $0x20;
	v2 =	vadd.f32 v3, v1;
	[tilespmem:s12+$0x0] =	vst v63  }
.LBB2_4:
0x99: {  	v3 =	vld [tilespmem:s28+$0x0];
	s0 =	sadd.s32 $0x10, s0;
	v4 =	vpop (erf)  }
0x9a: {  	s22 =	sadd.s32 $0x10, s22;
	v5 =	vld [tilespmem:s0+$0x0];
	v2 =	vsub.f32 $0.0e+00, v2;
	v4 =	vadd.f32 $1.000000000e+00, v4  }
0x9b: {  	s3 =	sadd.s32 $0x10, s3;
	p0 =	slt.u32 s22, $0x30  }
0x9c: {  	v6 =	vld [tilespmem:s3+$0x0];
	v2 =	vmul.f32 $1.442695020e+00, v2;
	(erf) = vrcp.f32 v4;
	_ =	sdelay $0x1  }
0x9d: {  	(erf) = vpow2.f32 v2  }
0x9e: {  	v2 =	vadd.f32 v5, v3;
	_ =	sdelay $0x1  }
0x9f: {  	v2 =	vadd.f32 v6, v2  }
.Ltmp1:
0xa0: {  	(pc) =	sbr.rel @p0 .LBB2_4-.Ltmp1, $4  }
0xa1: {  	v2 =	vmax.f32 v2, $0.0e+00  }
0xa2: {  	v2 =	vmul.f32 v2, v0  }
0xa3: {  	s12 =	sadd.s32 $0x10, s12;
	v3 =	vpop (erf)  }
0xa4: {  	s28 =	sadd.s32 $0x10, s28;
	v2 =	vadd.f32 v2, v1;
	[tilespmem:s12+$0x0] =	vst v3  }
0xa5: {  	_ = 	snop  }
0xa6: {  	v3 =	vpop (erf);
	v2 =	vsub.f32 $0.0e+00, v2  }
0xa7: {  	v3 =	vadd.f32 $1.000000000e+00, v3  }
0xa8: {  	v2 =	vmul.f32 $1.442695020e+00, v2  }
0xa9: {  	(erf) = vrcp.f32 v3  }
0xaa: {  	(erf) = vpow2.f32 v2;
	_ =	sdelay $0x7  }
0xab: {  	v2 =	vpop (erf)  }
0xac: {  	v3 =	vpop (erf)  }
0xad: {  	v3 =	vadd.f32 $1.000000000e+00, v3;
	_ =	sdelay $0x1  }
0xae: {  	(erf) = vrcp.f32 v3;
	_ =	sdelay $0x7  }
0xaf: {  	s0 =	sadd.s32 $0x10, s12  }
0xb0: {  	[tilespmem:s0+$0x0] =	vst v2;
	s0 =	sadd.s32 $0x10, s0;
	v2 =	vpop (erf)  }
0xb1: {  	[tilespmem:s0+$0x0] =	vst v2  }
0xb2: {  	_ =	swait.ge [sflag:s26], $0x2000  }
0xb3: {  	[sflag:s26] =	ssyncset.done $0x0  }
0xb4: {  	[sflag:s26] =	ssyncadd.s32 $0xFFFFE000  }
0xb5: {  	_ =	swait.ge [sflag:s26], $0x2000  }
0xb6: {  	[sflag:s26] =	ssyncset.done $0x0  }
0xb7: {  	[sflag:s26] =	ssyncadd.s32 $0xFFFFE000  }
0xb8: {  	_ =	swait.ge [sflag:s26], $0x40  }
0xb9: {  	[sflag:s26] =	ssyncset.done $0x0  }
0xba: {  	[sflag:s26] =	ssyncadd.s32 $0xFFFFFFC0  }
0xbb: {  	_ =	swait.ge [sflag:s26], $0x40  }
0xbc: {  	[sflag:s26] =	ssyncset.done $0x0  }
0xbd: {  	s12 =	simm.s32 $0x80;
	[sflag:s26] =	ssyncadd.s32 $0xFFFFFFC0  }
0xbe: {  	[tilespmem:s16], [sflag:$0x1] =	stream.indirect.gather [hbm4b:s5+s15], $0x80, s12, s15, $0xb8;
	[tilespmem:$0x87C0] =	vst v63  }
0xbf: {  	s3 =	simm.s32 $0x280  }
0xc0: {  	[tilespmem:s17], [sflag:$0x1] =	stream.indirect.gather [hbm4b:s6+s15], $0x80, s3, s15, $0xb8;
	[tilespmem:$0x87C0] =	vst v63  }
0xc1: {  	_ = 	snop  }
0xc2: {  	[tilespmem:s18], [sflag:$0x1] =	stream.indirect.gather [hbm4b:s7+s15], $0x1, s12, s15, $0xb8;
	[tilespmem:$0x87C0] =	vst v63  }
0xc3: {  	s22 =	simm.s32 $0x2470  }
0xc4: {  	[tilespmem:s19], [sflag:$0x1] =	stream.indirect.gather [hbm4b:s1+s15], $0x1, s3, s15, $0xb8;
	[tilespmem:$0x87C0] =	vst v63  }
0xc5: {  	s29 =	simm.s32 $0x6470;
	v2 =	vld [tilespmem:s22+$0xFFFFFF90]  }
0xc6: {  	v3 =	vld [tilespmem:s29+$0xFFFFFF90]  }
0xc7: {  	v4 =	vld [tilespmem:s22+$0xFFFFFFA0]  }
0xc8: {  	v5 =	vld [tilespmem:s29+$0xFFFFFFA0]  }
0xc9: {  	v6 =	vld [tilespmem:s22+$0xFFFFFFB0]  }
0xca: {  	v7 =	vld [tilespmem:s29+$0xFFFFFFB0]  }
0xcb: {  	v8 =	vld [tilespmem:s22+$0xFFFFFFC0]  }
0xcc: {  	v9 =	vld [tilespmem:s29+$0xFFFFFFC0]  }
0xcd: {  	v10 =	vld [tilespmem:s22+$0xFFFFFFD0]  }
0xce: {  	v11 =	vld [tilespmem:s22+$0xFFFFFFF0];
	v2 =	vmul.f32 v3, v2;
	v3 =	vmul.f32 v5, v4  }
0xcf: {  	v4 =	vld [tilespmem:s29+$0xFFFFFFD0]  }
0xd0: {  	v5 =	vld [tilespmem:s22+$0xFFFFFFE0];
	v2 =	vadd.f32 v3, v2;
	v3 =	vmul.f32 v7, v6  }
0xd1: {  	v6 =	vld [tilespmem:s29+$0xFFFFFFE0]  }
0xd2: {  	v7 =	vmul.f32 v9, v8;
	v9 =	vld [tilespmem:s29+$0xFFFFFFF0];
	v3 =	vadd.f32 v3, v2;
	_ =	sdelay $0x1  }
0xd3: {  	v2 =	vld [tilespmem:s22+$0x0];
	v8 =	vmul.f32 v4, v10;
	v7 =	vadd.f32 v7, v3  }
0xd4: {  	s12 =	simm.s32 $0x24F0;
	v3 =	vld [tilespmem:s29+$0x0]  }
0xd5: {  	s22 =	simm.s32 $0x64F0;
	v4 =	vld [tilespmem:s12+$0xFFFFFF90];
	v5 =	vmul.f32 v6, v5;
	v10 =	vadd.f32 v8, v7  }
0xd6: {  	v6 =	vmul.f32 v9, v11;
	v9 =	vld [tilespmem:s22+$0xFFFFFFA0]  }
0xd7: {  	v7 =	vld [tilespmem:s22+$0xFFFFFF90];
	v5 =	vadd.f32 v5, v10  }
0xd8: {  	s28 =	simm.s32 $0x2;
	s0 =	simm.s32 $0x0;
	s3 =	simm.s32 $0x1;
	v8 =	vld [tilespmem:s12+$0xFFFFFFA0]  }
.LBB2_6:
0xd9: {  	p0 =	sne.s32 s28, $0x3F;
	v10 =	vld [tilespmem:s12+$0xFFFFFFB0];
	v5 =	vadd.f32 v6, v5;
	v2 =	vmul.f32 v3, v2  }
0xda: {  	v3 =	vld [tilespmem:s22+$0xFFFFFFB0]  }
0xdb: {  	v6 =	vld [tilespmem:s12+$0xFFFFFFC0];
	v2 =	vadd.f32 v2, v5  }
0xdc: {  	v5 =	vld [tilespmem:s22+$0xFFFFFFC0]  }
0xdd: {  	v4 =	vmul.f32 v7, v4;
	v7 =	vmul.f32 v9, v8;
	v8 =	vld [tilespmem:s12+$0xFFFFFFD0];
	(xrf2) =	vadd.scan.msk.f32 $0xffff, v2  }
0xde: {  	v2 =	vld [tilespmem:s22+$0xFFFFFFD0]  }
0xdf: {  	v4 =	vadd.f32 v7, v4;
	v3 =	vmul.f32 v3, v10;
	v7 =	vld [tilespmem:s12+$0xFFFFFFE0]  }
0xe0: {  	v9 =	vld [tilespmem:s22+$0xFFFFFFE0]  }
0xe1: {  	v3 =	vadd.f32 v3, v4;
	v4 =	vmul.f32 v5, v6;
	v6 =	vld [tilespmem:s12+$0xFFFFFFF0]  }
0xe2: {  	v10 =	vld [tilespmem:s22+$0xFFFFFFF0]  }
0xe3: {  	v11 =	vmov s0;
	s0 =	smov.u32 s3;
	s3 =	smov.u32 s28;
	v5 =	vadd.f32 v4, v3;
	v8 =	vmul.f32 v2, v8;
	v2 =	vld [tilespmem:s12+$0x0]  }
.Ltmp2:
0xe4: {  	s12 =	sadd.s32 $0x80, s12;
	v3 =	vld [tilespmem:s22+$0x0];
	(pc) =	sbr.rel @p0 .LBB2_6-.Ltmp2, $4  }
0xe5: {  	s22 =	sadd.s32 $0x80, s22;
	v4 =	vld [tilespmem:s12+$0xFFFFFF90];
	v5 =	vadd.f32 v8, v5;
	v9 =	vmul.f32 v9, v7  }
0xe6: {  	v7 =	vld [tilespmem:s22+$0xFFFFFF90]  }
0xe7: {  	s29 =	simm.s32 $0x8580;
	v8 =	vld [tilespmem:s12+$0xFFFFFFA0];
	v5 =	vadd.f32 v9, v5;
	v6 =	vmul.f32 v10, v6;
	v10, _, _ =	vpop (xrf2)  }
0xe8: {  	s28 =	sadd.s32 $0x1, s28;
	v9 =	vld [tilespmem:s22+$0xFFFFFFA0];
	[tilespmem:v11+s29+$0x0] =	vst.idx.msk vm0, v10  }
0xe9: {  	v10 =	vld [tilespmem:s12+$0xFFFFFFB0]  }
0xea: {  	v11 =	vld [tilespmem:s22+$0xFFFFFFB0]  }
0xeb: {  	v12 =	vld [tilespmem:s12+$0xFFFFFFC0]  }
0xec: {  	v13 =	vld [tilespmem:s22+$0xFFFFFFC0]  }
0xed: {  	v44 =	vld [tilespmem:s12+$0xFFFFFFD0];
	v4 =	vmul.f32 v7, v4;
	v43 =	vmul.f32 v9, v8  }
0xee: {  	v45 =	vld [tilespmem:s22+$0xFFFFFFD0]  }
0xef: {  	v47 =	vld [tilespmem:s12+$0xFFFFFFE0];
	v46 =	vmul.f32 v11, v10;
	v4 =	vadd.f32 v43, v4  }
0xf0: {  	v48 =	vld [tilespmem:s22+$0xFFFFFFE0]  }
0xf1: {  	v50 =	vld [tilespmem:s12+$0xFFFFFFF0];
	v49 =	vmul.f32 v13, v12;
	v4 =	vadd.f32 v46, v4  }
0xf2: {  	v51 =	vld [tilespmem:s22+$0xFFFFFFF0]  }
0xf3: {  	v53 =	vld [tilespmem:s12+$0x0];
	v52 =	vmul.f32 v45, v44;
	v4 =	vadd.f32 v49, v4  }
0xf4: {  	v54 =	vld [tilespmem:s22+$0x0]  }
0xf5: {  	v55 =	vmul.f32 v48, v47;
	v4 =	vadd.f32 v52, v4;
	_ =	sdelay $0x1  }
0xf6: {  	v56 =	vmul.f32 v51, v50;
	v4 =	vadd.f32 v55, v4  }
0xf7: {  	v5 =	vadd.f32 v6, v5;
	v2 =	vmul.f32 v3, v2  }
0xf8: {  	v57 =	vmul.f32 v54, v53;
	v3 =	vadd.f32 v56, v4  }
0xf9: {  	v2 =	vadd.f32 v2, v5  }
0xfa: {  	v3 =	vadd.f32 v57, v3  }
0xfb: {  	(xrf2) =	vadd.scan.msk.f32 $0xffff, v2  }
0xfc: {  	(xrf2) =	vadd.scan.msk.f32 $0xffff, v3;
	_ =	sdelay $0x4  }
0xfd: {  	v2 =	vmov s0  }
0xfe: {  	v3 =	vmov s3;
	_ =	sdelay $0x2  }
0xff: {  	v58, _, _ =	vpop (xrf2)  }
0x100: {  	[tilespmem:v2+s29+$0x0] =	vst.idx.msk vm0, v58;
	v2, _, _ =	vpop (xrf2)  }
0x101: {  	[tilespmem:v3+s29+$0x0] =	vst.idx.msk vm0, v2  }
0x102: {  	s22 =	simm.s32 $0x8440;
	v2 =	vld [tilespmem:s29+$0x0]  }
0x103: {  	v3 =	vld [tilespmem:s22+$0x0]  }
0x104: {  	s29 =	simm.s32 $0x84C0  }
0x105: {  	v4 =	vld [tilespmem:s29+$0x0];
	_ =	sdelay $0x2  }
0x106: {  	v2 =	vadd.f32 v3, v2;
	_ =	sdelay $0x1  }
0x107: {  	v2 =	vadd.f32 v4, v2;
	_ =	sdelay $0x1  }
0x108: {  	v2 =	vmax.f32 v2, $0.0e+00  }
0x109: {  	v2 =	vmul.f32 v2, v0;
	_ =	sdelay $0x1  }
0x10a: {  	v2 =	vadd.f32 v2, v1;
	_ =	sdelay $0x1  }
0x10b: {  	v2 =	vsub.f32 $0.0e+00, v2;
	_ =	sdelay $0x1  }
0x10c: {  	v2 =	vmul.f32 $1.442695020e+00, v2;
	_ =	sdelay $0x1  }
0x10d: {  	(erf) = vpow2.f32 v2  }
0x10e: {  	s12 =	simm.s32 $0x8450  }
0x10f: {  	s3 =	simm.s32 $0x8590;
	v3 =	vld [tilespmem:s12+$0x0]  }
0x110: {  	v2 =	vld [tilespmem:s3+$0x0]  }
0x111: {  	s22 =	simm.s32 $0x84D0  }
0x112: {  	v59 =	vld [tilespmem:s22+$0x0];
	_ =	sdelay $0x2  }
0x113: {  	v2 =	vadd.f32 v3, v2  }
0x114: {  	v60 =	vpop (erf)  }
0x115: {  	v2 =	vadd.f32 v59, v2;
	v5 =	vadd.f32 $1.000000000e+00, v60;
	_ =	sdelay $0x1  }
0x116: {  	v2 =	vmax.f32 v2, $0.0e+00;
	(erf) = vrcp.f32 v5  }
0x117: {  	v2 =	vmul.f32 v2, v0;
	_ =	sdelay $0x1  }
0x118: {  	s0 =	simm.s32 $0x8460;
	v2 =	vadd.f32 v2, v1  }
0x119: {  	v61 =	vld [tilespmem:s0+$0x0];
	s29 =	simm.s32 $0x85A0  }
0x11a: {  	v3 =	vld [tilespmem:s29+$0x0];
	v2 =	vsub.f32 $0.0e+00, v2  }
0x11b: {  	s3 =	simm.s32 $0x84E0  }
0x11c: {  	v62 =	vld [tilespmem:s3+$0x0];
	v2 =	vmul.f32 $1.442695020e+00, v2;
	_ =	sdelay $0x1  }
0x11d: {  	v63 =	vpop (erf);
	(erf) = vpow2.f32 v2  }
0x11e: {  	v3 =	vadd.f32 v61, v3;
	_ =	sdelay $0x1  }
0x11f: {  	v3 =	vadd.f32 v62, v3;
	_ =	sdelay $0x1  }
0x120: {  	v3 =	vmax.f32 v3, $0.0e+00  }
0x121: {  	v3 =	vmul.f32 v3, v0  }
0x122: {  	s12 =	simm.s32 $0x8600  }
0x123: {  	s28 =	simm.s32 $0x85B0;
	s22 =	simm.s32 $0x20;
	v2 =	vadd.f32 v3, v1;
	[tilespmem:s12+$0x0] =	vst v63  }
.LBB2_8:
0x124: {  	v3 =	vld [tilespmem:s28+$0x0];
	s0 =	sadd.s32 $0x10, s0;
	v4 =	vpop (erf)  }
0x125: {  	s22 =	sadd.s32 $0x10, s22;
	v5 =	vld [tilespmem:s0+$0x0];
	v2 =	vsub.f32 $0.0e+00, v2;
	v4 =	vadd.f32 $1.000000000e+00, v4  }
0x126: {  	s3 =	sadd.s32 $0x10, s3;
	p0 =	slt.u32 s22, $0x30  }
0x127: {  	v6 =	vld [tilespmem:s3+$0x0];
	v2 =	vmul.f32 $1.442695020e+00, v2;
	(erf) = vrcp.f32 v4;
	_ =	sdelay $0x1  }
0x128: {  	(erf) = vpow2.f32 v2  }
0x129: {  	v2 =	vadd.f32 v5, v3;
	_ =	sdelay $0x1  }
0x12a: {  	v2 =	vadd.f32 v6, v2  }
.Ltmp3:
0x12b: {  	(pc) =	sbr.rel @p0 .LBB2_8-.Ltmp3, $4  }
0x12c: {  	v2 =	vmax.f32 v2, $0.0e+00  }
0x12d: {  	v2 =	vmul.f32 v2, v0  }
0x12e: {  	s12 =	sadd.s32 $0x10, s12;
	v3 =	vpop (erf)  }
0x12f: {  	s28 =	sadd.s32 $0x10, s28;
	v2 =	vadd.f32 v2, v1;
	[tilespmem:s12+$0x0] =	vst v3  }
0x130: {  	_ = 	snop  }
0x131: {  	v3 =	vpop (erf);
	v2 =	vsub.f32 $0.0e+00, v2  }
0x132: {  	v3 =	vadd.f32 $1.000000000e+00, v3  }
0x133: {  	v2 =	vmul.f32 $1.442695020e+00, v2  }
0x134: {  	(erf) = vrcp.f32 v3  }
0x135: {  	(erf) = vpow2.f32 v2;
	_ =	sdelay $0x7  }
0x136: {  	v2 =	vpop (erf)  }
0x137: {  	v3 =	vpop (erf)  }
0x138: {  	v3 =	vadd.f32 $1.000000000e+00, v3;
	_ =	sdelay $0x1  }
0x139: {  	(erf) = vrcp.f32 v3;
	_ =	sdelay $0x7  }
0x13a: {  	s0 =	sadd.s32 $0x10, s12  }
0x13b: {  	[tilespmem:s0+$0x0] =	vst v2;
	s0 =	sadd.s32 $0x10, s0;
	v2 =	vpop (erf)  }
0x13c: {  	[tilespmem:s0+$0x0] =	vst v2  }
0x13d: {  	_ =	swait.ge [sflag:s20], $0x2000  }
0x13e: {  	[sflag:s20] =	ssyncset.done $0x0  }
0x13f: {  	[sflag:s20] =	ssyncadd.s32 $0xFFFFE000  }
0x140: {  	_ =	swait.ge [sflag:s20], $0x2000  }
0x141: {  	[sflag:s20] =	ssyncset.done $0x0  }
0x142: {  	[sflag:s20] =	ssyncadd.s32 $0xFFFFE000  }
0x143: {  	_ =	swait.ge [sflag:s20], $0x40  }
0x144: {  	[sflag:s20] =	ssyncset.done $0x0  }
0x145: {  	[sflag:s20] =	ssyncadd.s32 $0xFFFFFFC0  }
0x146: {  	_ =	swait.ge [sflag:s20], $0x40  }
0x147: {  	[sflag:s20] =	ssyncset.done $0x0  }
0x148: {  	s12 =	simm.s32 $0xC0;
	[sflag:s20] =	ssyncadd.s32 $0xFFFFFFC0  }
0x149: {  	[tilespmem:s21], [sflag:$0x2] =	stream.indirect.gather [hbm4b:s5+s15], $0x80, s12, s15, $0xb8;
	[tilespmem:$0x87C0] =	vst v63  }
0x14a: {  	s3 =	simm.s32 $0x2C0  }
0x14b: {  	[tilespmem:s23], [sflag:$0x2] =	stream.indirect.gather [hbm4b:s6+s15], $0x80, s3, s15, $0xb8;
	[tilespmem:$0x87C0] =	vst v63  }
0x14c: {  	_ = 	snop  }
0x14d: {  	[tilespmem:s24], [sflag:$0x2] =	stream.indirect.gather [hbm4b:s7+s15], $0x1, s12, s15, $0xb8;
	[tilespmem:$0x87C0] =	vst v63  }
0x14e: {  	s22 =	simm.s32 $0x440  }
0x14f: {  	[tilespmem:s25], [sflag:$0x2] =	stream.indirect.gather [hbm4b:s1+s15], $0x1, s3, s15, $0xb8;
	[tilespmem:$0x87C0] =	vst v63  }
0x150: {  	s29 =	simm.s32 $0x4440;
	v2 =	vld [tilespmem:s22+$0xFFFFFFC0]  }
0x151: {  	v3 =	vld [tilespmem:s29+$0xFFFFFFC0]  }
0x152: {  	v4 =	vld [tilespmem:s22+$0xFFFFFFD0]  }
0x153: {  	v5 =	vld [tilespmem:s29+$0xFFFFFFD0]  }
0x154: {  	v6 =	vld [tilespmem:s22+$0xFFFFFFE0]  }
0x155: {  	v7 =	vld [tilespmem:s29+$0xFFFFFFE0]  }
0x156: {  	v8 =	vld [tilespmem:s22+$0xFFFFFFF0]  }
0x157: {  	v9 =	vld [tilespmem:s29+$0xFFFFFFF0]  }
0x158: {  	v10 =	vld [tilespmem:s22+$0x0]  }
0x159: {  	v11 =	vld [tilespmem:s22+$0x20];
	v2 =	vmul.f32 v3, v2;
	v3 =	vmul.f32 v5, v4  }
0x15a: {  	v4 =	vld [tilespmem:s29+$0x0]  }
0x15b: {  	v5 =	vld [tilespmem:s22+$0x10];
	v2 =	vadd.f32 v3, v2;
	v3 =	vmul.f32 v7, v6  }
0x15c: {  	v6 =	vld [tilespmem:s29+$0x10]  }
0x15d: {  	v7 =	vmul.f32 v9, v8;
	v9 =	vld [tilespmem:s29+$0x20];
	v3 =	vadd.f32 v3, v2;
	_ =	sdelay $0x1  }
0x15e: {  	v2 =	vld [tilespmem:s22+$0x30];
	v8 =	vmul.f32 v4, v10;
	v7 =	vadd.f32 v7, v3  }
0x15f: {  	s12 =	simm.s32 $0x4C0;
	v3 =	vld [tilespmem:s29+$0x30]  }
0x160: {  	s22 =	simm.s32 $0x44C0;
	v4 =	vld [tilespmem:s12+$0xFFFFFFC0];
	v5 =	vmul.f32 v6, v5;
	v10 =	vadd.f32 v8, v7  }
0x161: {  	v6 =	vmul.f32 v9, v11;
	v9 =	vld [tilespmem:s22+$0xFFFFFFD0]  }
0x162: {  	v7 =	vld [tilespmem:s22+$0xFFFFFFC0];
	v5 =	vadd.f32 v5, v10  }
0x163: {  	s28 =	simm.s32 $0x2;
	s0 =	simm.s32 $0x0;
	s3 =	simm.s32 $0x1;
	v8 =	vld [tilespmem:s12+$0xFFFFFFD0]  }
.LBB2_10:
0x164: {  	p0 =	sne.s32 s28, $0x3F;
	v10 =	vld [tilespmem:s12+$0xFFFFFFE0];
	v5 =	vadd.f32 v6, v5;
	v2 =	vmul.f32 v3, v2  }
0x165: {  	v3 =	vld [tilespmem:s22+$0xFFFFFFE0]  }
0x166: {  	v6 =	vld [tilespmem:s12+$0xFFFFFFF0];
	v2 =	vadd.f32 v2, v5  }
0x167: {  	v5 =	vld [tilespmem:s22+$0xFFFFFFF0]  }
0x168: {  	v4 =	vmul.f32 v7, v4;
	v7 =	vmul.f32 v9, v8;
	v8 =	vld [tilespmem:s12+$0x0];
	(xrf2) =	vadd.scan.msk.f32 $0xffff, v2  }
0x169: {  	v2 =	vld [tilespmem:s22+$0x0]  }
0x16a: {  	v4 =	vadd.f32 v7, v4;
	v3 =	vmul.f32 v3, v10;
	v7 =	vld [tilespmem:s12+$0x10]  }
0x16b: {  	v9 =	vld [tilespmem:s22+$0x10]  }
0x16c: {  	v3 =	vadd.f32 v3, v4;
	v4 =	vmul.f32 v5, v6;
	v6 =	vld [tilespmem:s12+$0x20]  }
0x16d: {  	v10 =	vld [tilespmem:s22+$0x20]  }
0x16e: {  	v11 =	vmov s0;
	s0 =	smov.u32 s3;
	s3 =	smov.u32 s28;
	v5 =	vadd.f32 v4, v3;
	v8 =	vmul.f32 v2, v8;
	v2 =	vld [tilespmem:s12+$0x30]  }
.Ltmp4:
0x16f: {  	s12 =	sadd.s32 $0x80, s12;
	v3 =	vld [tilespmem:s22+$0x30];
	(pc) =	sbr.rel @p0 .LBB2_10-.Ltmp4, $4  }
0x170: {  	s22 =	sadd.s32 $0x80, s22;
	v4 =	vld [tilespmem:s12+$0xFFFFFFC0];
	v5 =	vadd.f32 v8, v5;
	v9 =	vmul.f32 v9, v7  }
0x171: {  	v7 =	vld [tilespmem:s22+$0xFFFFFFC0]  }
0x172: {  	s29 =	simm.s32 $0x8580;
	v8 =	vld [tilespmem:s12+$0xFFFFFFD0];
	v5 =	vadd.f32 v9, v5;
	v6 =	vmul.f32 v10, v6;
	v10, _, _ =	vpop (xrf2)  }
0x173: {  	s28 =	sadd.s32 $0x1, s28;
	v9 =	vld [tilespmem:s22+$0xFFFFFFD0];
	[tilespmem:v11+s29+$0x0] =	vst.idx.msk vm0, v10  }
0x174: {  	v10 =	vld [tilespmem:s12+$0xFFFFFFE0]  }
0x175: {  	v11 =	vld [tilespmem:s22+$0xFFFFFFE0]  }
0x176: {  	v12 =	vld [tilespmem:s12+$0xFFFFFFF0]  }
0x177: {  	v13 =	vld [tilespmem:s22+$0xFFFFFFF0]  }
0x178: {  	v44 =	vld [tilespmem:s12+$0x0];
	v4 =	vmul.f32 v7, v4;
	v43 =	vmul.f32 v9, v8  }
0x179: {  	v45 =	vld [tilespmem:s22+$0x0]  }
0x17a: {  	v47 =	vld [tilespmem:s12+$0x10];
	v46 =	vmul.f32 v11, v10;
	v4 =	vadd.f32 v43, v4  }
0x17b: {  	v48 =	vld [tilespmem:s22+$0x10]  }
0x17c: {  	v50 =	vld [tilespmem:s12+$0x20];
	v49 =	vmul.f32 v13, v12;
	v4 =	vadd.f32 v46, v4  }
0x17d: {  	v51 =	vld [tilespmem:s22+$0x20]  }
0x17e: {  	v53 =	vld [tilespmem:s12+$0x30];
	v52 =	vmul.f32 v45, v44;
	v4 =	vadd.f32 v49, v4  }
0x17f: {  	v54 =	vld [tilespmem:s22+$0x30]  }
0x180: {  	v55 =	vmul.f32 v48, v47;
	v4 =	vadd.f32 v52, v4;
	_ =	sdelay $0x1  }
0x181: {  	v56 =	vmul.f32 v51, v50;
	v4 =	vadd.f32 v55, v4  }
0x182: {  	v5 =	vadd.f32 v6, v5;
	v2 =	vmul.f32 v3, v2  }
0x183: {  	v57 =	vmul.f32 v54, v53;
	v3 =	vadd.f32 v56, v4  }
0x184: {  	v2 =	vadd.f32 v2, v5  }
0x185: {  	v3 =	vadd.f32 v57, v3  }
0x186: {  	(xrf2) =	vadd.scan.msk.f32 $0xffff, v2  }
0x187: {  	(xrf2) =	vadd.scan.msk.f32 $0xffff, v3;
	_ =	sdelay $0x4  }
0x188: {  	v2 =	vmov s0  }
0x189: {  	v3 =	vmov s3;
	_ =	sdelay $0x2  }
0x18a: {  	v58, _, _ =	vpop (xrf2)  }
0x18b: {  	[tilespmem:v2+s29+$0x0] =	vst.idx.msk vm0, v58;
	v2, _, _ =	vpop (xrf2)  }
0x18c: {  	[tilespmem:v3+s29+$0x0] =	vst.idx.msk vm0, v2  }
0x18d: {  	s22 =	simm.s32 $0x8400;
	v2 =	vld [tilespmem:s29+$0x0]  }
0x18e: {  	v3 =	vld [tilespmem:s22+$0x0]  }
0x18f: {  	s29 =	simm.s32 $0x8480  }
0x190: {  	v4 =	vld [tilespmem:s29+$0x0];
	_ =	sdelay $0x2  }
0x191: {  	v2 =	vadd.f32 v3, v2;
	_ =	sdelay $0x1  }
0x192: {  	v2 =	vadd.f32 v4, v2;
	_ =	sdelay $0x1  }
0x193: {  	v2 =	vmax.f32 v2, $0.0e+00  }
0x194: {  	v2 =	vmul.f32 v2, v0;
	_ =	sdelay $0x1  }
0x195: {  	v2 =	vadd.f32 v2, v1;
	_ =	sdelay $0x1  }
0x196: {  	v2 =	vsub.f32 $0.0e+00, v2;
	_ =	sdelay $0x1  }
0x197: {  	v2 =	vmul.f32 $1.442695020e+00, v2;
	_ =	sdelay $0x1  }
0x198: {  	(erf) = vpow2.f32 v2  }
0x199: {  	s12 =	simm.s32 $0x8410  }
0x19a: {  	s3 =	simm.s32 $0x8590;
	v3 =	vld [tilespmem:s12+$0x0]  }
0x19b: {  	v2 =	vld [tilespmem:s3+$0x0]  }
0x19c: {  	s22 =	simm.s32 $0x8490  }
0x19d: {  	v59 =	vld [tilespmem:s22+$0x0];
	_ =	sdelay $0x2  }
0x19e: {  	v2 =	vadd.f32 v3, v2  }
0x19f: {  	v60 =	vpop (erf)  }
0x1a0: {  	v2 =	vadd.f32 v59, v2;
	v5 =	vadd.f32 $1.000000000e+00, v60;
	_ =	sdelay $0x1  }
0x1a1: {  	v2 =	vmax.f32 v2, $0.0e+00;
	(erf) = vrcp.f32 v5  }
0x1a2: {  	v2 =	vmul.f32 v2, v0;
	_ =	sdelay $0x1  }
0x1a3: {  	s0 =	simm.s32 $0x8420;
	v2 =	vadd.f32 v2, v1  }
0x1a4: {  	v61 =	vld [tilespmem:s0+$0x0];
	s29 =	simm.s32 $0x85A0  }
0x1a5: {  	v3 =	vld [tilespmem:s29+$0x0];
	v2 =	vsub.f32 $0.0e+00, v2  }
0x1a6: {  	s3 =	simm.s32 $0x84A0  }
0x1a7: {  	v62 =	vld [tilespmem:s3+$0x0];
	v2 =	vmul.f32 $1.442695020e+00, v2;
	_ =	sdelay $0x1  }
0x1a8: {  	v63 =	vpop (erf);
	(erf) = vpow2.f32 v2  }
0x1a9: {  	v3 =	vadd.f32 v61, v3;
	_ =	sdelay $0x1  }
0x1aa: {  	v3 =	vadd.f32 v62, v3;
	_ =	sdelay $0x1  }
0x1ab: {  	v3 =	vmax.f32 v3, $0.0e+00  }
0x1ac: {  	v3 =	vmul.f32 v3, v0  }
0x1ad: {  	s12 =	simm.s32 $0x8640  }
0x1ae: {  	s28 =	simm.s32 $0x85B0;
	s22 =	simm.s32 $0x20;
	v2 =	vadd.f32 v3, v1;
	[tilespmem:s12+$0x0] =	vst v63  }
.LBB2_12:
0x1af: {  	v3 =	vld [tilespmem:s28+$0x0];
	s0 =	sadd.s32 $0x10, s0;
	v4 =	vpop (erf)  }
0x1b0: {  	s22 =	sadd.s32 $0x10, s22;
	v5 =	vld [tilespmem:s0+$0x0];
	v2 =	vsub.f32 $0.0e+00, v2;
	v4 =	vadd.f32 $1.000000000e+00, v4  }
0x1b1: {  	s3 =	sadd.s32 $0x10, s3;
	p0 =	slt.u32 s22, $0x30  }
0x1b2: {  	v6 =	vld [tilespmem:s3+$0x0];
	v2 =	vmul.f32 $1.442695020e+00, v2;
	(erf) = vrcp.f32 v4;
	_ =	sdelay $0x1  }
0x1b3: {  	(erf) = vpow2.f32 v2  }
0x1b4: {  	v2 =	vadd.f32 v5, v3;
	_ =	sdelay $0x1  }
0x1b5: {  	v2 =	vadd.f32 v6, v2  }
.Ltmp5:
0x1b6: {  	(pc) =	sbr.rel @p0 .LBB2_12-.Ltmp5, $4  }
0x1b7: {  	v2 =	vmax.f32 v2, $0.0e+00  }
0x1b8: {  	v2 =	vmul.f32 v2, v0  }
0x1b9: {  	s12 =	sadd.s32 $0x10, s12;
	v3 =	vpop (erf)  }
0x1ba: {  	s28 =	sadd.s32 $0x10, s28;
	v2 =	vadd.f32 v2, v1;
	[tilespmem:s12+$0x0] =	vst v3  }
0x1bb: {  	_ = 	snop  }
0x1bc: {  	v3 =	vpop (erf);
	v2 =	vsub.f32 $0.0e+00, v2  }
0x1bd: {  	v3 =	vadd.f32 $1.000000000e+00, v3  }
0x1be: {  	v2 =	vmul.f32 $1.442695020e+00, v2  }
0x1bf: {  	(erf) = vrcp.f32 v3  }
0x1c0: {  	(erf) = vpow2.f32 v2;
	_ =	sdelay $0x7  }
0x1c1: {  	v2 =	vpop (erf)  }
0x1c2: {  	v3 =	vpop (erf)  }
0x1c3: {  	v3 =	vadd.f32 $1.000000000e+00, v3;
	_ =	sdelay $0x1  }
0x1c4: {  	(erf) = vrcp.f32 v3;
	_ =	sdelay $0x7  }
0x1c5: {  	s0 =	sadd.s32 $0x10, s12  }
0x1c6: {  	[tilespmem:s0+$0x0] =	vst v2;
	s0 =	sadd.s32 $0x10, s0;
	v2 =	vpop (erf)  }
0x1c7: {  	[tilespmem:s0+$0x0] =	vst v2  }
0x1c8: {  	_ =	swait.ge [sflag:s26], $0x2000  }
0x1c9: {  	[sflag:s26] =	ssyncset.done $0x0  }
0x1ca: {  	[sflag:s26] =	ssyncadd.s32 $0xFFFFE000  }
0x1cb: {  	_ =	swait.ge [sflag:s26], $0x2000  }
0x1cc: {  	[sflag:s26] =	ssyncset.done $0x0  }
0x1cd: {  	[sflag:s26] =	ssyncadd.s32 $0xFFFFE000  }
0x1ce: {  	_ =	swait.ge [sflag:s26], $0x40  }
0x1cf: {  	[sflag:s26] =	ssyncset.done $0x0  }
0x1d0: {  	[sflag:s26] =	ssyncadd.s32 $0xFFFFFFC0  }
0x1d1: {  	_ =	swait.ge [sflag:s26], $0x40  }
0x1d2: {  	[sflag:s26] =	ssyncset.done $0x0  }
0x1d3: {  	s12 =	simm.s32 $0x100;
	[sflag:s26] =	ssyncadd.s32 $0xFFFFFFC0  }
0x1d4: {  	[tilespmem:s16], [sflag:$0x1] =	stream.indirect.gather [hbm4b:s5+s15], $0x80, s12, s15, $0xb8;
	[tilespmem:$0x87C0] =	vst v63  }
0x1d5: {  	s3 =	simm.s32 $0x300  }
0x1d6: {  	[tilespmem:s17], [sflag:$0x1] =	stream.indirect.gather [hbm4b:s6+s15], $0x80, s3, s15, $0xb8;
	[tilespmem:$0x87C0] =	vst v63  }
0x1d7: {  	_ = 	snop  }
0x1d8: {  	[tilespmem:s18], [sflag:$0x1] =	stream.indirect.gather [hbm4b:s7+s15], $0x1, s12, s15, $0xb8;
	[tilespmem:$0x87C0] =	vst v63  }
0x1d9: {  	s22 =	simm.s32 $0x2470  }
0x1da: {  	[tilespmem:s19], [sflag:$0x1] =	stream.indirect.gather [hbm4b:s1+s15], $0x1, s3, s15, $0xb8;
	[tilespmem:$0x87C0] =	vst v63  }
0x1db: {  	s29 =	simm.s32 $0x6470;
	v2 =	vld [tilespmem:s22+$0xFFFFFF90]  }
0x1dc: {  	v3 =	vld [tilespmem:s29+$0xFFFFFF90]  }
0x1dd: {  	v4 =	vld [tilespmem:s22+$0xFFFFFFA0]  }
0x1de: {  	v5 =	vld [tilespmem:s29+$0xFFFFFFA0]  }
0x1df: {  	v6 =	vld [tilespmem:s22+$0xFFFFFFB0]  }
0x1e0: {  	v7 =	vld [tilespmem:s29+$0xFFFFFFB0]  }
0x1e1: {  	v8 =	vld [tilespmem:s22+$0xFFFFFFC0]  }
0x1e2: {  	v9 =	vld [tilespmem:s29+$0xFFFFFFC0]  }
0x1e3: {  	v10 =	vld [tilespmem:s22+$0xFFFFFFD0]  }
0x1e4: {  	v11 =	vld [tilespmem:s22+$0xFFFFFFF0];
	v2 =	vmul.f32 v3, v2;
	v3 =	vmul.f32 v5, v4  }
0x1e5: {  	v4 =	vld [tilespmem:s29+$0xFFFFFFD0]  }
0x1e6: {  	v5 =	vld [tilespmem:s22+$0xFFFFFFE0];
	v2 =	vadd.f32 v3, v2;
	v3 =	vmul.f32 v7, v6  }
0x1e7: {  	v6 =	vld [tilespmem:s29+$0xFFFFFFE0]  }
0x1e8: {  	v7 =	vmul.f32 v9, v8;
	v9 =	vld [tilespmem:s29+$0xFFFFFFF0];
	v3 =	vadd.f32 v3, v2;
	_ =	sdelay $0x1  }
0x1e9: {  	v2 =	vld [tilespmem:s22+$0x0];
	v8 =	vmul.f32 v4, v10;
	v7 =	vadd.f32 v7, v3  }
0x1ea: {  	s12 =	simm.s32 $0x24F0;
	v3 =	vld [tilespmem:s29+$0x0]  }
0x1eb: {  	s22 =	simm.s32 $0x64F0;
	v4 =	vld [tilespmem:s12+$0xFFFFFF90];
	v5 =	vmul.f32 v6, v5;
	v10 =	vadd.f32 v8, v7  }
0x1ec: {  	v6 =	vmul.f32 v9, v11;
	v9 =	vld [tilespmem:s22+$0xFFFFFFA0]  }
0x1ed: {  	v7 =	vld [tilespmem:s22+$0xFFFFFF90];
	v5 =	vadd.f32 v5, v10  }
0x1ee: {  	s28 =	simm.s32 $0x2;
	s0 =	simm.s32 $0x0;
	s3 =	simm.s32 $0x1;
	v8 =	vld [tilespmem:s12+$0xFFFFFFA0]  }
.LBB2_14:
0x1ef: {  	p0 =	sne.s32 s28, $0x3F;
	v10 =	vld [tilespmem:s12+$0xFFFFFFB0];
	v5 =	vadd.f32 v6, v5;
	v2 =	vmul.f32 v3, v2  }
0x1f0: {  	v3 =	vld [tilespmem:s22+$0xFFFFFFB0]  }
0x1f1: {  	v6 =	vld [tilespmem:s12+$0xFFFFFFC0];
	v2 =	vadd.f32 v2, v5  }
0x1f2: {  	v5 =	vld [tilespmem:s22+$0xFFFFFFC0]  }
0x1f3: {  	v4 =	vmul.f32 v7, v4;
	v7 =	vmul.f32 v9, v8;
	v8 =	vld [tilespmem:s12+$0xFFFFFFD0];
	(xrf2) =	vadd.scan.msk.f32 $0xffff, v2  }
0x1f4: {  	v2 =	vld [tilespmem:s22+$0xFFFFFFD0]  }
0x1f5: {  	v4 =	vadd.f32 v7, v4;
	v3 =	vmul.f32 v3, v10;
	v7 =	vld [tilespmem:s12+$0xFFFFFFE0]  }
0x1f6: {  	v9 =	vld [tilespmem:s22+$0xFFFFFFE0]  }
0x1f7: {  	v3 =	vadd.f32 v3, v4;
	v4 =	vmul.f32 v5, v6;
	v6 =	vld [tilespmem:s12+$0xFFFFFFF0]  }
0x1f8: {  	v10 =	vld [tilespmem:s22+$0xFFFFFFF0]  }
0x1f9: {  	v11 =	vmov s0;
	s0 =	smov.u32 s3;
	s3 =	smov.u32 s28;
	v5 =	vadd.f32 v4, v3;
	v8 =	vmul.f32 v2, v8;
	v2 =	vld [tilespmem:s12+$0x0]  }
.Ltmp6:
0x1fa: {  	s12 =	sadd.s32 $0x80, s12;
	v3 =	vld [tilespmem:s22+$0x0];
	(pc) =	sbr.rel @p0 .LBB2_14-.Ltmp6, $4  }
0x1fb: {  	s22 =	sadd.s32 $0x80, s22;
	v4 =	vld [tilespmem:s12+$0xFFFFFF90];
	v5 =	vadd.f32 v8, v5;
	v9 =	vmul.f32 v9, v7  }
0x1fc: {  	v7 =	vld [tilespmem:s22+$0xFFFFFF90]  }
0x1fd: {  	s29 =	simm.s32 $0x8580;
	v8 =	vld [tilespmem:s12+$0xFFFFFFA0];
	v5 =	vadd.f32 v9, v5;
	v6 =	vmul.f32 v10, v6;
	v10, _, _ =	vpop (xrf2)  }
0x1fe: {  	s28 =	sadd.s32 $0x1, s28;
	v9 =	vld [tilespmem:s22+$0xFFFFFFA0];
	[tilespmem:v11+s29+$0x0] =	vst.idx.msk vm0, v10  }
0x1ff: {  	v10 =	vld [tilespmem:s12+$0xFFFFFFB0]  }
0x200: {  	v11 =	vld [tilespmem:s22+$0xFFFFFFB0]  }
0x201: {  	v12 =	vld [tilespmem:s12+$0xFFFFFFC0]  }
0x202: {  	v13 =	vld [tilespmem:s22+$0xFFFFFFC0]  }
0x203: {  	v44 =	vld [tilespmem:s12+$0xFFFFFFD0];
	v4 =	vmul.f32 v7, v4;
	v43 =	vmul.f32 v9, v8  }
0x204: {  	v45 =	vld [tilespmem:s22+$0xFFFFFFD0]  }
0x205: {  	v47 =	vld [tilespmem:s12+$0xFFFFFFE0];
	v46 =	vmul.f32 v11, v10;
	v4 =	vadd.f32 v43, v4  }
0x206: {  	v48 =	vld [tilespmem:s22+$0xFFFFFFE0]  }
0x207: {  	v50 =	vld [tilespmem:s12+$0xFFFFFFF0];
	v49 =	vmul.f32 v13, v12;
	v4 =	vadd.f32 v46, v4  }
0x208: {  	v51 =	vld [tilespmem:s22+$0xFFFFFFF0]  }
0x209: {  	v53 =	vld [tilespmem:s12+$0x0];
	v52 =	vmul.f32 v45, v44;
	v4 =	vadd.f32 v49, v4  }
0x20a: {  	v54 =	vld [tilespmem:s22+$0x0]  }
0x20b: {  	v55 =	vmul.f32 v48, v47;
	v4 =	vadd.f32 v52, v4;
	_ =	sdelay $0x1  }
0x20c: {  	v56 =	vmul.f32 v51, v50;
	v4 =	vadd.f32 v55, v4  }
0x20d: {  	v5 =	vadd.f32 v6, v5;
	v2 =	vmul.f32 v3, v2  }
0x20e: {  	v57 =	vmul.f32 v54, v53;
	v3 =	vadd.f32 v56, v4  }
0x20f: {  	v2 =	vadd.f32 v2, v5  }
0x210: {  	v3 =	vadd.f32 v57, v3  }
0x211: {  	(xrf2) =	vadd.scan.msk.f32 $0xffff, v2  }
0x212: {  	(xrf2) =	vadd.scan.msk.f32 $0xffff, v3;
	_ =	sdelay $0x4  }
0x213: {  	v2 =	vmov s0  }
0x214: {  	v3 =	vmov s3;
	_ =	sdelay $0x2  }
0x215: {  	v58, _, _ =	vpop (xrf2)  }
0x216: {  	[tilespmem:v2+s29+$0x0] =	vst.idx.msk vm0, v58;
	v2, _, _ =	vpop (xrf2)  }
0x217: {  	[tilespmem:v3+s29+$0x0] =	vst.idx.msk vm0, v2  }
0x218: {  	s22 =	simm.s32 $0x8440;
	v2 =	vld [tilespmem:s29+$0x0]  }
0x219: {  	v3 =	vld [tilespmem:s22+$0x0]  }
0x21a: {  	s29 =	simm.s32 $0x84C0  }
0x21b: {  	v4 =	vld [tilespmem:s29+$0x0];
	_ =	sdelay $0x2  }
0x21c: {  	v2 =	vadd.f32 v3, v2;
	_ =	sdelay $0x1  }
0x21d: {  	v2 =	vadd.f32 v4, v2;
	_ =	sdelay $0x1  }
0x21e: {  	v2 =	vmax.f32 v2, $0.0e+00  }
0x21f: {  	v2 =	vmul.f32 v2, v0;
	_ =	sdelay $0x1  }
0x220: {  	v2 =	vadd.f32 v2, v1;
	_ =	sdelay $0x1  }
0x221: {  	v2 =	vsub.f32 $0.0e+00, v2;
	_ =	sdelay $0x1  }
0x222: {  	v2 =	vmul.f32 $1.442695020e+00, v2;
	_ =	sdelay $0x1  }
0x223: {  	(erf) = vpow2.f32 v2  }
0x224: {  	s12 =	simm.s32 $0x8450  }
0x225: {  	s3 =	simm.s32 $0x8590;
	v3 =	vld [tilespmem:s12+$0x0]  }
0x226: {  	v2 =	vld [tilespmem:s3+$0x0]  }
0x227: {  	s22 =	simm.s32 $0x84D0  }
0x228: {  	v59 =	vld [tilespmem:s22+$0x0];
	_ =	sdelay $0x2  }
0x229: {  	v2 =	vadd.f32 v3, v2  }
0x22a: {  	v60 =	vpop (erf)  }
0x22b: {  	v2 =	vadd.f32 v59, v2;
	v5 =	vadd.f32 $1.000000000e+00, v60;
	_ =	sdelay $0x1  }
0x22c: {  	v2 =	vmax.f32 v2, $0.0e+00;
	(erf) = vrcp.f32 v5  }
0x22d: {  	v2 =	vmul.f32 v2, v0;
	_ =	sdelay $0x1  }
0x22e: {  	s0 =	simm.s32 $0x8460;
	v2 =	vadd.f32 v2, v1  }
0x22f: {  	v61 =	vld [tilespmem:s0+$0x0];
	s29 =	simm.s32 $0x85A0  }
0x230: {  	v3 =	vld [tilespmem:s29+$0x0];
	v2 =	vsub.f32 $0.0e+00, v2  }
0x231: {  	s3 =	simm.s32 $0x84E0  }
0x232: {  	v62 =	vld [tilespmem:s3+$0x0];
	v2 =	vmul.f32 $1.442695020e+00, v2;
	_ =	sdelay $0x1  }
0x233: {  	v63 =	vpop (erf);
	(erf) = vpow2.f32 v2  }
0x234: {  	v3 =	vadd.f32 v61, v3;
	_ =	sdelay $0x1  }
0x235: {  	v3 =	vadd.f32 v62, v3;
	_ =	sdelay $0x1  }
0x236: {  	v3 =	vmax.f32 v3, $0.0e+00  }
0x237: {  	v3 =	vmul.f32 v3, v0  }
0x238: {  	s12 =	simm.s32 $0x8680  }
0x239: {  	s28 =	simm.s32 $0x85B0;
	s22 =	simm.s32 $0x20;
	v2 =	vadd.f32 v3, v1;
	[tilespmem:s12+$0x0] =	vst v63  }
.LBB2_16:
0x23a: {  	v3 =	vld [tilespmem:s28+$0x0];
	s0 =	sadd.s32 $0x10, s0;
	v4 =	vpop (erf)  }
0x23b: {  	s22 =	sadd.s32 $0x10, s22;
	v5 =	vld [tilespmem:s0+$0x0];
	v2 =	vsub.f32 $0.0e+00, v2;
	v4 =	vadd.f32 $1.000000000e+00, v4  }
0x23c: {  	s3 =	sadd.s32 $0x10, s3;
	p0 =	slt.u32 s22, $0x30  }
0x23d: {  	v6 =	vld [tilespmem:s3+$0x0];
	v2 =	vmul.f32 $1.442695020e+00, v2;
	(erf) = vrcp.f32 v4;
	_ =	sdelay $0x1  }
0x23e: {  	(erf) = vpow2.f32 v2  }
0x23f: {  	v2 =	vadd.f32 v5, v3;
	_ =	sdelay $0x1  }
0x240: {  	v2 =	vadd.f32 v6, v2  }
.Ltmp7:
0x241: {  	(pc) =	sbr.rel @p0 .LBB2_16-.Ltmp7, $4  }
0x242: {  	v2 =	vmax.f32 v2, $0.0e+00  }
0x243: {  	v2 =	vmul.f32 v2, v0  }
0x244: {  	s12 =	sadd.s32 $0x10, s12;
	v3 =	vpop (erf)  }
0x245: {  	s28 =	sadd.s32 $0x10, s28;
	v2 =	vadd.f32 v2, v1;
	[tilespmem:s12+$0x0] =	vst v3  }
0x246: {  	_ = 	snop  }
0x247: {  	v3 =	vpop (erf);
	v2 =	vsub.f32 $0.0e+00, v2  }
0x248: {  	v3 =	vadd.f32 $1.000000000e+00, v3  }
0x249: {  	v2 =	vmul.f32 $1.442695020e+00, v2  }
0x24a: {  	(erf) = vrcp.f32 v3  }
0x24b: {  	(erf) = vpow2.f32 v2;
	_ =	sdelay $0x7  }
0x24c: {  	v2 =	vpop (erf)  }
0x24d: {  	v3 =	vpop (erf)  }
0x24e: {  	v3 =	vadd.f32 $1.000000000e+00, v3;
	_ =	sdelay $0x1  }
0x24f: {  	(erf) = vrcp.f32 v3;
	_ =	sdelay $0x7  }
0x250: {  	s0 =	sadd.s32 $0x10, s12  }
0x251: {  	[tilespmem:s0+$0x0] =	vst v2;
	s0 =	sadd.s32 $0x10, s0;
	v2 =	vpop (erf)  }
0x252: {  	[tilespmem:s0+$0x0] =	vst v2  }
0x253: {  	_ =	swait.ge [sflag:s20], $0x2000  }
0x254: {  	[sflag:s20] =	ssyncset.done $0x0  }
0x255: {  	[sflag:s20] =	ssyncadd.s32 $0xFFFFE000  }
0x256: {  	_ =	swait.ge [sflag:s20], $0x2000  }
0x257: {  	[sflag:s20] =	ssyncset.done $0x0  }
0x258: {  	[sflag:s20] =	ssyncadd.s32 $0xFFFFE000  }
0x259: {  	_ =	swait.ge [sflag:s20], $0x40  }
0x25a: {  	[sflag:s20] =	ssyncset.done $0x0  }
0x25b: {  	[sflag:s20] =	ssyncadd.s32 $0xFFFFFFC0  }
0x25c: {  	_ =	swait.ge [sflag:s20], $0x40  }
0x25d: {  	[sflag:s20] =	ssyncset.done $0x0  }
0x25e: {  	s12 =	simm.s32 $0x140;
	[sflag:s20] =	ssyncadd.s32 $0xFFFFFFC0  }
0x25f: {  	[tilespmem:s21], [sflag:$0x2] =	stream.indirect.gather [hbm4b:s5+s15], $0x80, s12, s15, $0xb8;
	[tilespmem:$0x87C0] =	vst v63  }
0x260: {  	s3 =	simm.s32 $0x340  }
0x261: {  	[tilespmem:s23], [sflag:$0x2] =	stream.indirect.gather [hbm4b:s6+s15], $0x80, s3, s15, $0xb8;
	[tilespmem:$0x87C0] =	vst v63  }
0x262: {  	_ = 	snop  }
0x263: {  	[tilespmem:s24], [sflag:$0x2] =	stream.indirect.gather [hbm4b:s7+s15], $0x1, s12, s15, $0xb8;
	[tilespmem:$0x87C0] =	vst v63  }
0x264: {  	s22 =	simm.s32 $0x440  }
0x265: {  	[tilespmem:s25], [sflag:$0x2] =	stream.indirect.gather [hbm4b:s1+s15], $0x1, s3, s15, $0xb8;
	[tilespmem:$0x87C0] =	vst v63  }
0x266: {  	s29 =	simm.s32 $0x4440;
	v2 =	vld [tilespmem:s22+$0xFFFFFFC0]  }
0x267: {  	v3 =	vld [tilespmem:s29+$0xFFFFFFC0]  }
0x268: {  	v4 =	vld [tilespmem:s22+$0xFFFFFFD0]  }
0x269: {  	v5 =	vld [tilespmem:s29+$0xFFFFFFD0]  }
0x26a: {  	v6 =	vld [tilespmem:s22+$0xFFFFFFE0]  }
0x26b: {  	v7 =	vld [tilespmem:s29+$0xFFFFFFE0]  }
0x26c: {  	v8 =	vld [tilespmem:s22+$0xFFFFFFF0]  }
0x26d: {  	v9 =	vld [tilespmem:s29+$0xFFFFFFF0]  }
0x26e: {  	v10 =	vld [tilespmem:s22+$0x0]  }
0x26f: {  	v11 =	vld [tilespmem:s22+$0x20];
	v2 =	vmul.f32 v3, v2;
	v3 =	vmul.f32 v5, v4  }
0x270: {  	v4 =	vld [tilespmem:s29+$0x0]  }
0x271: {  	v5 =	vld [tilespmem:s22+$0x10];
	v2 =	vadd.f32 v3, v2;
	v3 =	vmul.f32 v7, v6  }
0x272: {  	v6 =	vld [tilespmem:s29+$0x10]  }
0x273: {  	v7 =	vmul.f32 v9, v8;
	v9 =	vld [tilespmem:s29+$0x20];
	v3 =	vadd.f32 v3, v2;
	_ =	sdelay $0x1  }
0x274: {  	v2 =	vld [tilespmem:s22+$0x30];
	v8 =	vmul.f32 v4, v10;
	v7 =	vadd.f32 v7, v3  }
0x275: {  	s12 =	simm.s32 $0x4C0;
	v3 =	vld [tilespmem:s29+$0x30]  }
0x276: {  	s22 =	simm.s32 $0x44C0;
	v4 =	vld [tilespmem:s12+$0xFFFFFFC0];
	v5 =	vmul.f32 v6, v5;
	v10 =	vadd.f32 v8, v7  }
0x277: {  	v6 =	vmul.f32 v9, v11;
	v9 =	vld [tilespmem:s22+$0xFFFFFFD0]  }
0x278: {  	v7 =	vld [tilespmem:s22+$0xFFFFFFC0];
	v5 =	vadd.f32 v5, v10  }
0x279: {  	s28 =	simm.s32 $0x2;
	s0 =	simm.s32 $0x0;
	s3 =	simm.s32 $0x1;
	v8 =	vld [tilespmem:s12+$0xFFFFFFD0]  }
.LBB2_18:
0x27a: {  	p0 =	sne.s32 s28, $0x3F;
	v10 =	vld [tilespmem:s12+$0xFFFFFFE0];
	v5 =	vadd.f32 v6, v5;
	v2 =	vmul.f32 v3, v2  }
0x27b: {  	v3 =	vld [tilespmem:s22+$0xFFFFFFE0]  }
0x27c: {  	v6 =	vld [tilespmem:s12+$0xFFFFFFF0];
	v2 =	vadd.f32 v2, v5  }
0x27d: {  	v5 =	vld [tilespmem:s22+$0xFFFFFFF0]  }
0x27e: {  	v4 =	vmul.f32 v7, v4;
	v7 =	vmul.f32 v9, v8;
	v8 =	vld [tilespmem:s12+$0x0];
	(xrf2) =	vadd.scan.msk.f32 $0xffff, v2  }
0x27f: {  	v2 =	vld [tilespmem:s22+$0x0]  }
0x280: {  	v4 =	vadd.f32 v7, v4;
	v3 =	vmul.f32 v3, v10;
	v7 =	vld [tilespmem:s12+$0x10]  }
0x281: {  	v9 =	vld [tilespmem:s22+$0x10]  }
0x282: {  	v3 =	vadd.f32 v3, v4;
	v4 =	vmul.f32 v5, v6;
	v6 =	vld [tilespmem:s12+$0x20]  }
0x283: {  	v10 =	vld [tilespmem:s22+$0x20]  }
0x284: {  	v11 =	vmov s0;
	s0 =	smov.u32 s3;
	s3 =	smov.u32 s28;
	v5 =	vadd.f32 v4, v3;
	v8 =	vmul.f32 v2, v8;
	v2 =	vld [tilespmem:s12+$0x30]  }
.Ltmp8:
0x285: {  	s12 =	sadd.s32 $0x80, s12;
	v3 =	vld [tilespmem:s22+$0x30];
	(pc) =	sbr.rel @p0 .LBB2_18-.Ltmp8, $4  }
0x286: {  	s22 =	sadd.s32 $0x80, s22;
	v4 =	vld [tilespmem:s12+$0xFFFFFFC0];
	v5 =	vadd.f32 v8, v5;
	v9 =	vmul.f32 v9, v7  }
0x287: {  	v7 =	vld [tilespmem:s22+$0xFFFFFFC0]  }
0x288: {  	s29 =	simm.s32 $0x8580;
	v8 =	vld [tilespmem:s12+$0xFFFFFFD0];
	v5 =	vadd.f32 v9, v5;
	v6 =	vmul.f32 v10, v6;
	v10, _, _ =	vpop (xrf2)  }
0x289: {  	s28 =	sadd.s32 $0x1, s28;
	v9 =	vld [tilespmem:s22+$0xFFFFFFD0];
	[tilespmem:v11+s29+$0x0] =	vst.idx.msk vm0, v10  }
0x28a: {  	v10 =	vld [tilespmem:s12+$0xFFFFFFE0]  }
0x28b: {  	v11 =	vld [tilespmem:s22+$0xFFFFFFE0]  }
0x28c: {  	v12 =	vld [tilespmem:s12+$0xFFFFFFF0]  }
0x28d: {  	v13 =	vld [tilespmem:s22+$0xFFFFFFF0]  }
0x28e: {  	v44 =	vld [tilespmem:s12+$0x0];
	v4 =	vmul.f32 v7, v4;
	v43 =	vmul.f32 v9, v8  }
0x28f: {  	v45 =	vld [tilespmem:s22+$0x0]  }
0x290: {  	v47 =	vld [tilespmem:s12+$0x10];
	v46 =	vmul.f32 v11, v10;
	v4 =	vadd.f32 v43, v4  }
0x291: {  	v48 =	vld [tilespmem:s22+$0x10]  }
0x292: {  	v50 =	vld [tilespmem:s12+$0x20];
	v49 =	vmul.f32 v13, v12;
	v4 =	vadd.f32 v46, v4  }
0x293: {  	v51 =	vld [tilespmem:s22+$0x20]  }
0x294: {  	v53 =	vld [tilespmem:s12+$0x30];
	v52 =	vmul.f32 v45, v44;
	v4 =	vadd.f32 v49, v4  }
0x295: {  	v54 =	vld [tilespmem:s22+$0x30]  }
0x296: {  	v55 =	vmul.f32 v48, v47;
	v4 =	vadd.f32 v52, v4;
	_ =	sdelay $0x1  }
0x297: {  	v56 =	vmul.f32 v51, v50;
	v4 =	vadd.f32 v55, v4  }
0x298: {  	v5 =	vadd.f32 v6, v5;
	v2 =	vmul.f32 v3, v2  }
0x299: {  	v57 =	vmul.f32 v54, v53;
	v3 =	vadd.f32 v56, v4  }
0x29a: {  	v2 =	vadd.f32 v2, v5  }
0x29b: {  	v3 =	vadd.f32 v57, v3  }
0x29c: {  	(xrf2) =	vadd.scan.msk.f32 $0xffff, v2  }
0x29d: {  	(xrf2) =	vadd.scan.msk.f32 $0xffff, v3;
	_ =	sdelay $0x4  }
0x29e: {  	v2 =	vmov s0  }
0x29f: {  	v3 =	vmov s3;
	_ =	sdelay $0x2  }
0x2a0: {  	v58, _, _ =	vpop (xrf2)  }
0x2a1: {  	[tilespmem:v2+s29+$0x0] =	vst.idx.msk vm0, v58;
	v2, _, _ =	vpop (xrf2)  }
0x2a2: {  	[tilespmem:v3+s29+$0x0] =	vst.idx.msk vm0, v2  }
0x2a3: {  	s22 =	simm.s32 $0x8400;
	v2 =	vld [tilespmem:s29+$0x0]  }
0x2a4: {  	v3 =	vld [tilespmem:s22+$0x0]  }
0x2a5: {  	s29 =	simm.s32 $0x8480  }
0x2a6: {  	v4 =	vld [tilespmem:s29+$0x0];
	_ =	sdelay $0x2  }
0x2a7: {  	v2 =	vadd.f32 v3, v2;
	_ =	sdelay $0x1  }
0x2a8: {  	v2 =	vadd.f32 v4, v2;
	_ =	sdelay $0x1  }
0x2a9: {  	v2 =	vmax.f32 v2, $0.0e+00  }
0x2aa: {  	v2 =	vmul.f32 v2, v0;
	_ =	sdelay $0x1  }
0x2ab: {  	v2 =	vadd.f32 v2, v1;
	_ =	sdelay $0x1  }
0x2ac: {  	v2 =	vsub.f32 $0.0e+00, v2;
	_ =	sdelay $0x1  }
0x2ad: {  	v2 =	vmul.f32 $1.442695020e+00, v2;
	_ =	sdelay $0x1  }
0x2ae: {  	(erf) = vpow2.f32 v2  }
0x2af: {  	s12 =	simm.s32 $0x8410  }
0x2b0: {  	s3 =	simm.s32 $0x8590;
	v3 =	vld [tilespmem:s12+$0x0]  }
0x2b1: {  	v2 =	vld [tilespmem:s3+$0x0]  }
0x2b2: {  	s22 =	simm.s32 $0x8490  }
0x2b3: {  	v59 =	vld [tilespmem:s22+$0x0];
	_ =	sdelay $0x2  }
0x2b4: {  	v2 =	vadd.f32 v3, v2  }
0x2b5: {  	v60 =	vpop (erf)  }
0x2b6: {  	v2 =	vadd.f32 v59, v2;
	v5 =	vadd.f32 $1.000000000e+00, v60;
	_ =	sdelay $0x1  }
0x2b7: {  	v2 =	vmax.f32 v2, $0.0e+00;
	(erf) = vrcp.f32 v5  }
0x2b8: {  	v2 =	vmul.f32 v2, v0;
	_ =	sdelay $0x1  }
0x2b9: {  	s0 =	simm.s32 $0x8420;
	v2 =	vadd.f32 v2, v1  }
0x2ba: {  	v61 =	vld [tilespmem:s0+$0x0];
	s29 =	simm.s32 $0x85A0  }
0x2bb: {  	v3 =	vld [tilespmem:s29+$0x0];
	v2 =	vsub.f32 $0.0e+00, v2  }
0x2bc: {  	s3 =	simm.s32 $0x84A0  }
0x2bd: {  	v62 =	vld [tilespmem:s3+$0x0];
	v2 =	vmul.f32 $1.442695020e+00, v2;
	_ =	sdelay $0x1  }
0x2be: {  	v63 =	vpop (erf);
	(erf) = vpow2.f32 v2  }
0x2bf: {  	v3 =	vadd.f32 v61, v3;
	_ =	sdelay $0x1  }
0x2c0: {  	v3 =	vadd.f32 v62, v3;
	_ =	sdelay $0x1  }
0x2c1: {  	v3 =	vmax.f32 v3, $0.0e+00  }
0x2c2: {  	v3 =	vmul.f32 v3, v0  }
0x2c3: {  	s12 =	simm.s32 $0x86C0  }
0x2c4: {  	s28 =	simm.s32 $0x85B0;
	s22 =	simm.s32 $0x20;
	v2 =	vadd.f32 v3, v1;
	[tilespmem:s12+$0x0] =	vst v63  }
.LBB2_20:
0x2c5: {  	v3 =	vld [tilespmem:s28+$0x0];
	s0 =	sadd.s32 $0x10, s0;
	v4 =	vpop (erf)  }
0x2c6: {  	s22 =	sadd.s32 $0x10, s22;
	v5 =	vld [tilespmem:s0+$0x0];
	v2 =	vsub.f32 $0.0e+00, v2;
	v4 =	vadd.f32 $1.000000000e+00, v4  }
0x2c7: {  	s3 =	sadd.s32 $0x10, s3;
	p0 =	slt.u32 s22, $0x30  }
0x2c8: {  	v6 =	vld [tilespmem:s3+$0x0];
	v2 =	vmul.f32 $1.442695020e+00, v2;
	(erf) = vrcp.f32 v4;
	_ =	sdelay $0x1  }
0x2c9: {  	(erf) = vpow2.f32 v2  }
0x2ca: {  	v2 =	vadd.f32 v5, v3;
	_ =	sdelay $0x1  }
0x2cb: {  	v2 =	vadd.f32 v6, v2  }
.Ltmp9:
0x2cc: {  	(pc) =	sbr.rel @p0 .LBB2_20-.Ltmp9, $4  }
0x2cd: {  	v2 =	vmax.f32 v2, $0.0e+00  }
0x2ce: {  	v2 =	vmul.f32 v2, v0  }
0x2cf: {  	s12 =	sadd.s32 $0x10, s12;
	v3 =	vpop (erf)  }
0x2d0: {  	s28 =	sadd.s32 $0x10, s28;
	v2 =	vadd.f32 v2, v1;
	[tilespmem:s12+$0x0] =	vst v3  }
0x2d1: {  	_ = 	snop  }
0x2d2: {  	v3 =	vpop (erf);
	v2 =	vsub.f32 $0.0e+00, v2  }
0x2d3: {  	v3 =	vadd.f32 $1.000000000e+00, v3  }
0x2d4: {  	v2 =	vmul.f32 $1.442695020e+00, v2  }
0x2d5: {  	(erf) = vrcp.f32 v3  }
0x2d6: {  	(erf) = vpow2.f32 v2;
	_ =	sdelay $0x7  }
0x2d7: {  	v2 =	vpop (erf)  }
0x2d8: {  	v3 =	vpop (erf)  }
0x2d9: {  	v3 =	vadd.f32 $1.000000000e+00, v3;
	_ =	sdelay $0x1  }
0x2da: {  	(erf) = vrcp.f32 v3;
	_ =	sdelay $0x7  }
0x2db: {  	s0 =	sadd.s32 $0x10, s12  }
0x2dc: {  	[tilespmem:s0+$0x0] =	vst v2;
	s0 =	sadd.s32 $0x10, s0;
	v2 =	vpop (erf)  }
0x2dd: {  	[tilespmem:s0+$0x0] =	vst v2  }
0x2de: {  	_ =	swait.ge [sflag:s26], $0x2000  }
0x2df: {  	[sflag:s26] =	ssyncset.done $0x0  }
0x2e0: {  	[sflag:s26] =	ssyncadd.s32 $0xFFFFE000  }
0x2e1: {  	_ =	swait.ge [sflag:s26], $0x2000  }
0x2e2: {  	[sflag:s26] =	ssyncset.done $0x0  }
0x2e3: {  	[sflag:s26] =	ssyncadd.s32 $0xFFFFE000  }
0x2e4: {  	_ =	swait.ge [sflag:s26], $0x40  }
0x2e5: {  	[sflag:s26] =	ssyncset.done $0x0  }
0x2e6: {  	[sflag:s26] =	ssyncadd.s32 $0xFFFFFFC0  }
0x2e7: {  	_ =	swait.ge [sflag:s26], $0x40  }
0x2e8: {  	[sflag:s26] =	ssyncset.done $0x0  }
0x2e9: {  	s12 =	simm.s32 $0x180;
	[sflag:s26] =	ssyncadd.s32 $0xFFFFFFC0  }
0x2ea: {  	[tilespmem:s16], [sflag:$0x1] =	stream.indirect.gather [hbm4b:s5+s15], $0x80, s12, s15, $0xb8;
	[tilespmem:$0x87C0] =	vst v63  }
0x2eb: {  	s3 =	simm.s32 $0x380  }
0x2ec: {  	[tilespmem:s17], [sflag:$0x1] =	stream.indirect.gather [hbm4b:s6+s15], $0x80, s3, s15, $0xb8;
	[tilespmem:$0x87C0] =	vst v63  }
0x2ed: {  	_ = 	snop  }
0x2ee: {  	[tilespmem:s18], [sflag:$0x1] =	stream.indirect.gather [hbm4b:s7+s15], $0x1, s12, s15, $0xb8;
	[tilespmem:$0x87C0] =	vst v63  }
0x2ef: {  	s22 =	simm.s32 $0x2470  }
0x2f0: {  	[tilespmem:s19], [sflag:$0x1] =	stream.indirect.gather [hbm4b:s1+s15], $0x1, s3, s15, $0xb8;
	[tilespmem:$0x87C0] =	vst v63  }
0x2f1: {  	s29 =	simm.s32 $0x6470;
	v2 =	vld [tilespmem:s22+$0xFFFFFF90]  }
0x2f2: {  	v3 =	vld [tilespmem:s29+$0xFFFFFF90]  }
0x2f3: {  	v4 =	vld [tilespmem:s22+$0xFFFFFFA0]  }
0x2f4: {  	v5 =	vld [tilespmem:s29+$0xFFFFFFA0]  }
0x2f5: {  	v6 =	vld [tilespmem:s22+$0xFFFFFFB0]  }
0x2f6: {  	v7 =	vld [tilespmem:s29+$0xFFFFFFB0]  }
0x2f7: {  	v8 =	vld [tilespmem:s22+$0xFFFFFFC0]  }
0x2f8: {  	v9 =	vld [tilespmem:s29+$0xFFFFFFC0]  }
0x2f9: {  	v10 =	vld [tilespmem:s22+$0xFFFFFFD0]  }
0x2fa: {  	v11 =	vld [tilespmem:s22+$0xFFFFFFF0];
	v2 =	vmul.f32 v3, v2;
	v3 =	vmul.f32 v5, v4  }
0x2fb: {  	v4 =	vld [tilespmem:s29+$0xFFFFFFD0]  }
0x2fc: {  	v5 =	vld [tilespmem:s22+$0xFFFFFFE0];
	v2 =	vadd.f32 v3, v2;
	v3 =	vmul.f32 v7, v6  }
0x2fd: {  	v6 =	vld [tilespmem:s29+$0xFFFFFFE0]  }
0x2fe: {  	v7 =	vmul.f32 v9, v8;
	v9 =	vld [tilespmem:s29+$0xFFFFFFF0];
	v3 =	vadd.f32 v3, v2;
	_ =	sdelay $0x1  }
0x2ff: {  	v2 =	vld [tilespmem:s22+$0x0];
	v8 =	vmul.f32 v4, v10;
	v7 =	vadd.f32 v7, v3  }
0x300: {  	s12 =	simm.s32 $0x24F0;
	v3 =	vld [tilespmem:s29+$0x0]  }
0x301: {  	s22 =	simm.s32 $0x64F0;
	v4 =	vld [tilespmem:s12+$0xFFFFFF90];
	v5 =	vmul.f32 v6, v5;
	v10 =	vadd.f32 v8, v7  }
0x302: {  	v6 =	vmul.f32 v9, v11;
	v9 =	vld [tilespmem:s22+$0xFFFFFFA0]  }
0x303: {  	v7 =	vld [tilespmem:s22+$0xFFFFFF90];
	v5 =	vadd.f32 v5, v10  }
0x304: {  	s28 =	simm.s32 $0x2;
	s0 =	simm.s32 $0x0;
	s3 =	simm.s32 $0x1;
	v8 =	vld [tilespmem:s12+$0xFFFFFFA0]  }
.LBB2_22:
0x305: {  	p0 =	sne.s32 s28, $0x3F;
	v10 =	vld [tilespmem:s12+$0xFFFFFFB0];
	v5 =	vadd.f32 v6, v5;
	v2 =	vmul.f32 v3, v2  }
0x306: {  	v3 =	vld [tilespmem:s22+$0xFFFFFFB0]  }
0x307: {  	v6 =	vld [tilespmem:s12+$0xFFFFFFC0];
	v2 =	vadd.f32 v2, v5  }
0x308: {  	v5 =	vld [tilespmem:s22+$0xFFFFFFC0]  }
0x309: {  	v4 =	vmul.f32 v7, v4;
	v7 =	vmul.f32 v9, v8;
	v8 =	vld [tilespmem:s12+$0xFFFFFFD0];
	(xrf2) =	vadd.scan.msk.f32 $0xffff, v2  }
0x30a: {  	v2 =	vld [tilespmem:s22+$0xFFFFFFD0]  }
0x30b: {  	v4 =	vadd.f32 v7, v4;
	v3 =	vmul.f32 v3, v10;
	v7 =	vld [tilespmem:s12+$0xFFFFFFE0]  }
0x30c: {  	v9 =	vld [tilespmem:s22+$0xFFFFFFE0]  }
0x30d: {  	v3 =	vadd.f32 v3, v4;
	v4 =	vmul.f32 v5, v6;
	v6 =	vld [tilespmem:s12+$0xFFFFFFF0]  }
0x30e: {  	v10 =	vld [tilespmem:s22+$0xFFFFFFF0]  }
0x30f: {  	v11 =	vmov s0;
	s0 =	smov.u32 s3;
	s3 =	smov.u32 s28;
	v5 =	vadd.f32 v4, v3;
	v8 =	vmul.f32 v2, v8;
	v2 =	vld [tilespmem:s12+$0x0]  }
.Ltmp10:
0x310: {  	s12 =	sadd.s32 $0x80, s12;
	v3 =	vld [tilespmem:s22+$0x0];
	(pc) =	sbr.rel @p0 .LBB2_22-.Ltmp10, $4  }
0x311: {  	s22 =	sadd.s32 $0x80, s22;
	v4 =	vld [tilespmem:s12+$0xFFFFFF90];
	v5 =	vadd.f32 v8, v5;
	v9 =	vmul.f32 v9, v7  }
0x312: {  	v7 =	vld [tilespmem:s22+$0xFFFFFF90]  }
0x313: {  	s29 =	simm.s32 $0x8580;
	v8 =	vld [tilespmem:s12+$0xFFFFFFA0];
	v5 =	vadd.f32 v9, v5;
	v6 =	vmul.f32 v10, v6;
	v10, _, _ =	vpop (xrf2)  }
0x314: {  	s28 =	sadd.s32 $0x1, s28;
	v9 =	vld [tilespmem:s22+$0xFFFFFFA0];
	[tilespmem:v11+s29+$0x0] =	vst.idx.msk vm0, v10  }
0x315: {  	v10 =	vld [tilespmem:s12+$0xFFFFFFB0]  }
0x316: {  	v11 =	vld [tilespmem:s22+$0xFFFFFFB0]  }
0x317: {  	v12 =	vld [tilespmem:s12+$0xFFFFFFC0]  }
0x318: {  	v13 =	vld [tilespmem:s22+$0xFFFFFFC0]  }
0x319: {  	v44 =	vld [tilespmem:s12+$0xFFFFFFD0];
	v4 =	vmul.f32 v7, v4;
	v43 =	vmul.f32 v9, v8  }
0x31a: {  	v45 =	vld [tilespmem:s22+$0xFFFFFFD0]  }
0x31b: {  	v47 =	vld [tilespmem:s12+$0xFFFFFFE0];
	v46 =	vmul.f32 v11, v10;
	v4 =	vadd.f32 v43, v4  }
0x31c: {  	v48 =	vld [tilespmem:s22+$0xFFFFFFE0]  }
0x31d: {  	v50 =	vld [tilespmem:s12+$0xFFFFFFF0];
	v49 =	vmul.f32 v13, v12;
	v4 =	vadd.f32 v46, v4  }
0x31e: {  	v51 =	vld [tilespmem:s22+$0xFFFFFFF0]  }
0x31f: {  	v53 =	vld [tilespmem:s12+$0x0];
	v52 =	vmul.f32 v45, v44;
	v4 =	vadd.f32 v49, v4  }
0x320: {  	v54 =	vld [tilespmem:s22+$0x0]  }
0x321: {  	v55 =	vmul.f32 v48, v47;
	v4 =	vadd.f32 v52, v4;
	_ =	sdelay $0x1  }
0x322: {  	v56 =	vmul.f32 v51, v50;
	v4 =	vadd.f32 v55, v4  }
0x323: {  	v5 =	vadd.f32 v6, v5;
	v2 =	vmul.f32 v3, v2  }
0x324: {  	v57 =	vmul.f32 v54, v53;
	v3 =	vadd.f32 v56, v4  }
0x325: {  	v2 =	vadd.f32 v2, v5  }
0x326: {  	v3 =	vadd.f32 v57, v3  }
0x327: {  	(xrf2) =	vadd.scan.msk.f32 $0xffff, v2  }
0x328: {  	(xrf2) =	vadd.scan.msk.f32 $0xffff, v3;
	_ =	sdelay $0x4  }
0x329: {  	v2 =	vmov s0  }
0x32a: {  	v3 =	vmov s3;
	_ =	sdelay $0x2  }
0x32b: {  	v58, _, _ =	vpop (xrf2)  }
0x32c: {  	[tilespmem:v2+s29+$0x0] =	vst.idx.msk vm0, v58;
	v2, _, _ =	vpop (xrf2)  }
0x32d: {  	[tilespmem:v3+s29+$0x0] =	vst.idx.msk vm0, v2  }
0x32e: {  	s22 =	simm.s32 $0x8440;
	v2 =	vld [tilespmem:s29+$0x0]  }
0x32f: {  	v3 =	vld [tilespmem:s22+$0x0]  }
0x330: {  	s29 =	simm.s32 $0x84C0  }
0x331: {  	v4 =	vld [tilespmem:s29+$0x0];
	_ =	sdelay $0x2  }
0x332: {  	v2 =	vadd.f32 v3, v2;
	_ =	sdelay $0x1  }
0x333: {  	v2 =	vadd.f32 v4, v2;
	_ =	sdelay $0x1  }
0x334: {  	v2 =	vmax.f32 v2, $0.0e+00  }
0x335: {  	v2 =	vmul.f32 v2, v0;
	_ =	sdelay $0x1  }
0x336: {  	v2 =	vadd.f32 v2, v1;
	_ =	sdelay $0x1  }
0x337: {  	v2 =	vsub.f32 $0.0e+00, v2;
	_ =	sdelay $0x1  }
0x338: {  	v2 =	vmul.f32 $1.442695020e+00, v2;
	_ =	sdelay $0x1  }
0x339: {  	(erf) = vpow2.f32 v2  }
0x33a: {  	s12 =	simm.s32 $0x8450  }
0x33b: {  	s3 =	simm.s32 $0x8590;
	v3 =	vld [tilespmem:s12+$0x0]  }
0x33c: {  	v2 =	vld [tilespmem:s3+$0x0]  }
0x33d: {  	s22 =	simm.s32 $0x84D0  }
0x33e: {  	v59 =	vld [tilespmem:s22+$0x0];
	_ =	sdelay $0x2  }
0x33f: {  	v2 =	vadd.f32 v3, v2  }
0x340: {  	v60 =	vpop (erf)  }
0x341: {  	v2 =	vadd.f32 v59, v2;
	v5 =	vadd.f32 $1.000000000e+00, v60;
	_ =	sdelay $0x1  }
0x342: {  	v2 =	vmax.f32 v2, $0.0e+00;
	(erf) = vrcp.f32 v5  }
0x343: {  	v2 =	vmul.f32 v2, v0;
	_ =	sdelay $0x1  }
0x344: {  	s0 =	simm.s32 $0x8460;
	v2 =	vadd.f32 v2, v1  }
0x345: {  	v61 =	vld [tilespmem:s0+$0x0];
	s29 =	simm.s32 $0x85A0  }
0x346: {  	v3 =	vld [tilespmem:s29+$0x0];
	v2 =	vsub.f32 $0.0e+00, v2  }
0x347: {  	s3 =	simm.s32 $0x84E0  }
0x348: {  	v62 =	vld [tilespmem:s3+$0x0];
	v2 =	vmul.f32 $1.442695020e+00, v2;
	_ =	sdelay $0x1  }
0x349: {  	v63 =	vpop (erf);
	(erf) = vpow2.f32 v2  }
0x34a: {  	v3 =	vadd.f32 v61, v3;
	_ =	sdelay $0x1  }
0x34b: {  	v3 =	vadd.f32 v62, v3;
	_ =	sdelay $0x1  }
0x34c: {  	v3 =	vmax.f32 v3, $0.0e+00  }
0x34d: {  	v3 =	vmul.f32 v3, v0  }
0x34e: {  	s12 =	simm.s32 $0x8700  }
0x34f: {  	s28 =	simm.s32 $0x85B0;
	s22 =	simm.s32 $0x20;
	v2 =	vadd.f32 v3, v1;
	[tilespmem:s12+$0x0] =	vst v63  }
.LBB2_24:
0x350: {  	v3 =	vld [tilespmem:s28+$0x0];
	s0 =	sadd.s32 $0x10, s0;
	v4 =	vpop (erf)  }
0x351: {  	s22 =	sadd.s32 $0x10, s22;
	v5 =	vld [tilespmem:s0+$0x0];
	v2 =	vsub.f32 $0.0e+00, v2;
	v4 =	vadd.f32 $1.000000000e+00, v4  }
0x352: {  	s3 =	sadd.s32 $0x10, s3;
	p0 =	slt.u32 s22, $0x30  }
0x353: {  	v6 =	vld [tilespmem:s3+$0x0];
	v2 =	vmul.f32 $1.442695020e+00, v2;
	(erf) = vrcp.f32 v4;
	_ =	sdelay $0x1  }
0x354: {  	(erf) = vpow2.f32 v2  }
0x355: {  	v2 =	vadd.f32 v5, v3;
	_ =	sdelay $0x1  }
0x356: {  	v2 =	vadd.f32 v6, v2  }
.Ltmp11:
0x357: {  	(pc) =	sbr.rel @p0 .LBB2_24-.Ltmp11, $4  }
0x358: {  	v2 =	vmax.f32 v2, $0.0e+00  }
0x359: {  	v2 =	vmul.f32 v2, v0  }
0x35a: {  	s12 =	sadd.s32 $0x10, s12;
	v3 =	vpop (erf)  }
0x35b: {  	s28 =	sadd.s32 $0x10, s28;
	v2 =	vadd.f32 v2, v1;
	[tilespmem:s12+$0x0] =	vst v3  }
0x35c: {  	_ = 	snop  }
0x35d: {  	v3 =	vpop (erf);
	v2 =	vsub.f32 $0.0e+00, v2  }
0x35e: {  	v3 =	vadd.f32 $1.000000000e+00, v3  }
0x35f: {  	v2 =	vmul.f32 $1.442695020e+00, v2  }
0x360: {  	(erf) = vrcp.f32 v3  }
0x361: {  	(erf) = vpow2.f32 v2;
	_ =	sdelay $0x7  }
0x362: {  	v2 =	vpop (erf)  }
0x363: {  	v3 =	vpop (erf)  }
0x364: {  	v3 =	vadd.f32 $1.000000000e+00, v3;
	_ =	sdelay $0x1  }
0x365: {  	(erf) = vrcp.f32 v3;
	_ =	sdelay $0x7  }
0x366: {  	s0 =	sadd.s32 $0x10, s12  }
0x367: {  	[tilespmem:s0+$0x0] =	vst v2;
	s0 =	sadd.s32 $0x10, s0;
	v2 =	vpop (erf)  }
0x368: {  	[tilespmem:s0+$0x0] =	vst v2  }
0x369: {  	_ =	swait.ge [sflag:s20], $0x2000  }
0x36a: {  	[sflag:s20] =	ssyncset.done $0x0  }
0x36b: {  	[sflag:s20] =	ssyncadd.s32 $0xFFFFE000  }
0x36c: {  	_ =	swait.ge [sflag:s20], $0x2000  }
0x36d: {  	[sflag:s20] =	ssyncset.done $0x0  }
0x36e: {  	[sflag:s20] =	ssyncadd.s32 $0xFFFFE000  }
0x36f: {  	_ =	swait.ge [sflag:s20], $0x40  }
0x370: {  	[sflag:s20] =	ssyncset.done $0x0  }
0x371: {  	[sflag:s20] =	ssyncadd.s32 $0xFFFFFFC0  }
0x372: {  	_ =	swait.ge [sflag:s20], $0x40  }
0x373: {  	[sflag:s20] =	ssyncset.done $0x0  }
0x374: {  	[sflag:s20] =	ssyncadd.s32 $0xFFFFFFC0  }
0x375: {  	[tilespmem:s21], [sflag:$0x2] =	stream.indirect.gather [hbm4b:s5+s15], $0x80, s4, s15, $0xb8;
	[tilespmem:$0x87C0] =	vst v63  }
0x376: {  	_ = 	snop  }
0x377: {  	[tilespmem:s23], [sflag:$0x2] =	stream.indirect.gather [hbm4b:s6+s15], $0x80, s30, s15, $0xb8;
	[tilespmem:$0x87C0] =	vst v63  }
0x378: {  	_ = 	snop  }
0x379: {  	[tilespmem:s24], [sflag:$0x2] =	stream.indirect.gather [hbm4b:s7+s15], $0x1, s4, s15, $0xb8;
	[tilespmem:$0x87C0] =	vst v63  }
0x37a: {  	s29 =	simm.s32 $0x440  }
0x37b: {  	[tilespmem:s25], [sflag:$0x2] =	stream.indirect.gather [hbm4b:s1+s15], $0x1, s30, s15, $0xb8;
	[tilespmem:$0x87C0] =	vst v63  }
0x37c: {  	s3 =	simm.s32 $0x4440;
	v2 =	vld [tilespmem:s29+$0xFFFFFFC0]  }
0x37d: {  	v3 =	vld [tilespmem:s3+$0xFFFFFFC0]  }
0x37e: {  	v4 =	vld [tilespmem:s29+$0xFFFFFFD0]  }
0x37f: {  	v5 =	vld [tilespmem:s3+$0xFFFFFFD0]  }
0x380: {  	v6 =	vld [tilespmem:s29+$0xFFFFFFE0]  }
0x381: {  	v7 =	vld [tilespmem:s3+$0xFFFFFFE0]  }
0x382: {  	v8 =	vld [tilespmem:s29+$0xFFFFFFF0]  }
0x383: {  	v9 =	vld [tilespmem:s3+$0xFFFFFFF0]  }
0x384: {  	v10 =	vld [tilespmem:s29+$0x0]  }
0x385: {  	v11 =	vld [tilespmem:s29+$0x20];
	v2 =	vmul.f32 v3, v2;
	v3 =	vmul.f32 v5, v4  }
0x386: {  	v4 =	vld [tilespmem:s3+$0x0]  }
0x387: {  	v5 =	vld [tilespmem:s29+$0x10];
	v2 =	vadd.f32 v3, v2;
	v3 =	vmul.f32 v7, v6  }
0x388: {  	v6 =	vld [tilespmem:s3+$0x10]  }
0x389: {  	v7 =	vmul.f32 v9, v8;
	v9 =	vld [tilespmem:s3+$0x20];
	v3 =	vadd.f32 v3, v2;
	_ =	sdelay $0x1  }
0x38a: {  	v2 =	vld [tilespmem:s29+$0x30];
	v8 =	vmul.f32 v4, v10;
	v7 =	vadd.f32 v7, v3  }
0x38b: {  	s12 =	simm.s32 $0x4C0;
	v3 =	vld [tilespmem:s3+$0x30]  }
0x38c: {  	s22 =	simm.s32 $0x44C0;
	v4 =	vld [tilespmem:s12+$0xFFFFFFC0];
	v5 =	vmul.f32 v6, v5;
	v10 =	vadd.f32 v8, v7  }
0x38d: {  	v6 =	vmul.f32 v9, v11;
	v9 =	vld [tilespmem:s22+$0xFFFFFFD0]  }
0x38e: {  	v7 =	vld [tilespmem:s22+$0xFFFFFFC0];
	v5 =	vadd.f32 v5, v10  }
0x38f: {  	s28 =	simm.s32 $0x2;
	s0 =	simm.s32 $0x0;
	s3 =	simm.s32 $0x1;
	v8 =	vld [tilespmem:s12+$0xFFFFFFD0]  }
.LBB2_26:
0x390: {  	p0 =	sne.s32 s28, $0x3F;
	v10 =	vld [tilespmem:s12+$0xFFFFFFE0];
	v5 =	vadd.f32 v6, v5;
	v2 =	vmul.f32 v3, v2  }
0x391: {  	v3 =	vld [tilespmem:s22+$0xFFFFFFE0]  }
0x392: {  	v6 =	vld [tilespmem:s12+$0xFFFFFFF0];
	v2 =	vadd.f32 v2, v5  }
0x393: {  	v5 =	vld [tilespmem:s22+$0xFFFFFFF0]  }
0x394: {  	v4 =	vmul.f32 v7, v4;
	v7 =	vmul.f32 v9, v8;
	v8 =	vld [tilespmem:s12+$0x0];
	(xrf2) =	vadd.scan.msk.f32 $0xffff, v2  }
0x395: {  	v2 =	vld [tilespmem:s22+$0x0]  }
0x396: {  	v4 =	vadd.f32 v7, v4;
	v3 =	vmul.f32 v3, v10;
	v7 =	vld [tilespmem:s12+$0x10]  }
0x397: {  	v9 =	vld [tilespmem:s22+$0x10]  }
0x398: {  	v3 =	vadd.f32 v3, v4;
	v4 =	vmul.f32 v5, v6;
	v6 =	vld [tilespmem:s12+$0x20]  }
0x399: {  	v10 =	vld [tilespmem:s22+$0x20]  }
0x39a: {  	v11 =	vmov s0;
	s0 =	smov.u32 s3;
	s3 =	smov.u32 s28;
	v5 =	vadd.f32 v4, v3;
	v8 =	vmul.f32 v2, v8;
	v2 =	vld [tilespmem:s12+$0x30]  }
.Ltmp12:
0x39b: {  	s12 =	sadd.s32 $0x80, s12;
	v3 =	vld [tilespmem:s22+$0x30];
	(pc) =	sbr.rel @p0 .LBB2_26-.Ltmp12, $4  }
0x39c: {  	s22 =	sadd.s32 $0x80, s22;
	v4 =	vld [tilespmem:s12+$0xFFFFFFC0];
	v5 =	vadd.f32 v8, v5;
	v9 =	vmul.f32 v9, v7  }
0x39d: {  	v7 =	vld [tilespmem:s22+$0xFFFFFFC0]  }
0x39e: {  	s29 =	simm.s32 $0x8580;
	v8 =	vld [tilespmem:s12+$0xFFFFFFD0];
	v5 =	vadd.f32 v9, v5;
	v6 =	vmul.f32 v10, v6;
	v10, _, _ =	vpop (xrf2)  }
0x39f: {  	s28 =	sadd.s32 $0x1, s28;
	v9 =	vld [tilespmem:s22+$0xFFFFFFD0];
	[tilespmem:v11+s29+$0x0] =	vst.idx.msk vm0, v10  }
0x3a0: {  	v10 =	vld [tilespmem:s12+$0xFFFFFFE0]  }
0x3a1: {  	v11 =	vld [tilespmem:s22+$0xFFFFFFE0]  }
0x3a2: {  	v12 =	vld [tilespmem:s12+$0xFFFFFFF0]  }
0x3a3: {  	v13 =	vld [tilespmem:s22+$0xFFFFFFF0]  }
0x3a4: {  	v44 =	vld [tilespmem:s12+$0x0];
	v4 =	vmul.f32 v7, v4;
	v43 =	vmul.f32 v9, v8  }
0x3a5: {  	v45 =	vld [tilespmem:s22+$0x0]  }
0x3a6: {  	v47 =	vld [tilespmem:s12+$0x10];
	v46 =	vmul.f32 v11, v10;
	v4 =	vadd.f32 v43, v4  }
0x3a7: {  	v48 =	vld [tilespmem:s22+$0x10]  }
0x3a8: {  	v50 =	vld [tilespmem:s12+$0x20];
	v49 =	vmul.f32 v13, v12;
	v4 =	vadd.f32 v46, v4  }
0x3a9: {  	v51 =	vld [tilespmem:s22+$0x20]  }
0x3aa: {  	v53 =	vld [tilespmem:s12+$0x30];
	v52 =	vmul.f32 v45, v44;
	v4 =	vadd.f32 v49, v4  }
0x3ab: {  	v54 =	vld [tilespmem:s22+$0x30]  }
0x3ac: {  	v55 =	vmul.f32 v48, v47;
	v4 =	vadd.f32 v52, v4;
	_ =	sdelay $0x1  }
0x3ad: {  	v56 =	vmul.f32 v51, v50;
	v4 =	vadd.f32 v55, v4  }
0x3ae: {  	v5 =	vadd.f32 v6, v5;
	v2 =	vmul.f32 v3, v2  }
0x3af: {  	v57 =	vmul.f32 v54, v53;
	v3 =	vadd.f32 v56, v4  }
0x3b0: {  	v2 =	vadd.f32 v2, v5  }
0x3b1: {  	v3 =	vadd.f32 v57, v3  }
0x3b2: {  	(xrf2) =	vadd.scan.msk.f32 $0xffff, v2  }
0x3b3: {  	(xrf2) =	vadd.scan.msk.f32 $0xffff, v3;
	_ =	sdelay $0x4  }
0x3b4: {  	v2 =	vmov s0  }
0x3b5: {  	v3 =	vmov s3;
	_ =	sdelay $0x2  }
0x3b6: {  	v58, _, _ =	vpop (xrf2)  }
0x3b7: {  	[tilespmem:v2+s29+$0x0] =	vst.idx.msk vm0, v58;
	v2, _, _ =	vpop (xrf2)  }
0x3b8: {  	[tilespmem:v3+s29+$0x0] =	vst.idx.msk vm0, v2  }
0x3b9: {  	s22 =	simm.s32 $0x8400;
	v2 =	vld [tilespmem:s29+$0x0]  }
0x3ba: {  	v3 =	vld [tilespmem:s22+$0x0]  }
0x3bb: {  	s29 =	simm.s32 $0x8480  }
0x3bc: {  	v4 =	vld [tilespmem:s29+$0x0];
	_ =	sdelay $0x2  }
0x3bd: {  	v2 =	vadd.f32 v3, v2;
	_ =	sdelay $0x1  }
0x3be: {  	v2 =	vadd.f32 v4, v2;
	_ =	sdelay $0x1  }
0x3bf: {  	v2 =	vmax.f32 v2, $0.0e+00  }
0x3c0: {  	v2 =	vmul.f32 v2, v0;
	_ =	sdelay $0x1  }
0x3c1: {  	v2 =	vadd.f32 v2, v1;
	_ =	sdelay $0x1  }
0x3c2: {  	v2 =	vsub.f32 $0.0e+00, v2;
	_ =	sdelay $0x1  }
0x3c3: {  	v2 =	vmul.f32 $1.442695020e+00, v2;
	_ =	sdelay $0x1  }
0x3c4: {  	(erf) = vpow2.f32 v2  }
0x3c5: {  	s12 =	simm.s32 $0x8410  }
0x3c6: {  	s3 =	simm.s32 $0x8590;
	v3 =	vld [tilespmem:s12+$0x0]  }
0x3c7: {  	v2 =	vld [tilespmem:s3+$0x0]  }
0x3c8: {  	s22 =	simm.s32 $0x8490  }
0x3c9: {  	v59 =	vld [tilespmem:s22+$0x0];
	_ =	sdelay $0x2  }
0x3ca: {  	v2 =	vadd.f32 v3, v2  }
0x3cb: {  	v60 =	vpop (erf)  }
0x3cc: {  	v2 =	vadd.f32 v59, v2;
	v5 =	vadd.f32 $1.000000000e+00, v60;
	_ =	sdelay $0x1  }
0x3cd: {  	v2 =	vmax.f32 v2, $0.0e+00;
	(erf) = vrcp.f32 v5  }
0x3ce: {  	v2 =	vmul.f32 v2, v0;
	_ =	sdelay $0x1  }
0x3cf: {  	s0 =	simm.s32 $0x8420;
	v2 =	vadd.f32 v2, v1  }
0x3d0: {  	v61 =	vld [tilespmem:s0+$0x0];
	s29 =	simm.s32 $0x85A0  }
0x3d1: {  	v3 =	vld [tilespmem:s29+$0x0];
	v2 =	vsub.f32 $0.0e+00, v2  }
0x3d2: {  	s3 =	simm.s32 $0x84A0  }
0x3d3: {  	v62 =	vld [tilespmem:s3+$0x0];
	v2 =	vmul.f32 $1.442695020e+00, v2;
	_ =	sdelay $0x1  }
0x3d4: {  	v63 =	vpop (erf);
	(erf) = vpow2.f32 v2  }
0x3d5: {  	v3 =	vadd.f32 v61, v3;
	_ =	sdelay $0x1  }
0x3d6: {  	v3 =	vadd.f32 v62, v3;
	_ =	sdelay $0x1  }
0x3d7: {  	v3 =	vmax.f32 v3, $0.0e+00  }
0x3d8: {  	v3 =	vmul.f32 v3, v0  }
0x3d9: {  	s12 =	simm.s32 $0x8740  }
0x3da: {  	s28 =	simm.s32 $0x85B0;
	s22 =	simm.s32 $0x20;
	v2 =	vadd.f32 v3, v1;
	[tilespmem:s12+$0x0] =	vst v63  }
.LBB2_28:
0x3db: {  	v3 =	vld [tilespmem:s28+$0x0];
	s0 =	sadd.s32 $0x10, s0;
	v4 =	vpop (erf)  }
0x3dc: {  	s22 =	sadd.s32 $0x10, s22;
	v5 =	vld [tilespmem:s0+$0x0];
	v2 =	vsub.f32 $0.0e+00, v2;
	v4 =	vadd.f32 $1.000000000e+00, v4  }
0x3dd: {  	s3 =	sadd.s32 $0x10, s3;
	p0 =	slt.u32 s22, $0x30  }
0x3de: {  	v6 =	vld [tilespmem:s3+$0x0];
	v2 =	vmul.f32 $1.442695020e+00, v2;
	(erf) = vrcp.f32 v4;
	_ =	sdelay $0x1  }
0x3df: {  	(erf) = vpow2.f32 v2  }
0x3e0: {  	v2 =	vadd.f32 v5, v3;
	_ =	sdelay $0x1  }
0x3e1: {  	v2 =	vadd.f32 v6, v2  }
.Ltmp13:
0x3e2: {  	(pc) =	sbr.rel @p0 .LBB2_28-.Ltmp13, $4  }
0x3e3: {  	v2 =	vmax.f32 v2, $0.0e+00  }
0x3e4: {  	v2 =	vmul.f32 v2, v0  }
0x3e5: {  	s12 =	sadd.s32 $0x10, s12;
	v3 =	vpop (erf)  }
0x3e6: {  	s28 =	sadd.s32 $0x10, s28;
	v2 =	vadd.f32 v2, v1;
	[tilespmem:s12+$0x0] =	vst v3  }
0x3e7: {  	_ = 	snop  }
0x3e8: {  	v3 =	vpop (erf);
	v2 =	vsub.f32 $0.0e+00, v2  }
0x3e9: {  	v3 =	vadd.f32 $1.000000000e+00, v3  }
0x3ea: {  	v2 =	vmul.f32 $1.442695020e+00, v2  }
0x3eb: {  	(erf) = vrcp.f32 v3  }
0x3ec: {  	(erf) = vpow2.f32 v2;
	_ =	sdelay $0x7  }
0x3ed: {  	v2 =	vpop (erf)  }
0x3ee: {  	v3 =	vpop (erf)  }
0x3ef: {  	v3 =	vadd.f32 $1.000000000e+00, v3;
	_ =	sdelay $0x1  }
0x3f0: {  	(erf) = vrcp.f32 v3;
	_ =	sdelay $0x7  }
0x3f1: {  	s0 =	sadd.s32 $0x10, s12  }
0x3f2: {  	[tilespmem:s0+$0x0] =	vst v2;
	s0 =	sadd.s32 $0x10, s0;
	v2 =	vpop (erf)  }
0x3f3: {  	[tilespmem:s0+$0x0] =	vst v2  }
0x3f4: {  	_ =	swait.ge [sflag:s26], $0x2000  }
0x3f5: {  	[sflag:s26] =	ssyncset.done $0x0  }
0x3f6: {  	[sflag:s26] =	ssyncadd.s32 $0xFFFFE000  }
0x3f7: {  	_ =	swait.ge [sflag:s26], $0x2000  }
0x3f8: {  	[sflag:s26] =	ssyncset.done $0x0  }
0x3f9: {  	[sflag:s26] =	ssyncadd.s32 $0xFFFFE000  }
0x3fa: {  	_ =	swait.ge [sflag:s26], $0x40  }
0x3fb: {  	[sflag:s26] =	ssyncset.done $0x0  }
0x3fc: {  	[sflag:s26] =	ssyncadd.s32 $0xFFFFFFC0  }
0x3fd: {  	_ =	swait.ge [sflag:s26], $0x40  }
0x3fe: {  	[sflag:s26] =	ssyncset.done $0x0  }
0x3ff: {  	s29 =	simm.s32 $0x2470;
	[sflag:s26] =	ssyncadd.s32 $0xFFFFFFC0  }
0x400: {  	s3 =	simm.s32 $0x6470;
	v2 =	vld [tilespmem:s29+$0xFFFFFF90]  }
0x401: {  	v3 =	vld [tilespmem:s3+$0xFFFFFF90]  }
0x402: {  	v4 =	vld [tilespmem:s29+$0xFFFFFFA0]  }
0x403: {  	v5 =	vld [tilespmem:s3+$0xFFFFFFA0]  }
0x404: {  	v6 =	vld [tilespmem:s29+$0xFFFFFFB0]  }
0x405: {  	v7 =	vld [tilespmem:s3+$0xFFFFFFB0]  }
0x406: {  	v8 =	vld [tilespmem:s29+$0xFFFFFFC0]  }
0x407: {  	v9 =	vld [tilespmem:s3+$0xFFFFFFC0]  }
0x408: {  	v10 =	vld [tilespmem:s29+$0xFFFFFFD0]  }
0x409: {  	v11 =	vld [tilespmem:s29+$0xFFFFFFF0];
	v2 =	vmul.f32 v3, v2;
	v3 =	vmul.f32 v5, v4  }
0x40a: {  	v4 =	vld [tilespmem:s3+$0xFFFFFFD0]  }
0x40b: {  	v5 =	vld [tilespmem:s29+$0xFFFFFFE0];
	v2 =	vadd.f32 v3, v2;
	v3 =	vmul.f32 v7, v6  }
0x40c: {  	v6 =	vld [tilespmem:s3+$0xFFFFFFE0]  }
0x40d: {  	v7 =	vmul.f32 v9, v8;
	v9 =	vld [tilespmem:s3+$0xFFFFFFF0];
	v3 =	vadd.f32 v3, v2;
	_ =	sdelay $0x1  }
0x40e: {  	v2 =	vld [tilespmem:s29+$0x0];
	v8 =	vmul.f32 v4, v10;
	v7 =	vadd.f32 v7, v3  }
0x40f: {  	s12 =	simm.s32 $0x24F0;
	v3 =	vld [tilespmem:s3+$0x0]  }
0x410: {  	s22 =	simm.s32 $0x64F0;
	v4 =	vld [tilespmem:s12+$0xFFFFFF90];
	v5 =	vmul.f32 v6, v5;
	v10 =	vadd.f32 v8, v7  }
0x411: {  	v6 =	vmul.f32 v9, v11;
	v9 =	vld [tilespmem:s22+$0xFFFFFFA0]  }
0x412: {  	v7 =	vld [tilespmem:s22+$0xFFFFFF90];
	v5 =	vadd.f32 v5, v10  }
0x413: {  	s28 =	simm.s32 $0x2;
	s0 =	simm.s32 $0x0;
	s3 =	simm.s32 $0x1;
	v8 =	vld [tilespmem:s12+$0xFFFFFFA0]  }
.LBB2_30:
0x414: {  	p0 =	sne.s32 s28, $0x3F;
	v10 =	vld [tilespmem:s12+$0xFFFFFFB0];
	v5 =	vadd.f32 v6, v5;
	v2 =	vmul.f32 v3, v2  }
0x415: {  	v3 =	vld [tilespmem:s22+$0xFFFFFFB0]  }
0x416: {  	v6 =	vld [tilespmem:s12+$0xFFFFFFC0];
	v2 =	vadd.f32 v2, v5  }
0x417: {  	v5 =	vld [tilespmem:s22+$0xFFFFFFC0]  }
0x418: {  	v4 =	vmul.f32 v7, v4;
	v7 =	vmul.f32 v9, v8;
	v8 =	vld [tilespmem:s12+$0xFFFFFFD0];
	(xrf2) =	vadd.scan.msk.f32 $0xffff, v2  }
0x419: {  	v2 =	vld [tilespmem:s22+$0xFFFFFFD0]  }
0x41a: {  	v4 =	vadd.f32 v7, v4;
	v3 =	vmul.f32 v3, v10;
	v7 =	vld [tilespmem:s12+$0xFFFFFFE0]  }
0x41b: {  	v9 =	vld [tilespmem:s22+$0xFFFFFFE0]  }
0x41c: {  	v3 =	vadd.f32 v3, v4;
	v4 =	vmul.f32 v5, v6;
	v6 =	vld [tilespmem:s12+$0xFFFFFFF0]  }
0x41d: {  	v10 =	vld [tilespmem:s22+$0xFFFFFFF0]  }
0x41e: {  	v11 =	vmov s0;
	s0 =	smov.u32 s3;
	s3 =	smov.u32 s28;
	v5 =	vadd.f32 v4, v3;
	v8 =	vmul.f32 v2, v8;
	v2 =	vld [tilespmem:s12+$0x0]  }
.Ltmp14:
0x41f: {  	s12 =	sadd.s32 $0x80, s12;
	v3 =	vld [tilespmem:s22+$0x0];
	(pc) =	sbr.rel @p0 .LBB2_30-.Ltmp14, $4  }
0x420: {  	s22 =	sadd.s32 $0x80, s22;
	v4 =	vld [tilespmem:s12+$0xFFFFFF90];
	v5 =	vadd.f32 v8, v5;
	v9 =	vmul.f32 v9, v7  }
0x421: {  	v7 =	vld [tilespmem:s22+$0xFFFFFF90]  }
0x422: {  	s29 =	simm.s32 $0x8580;
	v8 =	vld [tilespmem:s12+$0xFFFFFFA0];
	v5 =	vadd.f32 v9, v5;
	v6 =	vmul.f32 v10, v6;
	v10, _, _ =	vpop (xrf2)  }
0x423: {  	s28 =	sadd.s32 $0x1, s28;
	v9 =	vld [tilespmem:s22+$0xFFFFFFA0];
	[tilespmem:v11+s29+$0x0] =	vst.idx.msk vm0, v10  }
0x424: {  	v10 =	vld [tilespmem:s12+$0xFFFFFFB0]  }
0x425: {  	v11 =	vld [tilespmem:s22+$0xFFFFFFB0]  }
0x426: {  	v12 =	vld [tilespmem:s12+$0xFFFFFFC0]  }
0x427: {  	v13 =	vld [tilespmem:s22+$0xFFFFFFC0]  }
0x428: {  	v44 =	vld [tilespmem:s12+$0xFFFFFFD0];
	v4 =	vmul.f32 v7, v4;
	v43 =	vmul.f32 v9, v8  }
0x429: {  	v45 =	vld [tilespmem:s22+$0xFFFFFFD0]  }
0x42a: {  	v47 =	vld [tilespmem:s12+$0xFFFFFFE0];
	v46 =	vmul.f32 v11, v10;
	v4 =	vadd.f32 v43, v4  }
0x42b: {  	v48 =	vld [tilespmem:s22+$0xFFFFFFE0]  }
0x42c: {  	v50 =	vld [tilespmem:s12+$0xFFFFFFF0];
	v49 =	vmul.f32 v13, v12;
	v4 =	vadd.f32 v46, v4  }
0x42d: {  	v51 =	vld [tilespmem:s22+$0xFFFFFFF0]  }
0x42e: {  	v53 =	vld [tilespmem:s12+$0x0];
	v52 =	vmul.f32 v45, v44;
	v4 =	vadd.f32 v49, v4  }
0x42f: {  	v54 =	vld [tilespmem:s22+$0x0]  }
0x430: {  	v55 =	vmul.f32 v48, v47;
	v4 =	vadd.f32 v52, v4;
	_ =	sdelay $0x1  }
0x431: {  	v56 =	vmul.f32 v51, v50;
	v4 =	vadd.f32 v55, v4  }
0x432: {  	v5 =	vadd.f32 v6, v5;
	v2 =	vmul.f32 v3, v2  }
0x433: {  	v57 =	vmul.f32 v54, v53;
	v3 =	vadd.f32 v56, v4  }
0x434: {  	v2 =	vadd.f32 v2, v5  }
0x435: {  	v3 =	vadd.f32 v57, v3  }
0x436: {  	(xrf2) =	vadd.scan.msk.f32 $0xffff, v2  }
0x437: {  	(xrf2) =	vadd.scan.msk.f32 $0xffff, v3;
	_ =	sdelay $0x4  }
0x438: {  	v2 =	vmov s0  }
0x439: {  	v3 =	vmov s3;
	_ =	sdelay $0x2  }
0x43a: {  	v58, _, _ =	vpop (xrf2)  }
0x43b: {  	[tilespmem:v2+s29+$0x0] =	vst.idx.msk vm0, v58;
	v2, _, _ =	vpop (xrf2)  }
0x43c: {  	[tilespmem:v3+s29+$0x0] =	vst.idx.msk vm0, v2  }
0x43d: {  	s22 =	simm.s32 $0x8440;
	v2 =	vld [tilespmem:s29+$0x0]  }
0x43e: {  	v3 =	vld [tilespmem:s22+$0x0]  }
0x43f: {  	s29 =	simm.s32 $0x84C0  }
0x440: {  	v4 =	vld [tilespmem:s29+$0x0];
	_ =	sdelay $0x2  }
0x441: {  	v2 =	vadd.f32 v3, v2;
	_ =	sdelay $0x1  }
0x442: {  	v2 =	vadd.f32 v4, v2;
	_ =	sdelay $0x1  }
0x443: {  	v2 =	vmax.f32 v2, $0.0e+00  }
0x444: {  	v2 =	vmul.f32 v2, v0;
	_ =	sdelay $0x1  }
0x445: {  	v2 =	vadd.f32 v2, v1;
	_ =	sdelay $0x1  }
0x446: {  	v2 =	vsub.f32 $0.0e+00, v2;
	_ =	sdelay $0x1  }
0x447: {  	v2 =	vmul.f32 $1.442695020e+00, v2;
	_ =	sdelay $0x1  }
0x448: {  	(erf) = vpow2.f32 v2  }
0x449: {  	s12 =	simm.s32 $0x8450  }
0x44a: {  	s3 =	simm.s32 $0x8590;
	v3 =	vld [tilespmem:s12+$0x0]  }
0x44b: {  	v2 =	vld [tilespmem:s3+$0x0]  }
0x44c: {  	s22 =	simm.s32 $0x84D0  }
0x44d: {  	v59 =	vld [tilespmem:s22+$0x0];
	_ =	sdelay $0x2  }
0x44e: {  	v2 =	vadd.f32 v3, v2  }
0x44f: {  	v60 =	vpop (erf)  }
0x450: {  	v2 =	vadd.f32 v59, v2;
	v5 =	vadd.f32 $1.000000000e+00, v60;
	_ =	sdelay $0x1  }
0x451: {  	v2 =	vmax.f32 v2, $0.0e+00;
	(erf) = vrcp.f32 v5  }
0x452: {  	v2 =	vmul.f32 v2, v0;
	_ =	sdelay $0x1  }
0x453: {  	s0 =	simm.s32 $0x8460;
	v2 =	vadd.f32 v2, v1  }
0x454: {  	v61 =	vld [tilespmem:s0+$0x0];
	s29 =	simm.s32 $0x85A0  }
0x455: {  	v3 =	vld [tilespmem:s29+$0x0];
	v2 =	vsub.f32 $0.0e+00, v2  }
0x456: {  	s3 =	simm.s32 $0x84E0  }
0x457: {  	v62 =	vld [tilespmem:s3+$0x0];
	v2 =	vmul.f32 $1.442695020e+00, v2;
	_ =	sdelay $0x1  }
0x458: {  	v63 =	vpop (erf);
	(erf) = vpow2.f32 v2  }
0x459: {  	v3 =	vadd.f32 v61, v3;
	_ =	sdelay $0x1  }
0x45a: {  	v3 =	vadd.f32 v62, v3;
	_ =	sdelay $0x1  }
0x45b: {  	v3 =	vmax.f32 v3, $0.0e+00  }
0x45c: {  	v3 =	vmul.f32 v3, v0  }
0x45d: {  	s12 =	simm.s32 $0x8780  }
0x45e: {  	s28 =	simm.s32 $0x85B0;
	s22 =	simm.s32 $0x20;
	v2 =	vadd.f32 v3, v1;
	[tilespmem:s12+$0x0] =	vst v63  }
.LBB2_32:
0x45f: {  	v3 =	vld [tilespmem:s28+$0x0];
	s0 =	sadd.s32 $0x10, s0;
	v4 =	vpop (erf)  }
0x460: {  	s22 =	sadd.s32 $0x10, s22;
	v5 =	vld [tilespmem:s0+$0x0];
	v2 =	vsub.f32 $0.0e+00, v2;
	v4 =	vadd.f32 $1.000000000e+00, v4  }
0x461: {  	s3 =	sadd.s32 $0x10, s3;
	p0 =	slt.u32 s22, $0x30  }
0x462: {  	v6 =	vld [tilespmem:s3+$0x0];
	v2 =	vmul.f32 $1.442695020e+00, v2;
	(erf) = vrcp.f32 v4;
	_ =	sdelay $0x1  }
0x463: {  	(erf) = vpow2.f32 v2  }
0x464: {  	v2 =	vadd.f32 v5, v3;
	_ =	sdelay $0x1  }
0x465: {  	v2 =	vadd.f32 v6, v2  }
.Ltmp15:
0x466: {  	(pc) =	sbr.rel @p0 .LBB2_32-.Ltmp15, $4  }
0x467: {  	v2 =	vmax.f32 v2, $0.0e+00  }
0x468: {  	v2 =	vmul.f32 v2, v0  }
0x469: {  	s12 =	sadd.s32 $0x10, s12;
	v3 =	vpop (erf)  }
0x46a: {  	s28 =	sadd.s32 $0x10, s28;
	v2 =	vadd.f32 v2, v1;
	[tilespmem:s12+$0x0] =	vst v3  }
0x46b: {  	_ = 	snop  }
0x46c: {  	v0 =	vpop (erf);
	v1 =	vsub.f32 $0.0e+00, v2  }
0x46d: {  	v0 =	vadd.f32 $1.000000000e+00, v0  }
0x46e: {  	v1 =	vmul.f32 $1.442695020e+00, v1  }
0x46f: {  	(erf) = vrcp.f32 v0  }
0x470: {  	(erf) = vpow2.f32 v1;
	_ =	sdelay $0x7  }
0x471: {  	v0 =	vpop (erf)  }
0x472: {  	v1 =	vpop (erf)  }
0x473: {  	v1 =	vadd.f32 $1.000000000e+00, v1;
	_ =	sdelay $0x1  }
0x474: {  	(erf) = vrcp.f32 v1;
	_ =	sdelay $0x7  }
0x475: {  	s0 =	sadd.s32 $0x10, s12;
	s31 =	sadd.s32 $0x1, s31  }
0x476: {  	p0 =	sne.s32 s31, s11;
	[tilespmem:s0+$0x0] =	vst v0;
	s0 =	sadd.s32 $0x10, s0;
	v63 =	vpop (erf)  }
.Ltmp16:
0x477: {  	s29 =	simm.s32 $0x85C0;
	[tilespmem:s0+$0x0] =	vst v63;
	(pc) =	sbr.rel @p0 .LBB2_1-.Ltmp16, $4  }
0x478: {  	[hbm4b:s10+s2] =	stream.linear.scatter [tilespmem:s29], [sflag:$0x3], $0x200, $0x38;
	[tilespmem:$0x87C0] =	vst v63  }
0x479: {  	_ =	swait.ge [sflag:s13], $0x200  }
0x47a: {  	[sflag:s13] =	ssyncset.done $0x0  }
0x47b: {  	[sflag:s13] =	ssyncadd.s32 $0xFFFFFE00  }
0x47c: {  	_ =	sfence.sel $0x180000  }
0x47d: {  	[bflag:$0x0] =	sbarrier.arrive $0xFFFF  }
0x47e: {  	_ =	strace $0x90000047  }
0x47f: {  	s0 =	stileid.u32;
	[bflag:$0x2] =	sbarrier.arrive $0xFFFF  }
0x480: {  	p0 =	sne.s32 s0, $0x0;
	s0 =	rddreg [dreg:$0x5]  }
0x481: {  	s0 =	sadd.s32 @!p0 $0x100000, s0  }
0x482: {  	[sflag:s0] =	ssyncadd.tile.s32 @!p0 $0x1;
	_ =	shalt  }
.Lfunc_end2:
_tile_overlayer_lowered:
.L_overlay_start_2:
0x483: {  	(tag) =	ssettag $0x2  }
0x484: {  	s0 =	rddreg [dreg:$0x0];
	s2 =	stileid.u32  }
0x485: {  	s1 =	rddreg [dreg:$0x1];
	p0 =	sne.s32 s2, $0x0  }
0x486: {  	s3 =	rddreg [dreg:$0x2];
	[bflag:$0x3] =	sbarrier.arrive $0xFFFF;
	s2 =	simm.s32 @!p0 $0x1C03  }
0x487: {  	[timem:s3], [sflag:s2] =	dma.local @!p0 [hbm:s0], s1  }
0x488: {  	s0 =	simm.s32 @!p0 $0x3  }
0x489: {  	_ =	swait.ge @!p0 [sflag:s0], s1  }
0x48a: {  	s1 =	ssub.s32 @!p0 $0x0, s1;
	[sflag:s0] =	ssyncset.done @!p0 $0x0  }
0x48b: {  	[sflag:s0] =	ssyncadd.s32 @!p0 s1  }
0x48c: {  	[bflag:$0x3] =	sbarrier.arrive $0xFFFF  }
0x48d: {  	_ =	shalt  }

</sc_bundles>
